<compile_context>
chip_gen: v7x
topology: tpu7x:2x2x1
jax: 0.10.2.dev20260603
libtpu: 0.0.44.dev20260713+nightly
codegen_flags: <defaults>
</compile_context>

<pallas_src>
import functools

import jax
import jax.numpy as jnp
from jax import lax
from jax.experimental import pallas as pl
from jax.experimental.pallas import tpu as pltpu
from jax.experimental.pallas import tpu_sc as plsc


def _sc_features(coords, t0, t1, h0, h1):
    tokens = coords.shape[1]
    info = plsc.get_sparse_core_info()
    ncores, nsub = info.num_cores, info.num_subcores
    nw = ncores * nsub
    tpw = tokens // nw
    assert tpw * nw == tokens
    ch = 384
    assert tpw % ch == 0
    n_chunks = tpw // ch
    n_groups = ch // 16

    n0, d0 = t0.shape
    n1, d1 = t1.shape
    nh0, dh = h0.shape
    nh1, _ = h1.shape
    nfeat = 2 * (d0 + d1) + 2 * dh

    mesh = plsc.VectorSubcoreMesh(core_axis_name="c", subcore_axis_name="s")

    @functools.partial(
        pl.kernel,
        out_type=jax.ShapeDtypeStruct((nfeat, tokens), jnp.float32),
        mesh=mesh,
        compiler_params=pltpu.CompilerParams(needs_layout_passes=False),
        scratch_types=[
            pltpu.VMEM((n0 * d0,), jnp.float32),
            pltpu.VMEM((n1 * d1,), jnp.float32),
            pltpu.VMEM((nh0 * dh,), jnp.float32),
            pltpu.VMEM((nh1 * dh,), jnp.float32),
            pltpu.VMEM((3, ch), jnp.float32),
            pltpu.VMEM((3, ch), jnp.float32),
            pltpu.VMEM((nfeat, ch), jnp.float32),
            pltpu.VMEM((nfeat, ch), jnp.float32),
            pltpu.SemaphoreType.DMA,
            pltpu.SemaphoreType.DMA,
            pltpu.SemaphoreType.DMA,
            pltpu.SemaphoreType.DMA,
        ],
    )
    def sc_kernel(co_h, t0_h, t1_h, h0_h, h1_h, out_h,
                  t0_v, t1_v, h0_v, h1_v, co0_v, co1_v, xb0_v, xb1_v,
                  so0, so1, si0, si1):
        wid = lax.axis_index("s") * ncores + lax.axis_index("c")
        base = wid * tpw
        pltpu.sync_copy(t0_h, t0_v)
        pltpu.sync_copy(t1_h, t1_v)
        pltpu.sync_copy(h0_h, h0_v)
        pltpu.sync_copy(h1_h, h1_v)
        co_bufs = (co0_v, co1_v)
        xb_bufs = (xb0_v, xb1_v)
        sout = (so0, so1)
        sin = (si0, si1)

        def compute_chunk(co_v, xb_v):

            def group_body(g, carry2):
                s = g * 16
                px = co_v[0, pl.ds(s, 16)]
                py = co_v[1, pl.ds(s, 16)]
                hd = co_v[2, pl.ds(s, 16)]
                ex = px + 300.0
                ix0 = jnp.clip(ex.astype(jnp.int32), 0, n0 - 1)
                rx = ex - ix0.astype(jnp.float32)
                ix1 = jnp.clip((rx / 0.01).astype(jnp.int32), 0, n1 - 1)
                ey = py + 300.0
                iy0 = jnp.clip(ey.astype(jnp.int32), 0, n0 - 1)
                ry = ey - iy0.astype(jnp.float32)
                iy1 = jnp.clip((ry / 0.01).astype(jnp.int32), 0, n1 - 1)
                eh = hd * 180.0 / jnp.pi + 180.0
                ih0 = jnp.clip((eh / 20.0).astype(jnp.int32), 0, nh0 - 1)
                rh = eh - ih0.astype(jnp.float32) * 20.0
                ih1 = jnp.clip(rh.astype(jnp.int32), 0, nh1 - 1)

                taps = [
                    (t0_v, ix0 * d0, d0, 0),
                    (t1_v, ix1 * d1, d1, d0),
                    (t0_v, iy0 * d0, d0, d0 + d1),
                    (t1_v, iy1 * d1, d1, 2 * d0 + d1),
                    (h0_v, ih0 * dh, dh, 2 * (d0 + d1)),
                    (h1_v, ih1 * dh, dh, 2 * (d0 + d1) + dh),
                ]
                items = [(tab, gidx, j, row0 + j)
                         for tab, gidx, d, row0 in taps for j in range(d)]
                for w0 in range(0, len(items), 16):
                    wave = items[w0:w0 + 16]
                    vals = [plsc.load_gather(tab, [gidx + j])
                            for tab, gidx, j, _ in wave]
                    for (_, _, _, row), v in zip(wave, vals):
                        xb_v[row, pl.ds(s, 16)] = v
                return carry2

            lax.fori_loop(0, n_groups, group_body, 0)

        def in_copy(c, b):
            tok0 = base + c * ch
            return pltpu.make_async_copy(
                co_h.at[:, pl.ds(tok0, ch)], co_bufs[b], sin[b])

        def out_copy(c, b):
            tok0 = base + c * ch
            return pltpu.make_async_copy(
                xb_bufs[b], out_h.at[:, pl.ds(tok0, ch)], sout[b])

        in_copy(0, 0).start()
        in_copy(1, 1).start()
        in_copy(0, 0).wait()
        compute_chunk(co_bufs[0], xb_bufs[0])
        out_copy(0, 0).start()

        n_pairs = (n_chunks - 1) // 2

        def pair_body(c2, carry):
            c_a = 1 + 2 * c2
            c_b = 2 + 2 * c2

            in_copy(c_b, 0).start()
            in_copy(c_a, 1).wait()

            @pl.when(c2 > 0)
            def _():
                out_copy(c_a - 2, 1).wait()

            compute_chunk(co_bufs[1], xb_bufs[1])
            out_copy(c_a, 1).start()

            @pl.when(c2 + 1 < n_pairs)
            def _():
                in_copy(c_a + 2, 1).start()

            in_copy(c_b, 0).wait()
            out_copy(c_b - 2, 0).wait()
            compute_chunk(co_bufs[0], xb_bufs[0])
            out_copy(c_b, 0).start()
            return carry

        lax.fori_loop(0, n_pairs, pair_body, 0)
        out_copy(n_chunks - 2, 1).wait()
        out_copy(n_chunks - 1, 0).wait()

    return sc_kernel(coords, t0.reshape(-1), t1.reshape(-1),
                     h0.reshape(-1), h1.reshape(-1))


def _ln_relu_bf16(x, g, b, eps=1e-5):
    bf16 = jnp.bfloat16
    mu = jnp.mean(x, axis=-1, keepdims=True)
    mu2 = jnp.mean(x * x, axis=-1, keepdims=True)
    var = jnp.maximum(mu2 - mu * mu, 0.0)
    r = lax.rsqrt(var + eps)
    y = ((x - mu) * r).astype(bf16) * g + b
    return jnp.maximum(y, jnp.zeros((), bf16))


def _tc_mlp(xt, maskf, w1, g1, b1, w2, g2, b2, w3, b3, oob):
    nfeat, tokens = xt.shape
    tile = 4096
    grid = tokens // tile
    assert grid * tile == tokens

    def body(x_ref, m_ref, w1_ref, g1_ref, b1_ref, w2_ref, g2_ref, b2_ref,
             w3_ref, b3_ref, oob_ref, o_ref):
        bf16 = jnp.bfloat16
        x = x_ref[...].astype(bf16)
        h = lax.dot_general(x, w1_ref[...], (((0,), (0,)), ((), ())),
                            preferred_element_type=jnp.float32)
        h = _ln_relu_bf16(h, g1_ref[...], b1_ref[...])
        h = jnp.dot(h, w2_ref[...], preferred_element_type=jnp.float32)
        h = _ln_relu_bf16(h, g2_ref[...], b2_ref[...])
        y = jnp.dot(h, w3_ref[...], preferred_element_type=jnp.float32)
        y = y + b3_ref[...]
        m = m_ref[...]
        o_ref[...] = jnp.where(m > 0.0, y, oob_ref[...])

    full = lambda shape: pl.BlockSpec(shape, lambda i: (0, 0))
    return pl.pallas_call(
        body,
        grid=(grid,),
        in_specs=[
            pl.BlockSpec((nfeat, tile), lambda i: (0, i)),
            pl.BlockSpec((tile, 1), lambda i: (i, 0)),
            full((nfeat, 256)),
            full((1, 256)),
            full((1, 256)),
            full((256, 256)),
            full((1, 256)),
            full((1, 256)),
            full((256, 256)),
            full((1, 256)),
            full((1, 256)),
        ],
        out_specs=pl.BlockSpec((tile, 256), lambda i: (i, 0)),
        out_shape=jax.ShapeDtypeStruct((tokens, 256), jnp.float32),
    )(xt, maskf, w1, g1, b1, w2, g2, b2, w3, b3, oob)


def kernel(agent_position, agent_heading, agent_valid_mask, map_polygon_center,
           map_valid_mask, pos_table_0, pos_table_1, head_table_0, head_table_1,
           w1, ln1_g, ln1_b, w2, ln2_g, ln2_b, w3, b3, oob_w, window_T):
    B, N, T = agent_heading.shape
    tokens = B * (T - 1) * N

    posx = jnp.swapaxes(agent_position[:, :, 1:, 0], 1, 2).reshape(-1)
    posy = jnp.swapaxes(agent_position[:, :, 1:, 1], 1, 2).reshape(-1)
    hd = jnp.swapaxes(agent_heading[:, :, 1:], 1, 2).reshape(-1)
    coords = jnp.stack([posx, posy, hd], axis=0)
    maskf = jnp.swapaxes(agent_valid_mask[:, :, 1:], 1, 2).reshape(-1, 1)
    maskf = maskf.astype(jnp.float32)

    xt = _sc_features(coords, pos_table_0, pos_table_1,
                      head_table_0, head_table_1)

    bf16 = jnp.bfloat16
    out = _tc_mlp(xt, maskf, w1.astype(bf16),
                  ln1_g.reshape(1, -1).astype(bf16),
                  ln1_b.reshape(1, -1).astype(bf16),
                  w2.astype(bf16),
                  ln2_g.reshape(1, -1).astype(bf16),
                  ln2_b.reshape(1, -1).astype(bf16),
                  w3.astype(bf16), b3.reshape(1, -1), oob_w)
    return out.reshape(B, T - 1, N, 256)

# --- scband reference (transcript-rebuilt; emitter-appended) ---
"""Pipeline reference for scband-agent-map-pos-encoder-69252052681249 (READ-ONLY COPY).

The authoritative reference and input builder live on the scoring server;
editing this copy changes nothing except your own understanding.
"""

import jax, jax.numpy as jnp
import numpy as np

MIN_POS_XY = -300.0
MIN_POS_HEADING = -180.0
XY_DIVIDERS = (1.0, 0.01)
HEADING_DIVIDERS = (20.0, 1.0)

def _vqvae_embed(x, tables, dividers):
    # residual (hierarchical) quantization: coarse index, subtract, refine
    outs = []
    rem = x
    for table, div in zip(tables, dividers):
        idx = jnp.clip(jnp.floor(rem / div).astype(jnp.int32), 0, table.shape[0] - 1)
        rem = rem - idx.astype(x.dtype) * div
        outs.append(jnp.take(table, idx, axis=0))
    return jnp.concatenate(outs, axis=-1)

def _layer_norm(x, g, b, eps=1e-5):
    mu = jnp.mean(x, axis=-1, keepdims=True)
    var = jnp.mean((x - mu) ** 2, axis=-1, keepdims=True)
    return (x - mu) / jnp.sqrt(var + eps) * g + b

def setup_inputs(seed: int = 0):
    key = jax.random.key(seed)
    ks = jax.random.split(key, 20)
    B, N, T = 32, 64, 91
    M, P = 128, 20
    return {
        "agent_position": jax.random.normal(ks[0], (B, N, T, 2), jnp.float32) * 50.0,
        "agent_heading": jax.random.normal(ks[1], (B, N, T), jnp.float32),
        "agent_valid_mask": jax.random.randint(ks[2], (B, N, T), 0, 2).astype(bool),
        "map_polygon_center": jax.random.normal(ks[3], (B, M, 3), jnp.float32),
        "map_valid_mask": jax.random.randint(ks[4], (B, M, P), 0, 2).astype(bool),
        "pos_table_0": jax.random.normal(ks[5], (600, 24), jnp.float32) * 0.02,
        "pos_table_1": jax.random.normal(ks[6], (100, 24), jnp.float32) * 0.02,
        "head_table_0": jax.random.normal(ks[7], (20, 6), jnp.float32) * 0.02,
        "head_table_1": jax.random.normal(ks[8], (20, 6), jnp.float32) * 0.02,
        "w1": jax.random.normal(ks[9], (108, 256), jnp.float32) * 0.05,
        "ln1_g": jnp.ones((256,), jnp.float32),
        "ln1_b": jnp.zeros((256,), jnp.float32),
        "w2": jax.random.normal(ks[10], (256, 256), jnp.float32) * 0.05,
        "ln2_g": jnp.ones((256,), jnp.float32),
        "ln2_b": jnp.zeros((256,), jnp.float32),
        "w3": jax.random.normal(ks[11], (256, 256), jnp.float32) * 0.05,
        "b3": jnp.zeros((256,), jnp.float32),
        "oob_w": jax.random.normal(ks[12], (1, 256), jnp.float32) * 0.02,
        "window_T": 91,
    }

def reference(agent_position, agent_heading, agent_valid_mask, map_polygon_center, map_valid_mask,
              pos_table_0, pos_table_1, head_table_0, head_table_1,
              w1, ln1_g, ln1_b, w2, ln2_g, ln2_b, w3, b3, oob_w, window_T):
    T_static = agent_position.shape[2]
    pos = jnp.swapaxes(agent_position[:, :, 1:T_static], 1, 2)      # [B, T-1, N, 2]
    heading = jnp.swapaxes(agent_heading[:, :, 1:T_static], 1, 2)   # [B, T-1, N]
    valid = jnp.swapaxes(agent_valid_mask[:, :, 1:T_static], 1, 2)  # [B, T-1, N]
    # map tensors are assembled in the torch forward but unused in the output
    _ = jnp.broadcast_to(map_polygon_center[:, None],
                         (map_polygon_center.shape[0], T_static - 1) + map_polygon_center.shape[1:])
    _ = jnp.any(map_valid_mask, axis=-1)
    p = _vqvae_embed(pos - MIN_POS_XY, (pos_table_0, pos_table_1), XY_DIVIDERS)   # [B,T-1,N,2,48]
    p = p.reshape(p.shape[:-2] + (p.shape[-2] * p.shape[-1],))                    # [B,T-1,N,96]
    h = _vqvae_embed(heading * 180.0 / jnp.pi - MIN_POS_HEADING,
                     (head_table_0, head_table_1), HEADING_DIVIDERS)              # [B,T-1,N,12]
    x = jnp.concatenate([p, h], axis=-1)                                          # [B,T-1,N,108]
    x = jnp.maximum(_layer_norm(x @ w1, ln1_g, ln1_b), 0.0)
    x = jnp.maximum(_layer_norm(x @ w2, ln2_g, ln2_b), 0.0)
    x = x @ w3 + b3
    out = jnp.where(valid[..., None], x, oob_w[0])
    out = out + jnp.asarray(window_T - window_T).astype(out.dtype)
    return out

if __name__ == "__main__":
    import jax
    _d = setup_inputs()
    print(jax.jit(kernel)(*tuple(_d.values())))

</pallas_src>

<mosaic_0001>
#map = affine_map<(d0, d1) -> (0, 0)>
#map1 = affine_map<(d0, d1) -> (0)>
module attributes {stable_mosaic.version = 14 : i64} {
  func.func @sc_kernel(%arg0: i32, %arg1: i32, %arg2: memref<3x184320xf32, #tpu.memory_space<hbm>>, %arg3: memref<14400xf32, #tpu.memory_space<hbm>>, %arg4: memref<2400xf32, #tpu.memory_space<hbm>>, %arg5: memref<120xf32, #tpu.memory_space<hbm>>, %arg6: memref<120xf32, #tpu.memory_space<hbm>>, %arg7: memref<108x184320xf32, #tpu.memory_space<hbm>>, %arg8: memref<14400xf32, #tpu.memory_space<vmem>>, %arg9: memref<2400xf32, #tpu.memory_space<vmem>>, %arg10: memref<120xf32, #tpu.memory_space<vmem>>, %arg11: memref<120xf32, #tpu.memory_space<vmem>>, %arg12: memref<3x384xf32, #tpu.memory_space<vmem>>, %arg13: memref<3x384xf32, #tpu.memory_space<vmem>>, %arg14: memref<108x384xf32, #tpu.memory_space<vmem>>, %arg15: memref<108x384xf32, #tpu.memory_space<vmem>>, %arg16: memref<!tpu.dma_semaphore, #tpu.memory_space<semaphore_mem>>, %arg17: memref<!tpu.dma_semaphore, #tpu.memory_space<semaphore_mem>>, %arg18: memref<!tpu.dma_semaphore, #tpu.memory_space<semaphore_mem>>, %arg19: memref<!tpu.dma_semaphore, #tpu.memory_space<semaphore_mem>>) attributes {dimension_semantics = [#tpu.dimension_semantics<core_parallel>, #tpu.dimension_semantics<subcore_parallel>], iteration_bounds = array<i64: 2, 16>, scalar_prefetch = 0 : i64, scratch_operands = 12 : i64, tpu.core_type = #tpu.core_type<sc_vector_subcore>, window_params = [{transform_indices = #map}, {transform_indices = #map1}, {transform_indices = #map1}, {transform_indices = #map1}, {transform_indices = #map1}, {transform_indices = #map}]} {
    %mul3A = arith.constant 2 : i32
    %mul3A_0 = arith.muli %arg1, %mul3A : i32
    %add3A = arith.addi %mul3A_0, %arg0 : i32
    %mul3A_1 = arith.constant 5760 : i32
    %mul3A_2 = arith.muli %add3A, %mul3A_1 : i32
    "tpu.region"() ({
      %run_scoped3A = tpu.sem_alloc : memref<!tpu.dma_semaphore, #tpu.memory_space<semaphore_mem>>
      tpu.enqueue_dma source(%arg3 : memref<14400xf32, #tpu.memory_space<hbm>>) target(%arg8 : memref<14400xf32, #tpu.memory_space<vmem>>) target_semaphore(%run_scoped3A : memref<!tpu.dma_semaphore, #tpu.memory_space<semaphore_mem>>)
      tpu.wait_dma2 semaphore(%run_scoped3A : memref<!tpu.dma_semaphore, #tpu.memory_space<semaphore_mem>>) src(%arg3 : memref<14400xf32, #tpu.memory_space<hbm>>) dst(%arg8 : memref<14400xf32, #tpu.memory_space<vmem>>)
      tpu.yield
    }) : () -> ()
    "tpu.region"() ({
      %run_scoped3A = tpu.sem_alloc : memref<!tpu.dma_semaphore, #tpu.memory_space<semaphore_mem>>
      tpu.enqueue_dma source(%arg4 : memref<2400xf32, #tpu.memory_space<hbm>>) target(%arg9 : memref<2400xf32, #tpu.memory_space<vmem>>) target_semaphore(%run_scoped3A : memref<!tpu.dma_semaphore, #tpu.memory_space<semaphore_mem>>)
      tpu.wait_dma2 semaphore(%run_scoped3A : memref<!tpu.dma_semaphore, #tpu.memory_space<semaphore_mem>>) src(%arg4 : memref<2400xf32, #tpu.memory_space<hbm>>) dst(%arg9 : memref<2400xf32, #tpu.memory_space<vmem>>)
      tpu.yield
    }) : () -> ()
    "tpu.region"() ({
      %run_scoped3A = tpu.sem_alloc : memref<!tpu.dma_semaphore, #tpu.memory_space<semaphore_mem>>
      tpu.enqueue_dma source(%arg5 : memref<120xf32, #tpu.memory_space<hbm>>) target(%arg10 : memref<120xf32, #tpu.memory_space<vmem>>) target_semaphore(%run_scoped3A : memref<!tpu.dma_semaphore, #tpu.memory_space<semaphore_mem>>)
      tpu.wait_dma2 semaphore(%run_scoped3A : memref<!tpu.dma_semaphore, #tpu.memory_space<semaphore_mem>>) src(%arg5 : memref<120xf32, #tpu.memory_space<hbm>>) dst(%arg10 : memref<120xf32, #tpu.memory_space<vmem>>)
      tpu.yield
    }) : () -> ()
    "tpu.region"() ({
      %run_scoped3A = tpu.sem_alloc : memref<!tpu.dma_semaphore, #tpu.memory_space<semaphore_mem>>
      tpu.enqueue_dma source(%arg6 : memref<120xf32, #tpu.memory_space<hbm>>) target(%arg11 : memref<120xf32, #tpu.memory_space<vmem>>) target_semaphore(%run_scoped3A : memref<!tpu.dma_semaphore, #tpu.memory_space<semaphore_mem>>)
      tpu.wait_dma2 semaphore(%run_scoped3A : memref<!tpu.dma_semaphore, #tpu.memory_space<semaphore_mem>>) src(%arg6 : memref<120xf32, #tpu.memory_space<hbm>>) dst(%arg11 : memref<120xf32, #tpu.memory_space<vmem>>)
      tpu.yield
    }) : () -> ()
    %add3A_3 = arith.constant 0 : i32
    %add3A_4 = arith.addi %mul3A_2, %add3A_3 : i32
    %dma_start3A = arith.constant 0 : i32
    %dma_start3A_5 = tpu.memref_slice %arg2[%dma_start3A, %add3A_4] : memref<3x184320xf32, #tpu.memory_space<hbm>> -> memref<3x384xf32, #tpu.memory_space<hbm>>
    %dma_start3A_6 = arith.constant 0 : i32
    %dma_start3A_7 = tpu.memref_slice %arg2[%dma_start3A_6, %add3A_4] : memref<3x184320xf32, #tpu.memory_space<hbm>> -> memref<3x384xf32, #tpu.memory_space<hbm>>
    tpu.enqueue_dma source(%dma_start3A_7 : memref<3x384xf32, #tpu.memory_space<hbm>>) target(%arg12 : memref<3x384xf32, #tpu.memory_space<vmem>>) target_semaphore(%arg18 : memref<!tpu.dma_semaphore, #tpu.memory_space<semaphore_mem>>)
    %add3A_8 = arith.constant 384 : i32
    %add3A_9 = arith.addi %mul3A_2, %add3A_8 : i32
    %dma_start3A_10 = arith.constant 0 : i32
    %dma_start3A_11 = tpu.memref_slice %arg2[%dma_start3A_10, %add3A_9] : memref<3x184320xf32, #tpu.memory_space<hbm>> -> memref<3x384xf32, #tpu.memory_space<hbm>>
    %dma_start3A_12 = arith.constant 0 : i32
    %dma_start3A_13 = tpu.memref_slice %arg2[%dma_start3A_12, %add3A_9] : memref<3x184320xf32, #tpu.memory_space<hbm>> -> memref<3x384xf32, #tpu.memory_space<hbm>>
    tpu.enqueue_dma source(%dma_start3A_13 : memref<3x384xf32, #tpu.memory_space<hbm>>) target(%arg13 : memref<3x384xf32, #tpu.memory_space<vmem>>) target_semaphore(%arg19 : memref<!tpu.dma_semaphore, #tpu.memory_space<semaphore_mem>>)
    %add3A_14 = arith.constant 0 : i32
    %add3A_15 = arith.addi %mul3A_2, %add3A_14 : i32
    %dma_wait3A = arith.constant 0 : i32
    %dma_wait3A_16 = tpu.memref_slice %arg2[%dma_wait3A, %add3A_15] : memref<3x184320xf32, #tpu.memory_space<hbm>> -> memref<3x384xf32, #tpu.memory_space<hbm>>
    %dma_wait3A_17 = arith.constant 0 : i32
    %dma_wait3A_18 = tpu.memref_slice %arg2[%dma_wait3A_17, %add3A_15] : memref<3x184320xf32, #tpu.memory_space<hbm>> -> memref<3x384xf32, #tpu.memory_space<hbm>>
    tpu.wait_dma2 semaphore(%arg18 : memref<!tpu.dma_semaphore, #tpu.memory_space<semaphore_mem>>) src(%dma_wait3A_18 : memref<3x384xf32, #tpu.memory_space<hbm>>) dst(%arg12 : memref<3x384xf32, #tpu.memory_space<vmem>>)
    %scan3A = arith.constant 0 : i32
    %scan3A_19 = arith.constant 0 : i32
    %scan3A_20 = arith.constant 24 : i32
    %scan3A_21 = arith.addi %scan3A_19, %scan3A_20 : i32
    %scan3A_22 = arith.constant 1 : i32
    scf.for %scan3A_48 = %scan3A_19 to %scan3A_21 step %scan3A_22  : i32 {
      %mul3A_49 = arith.constant 16 : i32
      %mul3A_50 = arith.muli %scan3A_48, %mul3A_49 : i32
      %get3A = arith.constant 0 : i32
      %get3A_51 = arith.index_cast %get3A : i32 to index
      %get3A_52 = arith.index_cast %mul3A_50 : i32 to index
      %get3A_53 = tpu.vector_load %arg12[%get3A_51, %get3A_52] {strides = array<i32>} : memref<3x384xf32, #tpu.memory_space<vmem>>, vector<16xf32>,
      %get3A_54 = arith.constant 1 : i32
      %get3A_55 = arith.index_cast %get3A_54 : i32 to index
      %get3A_56 = arith.index_cast %mul3A_50 : i32 to index
      %get3A_57 = tpu.vector_load %arg12[%get3A_55, %get3A_56] {strides = array<i32>} : memref<3x384xf32, #tpu.memory_space<vmem>>, vector<16xf32>,
      %get3A_58 = arith.constant 2 : i32
      %get3A_59 = arith.index_cast %get3A_58 : i32 to index
      %get3A_60 = arith.index_cast %mul3A_50 : i32 to index
      %get3A_61 = tpu.vector_load %arg12[%get3A_59, %get3A_60] {strides = array<i32>} : memref<3x384xf32, #tpu.memory_space<vmem>>, vector<16xf32>,
      %add3A_62 = arith.constant 3.000000e+02 : f32
      %add3A_63 = vector.broadcast %add3A_62 : f32 to vector<16xf32>
      %add3A_64 = arith.addf %get3A_53, %add3A_63 : vector<16xf32>
      %convert_element_type3A = arith.fptosi %add3A_64 : vector<16xf32> to vector<16xi32>
      %jit3A = arith.constant 0 : i32
      %jit3A_65 = arith.constant 599 : i32
      %max3A = vector.broadcast %jit3A : i32 to vector<16xi32>
      %max3A_66 = arith.maxsi %max3A, %convert_element_type3A : vector<16xi32>
      %min3A = vector.broadcast %jit3A_65 : i32 to vector<16xi32>
      %min3A_67 = arith.minsi %min3A, %max3A_66 : vector<16xi32>
      %convert_element_type3A_68 = arith.sitofp %min3A_67 : vector<16xi32> to vector<16xf32>
      %sub3A = arith.subf %add3A_64, %convert_element_type3A_68 : vector<16xf32>
      %div3A = arith.constant 0.00999999977 : f32
      %div3A_69 = vector.broadcast %div3A : f32 to vector<16xf32>
      %div3A_70 = arith.divf %sub3A, %div3A_69 : vector<16xf32>
      %convert_element_type3A_71 = arith.fptosi %div3A_70 : vector<16xf32> to vector<16xi32>
      %jit3A_72 = arith.constant 0 : i32
      %jit3A_73 = arith.constant 99 : i32
      %max3A_74 = vector.broadcast %jit3A_72 : i32 to vector<16xi32>
      %max3A_75 = arith.maxsi %max3A_74, %convert_element_type3A_71 : vector<16xi32>
      %min3A_76 = vector.broadcast %jit3A_73 : i32 to vector<16xi32>
      %min3A_77 = arith.minsi %min3A_76, %max3A_75 : vector<16xi32>
      %add3A_78 = arith.constant 3.000000e+02 : f32
      %add3A_79 = vector.broadcast %add3A_78 : f32 to vector<16xf32>
      %add3A_80 = arith.addf %get3A_57, %add3A_79 : vector<16xf32>
      %convert_element_type3A_81 = arith.fptosi %add3A_80 : vector<16xf32> to vector<16xi32>
      %jit3A_82 = arith.constant 0 : i32
      %jit3A_83 = arith.constant 599 : i32
      %max3A_84 = vector.broadcast %jit3A_82 : i32 to vector<16xi32>
      %max3A_85 = arith.maxsi %max3A_84, %convert_element_type3A_81 : vector<16xi32>
      %min3A_86 = vector.broadcast %jit3A_83 : i32 to vector<16xi32>
      %min3A_87 = arith.minsi %min3A_86, %max3A_85 : vector<16xi32>
      %convert_element_type3A_88 = arith.sitofp %min3A_87 : vector<16xi32> to vector<16xf32>
      %sub3A_89 = arith.subf %add3A_80, %convert_element_type3A_88 : vector<16xf32>
      %div3A_90 = arith.constant 0.00999999977 : f32
      %div3A_91 = vector.broadcast %div3A_90 : f32 to vector<16xf32>
      %div3A_92 = arith.divf %sub3A_89, %div3A_91 : vector<16xf32>
      %convert_element_type3A_93 = arith.fptosi %div3A_92 : vector<16xf32> to vector<16xi32>
      %jit3A_94 = arith.constant 0 : i32
      %jit3A_95 = arith.constant 99 : i32
      %max3A_96 = vector.broadcast %jit3A_94 : i32 to vector<16xi32>
      %max3A_97 = arith.maxsi %max3A_96, %convert_element_type3A_93 : vector<16xi32>
      %min3A_98 = vector.broadcast %jit3A_95 : i32 to vector<16xi32>
      %min3A_99 = arith.minsi %min3A_98, %max3A_97 : vector<16xi32>
      %mul3A_100 = arith.constant 1.800000e+02 : f32
      %mul3A_101 = vector.broadcast %mul3A_100 : f32 to vector<16xf32>
      %mul3A_102 = arith.mulf %get3A_61, %mul3A_101 : vector<16xf32>
      %div3A_103 = arith.constant 3.14159274 : f32
      %div3A_104 = vector.broadcast %div3A_103 : f32 to vector<16xf32>
      %div3A_105 = arith.divf %mul3A_102, %div3A_104 : vector<16xf32>
      %add3A_106 = arith.constant 1.800000e+02 : f32
      %add3A_107 = vector.broadcast %add3A_106 : f32 to vector<16xf32>
      %add3A_108 = arith.addf %div3A_105, %add3A_107 : vector<16xf32>
      %div3A_109 = arith.constant 2.000000e+01 : f32
      %div3A_110 = vector.broadcast %div3A_109 : f32 to vector<16xf32>
      %div3A_111 = arith.divf %add3A_108, %div3A_110 : vector<16xf32>
      %convert_element_type3A_112 = arith.fptosi %div3A_111 : vector<16xf32> to vector<16xi32>
      %jit3A_113 = arith.constant 0 : i32
      %jit3A_114 = arith.constant 19 : i32
      %max3A_115 = vector.broadcast %jit3A_113 : i32 to vector<16xi32>
      %max3A_116 = arith.maxsi %max3A_115, %convert_element_type3A_112 : vector<16xi32>
      %min3A_117 = vector.broadcast %jit3A_114 : i32 to vector<16xi32>
      %min3A_118 = arith.minsi %min3A_117, %max3A_116 : vector<16xi32>
      %convert_element_type3A_119 = arith.sitofp %min3A_118 : vector<16xi32> to vector<16xf32>
      %mul3A_120 = arith.constant 2.000000e+01 : f32
      %mul3A_121 = vector.broadcast %mul3A_120 : f32 to vector<16xf32>
      %mul3A_122 = arith.mulf %convert_element_type3A_119, %mul3A_121 : vector<16xf32>
      %sub3A_123 = arith.subf %add3A_108, %mul3A_122 : vector<16xf32>
      %convert_element_type3A_124 = arith.fptosi %sub3A_123 : vector<16xf32> to vector<16xi32>
      %jit3A_125 = arith.constant 0 : i32
      %jit3A_126 = arith.constant 19 : i32
      %max3A_127 = vector.broadcast %jit3A_125 : i32 to vector<16xi32>
      %max3A_128 = arith.maxsi %max3A_127, %convert_element_type3A_124 : vector<16xi32>
      %min3A_129 = vector.broadcast %jit3A_126 : i32 to vector<16xi32>
      %min3A_130 = arith.minsi %min3A_129, %max3A_128 : vector<16xi32>
      %mul3A_131 = arith.constant 24 : i32
      %mul3A_132 = vector.broadcast %mul3A_131 : i32 to vector<16xi32>
      %mul3A_133 = arith.muli %min3A_67, %mul3A_132 : vector<16xi32>
      %mul3A_134 = arith.constant 24 : i32
      %mul3A_135 = vector.broadcast %mul3A_134 : i32 to vector<16xi32>
      %mul3A_136 = arith.muli %min3A_77, %mul3A_135 : vector<16xi32>
      %mul3A_137 = arith.constant 24 : i32
      %mul3A_138 = vector.broadcast %mul3A_137 : i32 to vector<16xi32>
      %mul3A_139 = arith.muli %min3A_87, %mul3A_138 : vector<16xi32>
      %mul3A_140 = arith.constant 24 : i32
      %mul3A_141 = vector.broadcast %mul3A_140 : i32 to vector<16xi32>
      %mul3A_142 = arith.muli %min3A_99, %mul3A_141 : vector<16xi32>
      %mul3A_143 = arith.constant 6 : i32
      %mul3A_144 = vector.broadcast %mul3A_143 : i32 to vector<16xi32>
      %mul3A_145 = arith.muli %min3A_118, %mul3A_144 : vector<16xi32>
      %mul3A_146 = arith.constant 6 : i32
      %mul3A_147 = vector.broadcast %mul3A_146 : i32 to vector<16xi32>
      %mul3A_148 = arith.muli %min3A_130, %mul3A_147 : vector<16xi32>
      %add3A_149 = arith.constant 0 : i32
      %add3A_150 = vector.broadcast %add3A_149 : i32 to vector<16xi32>
      %add3A_151 = arith.addi %mul3A_133, %add3A_150 : vector<16xi32>
      %gather3A = tpu.vector_load_idx %arg8[%add3A_151] : memref<14400xf32, #tpu.memory_space<vmem>>[vector<16xi32>], vector<16xf32>,
      %add3A_152 = arith.constant 1 : i32
      %add3A_153 = vector.broadcast %add3A_152 : i32 to vector<16xi32>
      %add3A_154 = arith.addi %mul3A_133, %add3A_153 : vector<16xi32>
      %gather3A_155 = tpu.vector_load_idx %arg8[%add3A_154] : memref<14400xf32, #tpu.memory_space<vmem>>[vector<16xi32>], vector<16xf32>,
      %add3A_156 = arith.constant 2 : i32
      %add3A_157 = vector.broadcast %add3A_156 : i32 to vector<16xi32>
      %add3A_158 = arith.addi %mul3A_133, %add3A_157 : vector<16xi32>
      %gather3A_159 = tpu.vector_load_idx %arg8[%add3A_158] : memref<14400xf32, #tpu.memory_space<vmem>>[vector<16xi32>], vector<16xf32>,
      %add3A_160 = arith.constant 3 : i32
      %add3A_161 = vector.broadcast %add3A_160 : i32 to vector<16xi32>
      %add3A_162 = arith.addi %mul3A_133, %add3A_161 : vector<16xi32>
      %gather3A_163 = tpu.vector_load_idx %arg8[%add3A_162] : memref<14400xf32, #tpu.memory_space<vmem>>[vector<16xi32>], vector<16xf32>,
      %add3A_164 = arith.constant 4 : i32
      %add3A_165 = vector.broadcast %add3A_164 : i32 to vector<16xi32>
      %add3A_166 = arith.addi %mul3A_133, %add3A_165 : vector<16xi32>
      %gather3A_167 = tpu.vector_load_idx %arg8[%add3A_166] : memref<14400xf32, #tpu.memory_space<vmem>>[vector<16xi32>], vector<16xf32>,
      %add3A_168 = arith.constant 5 : i32
      %add3A_169 = vector.broadcast %add3A_168 : i32 to vector<16xi32>
      %add3A_170 = arith.addi %mul3A_133, %add3A_169 : vector<16xi32>
      %gather3A_171 = tpu.vector_load_idx %arg8[%add3A_170] : memref<14400xf32, #tpu.memory_space<vmem>>[vector<16xi32>], vector<16xf32>,
      %add3A_172 = arith.constant 6 : i32
      %add3A_173 = vector.broadcast %add3A_172 : i32 to vector<16xi32>
      %add3A_174 = arith.addi %mul3A_133, %add3A_173 : vector<16xi32>
      %gather3A_175 = tpu.vector_load_idx %arg8[%add3A_174] : memref<14400xf32, #tpu.memory_space<vmem>>[vector<16xi32>], vector<16xf32>,
      %add3A_176 = arith.constant 7 : i32
      %add3A_177 = vector.broadcast %add3A_176 : i32 to vector<16xi32>
      %add3A_178 = arith.addi %mul3A_133, %add3A_177 : vector<16xi32>
      %gather3A_179 = tpu.vector_load_idx %arg8[%add3A_178] : memref<14400xf32, #tpu.memory_space<vmem>>[vector<16xi32>], vector<16xf32>,
      %add3A_180 = arith.constant 8 : i32
      %add3A_181 = vector.broadcast %add3A_180 : i32 to vector<16xi32>
      %add3A_182 = arith.addi %mul3A_133, %add3A_181 : vector<16xi32>
      %gather3A_183 = tpu.vector_load_idx %arg8[%add3A_182] : memref<14400xf32, #tpu.memory_space<vmem>>[vector<16xi32>], vector<16xf32>,
      %add3A_184 = arith.constant 9 : i32
      %add3A_185 = vector.broadcast %add3A_184 : i32 to vector<16xi32>
      %add3A_186 = arith.addi %mul3A_133, %add3A_185 : vector<16xi32>
      %gather3A_187 = tpu.vector_load_idx %arg8[%add3A_186] : memref<14400xf32, #tpu.memory_space<vmem>>[vector<16xi32>], vector<16xf32>,
      %add3A_188 = arith.constant 10 : i32
      %add3A_189 = vector.broadcast %add3A_188 : i32 to vector<16xi32>
      %add3A_190 = arith.addi %mul3A_133, %add3A_189 : vector<16xi32>
      %gather3A_191 = tpu.vector_load_idx %arg8[%add3A_190] : memref<14400xf32, #tpu.memory_space<vmem>>[vector<16xi32>], vector<16xf32>,
      %add3A_192 = arith.constant 11 : i32
      %add3A_193 = vector.broadcast %add3A_192 : i32 to vector<16xi32>
      %add3A_194 = arith.addi %mul3A_133, %add3A_193 : vector<16xi32>
      %gather3A_195 = tpu.vector_load_idx %arg8[%add3A_194] : memref<14400xf32, #tpu.memory_space<vmem>>[vector<16xi32>], vector<16xf32>,
      %add3A_196 = arith.constant 12 : i32
      %add3A_197 = vector.broadcast %add3A_196 : i32 to vector<16xi32>
      %add3A_198 = arith.addi %mul3A_133, %add3A_197 : vector<16xi32>
      %gather3A_199 = tpu.vector_load_idx %arg8[%add3A_198] : memref<14400xf32, #tpu.memory_space<vmem>>[vector<16xi32>], vector<16xf32>,
      %add3A_200 = arith.constant 13 : i32
      %add3A_201 = vector.broadcast %add3A_200 : i32 to vector<16xi32>
      %add3A_202 = arith.addi %mul3A_133, %add3A_201 : vector<16xi32>
      %gather3A_203 = tpu.vector_load_idx %arg8[%add3A_202] : memref<14400xf32, #tpu.memory_space<vmem>>[vector<16xi32>], vector<16xf32>,
      %add3A_204 = arith.constant 14 : i32
      %add3A_205 = vector.broadcast %add3A_204 : i32 to vector<16xi32>
      %add3A_206 = arith.addi %mul3A_133, %add3A_205 : vector<16xi32>
      %gather3A_207 = tpu.vector_load_idx %arg8[%add3A_206] : memref<14400xf32, #tpu.memory_space<vmem>>[vector<16xi32>], vector<16xf32>,
      %add3A_208 = arith.constant 15 : i32
      %add3A_209 = vector.broadcast %add3A_208 : i32 to vector<16xi32>
      %add3A_210 = arith.addi %mul3A_133, %add3A_209 : vector<16xi32>
      %gather3A_211 = tpu.vector_load_idx %arg8[%add3A_210] : memref<14400xf32, #tpu.memory_space<vmem>>[vector<16xi32>], vector<16xf32>,
      %swap3A = arith.constant 0 : i32
      %swap3A_212 = arith.index_cast %swap3A : i32 to index
      %swap3A_213 = arith.index_cast %mul3A_50 : i32 to index
      %swap3A_214 = tpu.vector_load %arg14[%swap3A_212, %swap3A_213] {strides = array<i32>} : memref<108x384xf32, #tpu.memory_space<vmem>>, vector<16xf32>,
      tpu.vector_store %arg14[%swap3A_212, %swap3A_213], %gather3A {strides = array<i32>} : memref<108x384xf32, #tpu.memory_space<vmem>>, vector<16xf32>,
      %swap3A_215 = arith.constant 1 : i32
      %swap3A_216 = arith.index_cast %swap3A_215 : i32 to index
      %swap3A_217 = arith.index_cast %mul3A_50 : i32 to index
      %swap3A_218 = tpu.vector_load %arg14[%swap3A_216, %swap3A_217] {strides = array<i32>} : memref<108x384xf32, #tpu.memory_space<vmem>>, vector<16xf32>,
      tpu.vector_store %arg14[%swap3A_216, %swap3A_217], %gather3A_155 {strides = array<i32>} : memref<108x384xf32, #tpu.memory_space<vmem>>, vector<16xf32>,
      %swap3A_219 = arith.constant 2 : i32
      %swap3A_220 = arith.index_cast %swap3A_219 : i32 to index
      %swap3A_221 = arith.index_cast %mul3A_50 : i32 to index
      %swap3A_222 = tpu.vector_load %arg14[%swap3A_220, %swap3A_221] {strides = array<i32>} : memref<108x384xf32, #tpu.memory_space<vmem>>, vector<16xf32>,
      tpu.vector_store %arg14[%swap3A_220, %swap3A_221], %gather3A_159 {strides = array<i32>} : memref<108x384xf32, #tpu.memory_space<vmem>>, vector<16xf32>,
      %swap3A_223 = arith.constant 3 : i32
      %swap3A_224 = arith.index_cast %swap3A_223 : i32 to index
      %swap3A_225 = arith.index_cast %mul3A_50 : i32 to index
      %swap3A_226 = tpu.vector_load %arg14[%swap3A_224, %swap3A_225] {strides = array<i32>} : memref<108x384xf32, #tpu.memory_space<vmem>>, vector<16xf32>,
      tpu.vector_store %arg14[%swap3A_224, %swap3A_225], %gather3A_163 {strides = array<i32>} : memref<108x384xf32, #tpu.memory_space<vmem>>, vector<16xf32>,
      %swap3A_227 = arith.constant 4 : i32
      %swap3A_228 = arith.index_cast %swap3A_227 : i32 to index
      %swap3A_229 = arith.index_cast %mul3A_50 : i32 to index
      %swap3A_230 = tpu.vector_load %arg14[%swap3A_228, %swap3A_229] {strides = array<i32>} : memref<108x384xf32, #tpu.memory_space<vmem>>, vector<16xf32>,
      tpu.vector_store %arg14[%swap3A_228, %swap3A_229], %gather3A_167 {strides = array<i32>} : memref<108x384xf32, #tpu.memory_space<vmem>>, vector<16xf32>,
      %swap3A_231 = arith.constant 5 : i32
      %swap3A_232 = arith.index_cast %swap3A_231 : i32 to index
      %swap3A_233 = arith.index_cast %mul3A_50 : i32 to index
      %swap3A_234 = tpu.vector_load %arg14[%swap3A_232, %swap3A_233] {strides = array<i32>} : memref<108x384xf32, #tpu.memory_space<vmem>>, vector<16xf32>,
      tpu.vector_store %arg14[%swap3A_232, %swap3A_233], %gather3A_171 {strides = array<i32>} : memref<108x384xf32, #tpu.memory_space<vmem>>, vector<16xf32>,
      %swap3A_235 = arith.constant 6 : i32
      %swap3A_236 = arith.index_cast %swap3A_235 : i32 to index
      %swap3A_237 = arith.index_cast %mul3A_50 : i32 to index
      %swap3A_238 = tpu.vector_load %arg14[%swap3A_236, %swap3A_237] {strides = array<i32>} : memref<108x384xf32, #tpu.memory_space<vmem>>, vector<16xf32>,
      tpu.vector_store %arg14[%swap3A_236, %swap3A_237], %gather3A_175 {strides = array<i32>} : memref<108x384xf32, #tpu.memory_space<vmem>>, vector<16xf32>,
      %swap3A_239 = arith.constant 7 : i32
      %swap3A_240 = arith.index_cast %swap3A_239 : i32 to index
      %swap3A_241 = arith.index_cast %mul3A_50 : i32 to index
      %swap3A_242 = tpu.vector_load %arg14[%swap3A_240, %swap3A_241] {strides = array<i32>} : memref<108x384xf32, #tpu.memory_space<vmem>>, vector<16xf32>,
      tpu.vector_store %arg14[%swap3A_240, %swap3A_241], %gather3A_179 {strides = array<i32>} : memref<108x384xf32, #tpu.memory_space<vmem>>, vector<16xf32>,
      %swap3A_243 = arith.constant 8 : i32
      %swap3A_244 = arith.index_cast %swap3A_243 : i32 to index
      %swap3A_245 = arith.index_cast %mul3A_50 : i32 to index
      %swap3A_246 = tpu.vector_load %arg14[%swap3A_244, %swap3A_245] {strides = array<i32>} : memref<108x384xf32, #tpu.memory_space<vmem>>, vector<16xf32>,
      tpu.vector_store %arg14[%swap3A_244, %swap3A_245], %gather3A_183 {strides = array<i32>} : memref<108x384xf32, #tpu.memory_space<vmem>>, vector<16xf32>,
      %swap3A_247 = arith.constant 9 : i32
      %swap3A_248 = arith.index_cast %swap3A_247 : i32 to index
      %swap3A_249 = arith.index_cast %mul3A_50 : i32 to index
      %swap3A_250 = tpu.vector_load %arg14[%swap3A_248, %swap3A_249] {strides = array<i32>} : memref<108x384xf32, #tpu.memory_space<vmem>>, vector<16xf32>,
      tpu.vector_store %arg14[%swap3A_248, %swap3A_249], %gather3A_187 {strides = array<i32>} : memref<108x384xf32, #tpu.memory_space<vmem>>, vector<16xf32>,
      %swap3A_251 = arith.constant 10 : i32
      %swap3A_252 = arith.index_cast %swap3A_251 : i32 to index
      %swap3A_253 = arith.index_cast %mul3A_50 : i32 to index
      %swap3A_254 = tpu.vector_load %arg14[%swap3A_252, %swap3A_253] {strides = array<i32>} : memref<108x384xf32, #tpu.memory_space<vmem>>, vector<16xf32>,
      tpu.vector_store %arg14[%swap3A_252, %swap3A_253], %gather3A_191 {strides = array<i32>} : memref<108x384xf32, #tpu.memory_space<vmem>>, vector<16xf32>,
      %swap3A_255 = arith.constant 11 : i32
      %swap3A_256 = arith.index_cast %swap3A_255 : i32 to index
      %swap3A_257 = arith.index_cast %mul3A_50 : i32 to index
      %swap3A_258 = tpu.vector_load %arg14[%swap3A_256, %swap3A_257] {strides = array<i32>} : memref<108x384xf32, #tpu.memory_space<vmem>>, vector<16xf32>,
      tpu.vector_store %arg14[%swap3A_256, %swap3A_257], %gather3A_195 {strides = array<i32>} : memref<108x384xf32, #tpu.memory_space<vmem>>, vector<16xf32>,
      %swap3A_259 = arith.constant 12 : i32
      %swap3A_260 = arith.index_cast %swap3A_259 : i32 to index
      %swap3A_261 = arith.index_cast %mul3A_50 : i32 to index
      %swap3A_262 = tpu.vector_load %arg14[%swap3A_260, %swap3A_261] {strides = array<i32>} : memref<108x384xf32, #tpu.memory_space<vmem>>, vector<16xf32>,
      tpu.vector_store %arg14[%swap3A_260, %swap3A_261], %gather3A_199 {strides = array<i32>} : memref<108x384xf32, #tpu.memory_space<vmem>>, vector<16xf32>,
      %swap3A_263 = arith.constant 13 : i32
      %swap3A_264 = arith.index_cast %swap3A_263 : i32 to index
      %swap3A_265 = arith.index_cast %mul3A_50 : i32 to index
      %swap3A_266 = tpu.vector_load %arg14[%swap3A_264, %swap3A_265] {strides = array<i32>} : memref<108x384xf32, #tpu.memory_space<vmem>>, vector<16xf32>,
      tpu.vector_store %arg14[%swap3A_264, %swap3A_265], %gather3A_203 {strides = array<i32>} : memref<108x384xf32, #tpu.memory_space<vmem>>, vector<16xf32>,
      %swap3A_267 = arith.constant 14 : i32
      %swap3A_268 = arith.index_cast %swap3A_267 : i32 to index
      %swap3A_269 = arith.index_cast %mul3A_50 : i32 to index
      %swap3A_270 = tpu.vector_load %arg14[%swap3A_268, %swap3A_269] {strides = array<i32>} : memref<108x384xf32, #tpu.memory_space<vmem>>, vector<16xf32>,
      tpu.vector_store %arg14[%swap3A_268, %swap3A_269], %gather3A_207 {strides = array<i32>} : memref<108x384xf32, #tpu.memory_space<vmem>>, vector<16xf32>,
      %swap3A_271 = arith.constant 15 : i32
      %swap3A_272 = arith.index_cast %swap3A_271 : i32 to index
      %swap3A_273 = arith.index_cast %mul3A_50 : i32 to index
      %swap3A_274 = tpu.vector_load %arg14[%swap3A_272, %swap3A_273] {strides = array<i32>} : memref<108x384xf32, #tpu.memory_space<vmem>>, vector<16xf32>,
      tpu.vector_store %arg14[%swap3A_272, %swap3A_273], %gather3A_211 {strides = array<i32>} : memref<108x384xf32, #tpu.memory_space<vmem>>, vector<16xf32>,
      %add3A_275 = arith.constant 16 : i32
      %add3A_276 = vector.broadcast %add3A_275 : i32 to vector<16xi32>
      %add3A_277 = arith.addi %mul3A_133, %add3A_276 : vector<16xi32>
      %gather3A_278 = tpu.vector_load_idx %arg8[%add3A_277] : memref<14400xf32, #tpu.memory_space<vmem>>[vector<16xi32>], vector<16xf32>,
      %add3A_279 = arith.constant 17 : i32
      %add3A_280 = vector.broadcast %add3A_279 : i32 to vector<16xi32>
      %add3A_281 = arith.addi %mul3A_133, %add3A_280 : vector<16xi32>
      %gather3A_282 = tpu.vector_load_idx %arg8[%add3A_281] : memref<14400xf32, #tpu.memory_space<vmem>>[vector<16xi32>], vector<16xf32>,
      %add3A_283 = arith.constant 18 : i32
      %add3A_284 = vector.broadcast %add3A_283 : i32 to vector<16xi32>
      %add3A_285 = arith.addi %mul3A_133, %add3A_284 : vector<16xi32>
      %gather3A_286 = tpu.vector_load_idx %arg8[%add3A_285] : memref<14400xf32, #tpu.memory_space<vmem>>[vector<16xi32>], vector<16xf32>,
      %add3A_287 = arith.constant 19 : i32
      %add3A_288 = vector.broadcast %add3A_287 : i32 to vector<16xi32>
      %add3A_289 = arith.addi %mul3A_133, %add3A_288 : vector<16xi32>
      %gather3A_290 = tpu.vector_load_idx %arg8[%add3A_289] : memref<14400xf32, #tpu.memory_space<vmem>>[vector<16xi32>], vector<16xf32>,
      %add3A_291 = arith.constant 20 : i32
      %add3A_292 = vector.broadcast %add3A_291 : i32 to vector<16xi32>
      %add3A_293 = arith.addi %mul3A_133, %add3A_292 : vector<16xi32>
      %gather3A_294 = tpu.vector_load_idx %arg8[%add3A_293] : memref<14400xf32, #tpu.memory_space<vmem>>[vector<16xi32>], vector<16xf32>,
      %add3A_295 = arith.constant 21 : i32
      %add3A_296 = vector.broadcast %add3A_295 : i32 to vector<16xi32>
      %add3A_297 = arith.addi %mul3A_133, %add3A_296 : vector<16xi32>
      %gather3A_298 = tpu.vector_load_idx %arg8[%add3A_297] : memref<14400xf32, #tpu.memory_space<vmem>>[vector<16xi32>], vector<16xf32>,
      %add3A_299 = arith.constant 22 : i32
      %add3A_300 = vector.broadcast %add3A_299 : i32 to vector<16xi32>
      %add3A_301 = arith.addi %mul3A_133, %add3A_300 : vector<16xi32>
      %gather3A_302 = tpu.vector_load_idx %arg8[%add3A_301] : memref<14400xf32, #tpu.memory_space<vmem>>[vector<16xi32>], vector<16xf32>,
      %add3A_303 = arith.constant 23 : i32
      %add3A_304 = vector.broadcast %add3A_303 : i32 to vector<16xi32>
      %add3A_305 = arith.addi %mul3A_133, %add3A_304 : vector<16xi32>
      %gather3A_306 = tpu.vector_load_idx %arg8[%add3A_305] : memref<14400xf32, #tpu.memory_space<vmem>>[vector<16xi32>], vector<16xf32>,
      %add3A_307 = arith.constant 0 : i32
      %add3A_308 = vector.broadcast %add3A_307 : i32 to vector<16xi32>
      %add3A_309 = arith.addi %mul3A_136, %add3A_308 : vector<16xi32>
      %gather3A_310 = tpu.vector_load_idx %arg9[%add3A_309] : memref<2400xf32, #tpu.memory_space<vmem>>[vector<16xi32>], vector<16xf32>,
      %add3A_311 = arith.constant 1 : i32
      %add3A_312 = vector.broadcast %add3A_311 : i32 to vector<16xi32>
      %add3A_313 = arith.addi %mul3A_136, %add3A_312 : vector<16xi32>
      %gather3A_314 = tpu.vector_load_idx %arg9[%add3A_313] : memref<2400xf32, #tpu.memory_space<vmem>>[vector<16xi32>], vector<16xf32>,
      %add3A_315 = arith.constant 2 : i32
      %add3A_316 = vector.broadcast %add3A_315 : i32 to vector<16xi32>
      %add3A_317 = arith.addi %mul3A_136, %add3A_316 : vector<16xi32>
      %gather3A_318 = tpu.vector_load_idx %arg9[%add3A_317] : memref<2400xf32, #tpu.memory_space<vmem>>[vector<16xi32>], vector<16xf32>,
      %add3A_319 = arith.constant 3 : i32
      %add3A_320 = vector.broadcast %add3A_319 : i32 to vector<16xi32>
      %add3A_321 = arith.addi %mul3A_136, %add3A_320 : vector<16xi32>
      %gather3A_322 = tpu.vector_load_idx %arg9[%add3A_321] : memref<2400xf32, #tpu.memory_space<vmem>>[vector<16xi32>], vector<16xf32>,
      %add3A_323 = arith.constant 4 : i32
      %add3A_324 = vector.broadcast %add3A_323 : i32 to vector<16xi32>
      %add3A_325 = arith.addi %mul3A_136, %add3A_324 : vector<16xi32>
      %gather3A_326 = tpu.vector_load_idx %arg9[%add3A_325] : memref<2400xf32, #tpu.memory_space<vmem>>[vector<16xi32>], vector<16xf32>,
      %add3A_327 = arith.constant 5 : i32
      %add3A_328 = vector.broadcast %add3A_327 : i32 to vector<16xi32>
      %add3A_329 = arith.addi %mul3A_136, %add3A_328 : vector<16xi32>
      %gather3A_330 = tpu.vector_load_idx %arg9[%add3A_329] : memref<2400xf32, #tpu.memory_space<vmem>>[vector<16xi32>], vector<16xf32>,
      %add3A_331 = arith.constant 6 : i32
      %add3A_332 = vector.broadcast %add3A_331 : i32 to vector<16xi32>
      %add3A_333 = arith.addi %mul3A_136, %add3A_332 : vector<16xi32>
      %gather3A_334 = tpu.vector_load_idx %arg9[%add3A_333] : memref<2400xf32, #tpu.memory_space<vmem>>[vector<16xi32>], vector<16xf32>,
      %add3A_335 = arith.constant 7 : i32
      %add3A_336 = vector.broadcast %add3A_335 : i32 to vector<16xi32>
      %add3A_337 = arith.addi %mul3A_136, %add3A_336 : vector<16xi32>
      %gather3A_338 = tpu.vector_load_idx %arg9[%add3A_337] : memref<2400xf32, #tpu.memory_space<vmem>>[vector<16xi32>], vector<16xf32>,
      %swap3A_339 = arith.constant 16 : i32
      %swap3A_340 = arith.index_cast %swap3A_339 : i32 to index
      %swap3A_341 = arith.index_cast %mul3A_50 : i32 to index
      %swap3A_342 = tpu.vector_load %arg14[%swap3A_340, %swap3A_341] {strides = array<i32>} : memref<108x384xf32, #tpu.memory_space<vmem>>, vector<16xf32>,
      tpu.vector_store %arg14[%swap3A_340, %swap3A_341], %gather3A_278 {strides = array<i32>} : memref<108x384xf32, #tpu.memory_space<vmem>>, vector<16xf32>,
      %swap3A_343 = arith.constant 17 : i32
      %swap3A_344 = arith.index_cast %swap3A_343 : i32 to index
      %swap3A_345 = arith.index_cast %mul3A_50 : i32 to index
      %swap3A_346 = tpu.vector_load %arg14[%swap3A_344, %swap3A_345] {strides = array<i32>} : memref<108x384xf32, #tpu.memory_space<vmem>>, vector<16xf32>,
      tpu.vector_store %arg14[%swap3A_344, %swap3A_345], %gather3A_282 {strides = array<i32>} : memref<108x384xf32, #tpu.memory_space<vmem>>, vector<16xf32>,
      %swap3A_347 = arith.constant 18 : i32
      %swap3A_348 = arith.index_cast %swap3A_347 : i32 to index
      %swap3A_349 = arith.index_cast %mul3A_50 : i32 to index
      %swap3A_350 = tpu.vector_load %arg14[%swap3A_348, %swap3A_349] {strides = array<i32>} : memref<108x384xf32, #tpu.memory_space<vmem>>, vector<16xf32>,
      tpu.vector_store %arg14[%swap3A_348, %swap3A_349], %gather3A_286 {strides = array<i32>} : memref<108x384xf32, #tpu.memory_space<vmem>>, vector<16xf32>,
      %swap3A_351 = arith.constant 19 : i32
      %swap3A_352 = arith.index_cast %swap3A_351 : i32 to index
      %swap3A_353 = arith.index_cast %mul3A_50 : i32 to index
      %swap3A_354 = tpu.vector_load %arg14[%swap3A_352, %swap3A_353] {strides = array<i32>} : memref<108x384xf32, #tpu.memory_space<vmem>>, vector<16xf32>,
      tpu.vector_store %arg14[%swap3A_352, %swap3A_353], %gather3A_290 {strides = array<i32>} : memref<108x384xf32, #tpu.memory_space<vmem>>, vector<16xf32>,
      %swap3A_355 = arith.constant 20 : i32
      %swap3A_356 = arith.index_cast %swap3A_355 : i32 to index
      %swap3A_357 = arith.index_cast %mul3A_50 : i32 to index
      %swap3A_358 = tpu.vector_load %arg14[%swap3A_356, %swap3A_357] {strides = array<i32>} : memref<108x384xf32, #tpu.memory_space<vmem>>, vector<16xf32>,
      tpu.vector_store %arg14[%swap3A_356, %swap3A_357], %gather3A_294 {strides = array<i32>} : memref<108x384xf32, #tpu.memory_space<vmem>>, vector<16xf32>,
      %swap3A_359 = arith.constant 21 : i32
      %swap3A_360 = arith.index_cast %swap3A_359 : i32 to index
      %swap3A_361 = arith.index_cast %mul3A_50 : i32 to index
      %swap3A_362 = tpu.vector_load %arg14[%swap3A_360, %swap3A_361] {strides = array<i32>} : memref<108x384xf32, #tpu.memory_space<vmem>>, vector<16xf32>,
      tpu.vector_store %arg14[%swap3A_360, %swap3A_361], %gather3A_298 {strides = array<i32>} : memref<108x384xf32, #tpu.memory_space<vmem>>, vector<16xf32>,
      %swap3A_363 = arith.constant 22 : i32
      %swap3A_364 = arith.index_cast %swap3A_363 : i32 to index
      %swap3A_365 = arith.index_cast %mul3A_50 : i32 to index
      %swap3A_366 = tpu.vector_load %arg14[%swap3A_364, %swap3A_365] {strides = array<i32>} : memref<108x384xf32, #tpu.memory_space<vmem>>, vector<16xf32>,
      tpu.vector_store %arg14[%swap3A_364, %swap3A_365], %gather3A_302 {strides = array<i32>} : memref<108x384xf32, #tpu.memory_space<vmem>>, vector<16xf32>,
      %swap3A_367 = arith.constant 23 : i32
      %swap3A_368 = arith.index_cast %swap3A_367 : i32 to index
      %swap3A_369 = arith.index_cast %mul3A_50 : i32 to index
      %swap3A_370 = tpu.vector_load %arg14[%swap3A_368, %swap3A_369] {strides = array<i32>} : memref<108x384xf32, #tpu.memory_space<vmem>>, vector<16xf32>,
      tpu.vector_store %arg14[%swap3A_368, %swap3A_369], %gather3A_306 {strides = array<i32>} : memref<108x384xf32, #tpu.memory_space<vmem>>, vector<16xf32>,
      %swap3A_371 = arith.constant 24 : i32
      %swap3A_372 = arith.index_cast %swap3A_371 : i32 to index
      %swap3A_373 = arith.index_cast %mul3A_50 : i32 to index
      %swap3A_374 = tpu.vector_load %arg14[%swap3A_372, %swap3A_373] {strides = array<i32>} : memref<108x384xf32, #tpu.memory_space<vmem>>, vector<16xf32>,
      tpu.vector_store %arg14[%swap3A_372, %swap3A_373], %gather3A_310 {strides = array<i32>} : memref<108x384xf32, #tpu.memory_space<vmem>>, vector<16xf32>,
      %swap3A_375 = arith.constant 25 : i32
      %swap3A_376 = arith.index_cast %swap3A_375 : i32 to index
      %swap3A_377 = arith.index_cast %mul3A_50 : i32 to index
      %swap3A_378 = tpu.vector_load %arg14[%swap3A_376, %swap3A_377] {strides = array<i32>} : memref<108x384xf32, #tpu.memory_space<vmem>>, vector<16xf32>,
      tpu.vector_store %arg14[%swap3A_376, %swap3A_377], %gather3A_314 {strides = array<i32>} : memref<108x384xf32, #tpu.memory_space<vmem>>, vector<16xf32>,
      %swap3A_379 = arith.constant 26 : i32
      %swap3A_380 = arith.index_cast %swap3A_379 : i32 to index
      %swap3A_381 = arith.index_cast %mul3A_50 : i32 to index
      %swap3A_382 = tpu.vector_load %arg14[%swap3A_380, %swap3A_381] {strides = array<i32>} : memref<108x384xf32, #tpu.memory_space<vmem>>, vector<16xf32>,
      tpu.vector_store %arg14[%swap3A_380, %swap3A_381], %gather3A_318 {strides = array<i32>} : memref<108x384xf32, #tpu.memory_space<vmem>>, vector<16xf32>,
      %swap3A_383 = arith.constant 27 : i32
      %swap3A_384 = arith.index_cast %swap3A_383 : i32 to index
      %swap3A_385 = arith.index_cast %mul3A_50 : i32 to index
      %swap3A_386 = tpu.vector_load %arg14[%swap3A_384, %swap3A_385] {strides = array<i32>} : memref<108x384xf32, #tpu.memory_space<vmem>>, vector<16xf32>,
      tpu.vector_store %arg14[%swap3A_384, %swap3A_385], %gather3A_322 {strides = array<i32>} : memref<108x384xf32, #tpu.memory_space<vmem>>, vector<16xf32>,
      %swap3A_387 = arith.constant 28 : i32
      %swap3A_388 = arith.index_cast %swap3A_387 : i32 to index
      %swap3A_389 = arith.index_cast %mul3A_50 : i32 to index
      %swap3A_390 = tpu.vector_load %arg14[%swap3A_388, %swap3A_389] {strides = array<i32>} : memref<108x384xf32, #tpu.memory_space<vmem>>, vector<16xf32>,
      tpu.vector_store %arg14[%swap3A_388, %swap3A_389], %gather3A_326 {strides = array<i32>} : memref<108x384xf32, #tpu.memory_space<vmem>>, vector<16xf32>,
      %swap3A_391 = arith.constant 29 : i32
      %swap3A_392 = arith.index_cast %swap3A_391 : i32 to index
      %swap3A_393 = arith.index_cast %mul3A_50 : i32 to index
      %swap3A_394 = tpu.vector_load %arg14[%swap3A_392, %swap3A_393] {strides = array<i32>} : memref<108x384xf32, #tpu.memory_space<vmem>>, vector<16xf32>,
      tpu.vector_store %arg14[%swap3A_392, %swap3A_393], %gather3A_330 {strides = array<i32>} : memref<108x384xf32, #tpu.memory_space<vmem>>, vector<16xf32>,
      %swap3A_395 = arith.constant 30 : i32
      %swap3A_396 = arith.index_cast %swap3A_395 : i32 to index
      %swap3A_397 = arith.index_cast %mul3A_50 : i32 to index
      %swap3A_398 = tpu.vector_load %arg14[%swap3A_396, %swap3A_397] {strides = array<i32>} : memref<108x384xf32, #tpu.memory_space<vmem>>, vector<16xf32>,
      tpu.vector_store %arg14[%swap3A_396, %swap3A_397], %gather3A_334 {strides = array<i32>} : memref<108x384xf32, #tpu.memory_space<vmem>>, vector<16xf32>,
      %swap3A_399 = arith.constant 31 : i32
      %swap3A_400 = arith.index_cast %swap3A_399 : i32 to index
      %swap3A_401 = arith.index_cast %mul3A_50 : i32 to index
      %swap3A_402 = tpu.vector_load %arg14[%swap3A_400, %swap3A_401] {strides = array<i32>} : memref<108x384xf32, #tpu.memory_space<vmem>>, vector<16xf32>,
      tpu.vector_store %arg14[%swap3A_400, %swap3A_401], %gather3A_338 {strides = array<i32>} : memref<108x384xf32, #tpu.memory_space<vmem>>, vector<16xf32>,
      %add3A_403 = arith.constant 8 : i32
      %add3A_404 = vector.broadcast %add3A_403 : i32 to vector<16xi32>
      %add3A_405 = arith.addi %mul3A_136, %add3A_404 : vector<16xi32>
      %gather3A_406 = tpu.vector_load_idx %arg9[%add3A_405] : memref<2400xf32, #tpu.memory_space<vmem>>[vector<16xi32>], vector<16xf32>,
      %add3A_407 = arith.constant 9 : i32
      %add3A_408 = vector.broadcast %add3A_407 : i32 to vector<16xi32>
      %add3A_409 = arith.addi %mul3A_136, %add3A_408 : vector<16xi32>
      %gather3A_410 = tpu.vector_load_idx %arg9[%add3A_409] : memref<2400xf32, #tpu.memory_space<vmem>>[vector<16xi32>], vector<16xf32>,
      %add3A_411 = arith.constant 10 : i32
      %add3A_412 = vector.broadcast %add3A_411 : i32 to vector<16xi32>
      %add3A_413 = arith.addi %mul3A_136, %add3A_412 : vector<16xi32>
      %gather3A_414 = tpu.vector_load_idx %arg9[%add3A_413] : memref<2400xf32, #tpu.memory_space<vmem>>[vector<16xi32>], vector<16xf32>,
      %add3A_415 = arith.constant 11 : i32
      %add3A_416 = vector.broadcast %add3A_415 : i32 to vector<16xi32>
      %add3A_417 = arith.addi %mul3A_136, %add3A_416 : vector<16xi32>
      %gather3A_418 = tpu.vector_load_idx %arg9[%add3A_417] : memref<2400xf32, #tpu.memory_space<vmem>>[vector<16xi32>], vector<16xf32>,
      %add3A_419 = arith.constant 12 : i32
      %add3A_420 = vector.broadcast %add3A_419 : i32 to vector<16xi32>
      %add3A_421 = arith.addi %mul3A_136, %add3A_420 : vector<16xi32>
      %gather3A_422 = tpu.vector_load_idx %arg9[%add3A_421] : memref<2400xf32, #tpu.memory_space<vmem>>[vector<16xi32>], vector<16xf32>,
      %add3A_423 = arith.constant 13 : i32
      %add3A_424 = vector.broadcast %add3A_423 : i32 to vector<16xi32>
      %add3A_425 = arith.addi %mul3A_136, %add3A_424 : vector<16xi32>
      %gather3A_426 = tpu.vector_load_idx %arg9[%add3A_425] : memref<2400xf32, #tpu.memory_space<vmem>>[vector<16xi32>], vector<16xf32>,
      %add3A_427 = arith.constant 14 : i32
      %add3A_428 = vector.broadcast %add3A_427 : i32 to vector<16xi32>
      %add3A_429 = arith.addi %mul3A_136, %add3A_428 : vector<16xi32>
      %gather3A_430 = tpu.vector_load_idx %arg9[%add3A_429] : memref<2400xf32, #tpu.memory_space<vmem>>[vector<16xi32>], vector<16xf32>,
      %add3A_431 = arith.constant 15 : i32
      %add3A_432 = vector.broadcast %add3A_431 : i32 to vector<16xi32>
      %add3A_433 = arith.addi %mul3A_136, %add3A_432 : vector<16xi32>
      %gather3A_434 = tpu.vector_load_idx %arg9[%add3A_433] : memref<2400xf32, #tpu.memory_space<vmem>>[vector<16xi32>], vector<16xf32>,
      %add3A_435 = arith.constant 16 : i32
      %add3A_436 = vector.broadcast %add3A_435 : i32 to vector<16xi32>
      %add3A_437 = arith.addi %mul3A_136, %add3A_436 : vector<16xi32>
      %gather3A_438 = tpu.vector_load_idx %arg9[%add3A_437] : memref<2400xf32, #tpu.memory_space<vmem>>[vector<16xi32>], vector<16xf32>,
      %add3A_439 = arith.constant 17 : i32
      %add3A_440 = vector.broadcast %add3A_439 : i32 to vector<16xi32>
      %add3A_441 = arith.addi %mul3A_136, %add3A_440 : vector<16xi32>
      %gather3A_442 = tpu.vector_load_idx %arg9[%add3A_441] : memref<2400xf32, #tpu.memory_space<vmem>>[vector<16xi32>], vector<16xf32>,
      %add3A_443 = arith.constant 18 : i32
      %add3A_444 = vector.broadcast %add3A_443 : i32 to vector<16xi32>
      %add3A_445 = arith.addi %mul3A_136, %add3A_444 : vector<16xi32>
      %gather3A_446 = tpu.vector_load_idx %arg9[%add3A_445] : memref<2400xf32, #tpu.memory_space<vmem>>[vector<16xi32>], vector<16xf32>,
      %add3A_447 = arith.constant 19 : i32
      %add3A_448 = vector.broadcast %add3A_447 : i32 to vector<16xi32>
      %add3A_449 = arith.addi %mul3A_136, %add3A_448 : vector<16xi32>
      %gather3A_450 = tpu.vector_load_idx %arg9[%add3A_449] : memref<2400xf32, #tpu.memory_space<vmem>>[vector<16xi32>], vector<16xf32>,
      %add3A_451 = arith.constant 20 : i32
      %add3A_452 = vector.broadcast %add3A_451 : i32 to vector<16xi32>
      %add3A_453 = arith.addi %mul3A_136, %add3A_452 : vector<16xi32>
      %gather3A_454 = tpu.vector_load_idx %arg9[%add3A_453] : memref<2400xf32, #tpu.memory_space<vmem>>[vector<16xi32>], vector<16xf32>,
      %add3A_455 = arith.constant 21 : i32
      %add3A_456 = vector.broadcast %add3A_455 : i32 to vector<16xi32>
      %add3A_457 = arith.addi %mul3A_136, %add3A_456 : vector<16xi32>
      %gather3A_458 = tpu.vector_load_idx %arg9[%add3A_457] : memref<2400xf32, #tpu.memory_space<vmem>>[vector<16xi32>], vector<16xf32>,
      %add3A_459 = arith.constant 22 : i32
      %add3A_460 = vector.broadcast %add3A_459 : i32 to vector<16xi32>
      %add3A_461 = arith.addi %mul3A_136, %add3A_460 : vector<16xi32>
      %gather3A_462 = tpu.vector_load_idx %arg9[%add3A_461] : memref<2400xf32, #tpu.memory_space<vmem>>[vector<16xi32>], vector<16xf32>,
      %add3A_463 = arith.constant 23 : i32
      %add3A_464 = vector.broadcast %add3A_463 : i32 to vector<16xi32>
      %add3A_465 = arith.addi %mul3A_136, %add3A_464 : vector<16xi32>
      %gather3A_466 = tpu.vector_load_idx %arg9[%add3A_465] : memref<2400xf32, #tpu.memory_space<vmem>>[vector<16xi32>], vector<16xf32>,
      %swap3A_467 = arith.constant 32 : i32
      %swap3A_468 = arith.index_cast %swap3A_467 : i32 to index
      %swap3A_469 = arith.index_cast %mul3A_50 : i32 to index
      %swap3A_470 = tpu.vector_load %arg14[%swap3A_468, %swap3A_469] {strides = array<i32>} : memref<108x384xf32, #tpu.memory_space<vmem>>, vector<16xf32>,
      tpu.vector_store %arg14[%swap3A_468, %swap3A_469], %gather3A_406 {strides = array<i32>} : memref<108x384xf32, #tpu.memory_space<vmem>>, vector<16xf32>,
      %swap3A_471 = arith.constant 33 : i32
      %swap3A_472 = arith.index_cast %swap3A_471 : i32 to index
      %swap3A_473 = arith.index_cast %mul3A_50 : i32 to index
      %swap3A_474 = tpu.vector_load %arg14[%swap3A_472, %swap3A_473] {strides = array<i32>} : memref<108x384xf32, #tpu.memory_space<vmem>>, vector<16xf32>,
      tpu.vector_store %arg14[%swap3A_472, %swap3A_473], %gather3A_410 {strides = array<i32>} : memref<108x384xf32, #tpu.memory_space<vmem>>, vector<16xf32>,
      %swap3A_475 = arith.constant 34 : i32
      %swap3A_476 = arith.index_cast %swap3A_475 : i32 to index
      %swap3A_477 = arith.index_cast %mul3A_50 : i32 to index
      %swap3A_478 = tpu.vector_load %arg14[%swap3A_476, %swap3A_477] {strides = array<i32>} : memref<108x384xf32, #tpu.memory_space<vmem>>, vector<16xf32>,
      tpu.vector_store %arg14[%swap3A_476, %swap3A_477], %gather3A_414 {strides = array<i32>} : memref<108x384xf32, #tpu.memory_space<vmem>>, vector<16xf32>,
      %swap3A_479 = arith.constant 35 : i32
      %swap3A_480 = arith.index_cast %swap3A_479 : i32 to index
      %swap3A_481 = arith.index_cast %mul3A_50 : i32 to index
      %swap3A_482 = tpu.vector_load %arg14[%swap3A_480, %swap3A_481] {strides = array<i32>} : memref<108x384xf32, #tpu.memory_space<vmem>>, vector<16xf32>,
      tpu.vector_store %arg14[%swap3A_480, %swap3A_481], %gather3A_418 {strides = array<i32>} : memref<108x384xf32, #tpu.memory_space<vmem>>, vector<16xf32>,
      %swap3A_483 = arith.constant 36 : i32
      %swap3A_484 = arith.index_cast %swap3A_483 : i32 to index
      %swap3A_485 = arith.index_cast %mul3A_50 : i32 to index
      %swap3A_486 = tpu.vector_load %arg14[%swap3A_484, %swap3A_485] {strides = array<i32>} : memref<108x384xf32, #tpu.memory_space<vmem>>, vector<16xf32>,
      tpu.vector_store %arg14[%swap3A_484, %swap3A_485], %gather3A_422 {strides = array<i32>} : memref<108x384xf32, #tpu.memory_space<vmem>>, vector<16xf32>,
      %swap3A_487 = arith.constant 37 : i32
      %swap3A_488 = arith.index_cast %swap3A_487 : i32 to index
      %swap3A_489 = arith.index_cast %mul3A_50 : i32 to index
      %swap3A_490 = tpu.vector_load %arg14[%swap3A_488, %swap3A_489] {strides = array<i32>} : memref<108x384xf32, #tpu.memory_space<vmem>>, vector<16xf32>,
      tpu.vector_store %arg14[%swap3A_488, %swap3A_489], %gather3A_426 {strides = array<i32>} : memref<108x384xf32, #tpu.memory_space<vmem>>, vector<16xf32>,
      %swap3A_491 = arith.constant 38 : i32
      %swap3A_492 = arith.index_cast %swap3A_491 : i32 to index
      %swap3A_493 = arith.index_cast %mul3A_50 : i32 to index
      %swap3A_494 = tpu.vector_load %arg14[%swap3A_492, %swap3A_493] {strides = array<i32>} : memref<108x384xf32, #tpu.memory_space<vmem>>, vector<16xf32>,
      tpu.vector_store %arg14[%swap3A_492, %swap3A_493], %gather3A_430 {strides = array<i32>} : memref<108x384xf32, #tpu.memory_space<vmem>>, vector<16xf32>,
      %swap3A_495 = arith.constant 39 : i32
      %swap3A_496 = arith.index_cast %swap3A_495 : i32 to index
      %swap3A_497 = arith.index_cast %mul3A_50 : i32 to index
      %swap3A_498 = tpu.vector_load %arg14[%swap3A_496, %swap3A_497] {strides = array<i32>} : memref<108x384xf32, #tpu.memory_space<vmem>>, vector<16xf32>,
      tpu.vector_store %arg14[%swap3A_496, %swap3A_497], %gather3A_434 {strides = array<i32>} : memref<108x384xf32, #tpu.memory_space<vmem>>, vector<16xf32>,
      %swap3A_499 = arith.constant 40 : i32
      %swap3A_500 = arith.index_cast %swap3A_499 : i32 to index
      %swap3A_501 = arith.index_cast %mul3A_50 : i32 to index
      %swap3A_502 = tpu.vector_load %arg14[%swap3A_500, %swap3A_501] {strides = array<i32>} : memref<108x384xf32, #tpu.memory_space<vmem>>, vector<16xf32>,
      tpu.vector_store %arg14[%swap3A_500, %swap3A_501], %gather3A_438 {strides = array<i32>} : memref<108x384xf32, #tpu.memory_space<vmem>>, vector<16xf32>,
      %swap3A_503 = arith.constant 41 : i32
      %swap3A_504 = arith.index_cast %swap3A_503 : i32 to index
      %swap3A_505 = arith.index_cast %mul3A_50 : i32 to index
      %swap3A_506 = tpu.vector_load %arg14[%swap3A_504, %swap3A_505] {strides = array<i32>} : memref<108x384xf32, #tpu.memory_space<vmem>>, vector<16xf32>,
      tpu.vector_store %arg14[%swap3A_504, %swap3A_505], %gather3A_442 {strides = array<i32>} : memref<108x384xf32, #tpu.memory_space<vmem>>, vector<16xf32>,
      %swap3A_507 = arith.constant 42 : i32
      %swap3A_508 = arith.index_cast %swap3A_507 : i32 to index
      %swap3A_509 = arith.index_cast %mul3A_50 : i32 to index
      %swap3A_510 = tpu.vector_load %arg14[%swap3A_508, %swap3A_509] {strides = array<i32>} : memref<108x384xf32, #tpu.memory_space<vmem>>, vector<16xf32>,
      tpu.vector_store %arg14[%swap3A_508, %swap3A_509], %gather3A_446 {strides = array<i32>} : memref<108x384xf32, #tpu.memory_space<vmem>>, vector<16xf32>,
      %swap3A_511 = arith.constant 43 : i32
      %swap3A_512 = arith.index_cast %swap3A_511 : i32 to index
      %swap3A_513 = arith.index_cast %mul3A_50 : i32 to index
      %swap3A_514 = tpu.vector_load %arg14[%swap3A_512, %swap3A_513] {strides = array<i32>} : memref<108x384xf32, #tpu.memory_space<vmem>>, vector<16xf32>,
      tpu.vector_store %arg14[%swap3A_512, %swap3A_513], %gather3A_450 {strides = array<i32>} : memref<108x384xf32, #tpu.memory_space<vmem>>, vector<16xf32>,
      %swap3A_515 = arith.constant 44 : i32
      %swap3A_516 = arith.index_cast %swap3A_515 : i32 to index
      %swap3A_517 = arith.index_cast %mul3A_50 : i32 to index
      %swap3A_518 = tpu.vector_load %arg14[%swap3A_516, %swap3A_517] {strides = array<i32>} : memref<108x384xf32, #tpu.memory_space<vmem>>, vector<16xf32>,
      tpu.vector_store %arg14[%swap3A_516, %swap3A_517], %gather3A_454 {strides = array<i32>} : memref<108x384xf32, #tpu.memory_space<vmem>>, vector<16xf32>,
      %swap3A_519 = arith.constant 45 : i32
      %swap3A_520 = arith.index_cast %swap3A_519 : i32 to index
      %swap3A_521 = arith.index_cast %mul3A_50 : i32 to index
      %swap3A_522 = tpu.vector_load %arg14[%swap3A_520, %swap3A_521] {strides = array<i32>} : memref<108x384xf32, #tpu.memory_space<vmem>>, vector<16xf32>,
      tpu.vector_store %arg14[%swap3A_520, %swap3A_521], %gather3A_458 {strides = array<i32>} : memref<108x384xf32, #tpu.memory_space<vmem>>, vector<16xf32>,
      %swap3A_523 = arith.constant 46 : i32
      %swap3A_524 = arith.index_cast %swap3A_523 : i32 to index
      %swap3A_525 = arith.index_cast %mul3A_50 : i32 to index
      %swap3A_526 = tpu.vector_load %arg14[%swap3A_524, %swap3A_525] {strides = array<i32>} : memref<108x384xf32, #tpu.memory_space<vmem>>, vector<16xf32>,
      tpu.vector_store %arg14[%swap3A_524, %swap3A_525], %gather3A_462 {strides = array<i32>} : memref<108x384xf32, #tpu.memory_space<vmem>>, vector<16xf32>,
      %swap3A_527 = arith.constant 47 : i32
      %swap3A_528 = arith.index_cast %swap3A_527 : i32 to index
      %swap3A_529 = arith.index_cast %mul3A_50 : i32 to index
      %swap3A_530 = tpu.vector_load %arg14[%swap3A_528, %swap3A_529] {strides = array<i32>} : memref<108x384xf32, #tpu.memory_space<vmem>>, vector<16xf32>,
      tpu.vector_store %arg14[%swap3A_528, %swap3A_529], %gather3A_466 {strides = array<i32>} : memref<108x384xf32, #tpu.memory_space<vmem>>, vector<16xf32>,
      %add3A_531 = arith.constant 0 : i32
      %add3A_532 = vector.broadcast %add3A_531 : i32 to vector<16xi32>
      %add3A_533 = arith.addi %mul3A_139, %add3A_532 : vector<16xi32>
      %gather3A_534 = tpu.vector_load_idx %arg8[%add3A_533] : memref<14400xf32, #tpu.memory_space<vmem>>[vector<16xi32>], vector<16xf32>,
      %add3A_535 = arith.constant 1 : i32
      %add3A_536 = vector.broadcast %add3A_535 : i32 to vector<16xi32>
      %add3A_537 = arith.addi %mul3A_139, %add3A_536 : vector<16xi32>
      %gather3A_538 = tpu.vector_load_idx %arg8[%add3A_537] : memref<14400xf32, #tpu.memory_space<vmem>>[vector<16xi32>], vector<16xf32>,
      %add3A_539 = arith.constant 2 : i32
      %add3A_540 = vector.broadcast %add3A_539 : i32 to vector<16xi32>
      %add3A_541 = arith.addi %mul3A_139, %add3A_540 : vector<16xi32>
      %gather3A_542 = tpu.vector_load_idx %arg8[%add3A_541] : memref<14400xf32, #tpu.memory_space<vmem>>[vector<16xi32>], vector<16xf32>,
      %add3A_543 = arith.constant 3 : i32
      %add3A_544 = vector.broadcast %add3A_543 : i32 to vector<16xi32>
      %add3A_545 = arith.addi %mul3A_139, %add3A_544 : vector<16xi32>
      %gather3A_546 = tpu.vector_load_idx %arg8[%add3A_545] : memref<14400xf32, #tpu.memory_space<vmem>>[vector<16xi32>], vector<16xf32>,
      %add3A_547 = arith.constant 4 : i32
      %add3A_548 = vector.broadcast %add3A_547 : i32 to vector<16xi32>
      %add3A_549 = arith.addi %mul3A_139, %add3A_548 : vector<16xi32>
      %gather3A_550 = tpu.vector_load_idx %arg8[%add3A_549] : memref<14400xf32, #tpu.memory_space<vmem>>[vector<16xi32>], vector<16xf32>,
      %add3A_551 = arith.constant 5 : i32
      %add3A_552 = vector.broadcast %add3A_551 : i32 to vector<16xi32>
      %add3A_553 = arith.addi %mul3A_139, %add3A_552 : vector<16xi32>
      %gather3A_554 = tpu.vector_load_idx %arg8[%add3A_553] : memref<14400xf32, #tpu.memory_space<vmem>>[vector<16xi32>], vector<16xf32>,
      %add3A_555 = arith.constant 6 : i32
      %add3A_556 = vector.broadcast %add3A_555 : i32 to vector<16xi32>
      %add3A_557 = arith.addi %mul3A_139, %add3A_556 : vector<16xi32>
      %gather3A_558 = tpu.vector_load_idx %arg8[%add3A_557] : memref<14400xf32, #tpu.memory_space<vmem>>[vector<16xi32>], vector<16xf32>,
      %add3A_559 = arith.constant 7 : i32
      %add3A_560 = vector.broadcast %add3A_559 : i32 to vector<16xi32>
      %add3A_561 = arith.addi %mul3A_139, %add3A_560 : vector<16xi32>
      %gather3A_562 = tpu.vector_load_idx %arg8[%add3A_561] : memref<14400xf32, #tpu.memory_space<vmem>>[vector<16xi32>], vector<16xf32>,
      %add3A_563 = arith.constant 8 : i32
      %add3A_564 = vector.broadcast %add3A_563 : i32 to vector<16xi32>
      %add3A_565 = arith.addi %mul3A_139, %add3A_564 : vector<16xi32>
      %gather3A_566 = tpu.vector_load_idx %arg8[%add3A_565] : memref<14400xf32, #tpu.memory_space<vmem>>[vector<16xi32>], vector<16xf32>,
      %add3A_567 = arith.constant 9 : i32
      %add3A_568 = vector.broadcast %add3A_567 : i32 to vector<16xi32>
      %add3A_569 = arith.addi %mul3A_139, %add3A_568 : vector<16xi32>
      %gather3A_570 = tpu.vector_load_idx %arg8[%add3A_569] : memref<14400xf32, #tpu.memory_space<vmem>>[vector<16xi32>], vector<16xf32>,
      %add3A_571 = arith.constant 10 : i32
      %add3A_572 = vector.broadcast %add3A_571 : i32 to vector<16xi32>
      %add3A_573 = arith.addi %mul3A_139, %add3A_572 : vector<16xi32>
      %gather3A_574 = tpu.vector_load_idx %arg8[%add3A_573] : memref<14400xf32, #tpu.memory_space<vmem>>[vector<16xi32>], vector<16xf32>,
      %add3A_575 = arith.constant 11 : i32
      %add3A_576 = vector.broadcast %add3A_575 : i32 to vector<16xi32>
      %add3A_577 = arith.addi %mul3A_139, %add3A_576 : vector<16xi32>
      %gather3A_578 = tpu.vector_load_idx %arg8[%add3A_577] : memref<14400xf32, #tpu.memory_space<vmem>>[vector<16xi32>], vector<16xf32>,
      %add3A_579 = arith.constant 12 : i32
      %add3A_580 = vector.broadcast %add3A_579 : i32 to vector<16xi32>
      %add3A_581 = arith.addi %mul3A_139, %add3A_580 : vector<16xi32>
      %gather3A_582 = tpu.vector_load_idx %arg8[%add3A_581] : memref<14400xf32, #tpu.memory_space<vmem>>[vector<16xi32>], vector<16xf32>,
      %add3A_583 = arith.constant 13 : i32
      %add3A_584 = vector.broadcast %add3A_583 : i32 to vector<16xi32>
      %add3A_585 = arith.addi %mul3A_139, %add3A_584 : vector<16xi32>
      %gather3A_586 = tpu.vector_load_idx %arg8[%add3A_585] : memref<14400xf32, #tpu.memory_space<vmem>>[vector<16xi32>], vector<16xf32>,
      %add3A_587 = arith.constant 14 : i32
      %add3A_588 = vector.broadcast %add3A_587 : i32 to vector<16xi32>
      %add3A_589 = arith.addi %mul3A_139, %add3A_588 : vector<16xi32>
      %gather3A_590 = tpu.vector_load_idx %arg8[%add3A_589] : memref<14400xf32, #tpu.memory_space<vmem>>[vector<16xi32>], vector<16xf32>,
      %add3A_591 = arith.constant 15 : i32
      %add3A_592 = vector.broadcast %add3A_591 : i32 to vector<16xi32>
      %add3A_593 = arith.addi %mul3A_139, %add3A_592 : vector<16xi32>
      %gather3A_594 = tpu.vector_load_idx %arg8[%add3A_593] : memref<14400xf32, #tpu.memory_space<vmem>>[vector<16xi32>], vector<16xf32>,
      %swap3A_595 = arith.constant 48 : i32
      %swap3A_596 = arith.index_cast %swap3A_595 : i32 to index
      %swap3A_597 = arith.index_cast %mul3A_50 : i32 to index
      %swap3A_598 = tpu.vector_load %arg14[%swap3A_596, %swap3A_597] {strides = array<i32>} : memref<108x384xf32, #tpu.memory_space<vmem>>, vector<16xf32>,
      tpu.vector_store %arg14[%swap3A_596, %swap3A_597], %gather3A_534 {strides = array<i32>} : memref<108x384xf32, #tpu.memory_space<vmem>>, vector<16xf32>,
      %swap3A_599 = arith.constant 49 : i32
      %swap3A_600 = arith.index_cast %swap3A_599 : i32 to index
      %swap3A_601 = arith.index_cast %mul3A_50 : i32 to index
      %swap3A_602 = tpu.vector_load %arg14[%swap3A_600, %swap3A_601] {strides = array<i32>} : memref<108x384xf32, #tpu.memory_space<vmem>>, vector<16xf32>,
      tpu.vector_store %arg14[%swap3A_600, %swap3A_601], %gather3A_538 {strides = array<i32>} : memref<108x384xf32, #tpu.memory_space<vmem>>, vector<16xf32>,
      %swap3A_603 = arith.constant 50 : i32
      %swap3A_604 = arith.index_cast %swap3A_603 : i32 to index
      %swap3A_605 = arith.index_cast %mul3A_50 : i32 to index
      %swap3A_606 = tpu.vector_load %arg14[%swap3A_604, %swap3A_605] {strides = array<i32>} : memref<108x384xf32, #tpu.memory_space<vmem>>, vector<16xf32>,
      tpu.vector_store %arg14[%swap3A_604, %swap3A_605], %gather3A_542 {strides = array<i32>} : memref<108x384xf32, #tpu.memory_space<vmem>>, vector<16xf32>,
      %swap3A_607 = arith.constant 51 : i32
      %swap3A_608 = arith.index_cast %swap3A_607 : i32 to index
      %swap3A_609 = arith.index_cast %mul3A_50 : i32 to index
      %swap3A_610 = tpu.vector_load %arg14[%swap3A_608, %swap3A_609] {strides = array<i32>} : memref<108x384xf32, #tpu.memory_space<vmem>>, vector<16xf32>,
      tpu.vector_store %arg14[%swap3A_608, %swap3A_609], %gather3A_546 {strides = array<i32>} : memref<108x384xf32, #tpu.memory_space<vmem>>, vector<16xf32>,
      %swap3A_611 = arith.constant 52 : i32
      %swap3A_612 = arith.index_cast %swap3A_611 : i32 to index
      %swap3A_613 = arith.index_cast %mul3A_50 : i32 to index
      %swap3A_614 = tpu.vector_load %arg14[%swap3A_612, %swap3A_613] {strides = array<i32>} : memref<108x384xf32, #tpu.memory_space<vmem>>, vector<16xf32>,
      tpu.vector_store %arg14[%swap3A_612, %swap3A_613], %gather3A_550 {strides = array<i32>} : memref<108x384xf32, #tpu.memory_space<vmem>>, vector<16xf32>,
      %swap3A_615 = arith.constant 53 : i32
      %swap3A_616 = arith.index_cast %swap3A_615 : i32 to index
      %swap3A_617 = arith.index_cast %mul3A_50 : i32 to index
      %swap3A_618 = tpu.vector_load %arg14[%swap3A_616, %swap3A_617] {strides = array<i32>} : memref<108x384xf32, #tpu.memory_space<vmem>>, vector<16xf32>,
      tpu.vector_store %arg14[%swap3A_616, %swap3A_617], %gather3A_554 {strides = array<i32>} : memref<108x384xf32, #tpu.memory_space<vmem>>, vector<16xf32>,
      %swap3A_619 = arith.constant 54 : i32
      %swap3A_620 = arith.index_cast %swap3A_619 : i32 to index
      %swap3A_621 = arith.index_cast %mul3A_50 : i32 to index
      %swap3A_622 = tpu.vector_load %arg14[%swap3A_620, %swap3A_621] {strides = array<i32>} : memref<108x384xf32, #tpu.memory_space<vmem>>, vector<16xf32>,
      tpu.vector_store %arg14[%swap3A_620, %swap3A_621], %gather3A_558 {strides = array<i32>} : memref<108x384xf32, #tpu.memory_space<vmem>>, vector<16xf32>,
      %swap3A_623 = arith.constant 55 : i32
      %swap3A_624 = arith.index_cast %swap3A_623 : i32 to index
      %swap3A_625 = arith.index_cast %mul3A_50 : i32 to index
      %swap3A_626 = tpu.vector_load %arg14[%swap3A_624, %swap3A_625] {strides = array<i32>} : memref<108x384xf32, #tpu.memory_space<vmem>>, vector<16xf32>,
      tpu.vector_store %arg14[%swap3A_624, %swap3A_625], %gather3A_562 {strides = array<i32>} : memref<108x384xf32, #tpu.memory_space<vmem>>, vector<16xf32>,
      %swap3A_627 = arith.constant 56 : i32
      %swap3A_628 = arith.index_cast %swap3A_627 : i32 to index
      %swap3A_629 = arith.index_cast %mul3A_50 : i32 to index
      %swap3A_630 = tpu.vector_load %arg14[%swap3A_628, %swap3A_629] {strides = array<i32>} : memref<108x384xf32, #tpu.memory_space<vmem>>, vector<16xf32>,
      tpu.vector_store %arg14[%swap3A_628, %swap3A_629], %gather3A_566 {strides = array<i32>} : memref<108x384xf32, #tpu.memory_space<vmem>>, vector<16xf32>,
      %swap3A_631 = arith.constant 57 : i32
      %swap3A_632 = arith.index_cast %swap3A_631 : i32 to index
      %swap3A_633 = arith.index_cast %mul3A_50 : i32 to index
      %swap3A_634 = tpu.vector_load %arg14[%swap3A_632, %swap3A_633] {strides = array<i32>} : memref<108x384xf32, #tpu.memory_space<vmem>>, vector<16xf32>,
      tpu.vector_store %arg14[%swap3A_632, %swap3A_633], %gather3A_570 {strides = array<i32>} : memref<108x384xf32, #tpu.memory_space<vmem>>, vector<16xf32>,
      %swap3A_635 = arith.constant 58 : i32
      %swap3A_636 = arith.index_cast %swap3A_635 : i32 to index
      %swap3A_637 = arith.index_cast %mul3A_50 : i32 to index
      %swap3A_638 = tpu.vector_load %arg14[%swap3A_636, %swap3A_637] {strides = array<i32>} : memref<108x384xf32, #tpu.memory_space<vmem>>, vector<16xf32>,
      tpu.vector_store %arg14[%swap3A_636, %swap3A_637], %gather3A_574 {strides = array<i32>} : memref<108x384xf32, #tpu.memory_space<vmem>>, vector<16xf32>,
      %swap3A_639 = arith.constant 59 : i32
      %swap3A_640 = arith.index_cast %swap3A_639 : i32 to index
      %swap3A_641 = arith.index_cast %mul3A_50 : i32 to index
      %swap3A_642 = tpu.vector_load %arg14[%swap3A_640, %swap3A_641] {strides = array<i32>} : memref<108x384xf32, #tpu.memory_space<vmem>>, vector<16xf32>,
      tpu.vector_store %arg14[%swap3A_640, %swap3A_641], %gather3A_578 {strides = array<i32>} : memref<108x384xf32, #tpu.memory_space<vmem>>, vector<16xf32>,
      %swap3A_643 = arith.constant 60 : i32
      %swap3A_644 = arith.index_cast %swap3A_643 : i32 to index
      %swap3A_645 = arith.index_cast %mul3A_50 : i32 to index
      %swap3A_646 = tpu.vector_load %arg14[%swap3A_644, %swap3A_645] {strides = array<i32>} : memref<108x384xf32, #tpu.memory_space<vmem>>, vector<16xf32>,
      tpu.vector_store %arg14[%swap3A_644, %swap3A_645], %gather3A_582 {strides = array<i32>} : memref<108x384xf32, #tpu.memory_space<vmem>>, vector<16xf32>,
      %swap3A_647 = arith.constant 61 : i32
      %swap3A_648 = arith.index_cast %swap3A_647 : i32 to index
      %swap3A_649 = arith.index_cast %mul3A_50 : i32 to index
      %swap3A_650 = tpu.vector_load %arg14[%swap3A_648, %swap3A_649] {strides = array<i32>} : memref<108x384xf32, #tpu.memory_space<vmem>>, vector<16xf32>,
      tpu.vector_store %arg14[%swap3A_648, %swap3A_649], %gather3A_586 {strides = array<i32>} : memref<108x384xf32, #tpu.memory_space<vmem>>, vector<16xf32>,
      %swap3A_651 = arith.constant 62 : i32
      %swap3A_652 = arith.index_cast %swap3A_651 : i32 to index
      %swap3A_653 = arith.index_cast %mul3A_50 : i32 to index
      %swap3A_654 = tpu.vector_load %arg14[%swap3A_652, %swap3A_653] {strides = array<i32>} : memref<108x384xf32, #tpu.memory_space<vmem>>, vector<16xf32>,
      tpu.vector_store %arg14[%swap3A_652, %swap3A_653], %gather3A_590 {strides = array<i32>} : memref<108x384xf32, #tpu.memory_space<vmem>>, vector<16xf32>,
      %swap3A_655 = arith.constant 63 : i32
      %swap3A_656 = arith.index_cast %swap3A_655 : i32 to index
      %swap3A_657 = arith.index_cast %mul3A_50 : i32 to index
      %swap3A_658 = tpu.vector_load %arg14[%swap3A_656, %swap3A_657] {strides = array<i32>} : memref<108x384xf32, #tpu.memory_space<vmem>>, vector<16xf32>,
      tpu.vector_store %arg14[%swap3A_656, %swap3A_657], %gather3A_594 {strides = array<i32>} : memref<108x384xf32, #tpu.memory_space<vmem>>, vector<16xf32>,
      %add3A_659 = arith.constant 16 : i32
      %add3A_660 = vector.broadcast %add3A_659 : i32 to vector<16xi32>
      %add3A_661 = arith.addi %mul3A_139, %add3A_660 : vector<16xi32>
      %gather3A_662 = tpu.vector_load_idx %arg8[%add3A_661] : memref<14400xf32, #tpu.memory_space<vmem>>[vector<16xi32>], vector<16xf32>,
      %add3A_663 = arith.constant 17 : i32
      %add3A_664 = vector.broadcast %add3A_663 : i32 to vector<16xi32>
      %add3A_665 = arith.addi %mul3A_139, %add3A_664 : vector<16xi32>
      %gather3A_666 = tpu.vector_load_idx %arg8[%add3A_665] : memref<14400xf32, #tpu.memory_space<vmem>>[vector<16xi32>], vector<16xf32>,
      %add3A_667 = arith.constant 18 : i32
      %add3A_668 = vector.broadcast %add3A_667 : i32 to vector<16xi32>
      %add3A_669 = arith.addi %mul3A_139, %add3A_668 : vector<16xi32>
      %gather3A_670 = tpu.vector_load_idx %arg8[%add3A_669] : memref<14400xf32, #tpu.memory_space<vmem>>[vector<16xi32>], vector<16xf32>,
      %add3A_671 = arith.constant 19 : i32
      %add3A_672 = vector.broadcast %add3A_671 : i32 to vector<16xi32>
      %add3A_673 = arith.addi %mul3A_139, %add3A_672 : vector<16xi32>
      %gather3A_674 = tpu.vector_load_idx %arg8[%add3A_673] : memref<14400xf32, #tpu.memory_space<vmem>>[vector<16xi32>], vector<16xf32>,
      %add3A_675 = arith.constant 20 : i32
      %add3A_676 = vector.broadcast %add3A_675 : i32 to vector<16xi32>
      %add3A_677 = arith.addi %mul3A_139, %add3A_676 : vector<16xi32>
      %gather3A_678 = tpu.vector_load_idx %arg8[%add3A_677] : memref<14400xf32, #tpu.memory_space<vmem>>[vector<16xi32>], vector<16xf32>,
      %add3A_679 = arith.constant 21 : i32
      %add3A_680 = vector.broadcast %add3A_679 : i32 to vector<16xi32>
      %add3A_681 = arith.addi %mul3A_139, %add3A_680 : vector<16xi32>
      %gather3A_682 = tpu.vector_load_idx %arg8[%add3A_681] : memref<14400xf32, #tpu.memory_space<vmem>>[vector<16xi32>], vector<16xf32>,
      %add3A_683 = arith.constant 22 : i32
      %add3A_684 = vector.broadcast %add3A_683 : i32 to vector<16xi32>
      %add3A_685 = arith.addi %mul3A_139, %add3A_684 : vector<16xi32>
      %gather3A_686 = tpu.vector_load_idx %arg8[%add3A_685] : memref<14400xf32, #tpu.memory_space<vmem>>[vector<16xi32>], vector<16xf32>,
      %add3A_687 = arith.constant 23 : i32
      %add3A_688 = vector.broadcast %add3A_687 : i32 to vector<16xi32>
      %add3A_689 = arith.addi %mul3A_139, %add3A_688 : vector<16xi32>
      %gather3A_690 = tpu.vector_load_idx %arg8[%add3A_689] : memref<14400xf32, #tpu.memory_space<vmem>>[vector<16xi32>], vector<16xf32>,
      %add3A_691 = arith.constant 0 : i32
      %add3A_692 = vector.broadcast %add3A_691 : i32 to vector<16xi32>
      %add3A_693 = arith.addi %mul3A_142, %add3A_692 : vector<16xi32>
      %gather3A_694 = tpu.vector_load_idx %arg9[%add3A_693] : memref<2400xf32, #tpu.memory_space<vmem>>[vector<16xi32>], vector<16xf32>,
      %add3A_695 = arith.constant 1 : i32
      %add3A_696 = vector.broadcast %add3A_695 : i32 to vector<16xi32>
      %add3A_697 = arith.addi %mul3A_142, %add3A_696 : vector<16xi32>
      %gather3A_698 = tpu.vector_load_idx %arg9[%add3A_697] : memref<2400xf32, #tpu.memory_space<vmem>>[vector<16xi32>], vector<16xf32>,
      %add3A_699 = arith.constant 2 : i32
      %add3A_700 = vector.broadcast %add3A_699 : i32 to vector<16xi32>
      %add3A_701 = arith.addi %mul3A_142, %add3A_700 : vector<16xi32>
      %gather3A_702 = tpu.vector_load_idx %arg9[%add3A_701] : memref<2400xf32, #tpu.memory_space<vmem>>[vector<16xi32>], vector<16xf32>,
      %add3A_703 = arith.constant 3 : i32
      %add3A_704 = vector.broadcast %add3A_703 : i32 to vector<16xi32>
      %add3A_705 = arith.addi %mul3A_142, %add3A_704 : vector<16xi32>
      %gather3A_706 = tpu.vector_load_idx %arg9[%add3A_705] : memref<2400xf32, #tpu.memory_space<vmem>>[vector<16xi32>], vector<16xf32>,
      %add3A_707 = arith.constant 4 : i32
      %add3A_708 = vector.broadcast %add3A_707 : i32 to vector<16xi32>
      %add3A_709 = arith.addi %mul3A_142, %add3A_708 : vector<16xi32>
      %gather3A_710 = tpu.vector_load_idx %arg9[%add3A_709] : memref<2400xf32, #tpu.memory_space<vmem>>[vector<16xi32>], vector<16xf32>,
      %add3A_711 = arith.constant 5 : i32
      %add3A_712 = vector.broadcast %add3A_711 : i32 to vector<16xi32>
      %add3A_713 = arith.addi %mul3A_142, %add3A_712 : vector<16xi32>
      %gather3A_714 = tpu.vector_load_idx %arg9[%add3A_713] : memref<2400xf32, #tpu.memory_space<vmem>>[vector<16xi32>], vector<16xf32>,
      %add3A_715 = arith.constant 6 : i32
      %add3A_716 = vector.broadcast %add3A_715 : i32 to vector<16xi32>
      %add3A_717 = arith.addi %mul3A_142, %add3A_716 : vector<16xi32>
      %gather3A_718 = tpu.vector_load_idx %arg9[%add3A_717] : memref<2400xf32, #tpu.memory_space<vmem>>[vector<16xi32>], vector<16xf32>,
      %add3A_719 = arith.constant 7 : i32
      %add3A_720 = vector.broadcast %add3A_719 : i32 to vector<16xi32>
      %add3A_721 = arith.addi %mul3A_142, %add3A_720 : vector<16xi32>
      %gather3A_722 = tpu.vector_load_idx %arg9[%add3A_721] : memref<2400xf32, #tpu.memory_space<vmem>>[vector<16xi32>], vector<16xf32>,
      %swap3A_723 = arith.constant 64 : i32
      %swap3A_724 = arith.index_cast %swap3A_723 : i32 to index
      %swap3A_725 = arith.index_cast %mul3A_50 : i32 to index
      %swap3A_726 = tpu.vector_load %arg14[%swap3A_724, %swap3A_725] {strides = array<i32>} : memref<108x384xf32, #tpu.memory_space<vmem>>, vector<16xf32>,
      tpu.vector_store %arg14[%swap3A_724, %swap3A_725], %gather3A_662 {strides = array<i32>} : memref<108x384xf32, #tpu.memory_space<vmem>>, vector<16xf32>,
      %swap3A_727 = arith.constant 65 : i32
      %swap3A_728 = arith.index_cast %swap3A_727 : i32 to index
      %swap3A_729 = arith.index_cast %mul3A_50 : i32 to index
      %swap3A_730 = tpu.vector_load %arg14[%swap3A_728, %swap3A_729] {strides = array<i32>} : memref<108x384xf32, #tpu.memory_space<vmem>>, vector<16xf32>,
      tpu.vector_store %arg14[%swap3A_728, %swap3A_729], %gather3A_666 {strides = array<i32>} : memref<108x384xf32, #tpu.memory_space<vmem>>, vector<16xf32>,
      %swap3A_731 = arith.constant 66 : i32
      %swap3A_732 = arith.index_cast %swap3A_731 : i32 to index
      %swap3A_733 = arith.index_cast %mul3A_50 : i32 to index
      %swap3A_734 = tpu.vector_load %arg14[%swap3A_732, %swap3A_733] {strides = array<i32>} : memref<108x384xf32, #tpu.memory_space<vmem>>, vector<16xf32>,
      tpu.vector_store %arg14[%swap3A_732, %swap3A_733], %gather3A_670 {strides = array<i32>} : memref<108x384xf32, #tpu.memory_space<vmem>>, vector<16xf32>,
      %swap3A_735 = arith.constant 67 : i32
      %swap3A_736 = arith.index_cast %swap3A_735 : i32 to index
      %swap3A_737 = arith.index_cast %mul3A_50 : i32 to index
      %swap3A_738 = tpu.vector_load %arg14[%swap3A_736, %swap3A_737] {strides = array<i32>} : memref<108x384xf32, #tpu.memory_space<vmem>>, vector<16xf32>,
      tpu.vector_store %arg14[%swap3A_736, %swap3A_737], %gather3A_674 {strides = array<i32>} : memref<108x384xf32, #tpu.memory_space<vmem>>, vector<16xf32>,
      %swap3A_739 = arith.constant 68 : i32
      %swap3A_740 = arith.index_cast %swap3A_739 : i32 to index
      %swap3A_741 = arith.index_cast %mul3A_50 : i32 to index
      %swap3A_742 = tpu.vector_load %arg14[%swap3A_740, %swap3A_741] {strides = array<i32>} : memref<108x384xf32, #tpu.memory_space<vmem>>, vector<16xf32>,
      tpu.vector_store %arg14[%swap3A_740, %swap3A_741], %gather3A_678 {strides = array<i32>} : memref<108x384xf32, #tpu.memory_space<vmem>>, vector<16xf32>,
      %swap3A_743 = arith.constant 69 : i32
      %swap3A_744 = arith.index_cast %swap3A_743 : i32 to index
      %swap3A_745 = arith.index_cast %mul3A_50 : i32 to index
      %swap3A_746 = tpu.vector_load %arg14[%swap3A_744, %swap3A_745] {strides = array<i32>} : memref<108x384xf32, #tpu.memory_space<vmem>>, vector<16xf32>,
      tpu.vector_store %arg14[%swap3A_744, %swap3A_745], %gather3A_682 {strides = array<i32>} : memref<108x384xf32, #tpu.memory_space<vmem>>, vector<16xf32>,
      %swap3A_747 = arith.constant 70 : i32
      %swap3A_748 = arith.index_cast %swap3A_747 : i32 to index
      %swap3A_749 = arith.index_cast %mul3A_50 : i32 to index
      %swap3A_750 = tpu.vector_load %arg14[%swap3A_748, %swap3A_749] {strides = array<i32>} : memref<108x384xf32, #tpu.memory_space<vmem>>, vector<16xf32>,
      tpu.vector_store %arg14[%swap3A_748, %swap3A_749], %gather3A_686 {strides = array<i32>} : memref<108x384xf32, #tpu.memory_space<vmem>>, vector<16xf32>,
      %swap3A_751 = arith.constant 71 : i32
      %swap3A_752 = arith.index_cast %swap3A_751 : i32 to index
      %swap3A_753 = arith.index_cast %mul3A_50 : i32 to index
      %swap3A_754 = tpu.vector_load %arg14[%swap3A_752, %swap3A_753] {strides = array<i32>} : memref<108x384xf32, #tpu.memory_space<vmem>>, vector<16xf32>,
      tpu.vector_store %arg14[%swap3A_752, %swap3A_753], %gather3A_690 {strides = array<i32>} : memref<108x384xf32, #tpu.memory_space<vmem>>, vector<16xf32>,
      %swap3A_755 = arith.constant 72 : i32
      %swap3A_756 = arith.index_cast %swap3A_755 : i32 to index
      %swap3A_757 = arith.index_cast %mul3A_50 : i32 to index
      %swap3A_758 = tpu.vector_load %arg14[%swap3A_756, %swap3A_757] {strides = array<i32>} : memref<108x384xf32, #tpu.memory_space<vmem>>, vector<16xf32>,
      tpu.vector_store %arg14[%swap3A_756, %swap3A_757], %gather3A_694 {strides = array<i32>} : memref<108x384xf32, #tpu.memory_space<vmem>>, vector<16xf32>,
      %swap3A_759 = arith.constant 73 : i32
      %swap3A_760 = arith.index_cast %swap3A_759 : i32 to index
      %swap3A_761 = arith.index_cast %mul3A_50 : i32 to index
      %swap3A_762 = tpu.vector_load %arg14[%swap3A_760, %swap3A_761] {strides = array<i32>} : memref<108x384xf32, #tpu.memory_space<vmem>>, vector<16xf32>,
      tpu.vector_store %arg14[%swap3A_760, %swap3A_761], %gather3A_698 {strides = array<i32>} : memref<108x384xf32, #tpu.memory_space<vmem>>, vector<16xf32>,
      %swap3A_763 = arith.constant 74 : i32
      %swap3A_764 = arith.index_cast %swap3A_763 : i32 to index
      %swap3A_765 = arith.index_cast %mul3A_50 : i32 to index
      %swap3A_766 = tpu.vector_load %arg14[%swap3A_764, %swap3A_765] {strides = array<i32>} : memref<108x384xf32, #tpu.memory_space<vmem>>, vector<16xf32>,
      tpu.vector_store %arg14[%swap3A_764, %swap3A_765], %gather3A_702 {strides = array<i32>} : memref<108x384xf32, #tpu.memory_space<vmem>>, vector<16xf32>,
      %swap3A_767 = arith.constant 75 : i32
      %swap3A_768 = arith.index_cast %swap3A_767 : i32 to index
      %swap3A_769 = arith.index_cast %mul3A_50 : i32 to index
      %swap3A_770 = tpu.vector_load %arg14[%swap3A_768, %swap3A_769] {strides = array<i32>} : memref<108x384xf32, #tpu.memory_space<vmem>>, vector<16xf32>,
      tpu.vector_store %arg14[%swap3A_768, %swap3A_769], %gather3A_706 {strides = array<i32>} : memref<108x384xf32, #tpu.memory_space<vmem>>, vector<16xf32>,
      %swap3A_771 = arith.constant 76 : i32
      %swap3A_772 = arith.index_cast %swap3A_771 : i32 to index
      %swap3A_773 = arith.index_cast %mul3A_50 : i32 to index
      %swap3A_774 = tpu.vector_load %arg14[%swap3A_772, %swap3A_773] {strides = array<i32>} : memref<108x384xf32, #tpu.memory_space<vmem>>, vector<16xf32>,
      tpu.vector_store %arg14[%swap3A_772, %swap3A_773], %gather3A_710 {strides = array<i32>} : memref<108x384xf32, #tpu.memory_space<vmem>>, vector<16xf32>,
      %swap3A_775 = arith.constant 77 : i32
      %swap3A_776 = arith.index_cast %swap3A_775 : i32 to index
      %swap3A_777 = arith.index_cast %mul3A_50 : i32 to index
      %swap3A_778 = tpu.vector_load %arg14[%swap3A_776, %swap3A_777] {strides = array<i32>} : memref<108x384xf32, #tpu.memory_space<vmem>>, vector<16xf32>,
      tpu.vector_store %arg14[%swap3A_776, %swap3A_777], %gather3A_714 {strides = array<i32>} : memref<108x384xf32, #tpu.memory_space<vmem>>, vector<16xf32>,
      %swap3A_779 = arith.constant 78 : i32
      %swap3A_780 = arith.index_cast %swap3A_779 : i32 to index
      %swap3A_781 = arith.index_cast %mul3A_50 : i32 to index
      %swap3A_782 = tpu.vector_load %arg14[%swap3A_780, %swap3A_781] {strides = array<i32>} : memref<108x384xf32, #tpu.memory_space<vmem>>, vector<16xf32>,
      tpu.vector_store %arg14[%swap3A_780, %swap3A_781], %gather3A_718 {strides = array<i32>} : memref<108x384xf32, #tpu.memory_space<vmem>>, vector<16xf32>,
      %swap3A_783 = arith.constant 79 : i32
      %swap3A_784 = arith.index_cast %swap3A_783 : i32 to index
      %swap3A_785 = arith.index_cast %mul3A_50 : i32 to index
      %swap3A_786 = tpu.vector_load %arg14[%swap3A_784, %swap3A_785] {strides = array<i32>} : memref<108x384xf32, #tpu.memory_space<vmem>>, vector<16xf32>,
      tpu.vector_store %arg14[%swap3A_784, %swap3A_785], %gather3A_722 {strides = array<i32>} : memref<108x384xf32, #tpu.memory_space<vmem>>, vector<16xf32>,
      %add3A_787 = arith.constant 8 : i32
      %add3A_788 = vector.broadcast %add3A_787 : i32 to vector<16xi32>
      %add3A_789 = arith.addi %mul3A_142, %add3A_788 : vector<16xi32>
      %gather3A_790 = tpu.vector_load_idx %arg9[%add3A_789] : memref<2400xf32, #tpu.memory_space<vmem>>[vector<16xi32>], vector<16xf32>,
      %add3A_791 = arith.constant 9 : i32
      %add3A_792 = vector.broadcast %add3A_791 : i32 to vector<16xi32>
      %add3A_793 = arith.addi %mul3A_142, %add3A_792 : vector<16xi32>
      %gather3A_794 = tpu.vector_load_idx %arg9[%add3A_793] : memref<2400xf32, #tpu.memory_space<vmem>>[vector<16xi32>], vector<16xf32>,
      %add3A_795 = arith.constant 10 : i32
      %add3A_796 = vector.broadcast %add3A_795 : i32 to vector<16xi32>
      %add3A_797 = arith.addi %mul3A_142, %add3A_796 : vector<16xi32>
      %gather3A_798 = tpu.vector_load_idx %arg9[%add3A_797] : memref<2400xf32, #tpu.memory_space<vmem>>[vector<16xi32>], vector<16xf32>,
      %add3A_799 = arith.constant 11 : i32
      %add3A_800 = vector.broadcast %add3A_799 : i32 to vector<16xi32>
      %add3A_801 = arith.addi %mul3A_142, %add3A_800 : vector<16xi32>
      %gather3A_802 = tpu.vector_load_idx %arg9[%add3A_801] : memref<2400xf32, #tpu.memory_space<vmem>>[vector<16xi32>], vector<16xf32>,
      %add3A_803 = arith.constant 12 : i32
      %add3A_804 = vector.broadcast %add3A_803 : i32 to vector<16xi32>
      %add3A_805 = arith.addi %mul3A_142, %add3A_804 : vector<16xi32>
      %gather3A_806 = tpu.vector_load_idx %arg9[%add3A_805] : memref<2400xf32, #tpu.memory_space<vmem>>[vector<16xi32>], vector<16xf32>,
      %add3A_807 = arith.constant 13 : i32
      %add3A_808 = vector.broadcast %add3A_807 : i32 to vector<16xi32>
      %add3A_809 = arith.addi %mul3A_142, %add3A_808 : vector<16xi32>
      %gather3A_810 = tpu.vector_load_idx %arg9[%add3A_809] : memref<2400xf32, #tpu.memory_space<vmem>>[vector<16xi32>], vector<16xf32>,
      %add3A_811 = arith.constant 14 : i32
      %add3A_812 = vector.broadcast %add3A_811 : i32 to vector<16xi32>
      %add3A_813 = arith.addi %mul3A_142, %add3A_812 : vector<16xi32>
      %gather3A_814 = tpu.vector_load_idx %arg9[%add3A_813] : memref<2400xf32, #tpu.memory_space<vmem>>[vector<16xi32>], vector<16xf32>,
      %add3A_815 = arith.constant 15 : i32
      %add3A_816 = vector.broadcast %add3A_815 : i32 to vector<16xi32>
      %add3A_817 = arith.addi %mul3A_142, %add3A_816 : vector<16xi32>
      %gather3A_818 = tpu.vector_load_idx %arg9[%add3A_817] : memref<2400xf32, #tpu.memory_space<vmem>>[vector<16xi32>], vector<16xf32>,
      %add3A_819 = arith.constant 16 : i32
      %add3A_820 = vector.broadcast %add3A_819 : i32 to vector<16xi32>
      %add3A_821 = arith.addi %mul3A_142, %add3A_820 : vector<16xi32>
      %gather3A_822 = tpu.vector_load_idx %arg9[%add3A_821] : memref<2400xf32, #tpu.memory_space<vmem>>[vector<16xi32>], vector<16xf32>,
      %add3A_823 = arith.constant 17 : i32
      %add3A_824 = vector.broadcast %add3A_823 : i32 to vector<16xi32>
      %add3A_825 = arith.addi %mul3A_142, %add3A_824 : vector<16xi32>
      %gather3A_826 = tpu.vector_load_idx %arg9[%add3A_825] : memref<2400xf32, #tpu.memory_space<vmem>>[vector<16xi32>], vector<16xf32>,
      %add3A_827 = arith.constant 18 : i32
      %add3A_828 = vector.broadcast %add3A_827 : i32 to vector<16xi32>
      %add3A_829 = arith.addi %mul3A_142, %add3A_828 : vector<16xi32>
      %gather3A_830 = tpu.vector_load_idx %arg9[%add3A_829] : memref<2400xf32, #tpu.memory_space<vmem>>[vector<16xi32>], vector<16xf32>,
      %add3A_831 = arith.constant 19 : i32
      %add3A_832 = vector.broadcast %add3A_831 : i32 to vector<16xi32>
      %add3A_833 = arith.addi %mul3A_142, %add3A_832 : vector<16xi32>
      %gather3A_834 = tpu.vector_load_idx %arg9[%add3A_833] : memref<2400xf32, #tpu.memory_space<vmem>>[vector<16xi32>], vector<16xf32>,
      %add3A_835 = arith.constant 20 : i32
      %add3A_836 = vector.broadcast %add3A_835 : i32 to vector<16xi32>
      %add3A_837 = arith.addi %mul3A_142, %add3A_836 : vector<16xi32>
      %gather3A_838 = tpu.vector_load_idx %arg9[%add3A_837] : memref<2400xf32, #tpu.memory_space<vmem>>[vector<16xi32>], vector<16xf32>,
      %add3A_839 = arith.constant 21 : i32
      %add3A_840 = vector.broadcast %add3A_839 : i32 to vector<16xi32>
      %add3A_841 = arith.addi %mul3A_142, %add3A_840 : vector<16xi32>
      %gather3A_842 = tpu.vector_load_idx %arg9[%add3A_841] : memref<2400xf32, #tpu.memory_space<vmem>>[vector<16xi32>], vector<16xf32>,
      %add3A_843 = arith.constant 22 : i32
      %add3A_844 = vector.broadcast %add3A_843 : i32 to vector<16xi32>
      %add3A_845 = arith.addi %mul3A_142, %add3A_844 : vector<16xi32>
      %gather3A_846 = tpu.vector_load_idx %arg9[%add3A_845] : memref<2400xf32, #tpu.memory_space<vmem>>[vector<16xi32>], vector<16xf32>,
      %add3A_847 = arith.constant 23 : i32
      %add3A_848 = vector.broadcast %add3A_847 : i32 to vector<16xi32>
      %add3A_849 = arith.addi %mul3A_142, %add3A_848 : vector<16xi32>
      %gather3A_850 = tpu.vector_load_idx %arg9[%add3A_849] : memref<2400xf32, #tpu.memory_space<vmem>>[vector<16xi32>], vector<16xf32>,
      %swap3A_851 = arith.constant 80 : i32
      %swap3A_852 = arith.index_cast %swap3A_851 : i32 to index
      %swap3A_853 = arith.index_cast %mul3A_50 : i32 to index
      %swap3A_854 = tpu.vector_load %arg14[%swap3A_852, %swap3A_853] {strides = array<i32>} : memref<108x384xf32, #tpu.memory_space<vmem>>, vector<16xf32>,
      tpu.vector_store %arg14[%swap3A_852, %swap3A_853], %gather3A_790 {strides = array<i32>} : memref<108x384xf32, #tpu.memory_space<vmem>>, vector<16xf32>,
      %swap3A_855 = arith.constant 81 : i32
      %swap3A_856 = arith.index_cast %swap3A_855 : i32 to index
      %swap3A_857 = arith.index_cast %mul3A_50 : i32 to index
      %swap3A_858 = tpu.vector_load %arg14[%swap3A_856, %swap3A_857] {strides = array<i32>} : memref<108x384xf32, #tpu.memory_space<vmem>>, vector<16xf32>,
      tpu.vector_store %arg14[%swap3A_856, %swap3A_857], %gather3A_794 {strides = array<i32>} : memref<108x384xf32, #tpu.memory_space<vmem>>, vector<16xf32>,
      %swap3A_859 = arith.constant 82 : i32
      %swap3A_860 = arith.index_cast %swap3A_859 : i32 to index
      %swap3A_861 = arith.index_cast %mul3A_50 : i32 to index
      %swap3A_862 = tpu.vector_load %arg14[%swap3A_860, %swap3A_861] {strides = array<i32>} : memref<108x384xf32, #tpu.memory_space<vmem>>, vector<16xf32>,
      tpu.vector_store %arg14[%swap3A_860, %swap3A_861], %gather3A_798 {strides = array<i32>} : memref<108x384xf32, #tpu.memory_space<vmem>>, vector<16xf32>,
      %swap3A_863 = arith.constant 83 : i32
      %swap3A_864 = arith.index_cast %swap3A_863 : i32 to index
      %swap3A_865 = arith.index_cast %mul3A_50 : i32 to index
      %swap3A_866 = tpu.vector_load %arg14[%swap3A_864, %swap3A_865] {strides = array<i32>} : memref<108x384xf32, #tpu.memory_space<vmem>>, vector<16xf32>,
      tpu.vector_store %arg14[%swap3A_864, %swap3A_865], %gather3A_802 {strides = array<i32>} : memref<108x384xf32, #tpu.memory_space<vmem>>, vector<16xf32>,
      %swap3A_867 = arith.constant 84 : i32
      %swap3A_868 = arith.index_cast %swap3A_867 : i32 to index
      %swap3A_869 = arith.index_cast %mul3A_50 : i32 to index
      %swap3A_870 = tpu.vector_load %arg14[%swap3A_868, %swap3A_869] {strides = array<i32>} : memref<108x384xf32, #tpu.memory_space<vmem>>, vector<16xf32>,
      tpu.vector_store %arg14[%swap3A_868, %swap3A_869], %gather3A_806 {strides = array<i32>} : memref<108x384xf32, #tpu.memory_space<vmem>>, vector<16xf32>,
      %swap3A_871 = arith.constant 85 : i32
      %swap3A_872 = arith.index_cast %swap3A_871 : i32 to index
      %swap3A_873 = arith.index_cast %mul3A_50 : i32 to index
      %swap3A_874 = tpu.vector_load %arg14[%swap3A_872, %swap3A_873] {strides = array<i32>} : memref<108x384xf32, #tpu.memory_space<vmem>>, vector<16xf32>,
      tpu.vector_store %arg14[%swap3A_872, %swap3A_873], %gather3A_810 {strides = array<i32>} : memref<108x384xf32, #tpu.memory_space<vmem>>, vector<16xf32>,
      %swap3A_875 = arith.constant 86 : i32
      %swap3A_876 = arith.index_cast %swap3A_875 : i32 to index
      %swap3A_877 = arith.index_cast %mul3A_50 : i32 to index
      %swap3A_878 = tpu.vector_load %arg14[%swap3A_876, %swap3A_877] {strides = array<i32>} : memref<108x384xf32, #tpu.memory_space<vmem>>, vector<16xf32>,
      tpu.vector_store %arg14[%swap3A_876, %swap3A_877], %gather3A_814 {strides = array<i32>} : memref<108x384xf32, #tpu.memory_space<vmem>>, vector<16xf32>,
      %swap3A_879 = arith.constant 87 : i32
      %swap3A_880 = arith.index_cast %swap3A_879 : i32 to index
      %swap3A_881 = arith.index_cast %mul3A_50 : i32 to index
      %swap3A_882 = tpu.vector_load %arg14[%swap3A_880, %swap3A_881] {strides = array<i32>} : memref<108x384xf32, #tpu.memory_space<vmem>>, vector<16xf32>,
      tpu.vector_store %arg14[%swap3A_880, %swap3A_881], %gather3A_818 {strides = array<i32>} : memref<108x384xf32, #tpu.memory_space<vmem>>, vector<16xf32>,
      %swap3A_883 = arith.constant 88 : i32
      %swap3A_884 = arith.index_cast %swap3A_883 : i32 to index
      %swap3A_885 = arith.index_cast %mul3A_50 : i32 to index
      %swap3A_886 = tpu.vector_load %arg14[%swap3A_884, %swap3A_885] {strides = array<i32>} : memref<108x384xf32, #tpu.memory_space<vmem>>, vector<16xf32>,
      tpu.vector_store %arg14[%swap3A_884, %swap3A_885], %gather3A_822 {strides = array<i32>} : memref<108x384xf32, #tpu.memory_space<vmem>>, vector<16xf32>,
      %swap3A_887 = arith.constant 89 : i32
      %swap3A_888 = arith.index_cast %swap3A_887 : i32 to index
      %swap3A_889 = arith.index_cast %mul3A_50 : i32 to index
      %swap3A_890 = tpu.vector_load %arg14[%swap3A_888, %swap3A_889] {strides = array<i32>} : memref<108x384xf32, #tpu.memory_space<vmem>>, vector<16xf32>,
      tpu.vector_store %arg14[%swap3A_888, %swap3A_889], %gather3A_826 {strides = array<i32>} : memref<108x384xf32, #tpu.memory_space<vmem>>, vector<16xf32>,
      %swap3A_891 = arith.constant 90 : i32
      %swap3A_892 = arith.index_cast %swap3A_891 : i32 to index
      %swap3A_893 = arith.index_cast %mul3A_50 : i32 to index
      %swap3A_894 = tpu.vector_load %arg14[%swap3A_892, %swap3A_893] {strides = array<i32>} : memref<108x384xf32, #tpu.memory_space<vmem>>, vector<16xf32>,
      tpu.vector_store %arg14[%swap3A_892, %swap3A_893], %gather3A_830 {strides = array<i32>} : memref<108x384xf32, #tpu.memory_space<vmem>>, vector<16xf32>,
      %swap3A_895 = arith.constant 91 : i32
      %swap3A_896 = arith.index_cast %swap3A_895 : i32 to index
      %swap3A_897 = arith.index_cast %mul3A_50 : i32 to index
      %swap3A_898 = tpu.vector_load %arg14[%swap3A_896, %swap3A_897] {strides = array<i32>} : memref<108x384xf32, #tpu.memory_space<vmem>>, vector<16xf32>,
      tpu.vector_store %arg14[%swap3A_896, %swap3A_897], %gather3A_834 {strides = array<i32>} : memref<108x384xf32, #tpu.memory_space<vmem>>, vector<16xf32>,
      %swap3A_899 = arith.constant 92 : i32
      %swap3A_900 = arith.index_cast %swap3A_899 : i32 to index
      %swap3A_901 = arith.index_cast %mul3A_50 : i32 to index
      %swap3A_902 = tpu.vector_load %arg14[%swap3A_900, %swap3A_901] {strides = array<i32>} : memref<108x384xf32, #tpu.memory_space<vmem>>, vector<16xf32>,
      tpu.vector_store %arg14[%swap3A_900, %swap3A_901], %gather3A_838 {strides = array<i32>} : memref<108x384xf32, #tpu.memory_space<vmem>>, vector<16xf32>,
      %swap3A_903 = arith.constant 93 : i32
      %swap3A_904 = arith.index_cast %swap3A_903 : i32 to index
      %swap3A_905 = arith.index_cast %mul3A_50 : i32 to index
      %swap3A_906 = tpu.vector_load %arg14[%swap3A_904, %swap3A_905] {strides = array<i32>} : memref<108x384xf32, #tpu.memory_space<vmem>>, vector<16xf32>,
      tpu.vector_store %arg14[%swap3A_904, %swap3A_905], %gather3A_842 {strides = array<i32>} : memref<108x384xf32, #tpu.memory_space<vmem>>, vector<16xf32>,
      %swap3A_907 = arith.constant 94 : i32
      %swap3A_908 = arith.index_cast %swap3A_907 : i32 to index
      %swap3A_909 = arith.index_cast %mul3A_50 : i32 to index
      %swap3A_910 = tpu.vector_load %arg14[%swap3A_908, %swap3A_909] {strides = array<i32>} : memref<108x384xf32, #tpu.memory_space<vmem>>, vector<16xf32>,
      tpu.vector_store %arg14[%swap3A_908, %swap3A_909], %gather3A_846 {strides = array<i32>} : memref<108x384xf32, #tpu.memory_space<vmem>>, vector<16xf32>,
      %swap3A_911 = arith.constant 95 : i32
      %swap3A_912 = arith.index_cast %swap3A_911 : i32 to index
      %swap3A_913 = arith.index_cast %mul3A_50 : i32 to index
      %swap3A_914 = tpu.vector_load %arg14[%swap3A_912, %swap3A_913] {strides = array<i32>} : memref<108x384xf32, #tpu.memory_space<vmem>>, vector<16xf32>,
      tpu.vector_store %arg14[%swap3A_912, %swap3A_913], %gather3A_850 {strides = array<i32>} : memref<108x384xf32, #tpu.memory_space<vmem>>, vector<16xf32>,
      %add3A_915 = arith.constant 0 : i32
      %add3A_916 = vector.broadcast %add3A_915 : i32 to vector<16xi32>
      %add3A_917 = arith.addi %mul3A_145, %add3A_916 : vector<16xi32>
      %gather3A_918 = tpu.vector_load_idx %arg10[%add3A_917] : memref<120xf32, #tpu.memory_space<vmem>>[vector<16xi32>], vector<16xf32>,
      %add3A_919 = arith.constant 1 : i32
      %add3A_920 = vector.broadcast %add3A_919 : i32 to vector<16xi32>
      %add3A_921 = arith.addi %mul3A_145, %add3A_920 : vector<16xi32>
      %gather3A_922 = tpu.vector_load_idx %arg10[%add3A_921] : memref<120xf32, #tpu.memory_space<vmem>>[vector<16xi32>], vector<16xf32>,
      %add3A_923 = arith.constant 2 : i32
      %add3A_924 = vector.broadcast %add3A_923 : i32 to vector<16xi32>
      %add3A_925 = arith.addi %mul3A_145, %add3A_924 : vector<16xi32>
      %gather3A_926 = tpu.vector_load_idx %arg10[%add3A_925] : memref<120xf32, #tpu.memory_space<vmem>>[vector<16xi32>], vector<16xf32>,
      %add3A_927 = arith.constant 3 : i32
      %add3A_928 = vector.broadcast %add3A_927 : i32 to vector<16xi32>
      %add3A_929 = arith.addi %mul3A_145, %add3A_928 : vector<16xi32>
      %gather3A_930 = tpu.vector_load_idx %arg10[%add3A_929] : memref<120xf32, #tpu.memory_space<vmem>>[vector<16xi32>], vector<16xf32>,
      %add3A_931 = arith.constant 4 : i32
      %add3A_932 = vector.broadcast %add3A_931 : i32 to vector<16xi32>
      %add3A_933 = arith.addi %mul3A_145, %add3A_932 : vector<16xi32>
      %gather3A_934 = tpu.vector_load_idx %arg10[%add3A_933] : memref<120xf32, #tpu.memory_space<vmem>>[vector<16xi32>], vector<16xf32>,
      %add3A_935 = arith.constant 5 : i32
      %add3A_936 = vector.broadcast %add3A_935 : i32 to vector<16xi32>
      %add3A_937 = arith.addi %mul3A_145, %add3A_936 : vector<16xi32>
      %gather3A_938 = tpu.vector_load_idx %arg10[%add3A_937] : memref<120xf32, #tpu.memory_space<vmem>>[vector<16xi32>], vector<16xf32>,
      %add3A_939 = arith.constant 0 : i32
      %add3A_940 = vector.broadcast %add3A_939 : i32 to vector<16xi32>
      %add3A_941 = arith.addi %mul3A_148, %add3A_940 : vector<16xi32>
      %gather3A_942 = tpu.vector_load_idx %arg11[%add3A_941] : memref<120xf32, #tpu.memory_space<vmem>>[vector<16xi32>], vector<16xf32>,
      %add3A_943 = arith.constant 1 : i32
      %add3A_944 = vector.broadcast %add3A_943 : i32 to vector<16xi32>
      %add3A_945 = arith.addi %mul3A_148, %add3A_944 : vector<16xi32>
      %gather3A_946 = tpu.vector_load_idx %arg11[%add3A_945] : memref<120xf32, #tpu.memory_space<vmem>>[vector<16xi32>], vector<16xf32>,
      %add3A_947 = arith.constant 2 : i32
      %add3A_948 = vector.broadcast %add3A_947 : i32 to vector<16xi32>
      %add3A_949 = arith.addi %mul3A_148, %add3A_948 : vector<16xi32>
      %gather3A_950 = tpu.vector_load_idx %arg11[%add3A_949] : memref<120xf32, #tpu.memory_space<vmem>>[vector<16xi32>], vector<16xf32>,
      %add3A_951 = arith.constant 3 : i32
      %add3A_952 = vector.broadcast %add3A_951 : i32 to vector<16xi32>
      %add3A_953 = arith.addi %mul3A_148, %add3A_952 : vector<16xi32>
      %gather3A_954 = tpu.vector_load_idx %arg11[%add3A_953] : memref<120xf32, #tpu.memory_space<vmem>>[vector<16xi32>], vector<16xf32>,
      %add3A_955 = arith.constant 4 : i32
      %add3A_956 = vector.broadcast %add3A_955 : i32 to vector<16xi32>
      %add3A_957 = arith.addi %mul3A_148, %add3A_956 : vector<16xi32>
      %gather3A_958 = tpu.vector_load_idx %arg11[%add3A_957] : memref<120xf32, #tpu.memory_space<vmem>>[vector<16xi32>], vector<16xf32>,
      %add3A_959 = arith.constant 5 : i32
      %add3A_960 = vector.broadcast %add3A_959 : i32 to vector<16xi32>
      %add3A_961 = arith.addi %mul3A_148, %add3A_960 : vector<16xi32>
      %gather3A_962 = tpu.vector_load_idx %arg11[%add3A_961] : memref<120xf32, #tpu.memory_space<vmem>>[vector<16xi32>], vector<16xf32>,
      %swap3A_963 = arith.constant 96 : i32
      %swap3A_964 = arith.index_cast %swap3A_963 : i32 to index
      %swap3A_965 = arith.index_cast %mul3A_50 : i32 to index
      %swap3A_966 = tpu.vector_load %arg14[%swap3A_964, %swap3A_965] {strides = array<i32>} : memref<108x384xf32, #tpu.memory_space<vmem>>, vector<16xf32>,
      tpu.vector_store %arg14[%swap3A_964, %swap3A_965], %gather3A_918 {strides = array<i32>} : memref<108x384xf32, #tpu.memory_space<vmem>>, vector<16xf32>,
      %swap3A_967 = arith.constant 97 : i32
      %swap3A_968 = arith.index_cast %swap3A_967 : i32 to index
      %swap3A_969 = arith.index_cast %mul3A_50 : i32 to index
      %swap3A_970 = tpu.vector_load %arg14[%swap3A_968, %swap3A_969] {strides = array<i32>} : memref<108x384xf32, #tpu.memory_space<vmem>>, vector<16xf32>,
      tpu.vector_store %arg14[%swap3A_968, %swap3A_969], %gather3A_922 {strides = array<i32>} : memref<108x384xf32, #tpu.memory_space<vmem>>, vector<16xf32>,
      %swap3A_971 = arith.constant 98 : i32
      %swap3A_972 = arith.index_cast %swap3A_971 : i32 to index
      %swap3A_973 = arith.index_cast %mul3A_50 : i32 to index
      %swap3A_974 = tpu.vector_load %arg14[%swap3A_972, %swap3A_973] {strides = array<i32>} : memref<108x384xf32, #tpu.memory_space<vmem>>, vector<16xf32>,
      tpu.vector_store %arg14[%swap3A_972, %swap3A_973], %gather3A_926 {strides = array<i32>} : memref<108x384xf32, #tpu.memory_space<vmem>>, vector<16xf32>,
      %swap3A_975 = arith.constant 99 : i32
      %swap3A_976 = arith.index_cast %swap3A_975 : i32 to index
      %swap3A_977 = arith.index_cast %mul3A_50 : i32 to index
      %swap3A_978 = tpu.vector_load %arg14[%swap3A_976, %swap3A_977] {strides = array<i32>} : memref<108x384xf32, #tpu.memory_space<vmem>>, vector<16xf32>,
      tpu.vector_store %arg14[%swap3A_976, %swap3A_977], %gather3A_930 {strides = array<i32>} : memref<108x384xf32, #tpu.memory_space<vmem>>, vector<16xf32>,
      %swap3A_979 = arith.constant 100 : i32
      %swap3A_980 = arith.index_cast %swap3A_979 : i32 to index
      %swap3A_981 = arith.index_cast %mul3A_50 : i32 to index
      %swap3A_982 = tpu.vector_load %arg14[%swap3A_980, %swap3A_981] {strides = array<i32>} : memref<108x384xf32, #tpu.memory_space<vmem>>, vector<16xf32>,
      tpu.vector_store %arg14[%swap3A_980, %swap3A_981], %gather3A_934 {strides = array<i32>} : memref<108x384xf32, #tpu.memory_space<vmem>>, vector<16xf32>,
      %swap3A_983 = arith.constant 101 : i32
      %swap3A_984 = arith.index_cast %swap3A_983 : i32 to index
      %swap3A_985 = arith.index_cast %mul3A_50 : i32 to index
      %swap3A_986 = tpu.vector_load %arg14[%swap3A_984, %swap3A_985] {strides = array<i32>} : memref<108x384xf32, #tpu.memory_space<vmem>>, vector<16xf32>,
      tpu.vector_store %arg14[%swap3A_984, %swap3A_985], %gather3A_938 {strides = array<i32>} : memref<108x384xf32, #tpu.memory_space<vmem>>, vector<16xf32>,
      %swap3A_987 = arith.constant 102 : i32
      %swap3A_988 = arith.index_cast %swap3A_987 : i32 to index
      %swap3A_989 = arith.index_cast %mul3A_50 : i32 to index
      %swap3A_990 = tpu.vector_load %arg14[%swap3A_988, %swap3A_989] {strides = array<i32>} : memref<108x384xf32, #tpu.memory_space<vmem>>, vector<16xf32>,
      tpu.vector_store %arg14[%swap3A_988, %swap3A_989], %gather3A_942 {strides = array<i32>} : memref<108x384xf32, #tpu.memory_space<vmem>>, vector<16xf32>,
      %swap3A_991 = arith.constant 103 : i32
      %swap3A_992 = arith.index_cast %swap3A_991 : i32 to index
      %swap3A_993 = arith.index_cast %mul3A_50 : i32 to index
      %swap3A_994 = tpu.vector_load %arg14[%swap3A_992, %swap3A_993] {strides = array<i32>} : memref<108x384xf32, #tpu.memory_space<vmem>>, vector<16xf32>,
      tpu.vector_store %arg14[%swap3A_992, %swap3A_993], %gather3A_946 {strides = array<i32>} : memref<108x384xf32, #tpu.memory_space<vmem>>, vector<16xf32>,
      %swap3A_995 = arith.constant 104 : i32
      %swap3A_996 = arith.index_cast %swap3A_995 : i32 to index
      %swap3A_997 = arith.index_cast %mul3A_50 : i32 to index
      %swap3A_998 = tpu.vector_load %arg14[%swap3A_996, %swap3A_997] {strides = array<i32>} : memref<108x384xf32, #tpu.memory_space<vmem>>, vector<16xf32>,
      tpu.vector_store %arg14[%swap3A_996, %swap3A_997], %gather3A_950 {strides = array<i32>} : memref<108x384xf32, #tpu.memory_space<vmem>>, vector<16xf32>,
      %swap3A_999 = arith.constant 105 : i32
      %swap3A_1000 = arith.index_cast %swap3A_999 : i32 to index
      %swap3A_1001 = arith.index_cast %mul3A_50 : i32 to index
      %swap3A_1002 = tpu.vector_load %arg14[%swap3A_1000, %swap3A_1001] {strides = array<i32>} : memref<108x384xf32, #tpu.memory_space<vmem>>, vector<16xf32>,
      tpu.vector_store %arg14[%swap3A_1000, %swap3A_1001], %gather3A_954 {strides = array<i32>} : memref<108x384xf32, #tpu.memory_space<vmem>>, vector<16xf32>,
      %swap3A_1003 = arith.constant 106 : i32
      %swap3A_1004 = arith.index_cast %swap3A_1003 : i32 to index
      %swap3A_1005 = arith.index_cast %mul3A_50 : i32 to index
      %swap3A_1006 = tpu.vector_load %arg14[%swap3A_1004, %swap3A_1005] {strides = array<i32>} : memref<108x384xf32, #tpu.memory_space<vmem>>, vector<16xf32>,
      tpu.vector_store %arg14[%swap3A_1004, %swap3A_1005], %gather3A_958 {strides = array<i32>} : memref<108x384xf32, #tpu.memory_space<vmem>>, vector<16xf32>,
      %swap3A_1007 = arith.constant 107 : i32
      %swap3A_1008 = arith.index_cast %swap3A_1007 : i32 to index
      %swap3A_1009 = arith.index_cast %mul3A_50 : i32 to index
      %swap3A_1010 = tpu.vector_load %arg14[%swap3A_1008, %swap3A_1009] {strides = array<i32>} : memref<108x384xf32, #tpu.memory_space<vmem>>, vector<16xf32>,
      tpu.vector_store %arg14[%swap3A_1008, %swap3A_1009], %gather3A_962 {strides = array<i32>} : memref<108x384xf32, #tpu.memory_space<vmem>>, vector<16xf32>,
    }
    %scan3A_23 = arith.constant 24 : i32
    %add3A_24 = arith.constant 0 : i32
    %add3A_25 = arith.addi %mul3A_2, %add3A_24 : i32
    %dma_start3A_26 = arith.constant 0 : i32
    %dma_start3A_27 = tpu.memref_slice %arg7[%dma_start3A_26, %add3A_25] : memref<108x184320xf32, #tpu.memory_space<hbm>> -> memref<108x384xf32, #tpu.memory_space<hbm>>
    %dma_start3A_28 = arith.constant 0 : i32
    %dma_start3A_29 = tpu.memref_slice %arg7[%dma_start3A_28, %add3A_25] : memref<108x184320xf32, #tpu.memory_space<hbm>> -> memref<108x384xf32, #tpu.memory_space<hbm>>
    tpu.enqueue_dma source(%arg14 : memref<108x384xf32, #tpu.memory_space<vmem>>) target(%dma_start3A_29 : memref<108x384xf32, #tpu.memory_space<hbm>>) target_semaphore(%arg16 : memref<!tpu.dma_semaphore, #tpu.memory_space<semaphore_mem>>)
    %scan3A_30 = arith.constant 0 : i32
    %scan3A_31 = arith.constant 0 : i32
    %scan3A_32 = arith.constant 7 : i32
    %scan3A_33 = arith.addi %scan3A_31, %scan3A_32 : i32
    %scan3A_34 = arith.constant 1 : i32
    scf.for %scan3A_48 = %scan3A_31 to %scan3A_33 step %scan3A_34  : i32 {
      %mul3A_49 = arith.constant 2 : i32
      %mul3A_50 = arith.muli %mul3A_49, %scan3A_48 : i32
      %add3A_51 = arith.constant 1 : i32
      %add3A_52 = arith.addi %add3A_51, %mul3A_50 : i32
      %mul3A_53 = arith.constant 2 : i32
      %mul3A_54 = arith.muli %mul3A_53, %scan3A_48 : i32
      %add3A_55 = arith.constant 2 : i32
      %add3A_56 = arith.addi %add3A_55, %mul3A_54 : i32
      %mul3A_57 = arith.constant 384 : i32
      %mul3A_58 = arith.muli %add3A_56, %mul3A_57 : i32
      %add3A_59 = arith.addi %mul3A_2, %mul3A_58 : i32
      %dma_start3A_60 = arith.constant 0 : i32
      %dma_start3A_61 = tpu.memref_slice %arg2[%dma_start3A_60, %add3A_59] : memref<3x184320xf32, #tpu.memory_space<hbm>> -> memref<3x384xf32, #tpu.memory_space<hbm>>
      %dma_start3A_62 = arith.constant 0 : i32
      %dma_start3A_63 = tpu.memref_slice %arg2[%dma_start3A_62, %add3A_59] : memref<3x184320xf32, #tpu.memory_space<hbm>> -> memref<3x384xf32, #tpu.memory_space<hbm>>
      tpu.enqueue_dma source(%dma_start3A_63 : memref<3x384xf32, #tpu.memory_space<hbm>>) target(%arg12 : memref<3x384xf32, #tpu.memory_space<vmem>>) target_semaphore(%arg18 : memref<!tpu.dma_semaphore, #tpu.memory_space<semaphore_mem>>)
      %mul3A_64 = arith.constant 384 : i32
      %mul3A_65 = arith.muli %add3A_52, %mul3A_64 : i32
      %add3A_66 = arith.addi %mul3A_2, %mul3A_65 : i32
      %dma_wait3A_67 = arith.constant 0 : i32
      %dma_wait3A_68 = tpu.memref_slice %arg2[%dma_wait3A_67, %add3A_66] : memref<3x184320xf32, #tpu.memory_space<hbm>> -> memref<3x384xf32, #tpu.memory_space<hbm>>
      %dma_wait3A_69 = arith.constant 0 : i32
      %dma_wait3A_70 = tpu.memref_slice %arg2[%dma_wait3A_69, %add3A_66] : memref<3x184320xf32, #tpu.memory_space<hbm>> -> memref<3x384xf32, #tpu.memory_space<hbm>>
      tpu.wait_dma2 semaphore(%arg19 : memref<!tpu.dma_semaphore, #tpu.memory_space<semaphore_mem>>) src(%dma_wait3A_70 : memref<3x384xf32, #tpu.memory_space<hbm>>) dst(%arg13 : memref<3x384xf32, #tpu.memory_space<vmem>>)
      %gt3A = arith.constant 0 : i32
      %gt3A_71 = arith.cmpi sgt, %scan3A_48, %gt3A : i32
      %convert_element_type3A = arith.extui %gt3A_71 : i1 to i32
      %cond3A = arith.constant 0 : i32
      %cond3A_72 = arith.cmpi ne, %convert_element_type3A, %cond3A : i32
      scf.if %cond3A_72 {
        %sub3A_120 = arith.constant 2 : i32
        %sub3A_121 = arith.subi %add3A_52, %sub3A_120 : i32
        %mul3A_122 = arith.constant 384 : i32
        %mul3A_123 = arith.muli %sub3A_121, %mul3A_122 : i32
        %add3A_124 = arith.addi %mul3A_2, %mul3A_123 : i32
        %dma_wait3A_125 = arith.constant 0 : i32
        %dma_wait3A_126 = tpu.memref_slice %arg7[%dma_wait3A_125, %add3A_124] : memref<108x184320xf32, #tpu.memory_space<hbm>> -> memref<108x384xf32, #tpu.memory_space<hbm>>
        %dma_wait3A_127 = arith.constant 0 : i32
        %dma_wait3A_128 = tpu.memref_slice %arg7[%dma_wait3A_127, %add3A_124] : memref<108x184320xf32, #tpu.memory_space<hbm>> -> memref<108x384xf32, #tpu.memory_space<hbm>>
        tpu.wait_dma2 semaphore(%arg17 : memref<!tpu.dma_semaphore, #tpu.memory_space<semaphore_mem>>) src(%arg15 : memref<108x384xf32, #tpu.memory_space<vmem>>) dst(%dma_wait3A_128 : memref<108x384xf32, #tpu.memory_space<hbm>>)
      } else {
      }
      %scan3A_73 = arith.constant 0 : i32
      %scan3A_74 = arith.constant 0 : i32
      %scan3A_75 = arith.constant 24 : i32
      %scan3A_76 = arith.addi %scan3A_74, %scan3A_75 : i32
      %scan3A_77 = arith.constant 1 : i32
      scf.for %scan3A_120 = %scan3A_74 to %scan3A_76 step %scan3A_77  : i32 {
        %mul3A_121 = arith.constant 16 : i32
        %mul3A_122 = arith.muli %scan3A_120, %mul3A_121 : i32
        %get3A = arith.constant 0 : i32
        %get3A_123 = arith.index_cast %get3A : i32 to index
        %get3A_124 = arith.index_cast %mul3A_122 : i32 to index
        %get3A_125 = tpu.vector_load %arg13[%get3A_123, %get3A_124] {strides = array<i32>} : memref<3x384xf32, #tpu.memory_space<vmem>>, vector<16xf32>,
        %get3A_126 = arith.constant 1 : i32
        %get3A_127 = arith.index_cast %get3A_126 : i32 to index
        %get3A_128 = arith.index_cast %mul3A_122 : i32 to index
        %get3A_129 = tpu.vector_load %arg13[%get3A_127, %get3A_128] {strides = array<i32>} : memref<3x384xf32, #tpu.memory_space<vmem>>, vector<16xf32>,
        %get3A_130 = arith.constant 2 : i32
        %get3A_131 = arith.index_cast %get3A_130 : i32 to index
        %get3A_132 = arith.index_cast %mul3A_122 : i32 to index
        %get3A_133 = tpu.vector_load %arg13[%get3A_131, %get3A_132] {strides = array<i32>} : memref<3x384xf32, #tpu.memory_space<vmem>>, vector<16xf32>,
        %add3A_134 = arith.constant 3.000000e+02 : f32
        %add3A_135 = vector.broadcast %add3A_134 : f32 to vector<16xf32>
        %add3A_136 = arith.addf %get3A_125, %add3A_135 : vector<16xf32>
        %convert_element_type3A_137 = arith.fptosi %add3A_136 : vector<16xf32> to vector<16xi32>
        %jit3A = arith.constant 0 : i32
        %jit3A_138 = arith.constant 599 : i32
        %max3A = vector.broadcast %jit3A : i32 to vector<16xi32>
        %max3A_139 = arith.maxsi %max3A, %convert_element_type3A_137 : vector<16xi32>
        %min3A = vector.broadcast %jit3A_138 : i32 to vector<16xi32>
        %min3A_140 = arith.minsi %min3A, %max3A_139 : vector<16xi32>
        %convert_element_type3A_141 = arith.sitofp %min3A_140 : vector<16xi32> to vector<16xf32>
        %sub3A_142 = arith.subf %add3A_136, %convert_element_type3A_141 : vector<16xf32>
        %div3A = arith.constant 0.00999999977 : f32
        %div3A_143 = vector.broadcast %div3A : f32 to vector<16xf32>
        %div3A_144 = arith.divf %sub3A_142, %div3A_143 : vector<16xf32>
        %convert_element_type3A_145 = arith.fptosi %div3A_144 : vector<16xf32> to vector<16xi32>
        %jit3A_146 = arith.constant 0 : i32
        %jit3A_147 = arith.constant 99 : i32
        %max3A_148 = vector.broadcast %jit3A_146 : i32 to vector<16xi32>
        %max3A_149 = arith.maxsi %max3A_148, %convert_element_type3A_145 : vector<16xi32>
        %min3A_150 = vector.broadcast %jit3A_147 : i32 to vector<16xi32>
        %min3A_151 = arith.minsi %min3A_150, %max3A_149 : vector<16xi32>
        %add3A_152 = arith.constant 3.000000e+02 : f32
        %add3A_153 = vector.broadcast %add3A_152 : f32 to vector<16xf32>
        %add3A_154 = arith.addf %get3A_129, %add3A_153 : vector<16xf32>
        %convert_element_type3A_155 = arith.fptosi %add3A_154 : vector<16xf32> to vector<16xi32>
        %jit3A_156 = arith.constant 0 : i32
        %jit3A_157 = arith.constant 599 : i32
        %max3A_158 = vector.broadcast %jit3A_156 : i32 to vector<16xi32>
        %max3A_159 = arith.maxsi %max3A_158, %convert_element_type3A_155 : vector<16xi32>
        %min3A_160 = vector.broadcast %jit3A_157 : i32 to vector<16xi32>
        %min3A_161 = arith.minsi %min3A_160, %max3A_159 : vector<16xi32>
        %convert_element_type3A_162 = arith.sitofp %min3A_161 : vector<16xi32> to vector<16xf32>
        %sub3A_163 = arith.subf %add3A_154, %convert_element_type3A_162 : vector<16xf32>
        %div3A_164 = arith.constant 0.00999999977 : f32
        %div3A_165 = vector.broadcast %div3A_164 : f32 to vector<16xf32>
        %div3A_166 = arith.divf %sub3A_163, %div3A_165 : vector<16xf32>
        %convert_element_type3A_167 = arith.fptosi %div3A_166 : vector<16xf32> to vector<16xi32>
        %jit3A_168 = arith.constant 0 : i32
        %jit3A_169 = arith.constant 99 : i32
        %max3A_170 = vector.broadcast %jit3A_168 : i32 to vector<16xi32>
        %max3A_171 = arith.maxsi %max3A_170, %convert_element_type3A_167 : vector<16xi32>
        %min3A_172 = vector.broadcast %jit3A_169 : i32 to vector<16xi32>
        %min3A_173 = arith.minsi %min3A_172, %max3A_171 : vector<16xi32>
        %mul3A_174 = arith.constant 1.800000e+02 : f32
        %mul3A_175 = vector.broadcast %mul3A_174 : f32 to vector<16xf32>
        %mul3A_176 = arith.mulf %get3A_133, %mul3A_175 : vector<16xf32>
        %div3A_177 = arith.constant 3.14159274 : f32
        %div3A_178 = vector.broadcast %div3A_177 : f32 to vector<16xf32>
        %div3A_179 = arith.divf %mul3A_176, %div3A_178 : vector<16xf32>
        %add3A_180 = arith.constant 1.800000e+02 : f32
        %add3A_181 = vector.broadcast %add3A_180 : f32 to vector<16xf32>
        %add3A_182 = arith.addf %div3A_179, %add3A_181 : vector<16xf32>
        %div3A_183 = arith.constant 2.000000e+01 : f32
        %div3A_184 = vector.broadcast %div3A_183 : f32 to vector<16xf32>
        %div3A_185 = arith.divf %add3A_182, %div3A_184 : vector<16xf32>
        %convert_element_type3A_186 = arith.fptosi %div3A_185 : vector<16xf32> to vector<16xi32>
        %jit3A_187 = arith.constant 0 : i32
        %jit3A_188 = arith.constant 19 : i32
        %max3A_189 = vector.broadcast %jit3A_187 : i32 to vector<16xi32>
        %max3A_190 = arith.maxsi %max3A_189, %convert_element_type3A_186 : vector<16xi32>
        %min3A_191 = vector.broadcast %jit3A_188 : i32 to vector<16xi32>
        %min3A_192 = arith.minsi %min3A_191, %max3A_190 : vector<16xi32>
        %convert_element_type3A_193 = arith.sitofp %min3A_192 : vector<16xi32> to vector<16xf32>
        %mul3A_194 = arith.constant 2.000000e+01 : f32
        %mul3A_195 = vector.broadcast %mul3A_194 : f32 to vector<16xf32>
        %mul3A_196 = arith.mulf %convert_element_type3A_193, %mul3A_195 : vector<16xf32>
        %sub3A_197 = arith.subf %add3A_182, %mul3A_196 : vector<16xf32>
        %convert_element_type3A_198 = arith.fptosi %sub3A_197 : vector<16xf32> to vector<16xi32>
        %jit3A_199 = arith.constant 0 : i32
        %jit3A_200 = arith.constant 19 : i32
        %max3A_201 = vector.broadcast %jit3A_199 : i32 to vector<16xi32>
        %max3A_202 = arith.maxsi %max3A_201, %convert_element_type3A_198 : vector<16xi32>
        %min3A_203 = vector.broadcast %jit3A_200 : i32 to vector<16xi32>
        %min3A_204 = arith.minsi %min3A_203, %max3A_202 : vector<16xi32>
        %mul3A_205 = arith.constant 24 : i32
        %mul3A_206 = vector.broadcast %mul3A_205 : i32 to vector<16xi32>
        %mul3A_207 = arith.muli %min3A_140, %mul3A_206 : vector<16xi32>
        %mul3A_208 = arith.constant 24 : i32
        %mul3A_209 = vector.broadcast %mul3A_208 : i32 to vector<16xi32>
        %mul3A_210 = arith.muli %min3A_151, %mul3A_209 : vector<16xi32>
        %mul3A_211 = arith.constant 24 : i32
        %mul3A_212 = vector.broadcast %mul3A_211 : i32 to vector<16xi32>
        %mul3A_213 = arith.muli %min3A_161, %mul3A_212 : vector<16xi32>
        %mul3A_214 = arith.constant 24 : i32
        %mul3A_215 = vector.broadcast %mul3A_214 : i32 to vector<16xi32>
        %mul3A_216 = arith.muli %min3A_173, %mul3A_215 : vector<16xi32>
        %mul3A_217 = arith.constant 6 : i32
        %mul3A_218 = vector.broadcast %mul3A_217 : i32 to vector<16xi32>
        %mul3A_219 = arith.muli %min3A_192, %mul3A_218 : vector<16xi32>
        %mul3A_220 = arith.constant 6 : i32
        %mul3A_221 = vector.broadcast %mul3A_220 : i32 to vector<16xi32>
        %mul3A_222 = arith.muli %min3A_204, %mul3A_221 : vector<16xi32>
        %add3A_223 = arith.constant 0 : i32
        %add3A_224 = vector.broadcast %add3A_223 : i32 to vector<16xi32>
        %add3A_225 = arith.addi %mul3A_207, %add3A_224 : vector<16xi32>
        %gather3A = tpu.vector_load_idx %arg8[%add3A_225] : memref<14400xf32, #tpu.memory_space<vmem>>[vector<16xi32>], vector<16xf32>,
        %add3A_226 = arith.constant 1 : i32
        %add3A_227 = vector.broadcast %add3A_226 : i32 to vector<16xi32>
        %add3A_228 = arith.addi %mul3A_207, %add3A_227 : vector<16xi32>
        %gather3A_229 = tpu.vector_load_idx %arg8[%add3A_228] : memref<14400xf32, #tpu.memory_space<vmem>>[vector<16xi32>], vector<16xf32>,
        %add3A_230 = arith.constant 2 : i32
        %add3A_231 = vector.broadcast %add3A_230 : i32 to vector<16xi32>
        %add3A_232 = arith.addi %mul3A_207, %add3A_231 : vector<16xi32>
        %gather3A_233 = tpu.vector_load_idx %arg8[%add3A_232] : memref<14400xf32, #tpu.memory_space<vmem>>[vector<16xi32>], vector<16xf32>,
        %add3A_234 = arith.constant 3 : i32
        %add3A_235 = vector.broadcast %add3A_234 : i32 to vector<16xi32>
        %add3A_236 = arith.addi %mul3A_207, %add3A_235 : vector<16xi32>
        %gather3A_237 = tpu.vector_load_idx %arg8[%add3A_236] : memref<14400xf32, #tpu.memory_space<vmem>>[vector<16xi32>], vector<16xf32>,
        %add3A_238 = arith.constant 4 : i32
        %add3A_239 = vector.broadcast %add3A_238 : i32 to vector<16xi32>
        %add3A_240 = arith.addi %mul3A_207, %add3A_239 : vector<16xi32>
        %gather3A_241 = tpu.vector_load_idx %arg8[%add3A_240] : memref<14400xf32, #tpu.memory_space<vmem>>[vector<16xi32>], vector<16xf32>,
        %add3A_242 = arith.constant 5 : i32
        %add3A_243 = vector.broadcast %add3A_242 : i32 to vector<16xi32>
        %add3A_244 = arith.addi %mul3A_207, %add3A_243 : vector<16xi32>
        %gather3A_245 = tpu.vector_load_idx %arg8[%add3A_244] : memref<14400xf32, #tpu.memory_space<vmem>>[vector<16xi32>], vector<16xf32>,
        %add3A_246 = arith.constant 6 : i32
        %add3A_247 = vector.broadcast %add3A_246 : i32 to vector<16xi32>
        %add3A_248 = arith.addi %mul3A_207, %add3A_247 : vector<16xi32>
        %gather3A_249 = tpu.vector_load_idx %arg8[%add3A_248] : memref<14400xf32, #tpu.memory_space<vmem>>[vector<16xi32>], vector<16xf32>,
        %add3A_250 = arith.constant 7 : i32
        %add3A_251 = vector.broadcast %add3A_250 : i32 to vector<16xi32>
        %add3A_252 = arith.addi %mul3A_207, %add3A_251 : vector<16xi32>
        %gather3A_253 = tpu.vector_load_idx %arg8[%add3A_252] : memref<14400xf32, #tpu.memory_space<vmem>>[vector<16xi32>], vector<16xf32>,
        %add3A_254 = arith.constant 8 : i32
        %add3A_255 = vector.broadcast %add3A_254 : i32 to vector<16xi32>
        %add3A_256 = arith.addi %mul3A_207, %add3A_255 : vector<16xi32>
        %gather3A_257 = tpu.vector_load_idx %arg8[%add3A_256] : memref<14400xf32, #tpu.memory_space<vmem>>[vector<16xi32>], vector<16xf32>,
        %add3A_258 = arith.constant 9 : i32
        %add3A_259 = vector.broadcast %add3A_258 : i32 to vector<16xi32>
        %add3A_260 = arith.addi %mul3A_207, %add3A_259 : vector<16xi32>
        %gather3A_261 = tpu.vector_load_idx %arg8[%add3A_260] : memref<14400xf32, #tpu.memory_space<vmem>>[vector<16xi32>], vector<16xf32>,
        %add3A_262 = arith.constant 10 : i32
        %add3A_263 = vector.broadcast %add3A_262 : i32 to vector<16xi32>
        %add3A_264 = arith.addi %mul3A_207, %add3A_263 : vector<16xi32>
        %gather3A_265 = tpu.vector_load_idx %arg8[%add3A_264] : memref<14400xf32, #tpu.memory_space<vmem>>[vector<16xi32>], vector<16xf32>,
        %add3A_266 = arith.constant 11 : i32
        %add3A_267 = vector.broadcast %add3A_266 : i32 to vector<16xi32>
        %add3A_268 = arith.addi %mul3A_207, %add3A_267 : vector<16xi32>
        %gather3A_269 = tpu.vector_load_idx %arg8[%add3A_268] : memref<14400xf32, #tpu.memory_space<vmem>>[vector<16xi32>], vector<16xf32>,
        %add3A_270 = arith.constant 12 : i32
        %add3A_271 = vector.broadcast %add3A_270 : i32 to vector<16xi32>
        %add3A_272 = arith.addi %mul3A_207, %add3A_271 : vector<16xi32>
        %gather3A_273 = tpu.vector_load_idx %arg8[%add3A_272] : memref<14400xf32, #tpu.memory_space<vmem>>[vector<16xi32>], vector<16xf32>,
        %add3A_274 = arith.constant 13 : i32
        %add3A_275 = vector.broadcast %add3A_274 : i32 to vector<16xi32>
        %add3A_276 = arith.addi %mul3A_207, %add3A_275 : vector<16xi32>
        %gather3A_277 = tpu.vector_load_idx %arg8[%add3A_276] : memref<14400xf32, #tpu.memory_space<vmem>>[vector<16xi32>], vector<16xf32>,
        %add3A_278 = arith.constant 14 : i32
        %add3A_279 = vector.broadcast %add3A_278 : i32 to vector<16xi32>
        %add3A_280 = arith.addi %mul3A_207, %add3A_279 : vector<16xi32>
        %gather3A_281 = tpu.vector_load_idx %arg8[%add3A_280] : memref<14400xf32, #tpu.memory_space<vmem>>[vector<16xi32>], vector<16xf32>,
        %add3A_282 = arith.constant 15 : i32
        %add3A_283 = vector.broadcast %add3A_282 : i32 to vector<16xi32>
        %add3A_284 = arith.addi %mul3A_207, %add3A_283 : vector<16xi32>
        %gather3A_285 = tpu.vector_load_idx %arg8[%add3A_284] : memref<14400xf32, #tpu.memory_space<vmem>>[vector<16xi32>], vector<16xf32>,
        %swap3A = arith.constant 0 : i32
        %swap3A_286 = arith.index_cast %swap3A : i32 to index
        %swap3A_287 = arith.index_cast %mul3A_122 : i32 to index
        %swap3A_288 = tpu.vector_load %arg15[%swap3A_286, %swap3A_287] {strides = array<i32>} : memref<108x384xf32, #tpu.memory_space<vmem>>, vector<16xf32>,
        tpu.vector_store %arg15[%swap3A_286, %swap3A_287], %gather3A {strides = array<i32>} : memref<108x384xf32, #tpu.memory_space<vmem>>, vector<16xf32>,
        %swap3A_289 = arith.constant 1 : i32
        %swap3A_290 = arith.index_cast %swap3A_289 : i32 to index
        %swap3A_291 = arith.index_cast %mul3A_122 : i32 to index
        %swap3A_292 = tpu.vector_load %arg15[%swap3A_290, %swap3A_291] {strides = array<i32>} : memref<108x384xf32, #tpu.memory_space<vmem>>, vector<16xf32>,
        tpu.vector_store %arg15[%swap3A_290, %swap3A_291], %gather3A_229 {strides = array<i32>} : memref<108x384xf32, #tpu.memory_space<vmem>>, vector<16xf32>,
        %swap3A_293 = arith.constant 2 : i32
        %swap3A_294 = arith.index_cast %swap3A_293 : i32 to index
        %swap3A_295 = arith.index_cast %mul3A_122 : i32 to index
        %swap3A_296 = tpu.vector_load %arg15[%swap3A_294, %swap3A_295] {strides = array<i32>} : memref<108x384xf32, #tpu.memory_space<vmem>>, vector<16xf32>,
        tpu.vector_store %arg15[%swap3A_294, %swap3A_295], %gather3A_233 {strides = array<i32>} : memref<108x384xf32, #tpu.memory_space<vmem>>, vector<16xf32>,
        %swap3A_297 = arith.constant 3 : i32
        %swap3A_298 = arith.index_cast %swap3A_297 : i32 to index
        %swap3A_299 = arith.index_cast %mul3A_122 : i32 to index
        %swap3A_300 = tpu.vector_load %arg15[%swap3A_298, %swap3A_299] {strides = array<i32>} : memref<108x384xf32, #tpu.memory_space<vmem>>, vector<16xf32>,
        tpu.vector_store %arg15[%swap3A_298, %swap3A_299], %gather3A_237 {strides = array<i32>} : memref<108x384xf32, #tpu.memory_space<vmem>>, vector<16xf32>,
        %swap3A_301 = arith.constant 4 : i32
        %swap3A_302 = arith.index_cast %swap3A_301 : i32 to index
        %swap3A_303 = arith.index_cast %mul3A_122 : i32 to index
        %swap3A_304 = tpu.vector_load %arg15[%swap3A_302, %swap3A_303] {strides = array<i32>} : memref<108x384xf32, #tpu.memory_space<vmem>>, vector<16xf32>,
        tpu.vector_store %arg15[%swap3A_302, %swap3A_303], %gather3A_241 {strides = array<i32>} : memref<108x384xf32, #tpu.memory_space<vmem>>, vector<16xf32>,
        %swap3A_305 = arith.constant 5 : i32
        %swap3A_306 = arith.index_cast %swap3A_305 : i32 to index
        %swap3A_307 = arith.index_cast %mul3A_122 : i32 to index
        %swap3A_308 = tpu.vector_load %arg15[%swap3A_306, %swap3A_307] {strides = array<i32>} : memref<108x384xf32, #tpu.memory_space<vmem>>, vector<16xf32>,
        tpu.vector_store %arg15[%swap3A_306, %swap3A_307], %gather3A_245 {strides = array<i32>} : memref<108x384xf32, #tpu.memory_space<vmem>>, vector<16xf32>,
        %swap3A_309 = arith.constant 6 : i32
        %swap3A_310 = arith.index_cast %swap3A_309 : i32 to index
        %swap3A_311 = arith.index_cast %mul3A_122 : i32 to index
        %swap3A_312 = tpu.vector_load %arg15[%swap3A_310, %swap3A_311] {strides = array<i32>} : memref<108x384xf32, #tpu.memory_space<vmem>>, vector<16xf32>,
        tpu.vector_store %arg15[%swap3A_310, %swap3A_311], %gather3A_249 {strides = array<i32>} : memref<108x384xf32, #tpu.memory_space<vmem>>, vector<16xf32>,
        %swap3A_313 = arith.constant 7 : i32
        %swap3A_314 = arith.index_cast %swap3A_313 : i32 to index
        %swap3A_315 = arith.index_cast %mul3A_122 : i32 to index
        %swap3A_316 = tpu.vector_load %arg15[%swap3A_314, %swap3A_315] {strides = array<i32>} : memref<108x384xf32, #tpu.memory_space<vmem>>, vector<16xf32>,
        tpu.vector_store %arg15[%swap3A_314, %swap3A_315], %gather3A_253 {strides = array<i32>} : memref<108x384xf32, #tpu.memory_space<vmem>>, vector<16xf32>,
        %swap3A_317 = arith.constant 8 : i32
        %swap3A_318 = arith.index_cast %swap3A_317 : i32 to index
        %swap3A_319 = arith.index_cast %mul3A_122 : i32 to index
        %swap3A_320 = tpu.vector_load %arg15[%swap3A_318, %swap3A_319] {strides = array<i32>} : memref<108x384xf32, #tpu.memory_space<vmem>>, vector<16xf32>,
        tpu.vector_store %arg15[%swap3A_318, %swap3A_319], %gather3A_257 {strides = array<i32>} : memref<108x384xf32, #tpu.memory_space<vmem>>, vector<16xf32>,
        %swap3A_321 = arith.constant 9 : i32
        %swap3A_322 = arith.index_cast %swap3A_321 : i32 to index
        %swap3A_323 = arith.index_cast %mul3A_122 : i32 to index
        %swap3A_324 = tpu.vector_load %arg15[%swap3A_322, %swap3A_323] {strides = array<i32>} : memref<108x384xf32, #tpu.memory_space<vmem>>, vector<16xf32>,
        tpu.vector_store %arg15[%swap3A_322, %swap3A_323], %gather3A_261 {strides = array<i32>} : memref<108x384xf32, #tpu.memory_space<vmem>>, vector<16xf32>,
        %swap3A_325 = arith.constant 10 : i32
        %swap3A_326 = arith.index_cast %swap3A_325 : i32 to index
        %swap3A_327 = arith.index_cast %mul3A_122 : i32 to index
        %swap3A_328 = tpu.vector_load %arg15[%swap3A_326, %swap3A_327] {strides = array<i32>} : memref<108x384xf32, #tpu.memory_space<vmem>>, vector<16xf32>,
        tpu.vector_store %arg15[%swap3A_326, %swap3A_327], %gather3A_265 {strides = array<i32>} : memref<108x384xf32, #tpu.memory_space<vmem>>, vector<16xf32>,
        %swap3A_329 = arith.constant 11 : i32
        %swap3A_330 = arith.index_cast %swap3A_329 : i32 to index
        %swap3A_331 = arith.index_cast %mul3A_122 : i32 to index
        %swap3A_332 = tpu.vector_load %arg15[%swap3A_330, %swap3A_331] {strides = array<i32>} : memref<108x384xf32, #tpu.memory_space<vmem>>, vector<16xf32>,
        tpu.vector_store %arg15[%swap3A_330, %swap3A_331], %gather3A_269 {strides = array<i32>} : memref<108x384xf32, #tpu.memory_space<vmem>>, vector<16xf32>,
        %swap3A_333 = arith.constant 12 : i32
        %swap3A_334 = arith.index_cast %swap3A_333 : i32 to index
        %swap3A_335 = arith.index_cast %mul3A_122 : i32 to index
        %swap3A_336 = tpu.vector_load %arg15[%swap3A_334, %swap3A_335] {strides = array<i32>} : memref<108x384xf32, #tpu.memory_space<vmem>>, vector<16xf32>,
        tpu.vector_store %arg15[%swap3A_334, %swap3A_335], %gather3A_273 {strides = array<i32>} : memref<108x384xf32, #tpu.memory_space<vmem>>, vector<16xf32>,
        %swap3A_337 = arith.constant 13 : i32
        %swap3A_338 = arith.index_cast %swap3A_337 : i32 to index
        %swap3A_339 = arith.index_cast %mul3A_122 : i32 to index
        %swap3A_340 = tpu.vector_load %arg15[%swap3A_338, %swap3A_339] {strides = array<i32>} : memref<108x384xf32, #tpu.memory_space<vmem>>, vector<16xf32>,
        tpu.vector_store %arg15[%swap3A_338, %swap3A_339], %gather3A_277 {strides = array<i32>} : memref<108x384xf32, #tpu.memory_space<vmem>>, vector<16xf32>,
        %swap3A_341 = arith.constant 14 : i32
        %swap3A_342 = arith.index_cast %swap3A_341 : i32 to index
        %swap3A_343 = arith.index_cast %mul3A_122 : i32 to index
        %swap3A_344 = tpu.vector_load %arg15[%swap3A_342, %swap3A_343] {strides = array<i32>} : memref<108x384xf32, #tpu.memory_space<vmem>>, vector<16xf32>,
        tpu.vector_store %arg15[%swap3A_342, %swap3A_343], %gather3A_281 {strides = array<i32>} : memref<108x384xf32, #tpu.memory_space<vmem>>, vector<16xf32>,
        %swap3A_345 = arith.constant 15 : i32
        %swap3A_346 = arith.index_cast %swap3A_345 : i32 to index
        %swap3A_347 = arith.index_cast %mul3A_122 : i32 to index
        %swap3A_348 = tpu.vector_load %arg15[%swap3A_346, %swap3A_347] {strides = array<i32>} : memref<108x384xf32, #tpu.memory_space<vmem>>, vector<16xf32>,
        tpu.vector_store %arg15[%swap3A_346, %swap3A_347], %gather3A_285 {strides = array<i32>} : memref<108x384xf32, #tpu.memory_space<vmem>>, vector<16xf32>,
        %add3A_349 = arith.constant 16 : i32
        %add3A_350 = vector.broadcast %add3A_349 : i32 to vector<16xi32>
        %add3A_351 = arith.addi %mul3A_207, %add3A_350 : vector<16xi32>
        %gather3A_352 = tpu.vector_load_idx %arg8[%add3A_351] : memref<14400xf32, #tpu.memory_space<vmem>>[vector<16xi32>], vector<16xf32>,
        %add3A_353 = arith.constant 17 : i32
        %add3A_354 = vector.broadcast %add3A_353 : i32 to vector<16xi32>
        %add3A_355 = arith.addi %mul3A_207, %add3A_354 : vector<16xi32>
        %gather3A_356 = tpu.vector_load_idx %arg8[%add3A_355] : memref<14400xf32, #tpu.memory_space<vmem>>[vector<16xi32>], vector<16xf32>,
        %add3A_357 = arith.constant 18 : i32
        %add3A_358 = vector.broadcast %add3A_357 : i32 to vector<16xi32>
        %add3A_359 = arith.addi %mul3A_207, %add3A_358 : vector<16xi32>
        %gather3A_360 = tpu.vector_load_idx %arg8[%add3A_359] : memref<14400xf32, #tpu.memory_space<vmem>>[vector<16xi32>], vector<16xf32>,
        %add3A_361 = arith.constant 19 : i32
        %add3A_362 = vector.broadcast %add3A_361 : i32 to vector<16xi32>
        %add3A_363 = arith.addi %mul3A_207, %add3A_362 : vector<16xi32>
        %gather3A_364 = tpu.vector_load_idx %arg8[%add3A_363] : memref<14400xf32, #tpu.memory_space<vmem>>[vector<16xi32>], vector<16xf32>,
        %add3A_365 = arith.constant 20 : i32
        %add3A_366 = vector.broadcast %add3A_365 : i32 to vector<16xi32>
        %add3A_367 = arith.addi %mul3A_207, %add3A_366 : vector<16xi32>
        %gather3A_368 = tpu.vector_load_idx %arg8[%add3A_367] : memref<14400xf32, #tpu.memory_space<vmem>>[vector<16xi32>], vector<16xf32>,
        %add3A_369 = arith.constant 21 : i32
        %add3A_370 = vector.broadcast %add3A_369 : i32 to vector<16xi32>
        %add3A_371 = arith.addi %mul3A_207, %add3A_370 : vector<16xi32>
        %gather3A_372 = tpu.vector_load_idx %arg8[%add3A_371] : memref<14400xf32, #tpu.memory_space<vmem>>[vector<16xi32>], vector<16xf32>,
        %add3A_373 = arith.constant 22 : i32
        %add3A_374 = vector.broadcast %add3A_373 : i32 to vector<16xi32>
        %add3A_375 = arith.addi %mul3A_207, %add3A_374 : vector<16xi32>
        %gather3A_376 = tpu.vector_load_idx %arg8[%add3A_375] : memref<14400xf32, #tpu.memory_space<vmem>>[vector<16xi32>], vector<16xf32>,
        %add3A_377 = arith.constant 23 : i32
        %add3A_378 = vector.broadcast %add3A_377 : i32 to vector<16xi32>
        %add3A_379 = arith.addi %mul3A_207, %add3A_378 : vector<16xi32>
        %gather3A_380 = tpu.vector_load_idx %arg8[%add3A_379] : memref<14400xf32, #tpu.memory_space<vmem>>[vector<16xi32>], vector<16xf32>,
        %add3A_381 = arith.constant 0 : i32
        %add3A_382 = vector.broadcast %add3A_381 : i32 to vector<16xi32>
        %add3A_383 = arith.addi %mul3A_210, %add3A_382 : vector<16xi32>
        %gather3A_384 = tpu.vector_load_idx %arg9[%add3A_383] : memref<2400xf32, #tpu.memory_space<vmem>>[vector<16xi32>], vector<16xf32>,
        %add3A_385 = arith.constant 1 : i32
        %add3A_386 = vector.broadcast %add3A_385 : i32 to vector<16xi32>
        %add3A_387 = arith.addi %mul3A_210, %add3A_386 : vector<16xi32>
        %gather3A_388 = tpu.vector_load_idx %arg9[%add3A_387] : memref<2400xf32, #tpu.memory_space<vmem>>[vector<16xi32>], vector<16xf32>,
        %add3A_389 = arith.constant 2 : i32
        %add3A_390 = vector.broadcast %add3A_389 : i32 to vector<16xi32>
        %add3A_391 = arith.addi %mul3A_210, %add3A_390 : vector<16xi32>
        %gather3A_392 = tpu.vector_load_idx %arg9[%add3A_391] : memref<2400xf32, #tpu.memory_space<vmem>>[vector<16xi32>], vector<16xf32>,
        %add3A_393 = arith.constant 3 : i32
        %add3A_394 = vector.broadcast %add3A_393 : i32 to vector<16xi32>
        %add3A_395 = arith.addi %mul3A_210, %add3A_394 : vector<16xi32>
        %gather3A_396 = tpu.vector_load_idx %arg9[%add3A_395] : memref<2400xf32, #tpu.memory_space<vmem>>[vector<16xi32>], vector<16xf32>,
        %add3A_397 = arith.constant 4 : i32
        %add3A_398 = vector.broadcast %add3A_397 : i32 to vector<16xi32>
        %add3A_399 = arith.addi %mul3A_210, %add3A_398 : vector<16xi32>
        %gather3A_400 = tpu.vector_load_idx %arg9[%add3A_399] : memref<2400xf32, #tpu.memory_space<vmem>>[vector<16xi32>], vector<16xf32>,
        %add3A_401 = arith.constant 5 : i32
        %add3A_402 = vector.broadcast %add3A_401 : i32 to vector<16xi32>
        %add3A_403 = arith.addi %mul3A_210, %add3A_402 : vector<16xi32>
        %gather3A_404 = tpu.vector_load_idx %arg9[%add3A_403] : memref<2400xf32, #tpu.memory_space<vmem>>[vector<16xi32>], vector<16xf32>,
        %add3A_405 = arith.constant 6 : i32
        %add3A_406 = vector.broadcast %add3A_405 : i32 to vector<16xi32>
        %add3A_407 = arith.addi %mul3A_210, %add3A_406 : vector<16xi32>
        %gather3A_408 = tpu.vector_load_idx %arg9[%add3A_407] : memref<2400xf32, #tpu.memory_space<vmem>>[vector<16xi32>], vector<16xf32>,
        %add3A_409 = arith.constant 7 : i32
        %add3A_410 = vector.broadcast %add3A_409 : i32 to vector<16xi32>
        %add3A_411 = arith.addi %mul3A_210, %add3A_410 : vector<16xi32>
        %gather3A_412 = tpu.vector_load_idx %arg9[%add3A_411] : memref<2400xf32, #tpu.memory_space<vmem>>[vector<16xi32>], vector<16xf32>,
        %swap3A_413 = arith.constant 16 : i32
        %swap3A_414 = arith.index_cast %swap3A_413 : i32 to index
        %swap3A_415 = arith.index_cast %mul3A_122 : i32 to index
        %swap3A_416 = tpu.vector_load %arg15[%swap3A_414, %swap3A_415] {strides = array<i32>} : memref<108x384xf32, #tpu.memory_space<vmem>>, vector<16xf32>,
        tpu.vector_store %arg15[%swap3A_414, %swap3A_415], %gather3A_352 {strides = array<i32>} : memref<108x384xf32, #tpu.memory_space<vmem>>, vector<16xf32>,
        %swap3A_417 = arith.constant 17 : i32
        %swap3A_418 = arith.index_cast %swap3A_417 : i32 to index
        %swap3A_419 = arith.index_cast %mul3A_122 : i32 to index
        %swap3A_420 = tpu.vector_load %arg15[%swap3A_418, %swap3A_419] {strides = array<i32>} : memref<108x384xf32, #tpu.memory_space<vmem>>, vector<16xf32>,
        tpu.vector_store %arg15[%swap3A_418, %swap3A_419], %gather3A_356 {strides = array<i32>} : memref<108x384xf32, #tpu.memory_space<vmem>>, vector<16xf32>,
        %swap3A_421 = arith.constant 18 : i32
        %swap3A_422 = arith.index_cast %swap3A_421 : i32 to index
        %swap3A_423 = arith.index_cast %mul3A_122 : i32 to index
        %swap3A_424 = tpu.vector_load %arg15[%swap3A_422, %swap3A_423] {strides = array<i32>} : memref<108x384xf32, #tpu.memory_space<vmem>>, vector<16xf32>,
        tpu.vector_store %arg15[%swap3A_422, %swap3A_423], %gather3A_360 {strides = array<i32>} : memref<108x384xf32, #tpu.memory_space<vmem>>, vector<16xf32>,
        %swap3A_425 = arith.constant 19 : i32
        %swap3A_426 = arith.index_cast %swap3A_425 : i32 to index
        %swap3A_427 = arith.index_cast %mul3A_122 : i32 to index
        %swap3A_428 = tpu.vector_load %arg15[%swap3A_426, %swap3A_427] {strides = array<i32>} : memref<108x384xf32, #tpu.memory_space<vmem>>, vector<16xf32>,
        tpu.vector_store %arg15[%swap3A_426, %swap3A_427], %gather3A_364 {strides = array<i32>} : memref<108x384xf32, #tpu.memory_space<vmem>>, vector<16xf32>,
        %swap3A_429 = arith.constant 20 : i32
        %swap3A_430 = arith.index_cast %swap3A_429 : i32 to index
        %swap3A_431 = arith.index_cast %mul3A_122 : i32 to index
        %swap3A_432 = tpu.vector_load %arg15[%swap3A_430, %swap3A_431] {strides = array<i32>} : memref<108x384xf32, #tpu.memory_space<vmem>>, vector<16xf32>,
        tpu.vector_store %arg15[%swap3A_430, %swap3A_431], %gather3A_368 {strides = array<i32>} : memref<108x384xf32, #tpu.memory_space<vmem>>, vector<16xf32>,
        %swap3A_433 = arith.constant 21 : i32
        %swap3A_434 = arith.index_cast %swap3A_433 : i32 to index
        %swap3A_435 = arith.index_cast %mul3A_122 : i32 to index
        %swap3A_436 = tpu.vector_load %arg15[%swap3A_434, %swap3A_435] {strides = array<i32>} : memref<108x384xf32, #tpu.memory_space<vmem>>, vector<16xf32>,
        tpu.vector_store %arg15[%swap3A_434, %swap3A_435], %gather3A_372 {strides = array<i32>} : memref<108x384xf32, #tpu.memory_space<vmem>>, vector<16xf32>,
        %swap3A_437 = arith.constant 22 : i32
        %swap3A_438 = arith.index_cast %swap3A_437 : i32 to index
        %swap3A_439 = arith.index_cast %mul3A_122 : i32 to index
        %swap3A_440 = tpu.vector_load %arg15[%swap3A_438, %swap3A_439] {strides = array<i32>} : memref<108x384xf32, #tpu.memory_space<vmem>>, vector<16xf32>,
        tpu.vector_store %arg15[%swap3A_438, %swap3A_439], %gather3A_376 {strides = array<i32>} : memref<108x384xf32, #tpu.memory_space<vmem>>, vector<16xf32>,
        %swap3A_441 = arith.constant 23 : i32
        %swap3A_442 = arith.index_cast %swap3A_441 : i32 to index
        %swap3A_443 = arith.index_cast %mul3A_122 : i32 to index
        %swap3A_444 = tpu.vector_load %arg15[%swap3A_442, %swap3A_443] {strides = array<i32>} : memref<108x384xf32, #tpu.memory_space<vmem>>, vector<16xf32>,
        tpu.vector_store %arg15[%swap3A_442, %swap3A_443], %gather3A_380 {strides = array<i32>} : memref<108x384xf32, #tpu.memory_space<vmem>>, vector<16xf32>,
        %swap3A_445 = arith.constant 24 : i32
        %swap3A_446 = arith.index_cast %swap3A_445 : i32 to index
        %swap3A_447 = arith.index_cast %mul3A_122 : i32 to index
        %swap3A_448 = tpu.vector_load %arg15[%swap3A_446, %swap3A_447] {strides = array<i32>} : memref<108x384xf32, #tpu.memory_space<vmem>>, vector<16xf32>,
        tpu.vector_store %arg15[%swap3A_446, %swap3A_447], %gather3A_384 {strides = array<i32>} : memref<108x384xf32, #tpu.memory_space<vmem>>, vector<16xf32>,
        %swap3A_449 = arith.constant 25 : i32
        %swap3A_450 = arith.index_cast %swap3A_449 : i32 to index
        %swap3A_451 = arith.index_cast %mul3A_122 : i32 to index
        %swap3A_452 = tpu.vector_load %arg15[%swap3A_450, %swap3A_451] {strides = array<i32>} : memref<108x384xf32, #tpu.memory_space<vmem>>, vector<16xf32>,
        tpu.vector_store %arg15[%swap3A_450, %swap3A_451], %gather3A_388 {strides = array<i32>} : memref<108x384xf32, #tpu.memory_space<vmem>>, vector<16xf32>,
        %swap3A_453 = arith.constant 26 : i32
        %swap3A_454 = arith.index_cast %swap3A_453 : i32 to index
        %swap3A_455 = arith.index_cast %mul3A_122 : i32 to index
        %swap3A_456 = tpu.vector_load %arg15[%swap3A_454, %swap3A_455] {strides = array<i32>} : memref<108x384xf32, #tpu.memory_space<vmem>>, vector<16xf32>,
        tpu.vector_store %arg15[%swap3A_454, %swap3A_455], %gather3A_392 {strides = array<i32>} : memref<108x384xf32, #tpu.memory_space<vmem>>, vector<16xf32>,
        %swap3A_457 = arith.constant 27 : i32
        %swap3A_458 = arith.index_cast %swap3A_457 : i32 to index
        %swap3A_459 = arith.index_cast %mul3A_122 : i32 to index
        %swap3A_460 = tpu.vector_load %arg15[%swap3A_458, %swap3A_459] {strides = array<i32>} : memref<108x384xf32, #tpu.memory_space<vmem>>, vector<16xf32>,
        tpu.vector_store %arg15[%swap3A_458, %swap3A_459], %gather3A_396 {strides = array<i32>} : memref<108x384xf32, #tpu.memory_space<vmem>>, vector<16xf32>,
        %swap3A_461 = arith.constant 28 : i32
        %swap3A_462 = arith.index_cast %swap3A_461 : i32 to index
        %swap3A_463 = arith.index_cast %mul3A_122 : i32 to index
        %swap3A_464 = tpu.vector_load %arg15[%swap3A_462, %swap3A_463] {strides = array<i32>} : memref<108x384xf32, #tpu.memory_space<vmem>>, vector<16xf32>,
        tpu.vector_store %arg15[%swap3A_462, %swap3A_463], %gather3A_400 {strides = array<i32>} : memref<108x384xf32, #tpu.memory_space<vmem>>, vector<16xf32>,
        %swap3A_465 = arith.constant 29 : i32
        %swap3A_466 = arith.index_cast %swap3A_465 : i32 to index
        %swap3A_467 = arith.index_cast %mul3A_122 : i32 to index
        %swap3A_468 = tpu.vector_load %arg15[%swap3A_466, %swap3A_467] {strides = array<i32>} : memref<108x384xf32, #tpu.memory_space<vmem>>, vector<16xf32>,
        tpu.vector_store %arg15[%swap3A_466, %swap3A_467], %gather3A_404 {strides = array<i32>} : memref<108x384xf32, #tpu.memory_space<vmem>>, vector<16xf32>,
        %swap3A_469 = arith.constant 30 : i32
        %swap3A_470 = arith.index_cast %swap3A_469 : i32 to index
        %swap3A_471 = arith.index_cast %mul3A_122 : i32 to index
        %swap3A_472 = tpu.vector_load %arg15[%swap3A_470, %swap3A_471] {strides = array<i32>} : memref<108x384xf32, #tpu.memory_space<vmem>>, vector<16xf32>,
        tpu.vector_store %arg15[%swap3A_470, %swap3A_471], %gather3A_408 {strides = array<i32>} : memref<108x384xf32, #tpu.memory_space<vmem>>, vector<16xf32>,
        %swap3A_473 = arith.constant 31 : i32
        %swap3A_474 = arith.index_cast %swap3A_473 : i32 to index
        %swap3A_475 = arith.index_cast %mul3A_122 : i32 to index
        %swap3A_476 = tpu.vector_load %arg15[%swap3A_474, %swap3A_475] {strides = array<i32>} : memref<108x384xf32, #tpu.memory_space<vmem>>, vector<16xf32>,
        tpu.vector_store %arg15[%swap3A_474, %swap3A_475], %gather3A_412 {strides = array<i32>} : memref<108x384xf32, #tpu.memory_space<vmem>>, vector<16xf32>,
        %add3A_477 = arith.constant 8 : i32
        %add3A_478 = vector.broadcast %add3A_477 : i32 to vector<16xi32>
        %add3A_479 = arith.addi %mul3A_210, %add3A_478 : vector<16xi32>
        %gather3A_480 = tpu.vector_load_idx %arg9[%add3A_479] : memref<2400xf32, #tpu.memory_space<vmem>>[vector<16xi32>], vector<16xf32>,
        %add3A_481 = arith.constant 9 : i32
        %add3A_482 = vector.broadcast %add3A_481 : i32 to vector<16xi32>
        %add3A_483 = arith.addi %mul3A_210, %add3A_482 : vector<16xi32>
        %gather3A_484 = tpu.vector_load_idx %arg9[%add3A_483] : memref<2400xf32, #tpu.memory_space<vmem>>[vector<16xi32>], vector<16xf32>,
        %add3A_485 = arith.constant 10 : i32
        %add3A_486 = vector.broadcast %add3A_485 : i32 to vector<16xi32>
        %add3A_487 = arith.addi %mul3A_210, %add3A_486 : vector<16xi32>
        %gather3A_488 = tpu.vector_load_idx %arg9[%add3A_487] : memref<2400xf32, #tpu.memory_space<vmem>>[vector<16xi32>], vector<16xf32>,
        %add3A_489 = arith.constant 11 : i32
        %add3A_490 = vector.broadcast %add3A_489 : i32 to vector<16xi32>
        %add3A_491 = arith.addi %mul3A_210, %add3A_490 : vector<16xi32>
        %gather3A_492 = tpu.vector_load_idx %arg9[%add3A_491] : memref<2400xf32, #tpu.memory_space<vmem>>[vector<16xi32>], vector<16xf32>,
        %add3A_493 = arith.constant 12 : i32
        %add3A_494 = vector.broadcast %add3A_493 : i32 to vector<16xi32>
        %add3A_495 = arith.addi %mul3A_210, %add3A_494 : vector<16xi32>
        %gather3A_496 = tpu.vector_load_idx %arg9[%add3A_495] : memref<2400xf32, #tpu.memory_space<vmem>>[vector<16xi32>], vector<16xf32>,
        %add3A_497 = arith.constant 13 : i32
        %add3A_498 = vector.broadcast %add3A_497 : i32 to vector<16xi32>
        %add3A_499 = arith.addi %mul3A_210, %add3A_498 : vector<16xi32>
        %gather3A_500 = tpu.vector_load_idx %arg9[%add3A_499] : memref<2400xf32, #tpu.memory_space<vmem>>[vector<16xi32>], vector<16xf32>,
        %add3A_501 = arith.constant 14 : i32
        %add3A_502 = vector.broadcast %add3A_501 : i32 to vector<16xi32>
        %add3A_503 = arith.addi %mul3A_210, %add3A_502 : vector<16xi32>
        %gather3A_504 = tpu.vector_load_idx %arg9[%add3A_503] : memref<2400xf32, #tpu.memory_space<vmem>>[vector<16xi32>], vector<16xf32>,
        %add3A_505 = arith.constant 15 : i32
        %add3A_506 = vector.broadcast %add3A_505 : i32 to vector<16xi32>
        %add3A_507 = arith.addi %mul3A_210, %add3A_506 : vector<16xi32>
        %gather3A_508 = tpu.vector_load_idx %arg9[%add3A_507] : memref<2400xf32, #tpu.memory_space<vmem>>[vector<16xi32>], vector<16xf32>,
        %add3A_509 = arith.constant 16 : i32
        %add3A_510 = vector.broadcast %add3A_509 : i32 to vector<16xi32>
        %add3A_511 = arith.addi %mul3A_210, %add3A_510 : vector<16xi32>
        %gather3A_512 = tpu.vector_load_idx %arg9[%add3A_511] : memref<2400xf32, #tpu.memory_space<vmem>>[vector<16xi32>], vector<16xf32>,
        %add3A_513 = arith.constant 17 : i32
        %add3A_514 = vector.broadcast %add3A_513 : i32 to vector<16xi32>
        %add3A_515 = arith.addi %mul3A_210, %add3A_514 : vector<16xi32>
        %gather3A_516 = tpu.vector_load_idx %arg9[%add3A_515] : memref<2400xf32, #tpu.memory_space<vmem>>[vector<16xi32>], vector<16xf32>,
        %add3A_517 = arith.constant 18 : i32
        %add3A_518 = vector.broadcast %add3A_517 : i32 to vector<16xi32>
        %add3A_519 = arith.addi %mul3A_210, %add3A_518 : vector<16xi32>
        %gather3A_520 = tpu.vector_load_idx %arg9[%add3A_519] : memref<2400xf32, #tpu.memory_space<vmem>>[vector<16xi32>], vector<16xf32>,
        %add3A_521 = arith.constant 19 : i32
        %add3A_522 = vector.broadcast %add3A_521 : i32 to vector<16xi32>
        %add3A_523 = arith.addi %mul3A_210, %add3A_522 : vector<16xi32>
        %gather3A_524 = tpu.vector_load_idx %arg9[%add3A_523] : memref<2400xf32, #tpu.memory_space<vmem>>[vector<16xi32>], vector<16xf32>,
        %add3A_525 = arith.constant 20 : i32
        %add3A_526 = vector.broadcast %add3A_525 : i32 to vector<16xi32>
        %add3A_527 = arith.addi %mul3A_210, %add3A_526 : vector<16xi32>
        %gather3A_528 = tpu.vector_load_idx %arg9[%add3A_527] : memref<2400xf32, #tpu.memory_space<vmem>>[vector<16xi32>], vector<16xf32>,
        %add3A_529 = arith.constant 21 : i32
        %add3A_530 = vector.broadcast %add3A_529 : i32 to vector<16xi32>
        %add3A_531 = arith.addi %mul3A_210, %add3A_530 : vector<16xi32>
        %gather3A_532 = tpu.vector_load_idx %arg9[%add3A_531] : memref<2400xf32, #tpu.memory_space<vmem>>[vector<16xi32>], vector<16xf32>,
        %add3A_533 = arith.constant 22 : i32
        %add3A_534 = vector.broadcast %add3A_533 : i32 to vector<16xi32>
        %add3A_535 = arith.addi %mul3A_210, %add3A_534 : vector<16xi32>
        %gather3A_536 = tpu.vector_load_idx %arg9[%add3A_535] : memref<2400xf32, #tpu.memory_space<vmem>>[vector<16xi32>], vector<16xf32>,
        %add3A_537 = arith.constant 23 : i32
        %add3A_538 = vector.broadcast %add3A_537 : i32 to vector<16xi32>
        %add3A_539 = arith.addi %mul3A_210, %add3A_538 : vector<16xi32>
        %gather3A_540 = tpu.vector_load_idx %arg9[%add3A_539] : memref<2400xf32, #tpu.memory_space<vmem>>[vector<16xi32>], vector<16xf32>,
        %swap3A_541 = arith.constant 32 : i32
        %swap3A_542 = arith.index_cast %swap3A_541 : i32 to index
        %swap3A_543 = arith.index_cast %mul3A_122 : i32 to index
        %swap3A_544 = tpu.vector_load %arg15[%swap3A_542, %swap3A_543] {strides = array<i32>} : memref<108x384xf32, #tpu.memory_space<vmem>>, vector<16xf32>,
        tpu.vector_store %arg15[%swap3A_542, %swap3A_543], %gather3A_480 {strides = array<i32>} : memref<108x384xf32, #tpu.memory_space<vmem>>, vector<16xf32>,
        %swap3A_545 = arith.constant 33 : i32
        %swap3A_546 = arith.index_cast %swap3A_545 : i32 to index
        %swap3A_547 = arith.index_cast %mul3A_122 : i32 to index
        %swap3A_548 = tpu.vector_load %arg15[%swap3A_546, %swap3A_547] {strides = array<i32>} : memref<108x384xf32, #tpu.memory_space<vmem>>, vector<16xf32>,
        tpu.vector_store %arg15[%swap3A_546, %swap3A_547], %gather3A_484 {strides = array<i32>} : memref<108x384xf32, #tpu.memory_space<vmem>>, vector<16xf32>,
        %swap3A_549 = arith.constant 34 : i32
        %swap3A_550 = arith.index_cast %swap3A_549 : i32 to index
        %swap3A_551 = arith.index_cast %mul3A_122 : i32 to index
        %swap3A_552 = tpu.vector_load %arg15[%swap3A_550, %swap3A_551] {strides = array<i32>} : memref<108x384xf32, #tpu.memory_space<vmem>>, vector<16xf32>,
        tpu.vector_store %arg15[%swap3A_550, %swap3A_551], %gather3A_488 {strides = array<i32>} : memref<108x384xf32, #tpu.memory_space<vmem>>, vector<16xf32>,
        %swap3A_553 = arith.constant 35 : i32
        %swap3A_554 = arith.index_cast %swap3A_553 : i32 to index
        %swap3A_555 = arith.index_cast %mul3A_122 : i32 to index
        %swap3A_556 = tpu.vector_load %arg15[%swap3A_554, %swap3A_555] {strides = array<i32>} : memref<108x384xf32, #tpu.memory_space<vmem>>, vector<16xf32>,
        tpu.vector_store %arg15[%swap3A_554, %swap3A_555], %gather3A_492 {strides = array<i32>} : memref<108x384xf32, #tpu.memory_space<vmem>>, vector<16xf32>,
        %swap3A_557 = arith.constant 36 : i32
        %swap3A_558 = arith.index_cast %swap3A_557 : i32 to index
        %swap3A_559 = arith.index_cast %mul3A_122 : i32 to index
        %swap3A_560 = tpu.vector_load %arg15[%swap3A_558, %swap3A_559] {strides = array<i32>} : memref<108x384xf32, #tpu.memory_space<vmem>>, vector<16xf32>,
        tpu.vector_store %arg15[%swap3A_558, %swap3A_559], %gather3A_496 {strides = array<i32>} : memref<108x384xf32, #tpu.memory_space<vmem>>, vector<16xf32>,
        %swap3A_561 = arith.constant 37 : i32
        %swap3A_562 = arith.index_cast %swap3A_561 : i32 to index
        %swap3A_563 = arith.index_cast %mul3A_122 : i32 to index
        %swap3A_564 = tpu.vector_load %arg15[%swap3A_562, %swap3A_563] {strides = array<i32>} : memref<108x384xf32, #tpu.memory_space<vmem>>, vector<16xf32>,
        tpu.vector_store %arg15[%swap3A_562, %swap3A_563], %gather3A_500 {strides = array<i32>} : memref<108x384xf32, #tpu.memory_space<vmem>>, vector<16xf32>,
        %swap3A_565 = arith.constant 38 : i32
        %swap3A_566 = arith.index_cast %swap3A_565 : i32 to index
        %swap3A_567 = arith.index_cast %mul3A_122 : i32 to index
        %swap3A_568 = tpu.vector_load %arg15[%swap3A_566, %swap3A_567] {strides = array<i32>} : memref<108x384xf32, #tpu.memory_space<vmem>>, vector<16xf32>,
        tpu.vector_store %arg15[%swap3A_566, %swap3A_567], %gather3A_504 {strides = array<i32>} : memref<108x384xf32, #tpu.memory_space<vmem>>, vector<16xf32>,
        %swap3A_569 = arith.constant 39 : i32
        %swap3A_570 = arith.index_cast %swap3A_569 : i32 to index
        %swap3A_571 = arith.index_cast %mul3A_122 : i32 to index
        %swap3A_572 = tpu.vector_load %arg15[%swap3A_570, %swap3A_571] {strides = array<i32>} : memref<108x384xf32, #tpu.memory_space<vmem>>, vector<16xf32>,
        tpu.vector_store %arg15[%swap3A_570, %swap3A_571], %gather3A_508 {strides = array<i32>} : memref<108x384xf32, #tpu.memory_space<vmem>>, vector<16xf32>,
        %swap3A_573 = arith.constant 40 : i32
        %swap3A_574 = arith.index_cast %swap3A_573 : i32 to index
        %swap3A_575 = arith.index_cast %mul3A_122 : i32 to index
        %swap3A_576 = tpu.vector_load %arg15[%swap3A_574, %swap3A_575] {strides = array<i32>} : memref<108x384xf32, #tpu.memory_space<vmem>>, vector<16xf32>,
        tpu.vector_store %arg15[%swap3A_574, %swap3A_575], %gather3A_512 {strides = array<i32>} : memref<108x384xf32, #tpu.memory_space<vmem>>, vector<16xf32>,
        %swap3A_577 = arith.constant 41 : i32
        %swap3A_578 = arith.index_cast %swap3A_577 : i32 to index
        %swap3A_579 = arith.index_cast %mul3A_122 : i32 to index
        %swap3A_580 = tpu.vector_load %arg15[%swap3A_578, %swap3A_579] {strides = array<i32>} : memref<108x384xf32, #tpu.memory_space<vmem>>, vector<16xf32>,
        tpu.vector_store %arg15[%swap3A_578, %swap3A_579], %gather3A_516 {strides = array<i32>} : memref<108x384xf32, #tpu.memory_space<vmem>>, vector<16xf32>,
        %swap3A_581 = arith.constant 42 : i32
        %swap3A_582 = arith.index_cast %swap3A_581 : i32 to index
        %swap3A_583 = arith.index_cast %mul3A_122 : i32 to index
        %swap3A_584 = tpu.vector_load %arg15[%swap3A_582, %swap3A_583] {strides = array<i32>} : memref<108x384xf32, #tpu.memory_space<vmem>>, vector<16xf32>,
        tpu.vector_store %arg15[%swap3A_582, %swap3A_583], %gather3A_520 {strides = array<i32>} : memref<108x384xf32, #tpu.memory_space<vmem>>, vector<16xf32>,
        %swap3A_585 = arith.constant 43 : i32
        %swap3A_586 = arith.index_cast %swap3A_585 : i32 to index
        %swap3A_587 = arith.index_cast %mul3A_122 : i32 to index
        %swap3A_588 = tpu.vector_load %arg15[%swap3A_586, %swap3A_587] {strides = array<i32>} : memref<108x384xf32, #tpu.memory_space<vmem>>, vector<16xf32>,
        tpu.vector_store %arg15[%swap3A_586, %swap3A_587], %gather3A_524 {strides = array<i32>} : memref<108x384xf32, #tpu.memory_space<vmem>>, vector<16xf32>,
        %swap3A_589 = arith.constant 44 : i32
        %swap3A_590 = arith.index_cast %swap3A_589 : i32 to index
        %swap3A_591 = arith.index_cast %mul3A_122 : i32 to index
        %swap3A_592 = tpu.vector_load %arg15[%swap3A_590, %swap3A_591] {strides = array<i32>} : memref<108x384xf32, #tpu.memory_space<vmem>>, vector<16xf32>,
        tpu.vector_store %arg15[%swap3A_590, %swap3A_591], %gather3A_528 {strides = array<i32>} : memref<108x384xf32, #tpu.memory_space<vmem>>, vector<16xf32>,
        %swap3A_593 = arith.constant 45 : i32
        %swap3A_594 = arith.index_cast %swap3A_593 : i32 to index
        %swap3A_595 = arith.index_cast %mul3A_122 : i32 to index
        %swap3A_596 = tpu.vector_load %arg15[%swap3A_594, %swap3A_595] {strides = array<i32>} : memref<108x384xf32, #tpu.memory_space<vmem>>, vector<16xf32>,
        tpu.vector_store %arg15[%swap3A_594, %swap3A_595], %gather3A_532 {strides = array<i32>} : memref<108x384xf32, #tpu.memory_space<vmem>>, vector<16xf32>,
        %swap3A_597 = arith.constant 46 : i32
        %swap3A_598 = arith.index_cast %swap3A_597 : i32 to index
        %swap3A_599 = arith.index_cast %mul3A_122 : i32 to index
        %swap3A_600 = tpu.vector_load %arg15[%swap3A_598, %swap3A_599] {strides = array<i32>} : memref<108x384xf32, #tpu.memory_space<vmem>>, vector<16xf32>,
        tpu.vector_store %arg15[%swap3A_598, %swap3A_599], %gather3A_536 {strides = array<i32>} : memref<108x384xf32, #tpu.memory_space<vmem>>, vector<16xf32>,
        %swap3A_601 = arith.constant 47 : i32
        %swap3A_602 = arith.index_cast %swap3A_601 : i32 to index
        %swap3A_603 = arith.index_cast %mul3A_122 : i32 to index
        %swap3A_604 = tpu.vector_load %arg15[%swap3A_602, %swap3A_603] {strides = array<i32>} : memref<108x384xf32, #tpu.memory_space<vmem>>, vector<16xf32>,
        tpu.vector_store %arg15[%swap3A_602, %swap3A_603], %gather3A_540 {strides = array<i32>} : memref<108x384xf32, #tpu.memory_space<vmem>>, vector<16xf32>,
        %add3A_605 = arith.constant 0 : i32
        %add3A_606 = vector.broadcast %add3A_605 : i32 to vector<16xi32>
        %add3A_607 = arith.addi %mul3A_213, %add3A_606 : vector<16xi32>
        %gather3A_608 = tpu.vector_load_idx %arg8[%add3A_607] : memref<14400xf32, #tpu.memory_space<vmem>>[vector<16xi32>], vector<16xf32>,
        %add3A_609 = arith.constant 1 : i32
        %add3A_610 = vector.broadcast %add3A_609 : i32 to vector<16xi32>
        %add3A_611 = arith.addi %mul3A_213, %add3A_610 : vector<16xi32>
        %gather3A_612 = tpu.vector_load_idx %arg8[%add3A_611] : memref<14400xf32, #tpu.memory_space<vmem>>[vector<16xi32>], vector<16xf32>,
        %add3A_613 = arith.constant 2 : i32
        %add3A_614 = vector.broadcast %add3A_613 : i32 to vector<16xi32>
        %add3A_615 = arith.addi %mul3A_213, %add3A_614 : vector<16xi32>
        %gather3A_616 = tpu.vector_load_idx %arg8[%add3A_615] : memref<14400xf32, #tpu.memory_space<vmem>>[vector<16xi32>], vector<16xf32>,
        %add3A_617 = arith.constant 3 : i32
        %add3A_618 = vector.broadcast %add3A_617 : i32 to vector<16xi32>
        %add3A_619 = arith.addi %mul3A_213, %add3A_618 : vector<16xi32>
        %gather3A_620 = tpu.vector_load_idx %arg8[%add3A_619] : memref<14400xf32, #tpu.memory_space<vmem>>[vector<16xi32>], vector<16xf32>,
        %add3A_621 = arith.constant 4 : i32
        %add3A_622 = vector.broadcast %add3A_621 : i32 to vector<16xi32>
        %add3A_623 = arith.addi %mul3A_213, %add3A_622 : vector<16xi32>
        %gather3A_624 = tpu.vector_load_idx %arg8[%add3A_623] : memref<14400xf32, #tpu.memory_space<vmem>>[vector<16xi32>], vector<16xf32>,
        %add3A_625 = arith.constant 5 : i32
        %add3A_626 = vector.broadcast %add3A_625 : i32 to vector<16xi32>
        %add3A_627 = arith.addi %mul3A_213, %add3A_626 : vector<16xi32>
        %gather3A_628 = tpu.vector_load_idx %arg8[%add3A_627] : memref<14400xf32, #tpu.memory_space<vmem>>[vector<16xi32>], vector<16xf32>,
        %add3A_629 = arith.constant 6 : i32
        %add3A_630 = vector.broadcast %add3A_629 : i32 to vector<16xi32>
        %add3A_631 = arith.addi %mul3A_213, %add3A_630 : vector<16xi32>
        %gather3A_632 = tpu.vector_load_idx %arg8[%add3A_631] : memref<14400xf32, #tpu.memory_space<vmem>>[vector<16xi32>], vector<16xf32>,
        %add3A_633 = arith.constant 7 : i32
        %add3A_634 = vector.broadcast %add3A_633 : i32 to vector<16xi32>
        %add3A_635 = arith.addi %mul3A_213, %add3A_634 : vector<16xi32>
        %gather3A_636 = tpu.vector_load_idx %arg8[%add3A_635] : memref<14400xf32, #tpu.memory_space<vmem>>[vector<16xi32>], vector<16xf32>,
        %add3A_637 = arith.constant 8 : i32
        %add3A_638 = vector.broadcast %add3A_637 : i32 to vector<16xi32>
        %add3A_639 = arith.addi %mul3A_213, %add3A_638 : vector<16xi32>
        %gather3A_640 = tpu.vector_load_idx %arg8[%add3A_639] : memref<14400xf32, #tpu.memory_space<vmem>>[vector<16xi32>], vector<16xf32>,
        %add3A_641 = arith.constant 9 : i32
        %add3A_642 = vector.broadcast %add3A_641 : i32 to vector<16xi32>
        %add3A_643 = arith.addi %mul3A_213, %add3A_642 : vector<16xi32>
        %gather3A_644 = tpu.vector_load_idx %arg8[%add3A_643] : memref<14400xf32, #tpu.memory_space<vmem>>[vector<16xi32>], vector<16xf32>,
        %add3A_645 = arith.constant 10 : i32
        %add3A_646 = vector.broadcast %add3A_645 : i32 to vector<16xi32>
        %add3A_647 = arith.addi %mul3A_213, %add3A_646 : vector<16xi32>
        %gather3A_648 = tpu.vector_load_idx %arg8[%add3A_647] : memref<14400xf32, #tpu.memory_space<vmem>>[vector<16xi32>], vector<16xf32>,
        %add3A_649 = arith.constant 11 : i32
        %add3A_650 = vector.broadcast %add3A_649 : i32 to vector<16xi32>
        %add3A_651 = arith.addi %mul3A_213, %add3A_650 : vector<16xi32>
        %gather3A_652 = tpu.vector_load_idx %arg8[%add3A_651] : memref<14400xf32, #tpu.memory_space<vmem>>[vector<16xi32>], vector<16xf32>,
        %add3A_653 = arith.constant 12 : i32
        %add3A_654 = vector.broadcast %add3A_653 : i32 to vector<16xi32>
        %add3A_655 = arith.addi %mul3A_213, %add3A_654 : vector<16xi32>
        %gather3A_656 = tpu.vector_load_idx %arg8[%add3A_655] : memref<14400xf32, #tpu.memory_space<vmem>>[vector<16xi32>], vector<16xf32>,
        %add3A_657 = arith.constant 13 : i32
        %add3A_658 = vector.broadcast %add3A_657 : i32 to vector<16xi32>
        %add3A_659 = arith.addi %mul3A_213, %add3A_658 : vector<16xi32>
        %gather3A_660 = tpu.vector_load_idx %arg8[%add3A_659] : memref<14400xf32, #tpu.memory_space<vmem>>[vector<16xi32>], vector<16xf32>,
        %add3A_661 = arith.constant 14 : i32
        %add3A_662 = vector.broadcast %add3A_661 : i32 to vector<16xi32>
        %add3A_663 = arith.addi %mul3A_213, %add3A_662 : vector<16xi32>
        %gather3A_664 = tpu.vector_load_idx %arg8[%add3A_663] : memref<14400xf32, #tpu.memory_space<vmem>>[vector<16xi32>], vector<16xf32>,
        %add3A_665 = arith.constant 15 : i32
        %add3A_666 = vector.broadcast %add3A_665 : i32 to vector<16xi32>
        %add3A_667 = arith.addi %mul3A_213, %add3A_666 : vector<16xi32>
        %gather3A_668 = tpu.vector_load_idx %arg8[%add3A_667] : memref<14400xf32, #tpu.memory_space<vmem>>[vector<16xi32>], vector<16xf32>,
        %swap3A_669 = arith.constant 48 : i32
        %swap3A_670 = arith.index_cast %swap3A_669 : i32 to index
        %swap3A_671 = arith.index_cast %mul3A_122 : i32 to index
        %swap3A_672 = tpu.vector_load %arg15[%swap3A_670, %swap3A_671] {strides = array<i32>} : memref<108x384xf32, #tpu.memory_space<vmem>>, vector<16xf32>,
        tpu.vector_store %arg15[%swap3A_670, %swap3A_671], %gather3A_608 {strides = array<i32>} : memref<108x384xf32, #tpu.memory_space<vmem>>, vector<16xf32>,
        %swap3A_673 = arith.constant 49 : i32
        %swap3A_674 = arith.index_cast %swap3A_673 : i32 to index
        %swap3A_675 = arith.index_cast %mul3A_122 : i32 to index
        %swap3A_676 = tpu.vector_load %arg15[%swap3A_674, %swap3A_675] {strides = array<i32>} : memref<108x384xf32, #tpu.memory_space<vmem>>, vector<16xf32>,
        tpu.vector_store %arg15[%swap3A_674, %swap3A_675], %gather3A_612 {strides = array<i32>} : memref<108x384xf32, #tpu.memory_space<vmem>>, vector<16xf32>,
        %swap3A_677 = arith.constant 50 : i32
        %swap3A_678 = arith.index_cast %swap3A_677 : i32 to index
        %swap3A_679 = arith.index_cast %mul3A_122 : i32 to index
        %swap3A_680 = tpu.vector_load %arg15[%swap3A_678, %swap3A_679] {strides = array<i32>} : memref<108x384xf32, #tpu.memory_space<vmem>>, vector<16xf32>,
        tpu.vector_store %arg15[%swap3A_678, %swap3A_679], %gather3A_616 {strides = array<i32>} : memref<108x384xf32, #tpu.memory_space<vmem>>, vector<16xf32>,
        %swap3A_681 = arith.constant 51 : i32
        %swap3A_682 = arith.index_cast %swap3A_681 : i32 to index
        %swap3A_683 = arith.index_cast %mul3A_122 : i32 to index
        %swap3A_684 = tpu.vector_load %arg15[%swap3A_682, %swap3A_683] {strides = array<i32>} : memref<108x384xf32, #tpu.memory_space<vmem>>, vector<16xf32>,
        tpu.vector_store %arg15[%swap3A_682, %swap3A_683], %gather3A_620 {strides = array<i32>} : memref<108x384xf32, #tpu.memory_space<vmem>>, vector<16xf32>,
        %swap3A_685 = arith.constant 52 : i32
        %swap3A_686 = arith.index_cast %swap3A_685 : i32 to index
        %swap3A_687 = arith.index_cast %mul3A_122 : i32 to index
        %swap3A_688 = tpu.vector_load %arg15[%swap3A_686, %swap3A_687] {strides = array<i32>} : memref<108x384xf32, #tpu.memory_space<vmem>>, vector<16xf32>,
        tpu.vector_store %arg15[%swap3A_686, %swap3A_687], %gather3A_624 {strides = array<i32>} : memref<108x384xf32, #tpu.memory_space<vmem>>, vector<16xf32>,
        %swap3A_689 = arith.constant 53 : i32
        %swap3A_690 = arith.index_cast %swap3A_689 : i32 to index
        %swap3A_691 = arith.index_cast %mul3A_122 : i32 to index
        %swap3A_692 = tpu.vector_load %arg15[%swap3A_690, %swap3A_691] {strides = array<i32>} : memref<108x384xf32, #tpu.memory_space<vmem>>, vector<16xf32>,
        tpu.vector_store %arg15[%swap3A_690, %swap3A_691], %gather3A_628 {strides = array<i32>} : memref<108x384xf32, #tpu.memory_space<vmem>>, vector<16xf32>,
        %swap3A_693 = arith.constant 54 : i32
        %swap3A_694 = arith.index_cast %swap3A_693 : i32 to index
        %swap3A_695 = arith.index_cast %mul3A_122 : i32 to index
        %swap3A_696 = tpu.vector_load %arg15[%swap3A_694, %swap3A_695] {strides = array<i32>} : memref<108x384xf32, #tpu.memory_space<vmem>>, vector<16xf32>,
        tpu.vector_store %arg15[%swap3A_694, %swap3A_695], %gather3A_632 {strides = array<i32>} : memref<108x384xf32, #tpu.memory_space<vmem>>, vector<16xf32>,
        %swap3A_697 = arith.constant 55 : i32
        %swap3A_698 = arith.index_cast %swap3A_697 : i32 to index
        %swap3A_699 = arith.index_cast %mul3A_122 : i32 to index
        %swap3A_700 = tpu.vector_load %arg15[%swap3A_698, %swap3A_699] {strides = array<i32>} : memref<108x384xf32, #tpu.memory_space<vmem>>, vector<16xf32>,
        tpu.vector_store %arg15[%swap3A_698, %swap3A_699], %gather3A_636 {strides = array<i32>} : memref<108x384xf32, #tpu.memory_space<vmem>>, vector<16xf32>,
        %swap3A_701 = arith.constant 56 : i32
        %swap3A_702 = arith.index_cast %swap3A_701 : i32 to index
        %swap3A_703 = arith.index_cast %mul3A_122 : i32 to index
        %swap3A_704 = tpu.vector_load %arg15[%swap3A_702, %swap3A_703] {strides = array<i32>} : memref<108x384xf32, #tpu.memory_space<vmem>>, vector<16xf32>,
        tpu.vector_store %arg15[%swap3A_702, %swap3A_703], %gather3A_640 {strides = array<i32>} : memref<108x384xf32, #tpu.memory_space<vmem>>, vector<16xf32>,
        %swap3A_705 = arith.constant 57 : i32
        %swap3A_706 = arith.index_cast %swap3A_705 : i32 to index
        %swap3A_707 = arith.index_cast %mul3A_122 : i32 to index
        %swap3A_708 = tpu.vector_load %arg15[%swap3A_706, %swap3A_707] {strides = array<i32>} : memref<108x384xf32, #tpu.memory_space<vmem>>, vector<16xf32>,
        tpu.vector_store %arg15[%swap3A_706, %swap3A_707], %gather3A_644 {strides = array<i32>} : memref<108x384xf32, #tpu.memory_space<vmem>>, vector<16xf32>,
        %swap3A_709 = arith.constant 58 : i32
        %swap3A_710 = arith.index_cast %swap3A_709 : i32 to index
        %swap3A_711 = arith.index_cast %mul3A_122 : i32 to index
        %swap3A_712 = tpu.vector_load %arg15[%swap3A_710, %swap3A_711] {strides = array<i32>} : memref<108x384xf32, #tpu.memory_space<vmem>>, vector<16xf32>,
        tpu.vector_store %arg15[%swap3A_710, %swap3A_711], %gather3A_648 {strides = array<i32>} : memref<108x384xf32, #tpu.memory_space<vmem>>, vector<16xf32>,
        %swap3A_713 = arith.constant 59 : i32
        %swap3A_714 = arith.index_cast %swap3A_713 : i32 to index
        %swap3A_715 = arith.index_cast %mul3A_122 : i32 to index
        %swap3A_716 = tpu.vector_load %arg15[%swap3A_714, %swap3A_715] {strides = array<i32>} : memref<108x384xf32, #tpu.memory_space<vmem>>, vector<16xf32>,
        tpu.vector_store %arg15[%swap3A_714, %swap3A_715], %gather3A_652 {strides = array<i32>} : memref<108x384xf32, #tpu.memory_space<vmem>>, vector<16xf32>,
        %swap3A_717 = arith.constant 60 : i32
        %swap3A_718 = arith.index_cast %swap3A_717 : i32 to index
        %swap3A_719 = arith.index_cast %mul3A_122 : i32 to index
        %swap3A_720 = tpu.vector_load %arg15[%swap3A_718, %swap3A_719] {strides = array<i32>} : memref<108x384xf32, #tpu.memory_space<vmem>>, vector<16xf32>,
        tpu.vector_store %arg15[%swap3A_718, %swap3A_719], %gather3A_656 {strides = array<i32>} : memref<108x384xf32, #tpu.memory_space<vmem>>, vector<16xf32>,
        %swap3A_721 = arith.constant 61 : i32
        %swap3A_722 = arith.index_cast %swap3A_721 : i32 to index
        %swap3A_723 = arith.index_cast %mul3A_122 : i32 to index
        %swap3A_724 = tpu.vector_load %arg15[%swap3A_722, %swap3A_723] {strides = array<i32>} : memref<108x384xf32, #tpu.memory_space<vmem>>, vector<16xf32>,
        tpu.vector_store %arg15[%swap3A_722, %swap3A_723], %gather3A_660 {strides = array<i32>} : memref<108x384xf32, #tpu.memory_space<vmem>>, vector<16xf32>,
        %swap3A_725 = arith.constant 62 : i32
        %swap3A_726 = arith.index_cast %swap3A_725 : i32 to index
        %swap3A_727 = arith.index_cast %mul3A_122 : i32 to index
        %swap3A_728 = tpu.vector_load %arg15[%swap3A_726, %swap3A_727] {strides = array<i32>} : memref<108x384xf32, #tpu.memory_space<vmem>>, vector<16xf32>,
        tpu.vector_store %arg15[%swap3A_726, %swap3A_727], %gather3A_664 {strides = array<i32>} : memref<108x384xf32, #tpu.memory_space<vmem>>, vector<16xf32>,
        %swap3A_729 = arith.constant 63 : i32
        %swap3A_730 = arith.index_cast %swap3A_729 : i32 to index
        %swap3A_731 = arith.index_cast %mul3A_122 : i32 to index
        %swap3A_732 = tpu.vector_load %arg15[%swap3A_730, %swap3A_731] {strides = array<i32>} : memref<108x384xf32, #tpu.memory_space<vmem>>, vector<16xf32>,
        tpu.vector_store %arg15[%swap3A_730, %swap3A_731], %gather3A_668 {strides = array<i32>} : memref<108x384xf32, #tpu.memory_space<vmem>>, vector<16xf32>,
        %add3A_733 = arith.constant 16 : i32
        %add3A_734 = vector.broadcast %add3A_733 : i32 to vector<16xi32>
        %add3A_735 = arith.addi %mul3A_213, %add3A_734 : vector<16xi32>
        %gather3A_736 = tpu.vector_load_idx %arg8[%add3A_735] : memref<14400xf32, #tpu.memory_space<vmem>>[vector<16xi32>], vector<16xf32>,
        %add3A_737 = arith.constant 17 : i32
        %add3A_738 = vector.broadcast %add3A_737 : i32 to vector<16xi32>
        %add3A_739 = arith.addi %mul3A_213, %add3A_738 : vector<16xi32>
        %gather3A_740 = tpu.vector_load_idx %arg8[%add3A_739] : memref<14400xf32, #tpu.memory_space<vmem>>[vector<16xi32>], vector<16xf32>,
        %add3A_741 = arith.constant 18 : i32
        %add3A_742 = vector.broadcast %add3A_741 : i32 to vector<16xi32>
        %add3A_743 = arith.addi %mul3A_213, %add3A_742 : vector<16xi32>
        %gather3A_744 = tpu.vector_load_idx %arg8[%add3A_743] : memref<14400xf32, #tpu.memory_space<vmem>>[vector<16xi32>], vector<16xf32>,
        %add3A_745 = arith.constant 19 : i32
        %add3A_746 = vector.broadcast %add3A_745 : i32 to vector<16xi32>
        %add3A_747 = arith.addi %mul3A_213, %add3A_746 : vector<16xi32>
        %gather3A_748 = tpu.vector_load_idx %arg8[%add3A_747] : memref<14400xf32, #tpu.memory_space<vmem>>[vector<16xi32>], vector<16xf32>,
        %add3A_749 = arith.constant 20 : i32
        %add3A_750 = vector.broadcast %add3A_749 : i32 to vector<16xi32>
        %add3A_751 = arith.addi %mul3A_213, %add3A_750 : vector<16xi32>
        %gather3A_752 = tpu.vector_load_idx %arg8[%add3A_751] : memref<14400xf32, #tpu.memory_space<vmem>>[vector<16xi32>], vector<16xf32>,
        %add3A_753 = arith.constant 21 : i32
        %add3A_754 = vector.broadcast %add3A_753 : i32 to vector<16xi32>
        %add3A_755 = arith.addi %mul3A_213, %add3A_754 : vector<16xi32>
        %gather3A_756 = tpu.vector_load_idx %arg8[%add3A_755] : memref<14400xf32, #tpu.memory_space<vmem>>[vector<16xi32>], vector<16xf32>,
        %add3A_757 = arith.constant 22 : i32
        %add3A_758 = vector.broadcast %add3A_757 : i32 to vector<16xi32>
        %add3A_759 = arith.addi %mul3A_213, %add3A_758 : vector<16xi32>
        %gather3A_760 = tpu.vector_load_idx %arg8[%add3A_759] : memref<14400xf32, #tpu.memory_space<vmem>>[vector<16xi32>], vector<16xf32>,
        %add3A_761 = arith.constant 23 : i32
        %add3A_762 = vector.broadcast %add3A_761 : i32 to vector<16xi32>
        %add3A_763 = arith.addi %mul3A_213, %add3A_762 : vector<16xi32>
        %gather3A_764 = tpu.vector_load_idx %arg8[%add3A_763] : memref<14400xf32, #tpu.memory_space<vmem>>[vector<16xi32>], vector<16xf32>,
        %add3A_765 = arith.constant 0 : i32
        %add3A_766 = vector.broadcast %add3A_765 : i32 to vector<16xi32>
        %add3A_767 = arith.addi %mul3A_216, %add3A_766 : vector<16xi32>
        %gather3A_768 = tpu.vector_load_idx %arg9[%add3A_767] : memref<2400xf32, #tpu.memory_space<vmem>>[vector<16xi32>], vector<16xf32>,
        %add3A_769 = arith.constant 1 : i32
        %add3A_770 = vector.broadcast %add3A_769 : i32 to vector<16xi32>
        %add3A_771 = arith.addi %mul3A_216, %add3A_770 : vector<16xi32>
        %gather3A_772 = tpu.vector_load_idx %arg9[%add3A_771] : memref<2400xf32, #tpu.memory_space<vmem>>[vector<16xi32>], vector<16xf32>,
        %add3A_773 = arith.constant 2 : i32
        %add3A_774 = vector.broadcast %add3A_773 : i32 to vector<16xi32>
        %add3A_775 = arith.addi %mul3A_216, %add3A_774 : vector<16xi32>
        %gather3A_776 = tpu.vector_load_idx %arg9[%add3A_775] : memref<2400xf32, #tpu.memory_space<vmem>>[vector<16xi32>], vector<16xf32>,
        %add3A_777 = arith.constant 3 : i32
        %add3A_778 = vector.broadcast %add3A_777 : i32 to vector<16xi32>
        %add3A_779 = arith.addi %mul3A_216, %add3A_778 : vector<16xi32>
        %gather3A_780 = tpu.vector_load_idx %arg9[%add3A_779] : memref<2400xf32, #tpu.memory_space<vmem>>[vector<16xi32>], vector<16xf32>,
        %add3A_781 = arith.constant 4 : i32
        %add3A_782 = vector.broadcast %add3A_781 : i32 to vector<16xi32>
        %add3A_783 = arith.addi %mul3A_216, %add3A_782 : vector<16xi32>
        %gather3A_784 = tpu.vector_load_idx %arg9[%add3A_783] : memref<2400xf32, #tpu.memory_space<vmem>>[vector<16xi32>], vector<16xf32>,
        %add3A_785 = arith.constant 5 : i32
        %add3A_786 = vector.broadcast %add3A_785 : i32 to vector<16xi32>
        %add3A_787 = arith.addi %mul3A_216, %add3A_786 : vector<16xi32>
        %gather3A_788 = tpu.vector_load_idx %arg9[%add3A_787] : memref<2400xf32, #tpu.memory_space<vmem>>[vector<16xi32>], vector<16xf32>,
        %add3A_789 = arith.constant 6 : i32
        %add3A_790 = vector.broadcast %add3A_789 : i32 to vector<16xi32>
        %add3A_791 = arith.addi %mul3A_216, %add3A_790 : vector<16xi32>
        %gather3A_792 = tpu.vector_load_idx %arg9[%add3A_791] : memref<2400xf32, #tpu.memory_space<vmem>>[vector<16xi32>], vector<16xf32>,
        %add3A_793 = arith.constant 7 : i32
        %add3A_794 = vector.broadcast %add3A_793 : i32 to vector<16xi32>
        %add3A_795 = arith.addi %mul3A_216, %add3A_794 : vector<16xi32>
        %gather3A_796 = tpu.vector_load_idx %arg9[%add3A_795] : memref<2400xf32, #tpu.memory_space<vmem>>[vector<16xi32>], vector<16xf32>,
        %swap3A_797 = arith.constant 64 : i32
        %swap3A_798 = arith.index_cast %swap3A_797 : i32 to index
        %swap3A_799 = arith.index_cast %mul3A_122 : i32 to index
        %swap3A_800 = tpu.vector_load %arg15[%swap3A_798, %swap3A_799] {strides = array<i32>} : memref<108x384xf32, #tpu.memory_space<vmem>>, vector<16xf32>,
        tpu.vector_store %arg15[%swap3A_798, %swap3A_799], %gather3A_736 {strides = array<i32>} : memref<108x384xf32, #tpu.memory_space<vmem>>, vector<16xf32>,
        %swap3A_801 = arith.constant 65 : i32
        %swap3A_802 = arith.index_cast %swap3A_801 : i32 to index
        %swap3A_803 = arith.index_cast %mul3A_122 : i32 to index
        %swap3A_804 = tpu.vector_load %arg15[%swap3A_802, %swap3A_803] {strides = array<i32>} : memref<108x384xf32, #tpu.memory_space<vmem>>, vector<16xf32>,
        tpu.vector_store %arg15[%swap3A_802, %swap3A_803], %gather3A_740 {strides = array<i32>} : memref<108x384xf32, #tpu.memory_space<vmem>>, vector<16xf32>,
        %swap3A_805 = arith.constant 66 : i32
        %swap3A_806 = arith.index_cast %swap3A_805 : i32 to index
        %swap3A_807 = arith.index_cast %mul3A_122 : i32 to index
        %swap3A_808 = tpu.vector_load %arg15[%swap3A_806, %swap3A_807] {strides = array<i32>} : memref<108x384xf32, #tpu.memory_space<vmem>>, vector<16xf32>,
        tpu.vector_store %arg15[%swap3A_806, %swap3A_807], %gather3A_744 {strides = array<i32>} : memref<108x384xf32, #tpu.memory_space<vmem>>, vector<16xf32>,
        %swap3A_809 = arith.constant 67 : i32
        %swap3A_810 = arith.index_cast %swap3A_809 : i32 to index
        %swap3A_811 = arith.index_cast %mul3A_122 : i32 to index
        %swap3A_812 = tpu.vector_load %arg15[%swap3A_810, %swap3A_811] {strides = array<i32>} : memref<108x384xf32, #tpu.memory_space<vmem>>, vector<16xf32>,
        tpu.vector_store %arg15[%swap3A_810, %swap3A_811], %gather3A_748 {strides = array<i32>} : memref<108x384xf32, #tpu.memory_space<vmem>>, vector<16xf32>,
        %swap3A_813 = arith.constant 68 : i32
        %swap3A_814 = arith.index_cast %swap3A_813 : i32 to index
        %swap3A_815 = arith.index_cast %mul3A_122 : i32 to index
        %swap3A_816 = tpu.vector_load %arg15[%swap3A_814, %swap3A_815] {strides = array<i32>} : memref<108x384xf32, #tpu.memory_space<vmem>>, vector<16xf32>,
        tpu.vector_store %arg15[%swap3A_814, %swap3A_815], %gather3A_752 {strides = array<i32>} : memref<108x384xf32, #tpu.memory_space<vmem>>, vector<16xf32>,
        %swap3A_817 = arith.constant 69 : i32
        %swap3A_818 = arith.index_cast %swap3A_817 : i32 to index
        %swap3A_819 = arith.index_cast %mul3A_122 : i32 to index
        %swap3A_820 = tpu.vector_load %arg15[%swap3A_818, %swap3A_819] {strides = array<i32>} : memref<108x384xf32, #tpu.memory_space<vmem>>, vector<16xf32>,
        tpu.vector_store %arg15[%swap3A_818, %swap3A_819], %gather3A_756 {strides = array<i32>} : memref<108x384xf32, #tpu.memory_space<vmem>>, vector<16xf32>,
        %swap3A_821 = arith.constant 70 : i32
        %swap3A_822 = arith.index_cast %swap3A_821 : i32 to index
        %swap3A_823 = arith.index_cast %mul3A_122 : i32 to index
        %swap3A_824 = tpu.vector_load %arg15[%swap3A_822, %swap3A_823] {strides = array<i32>} : memref<108x384xf32, #tpu.memory_space<vmem>>, vector<16xf32>,
        tpu.vector_store %arg15[%swap3A_822, %swap3A_823], %gather3A_760 {strides = array<i32>} : memref<108x384xf32, #tpu.memory_space<vmem>>, vector<16xf32>,
        %swap3A_825 = arith.constant 71 : i32
        %swap3A_826 = arith.index_cast %swap3A_825 : i32 to index
        %swap3A_827 = arith.index_cast %mul3A_122 : i32 to index
        %swap3A_828 = tpu.vector_load %arg15[%swap3A_826, %swap3A_827] {strides = array<i32>} : memref<108x384xf32, #tpu.memory_space<vmem>>, vector<16xf32>,
        tpu.vector_store %arg15[%swap3A_826, %swap3A_827], %gather3A_764 {strides = array<i32>} : memref<108x384xf32, #tpu.memory_space<vmem>>, vector<16xf32>,
        %swap3A_829 = arith.constant 72 : i32
        %swap3A_830 = arith.index_cast %swap3A_829 : i32 to index
        %swap3A_831 = arith.index_cast %mul3A_122 : i32 to index
        %swap3A_832 = tpu.vector_load %arg15[%swap3A_830, %swap3A_831] {strides = array<i32>} : memref<108x384xf32, #tpu.memory_space<vmem>>, vector<16xf32>,
        tpu.vector_store %arg15[%swap3A_830, %swap3A_831], %gather3A_768 {strides = array<i32>} : memref<108x384xf32, #tpu.memory_space<vmem>>, vector<16xf32>,
        %swap3A_833 = arith.constant 73 : i32
        %swap3A_834 = arith.index_cast %swap3A_833 : i32 to index
        %swap3A_835 = arith.index_cast %mul3A_122 : i32 to index
        %swap3A_836 = tpu.vector_load %arg15[%swap3A_834, %swap3A_835] {strides = array<i32>} : memref<108x384xf32, #tpu.memory_space<vmem>>, vector<16xf32>,
        tpu.vector_store %arg15[%swap3A_834, %swap3A_835], %gather3A_772 {strides = array<i32>} : memref<108x384xf32, #tpu.memory_space<vmem>>, vector<16xf32>,
        %swap3A_837 = arith.constant 74 : i32
        %swap3A_838 = arith.index_cast %swap3A_837 : i32 to index
        %swap3A_839 = arith.index_cast %mul3A_122 : i32 to index
        %swap3A_840 = tpu.vector_load %arg15[%swap3A_838, %swap3A_839] {strides = array<i32>} : memref<108x384xf32, #tpu.memory_space<vmem>>, vector<16xf32>,
        tpu.vector_store %arg15[%swap3A_838, %swap3A_839], %gather3A_776 {strides = array<i32>} : memref<108x384xf32, #tpu.memory_space<vmem>>, vector<16xf32>,
        %swap3A_841 = arith.constant 75 : i32
        %swap3A_842 = arith.index_cast %swap3A_841 : i32 to index
        %swap3A_843 = arith.index_cast %mul3A_122 : i32 to index
        %swap3A_844 = tpu.vector_load %arg15[%swap3A_842, %swap3A_843] {strides = array<i32>} : memref<108x384xf32, #tpu.memory_space<vmem>>, vector<16xf32>,
        tpu.vector_store %arg15[%swap3A_842, %swap3A_843], %gather3A_780 {strides = array<i32>} : memref<108x384xf32, #tpu.memory_space<vmem>>, vector<16xf32>,
        %swap3A_845 = arith.constant 76 : i32
        %swap3A_846 = arith.index_cast %swap3A_845 : i32 to index
        %swap3A_847 = arith.index_cast %mul3A_122 : i32 to index
        %swap3A_848 = tpu.vector_load %arg15[%swap3A_846, %swap3A_847] {strides = array<i32>} : memref<108x384xf32, #tpu.memory_space<vmem>>, vector<16xf32>,
        tpu.vector_store %arg15[%swap3A_846, %swap3A_847], %gather3A_784 {strides = array<i32>} : memref<108x384xf32, #tpu.memory_space<vmem>>, vector<16xf32>,
        %swap3A_849 = arith.constant 77 : i32
        %swap3A_850 = arith.index_cast %swap3A_849 : i32 to index
        %swap3A_851 = arith.index_cast %mul3A_122 : i32 to index
        %swap3A_852 = tpu.vector_load %arg15[%swap3A_850, %swap3A_851] {strides = array<i32>} : memref<108x384xf32, #tpu.memory_space<vmem>>, vector<16xf32>,
        tpu.vector_store %arg15[%swap3A_850, %swap3A_851], %gather3A_788 {strides = array<i32>} : memref<108x384xf32, #tpu.memory_space<vmem>>, vector<16xf32>,
        %swap3A_853 = arith.constant 78 : i32
        %swap3A_854 = arith.index_cast %swap3A_853 : i32 to index
        %swap3A_855 = arith.index_cast %mul3A_122 : i32 to index
        %swap3A_856 = tpu.vector_load %arg15[%swap3A_854, %swap3A_855] {strides = array<i32>} : memref<108x384xf32, #tpu.memory_space<vmem>>, vector<16xf32>,
        tpu.vector_store %arg15[%swap3A_854, %swap3A_855], %gather3A_792 {strides = array<i32>} : memref<108x384xf32, #tpu.memory_space<vmem>>, vector<16xf32>,
        %swap3A_857 = arith.constant 79 : i32
        %swap3A_858 = arith.index_cast %swap3A_857 : i32 to index
        %swap3A_859 = arith.index_cast %mul3A_122 : i32 to index
        %swap3A_860 = tpu.vector_load %arg15[%swap3A_858, %swap3A_859] {strides = array<i32>} : memref<108x384xf32, #tpu.memory_space<vmem>>, vector<16xf32>,
        tpu.vector_store %arg15[%swap3A_858, %swap3A_859], %gather3A_796 {strides = array<i32>} : memref<108x384xf32, #tpu.memory_space<vmem>>, vector<16xf32>,
        %add3A_861 = arith.constant 8 : i32
        %add3A_862 = vector.broadcast %add3A_861 : i32 to vector<16xi32>
        %add3A_863 = arith.addi %mul3A_216, %add3A_862 : vector<16xi32>
        %gather3A_864 = tpu.vector_load_idx %arg9[%add3A_863] : memref<2400xf32, #tpu.memory_space<vmem>>[vector<16xi32>], vector<16xf32>,
        %add3A_865 = arith.constant 9 : i32
        %add3A_866 = vector.broadcast %add3A_865 : i32 to vector<16xi32>
        %add3A_867 = arith.addi %mul3A_216, %add3A_866 : vector<16xi32>
        %gather3A_868 = tpu.vector_load_idx %arg9[%add3A_867] : memref<2400xf32, #tpu.memory_space<vmem>>[vector<16xi32>], vector<16xf32>,
        %add3A_869 = arith.constant 10 : i32
        %add3A_870 = vector.broadcast %add3A_869 : i32 to vector<16xi32>
        %add3A_871 = arith.addi %mul3A_216, %add3A_870 : vector<16xi32>
        %gather3A_872 = tpu.vector_load_idx %arg9[%add3A_871] : memref<2400xf32, #tpu.memory_space<vmem>>[vector<16xi32>], vector<16xf32>,
        %add3A_873 = arith.constant 11 : i32
        %add3A_874 = vector.broadcast %add3A_873 : i32 to vector<16xi32>
        %add3A_875 = arith.addi %mul3A_216, %add3A_874 : vector<16xi32>
        %gather3A_876 = tpu.vector_load_idx %arg9[%add3A_875] : memref<2400xf32, #tpu.memory_space<vmem>>[vector<16xi32>], vector<16xf32>,
        %add3A_877 = arith.constant 12 : i32
        %add3A_878 = vector.broadcast %add3A_877 : i32 to vector<16xi32>
        %add3A_879 = arith.addi %mul3A_216, %add3A_878 : vector<16xi32>
        %gather3A_880 = tpu.vector_load_idx %arg9[%add3A_879] : memref<2400xf32, #tpu.memory_space<vmem>>[vector<16xi32>], vector<16xf32>,
        %add3A_881 = arith.constant 13 : i32
        %add3A_882 = vector.broadcast %add3A_881 : i32 to vector<16xi32>
        %add3A_883 = arith.addi %mul3A_216, %add3A_882 : vector<16xi32>
        %gather3A_884 = tpu.vector_load_idx %arg9[%add3A_883] : memref<2400xf32, #tpu.memory_space<vmem>>[vector<16xi32>], vector<16xf32>,
        %add3A_885 = arith.constant 14 : i32
        %add3A_886 = vector.broadcast %add3A_885 : i32 to vector<16xi32>
        %add3A_887 = arith.addi %mul3A_216, %add3A_886 : vector<16xi32>
        %gather3A_888 = tpu.vector_load_idx %arg9[%add3A_887] : memref<2400xf32, #tpu.memory_space<vmem>>[vector<16xi32>], vector<16xf32>,
        %add3A_889 = arith.constant 15 : i32
        %add3A_890 = vector.broadcast %add3A_889 : i32 to vector<16xi32>
        %add3A_891 = arith.addi %mul3A_216, %add3A_890 : vector<16xi32>
        %gather3A_892 = tpu.vector_load_idx %arg9[%add3A_891] : memref<2400xf32, #tpu.memory_space<vmem>>[vector<16xi32>], vector<16xf32>,
        %add3A_893 = arith.constant 16 : i32
        %add3A_894 = vector.broadcast %add3A_893 : i32 to vector<16xi32>
        %add3A_895 = arith.addi %mul3A_216, %add3A_894 : vector<16xi32>
        %gather3A_896 = tpu.vector_load_idx %arg9[%add3A_895] : memref<2400xf32, #tpu.memory_space<vmem>>[vector<16xi32>], vector<16xf32>,
        %add3A_897 = arith.constant 17 : i32
        %add3A_898 = vector.broadcast %add3A_897 : i32 to vector<16xi32>
        %add3A_899 = arith.addi %mul3A_216, %add3A_898 : vector<16xi32>
        %gather3A_900 = tpu.vector_load_idx %arg9[%add3A_899] : memref<2400xf32, #tpu.memory_space<vmem>>[vector<16xi32>], vector<16xf32>,
        %add3A_901 = arith.constant 18 : i32
        %add3A_902 = vector.broadcast %add3A_901 : i32 to vector<16xi32>
        %add3A_903 = arith.addi %mul3A_216, %add3A_902 : vector<16xi32>
        %gather3A_904 = tpu.vector_load_idx %arg9[%add3A_903] : memref<2400xf32, #tpu.memory_space<vmem>>[vector<16xi32>], vector<16xf32>,
        %add3A_905 = arith.constant 19 : i32
        %add3A_906 = vector.broadcast %add3A_905 : i32 to vector<16xi32>
        %add3A_907 = arith.addi %mul3A_216, %add3A_906 : vector<16xi32>
        %gather3A_908 = tpu.vector_load_idx %arg9[%add3A_907] : memref<2400xf32, #tpu.memory_space<vmem>>[vector<16xi32>], vector<16xf32>,
        %add3A_909 = arith.constant 20 : i32
        %add3A_910 = vector.broadcast %add3A_909 : i32 to vector<16xi32>
        %add3A_911 = arith.addi %mul3A_216, %add3A_910 : vector<16xi32>
        %gather3A_912 = tpu.vector_load_idx %arg9[%add3A_911] : memref<2400xf32, #tpu.memory_space<vmem>>[vector<16xi32>], vector<16xf32>,
        %add3A_913 = arith.constant 21 : i32
        %add3A_914 = vector.broadcast %add3A_913 : i32 to vector<16xi32>
        %add3A_915 = arith.addi %mul3A_216, %add3A_914 : vector<16xi32>
        %gather3A_916 = tpu.vector_load_idx %arg9[%add3A_915] : memref<2400xf32, #tpu.memory_space<vmem>>[vector<16xi32>], vector<16xf32>,
        %add3A_917 = arith.constant 22 : i32
        %add3A_918 = vector.broadcast %add3A_917 : i32 to vector<16xi32>
        %add3A_919 = arith.addi %mul3A_216, %add3A_918 : vector<16xi32>
        %gather3A_920 = tpu.vector_load_idx %arg9[%add3A_919] : memref<2400xf32, #tpu.memory_space<vmem>>[vector<16xi32>], vector<16xf32>,
        %add3A_921 = arith.constant 23 : i32
        %add3A_922 = vector.broadcast %add3A_921 : i32 to vector<16xi32>
        %add3A_923 = arith.addi %mul3A_216, %add3A_922 : vector<16xi32>
        %gather3A_924 = tpu.vector_load_idx %arg9[%add3A_923] : memref<2400xf32, #tpu.memory_space<vmem>>[vector<16xi32>], vector<16xf32>,
        %swap3A_925 = arith.constant 80 : i32
        %swap3A_926 = arith.index_cast %swap3A_925 : i32 to index
        %swap3A_927 = arith.index_cast %mul3A_122 : i32 to index
        %swap3A_928 = tpu.vector_load %arg15[%swap3A_926, %swap3A_927] {strides = array<i32>} : memref<108x384xf32, #tpu.memory_space<vmem>>, vector<16xf32>,
        tpu.vector_store %arg15[%swap3A_926, %swap3A_927], %gather3A_864 {strides = array<i32>} : memref<108x384xf32, #tpu.memory_space<vmem>>, vector<16xf32>,
        %swap3A_929 = arith.constant 81 : i32
        %swap3A_930 = arith.index_cast %swap3A_929 : i32 to index
        %swap3A_931 = arith.index_cast %mul3A_122 : i32 to index
        %swap3A_932 = tpu.vector_load %arg15[%swap3A_930, %swap3A_931] {strides = array<i32>} : memref<108x384xf32, #tpu.memory_space<vmem>>, vector<16xf32>,
        tpu.vector_store %arg15[%swap3A_930, %swap3A_931], %gather3A_868 {strides = array<i32>} : memref<108x384xf32, #tpu.memory_space<vmem>>, vector<16xf32>,
        %swap3A_933 = arith.constant 82 : i32
        %swap3A_934 = arith.index_cast %swap3A_933 : i32 to index
        %swap3A_935 = arith.index_cast %mul3A_122 : i32 to index
        %swap3A_936 = tpu.vector_load %arg15[%swap3A_934, %swap3A_935] {strides = array<i32>} : memref<108x384xf32, #tpu.memory_space<vmem>>, vector<16xf32>,
        tpu.vector_store %arg15[%swap3A_934, %swap3A_935], %gather3A_872 {strides = array<i32>} : memref<108x384xf32, #tpu.memory_space<vmem>>, vector<16xf32>,
        %swap3A_937 = arith.constant 83 : i32
        %swap3A_938 = arith.index_cast %swap3A_937 : i32 to index
        %swap3A_939 = arith.index_cast %mul3A_122 : i32 to index
        %swap3A_940 = tpu.vector_load %arg15[%swap3A_938, %swap3A_939] {strides = array<i32>} : memref<108x384xf32, #tpu.memory_space<vmem>>, vector<16xf32>,
        tpu.vector_store %arg15[%swap3A_938, %swap3A_939], %gather3A_876 {strides = array<i32>} : memref<108x384xf32, #tpu.memory_space<vmem>>, vector<16xf32>,
        %swap3A_941 = arith.constant 84 : i32
        %swap3A_942 = arith.index_cast %swap3A_941 : i32 to index
        %swap3A_943 = arith.index_cast %mul3A_122 : i32 to index
        %swap3A_944 = tpu.vector_load %arg15[%swap3A_942, %swap3A_943] {strides = array<i32>} : memref<108x384xf32, #tpu.memory_space<vmem>>, vector<16xf32>,
        tpu.vector_store %arg15[%swap3A_942, %swap3A_943], %gather3A_880 {strides = array<i32>} : memref<108x384xf32, #tpu.memory_space<vmem>>, vector<16xf32>,
        %swap3A_945 = arith.constant 85 : i32
        %swap3A_946 = arith.index_cast %swap3A_945 : i32 to index
        %swap3A_947 = arith.index_cast %mul3A_122 : i32 to index
        %swap3A_948 = tpu.vector_load %arg15[%swap3A_946, %swap3A_947] {strides = array<i32>} : memref<108x384xf32, #tpu.memory_space<vmem>>, vector<16xf32>,
        tpu.vector_store %arg15[%swap3A_946, %swap3A_947], %gather3A_884 {strides = array<i32>} : memref<108x384xf32, #tpu.memory_space<vmem>>, vector<16xf32>,
        %swap3A_949 = arith.constant 86 : i32
        %swap3A_950 = arith.index_cast %swap3A_949 : i32 to index
        %swap3A_951 = arith.index_cast %mul3A_122 : i32 to index
        %swap3A_952 = tpu.vector_load %arg15[%swap3A_950, %swap3A_951] {strides = array<i32>} : memref<108x384xf32, #tpu.memory_space<vmem>>, vector<16xf32>,
        tpu.vector_store %arg15[%swap3A_950, %swap3A_951], %gather3A_888 {strides = array<i32>} : memref<108x384xf32, #tpu.memory_space<vmem>>, vector<16xf32>,
        %swap3A_953 = arith.constant 87 : i32
        %swap3A_954 = arith.index_cast %swap3A_953 : i32 to index
        %swap3A_955 = arith.index_cast %mul3A_122 : i32 to index
        %swap3A_956 = tpu.vector_load %arg15[%swap3A_954, %swap3A_955] {strides = array<i32>} : memref<108x384xf32, #tpu.memory_space<vmem>>, vector<16xf32>,
        tpu.vector_store %arg15[%swap3A_954, %swap3A_955], %gather3A_892 {strides = array<i32>} : memref<108x384xf32, #tpu.memory_space<vmem>>, vector<16xf32>,
        %swap3A_957 = arith.constant 88 : i32
        %swap3A_958 = arith.index_cast %swap3A_957 : i32 to index
        %swap3A_959 = arith.index_cast %mul3A_122 : i32 to index
        %swap3A_960 = tpu.vector_load %arg15[%swap3A_958, %swap3A_959] {strides = array<i32>} : memref<108x384xf32, #tpu.memory_space<vmem>>, vector<16xf32>,
        tpu.vector_store %arg15[%swap3A_958, %swap3A_959], %gather3A_896 {strides = array<i32>} : memref<108x384xf32, #tpu.memory_space<vmem>>, vector<16xf32>,
        %swap3A_961 = arith.constant 89 : i32
        %swap3A_962 = arith.index_cast %swap3A_961 : i32 to index
        %swap3A_963 = arith.index_cast %mul3A_122 : i32 to index
        %swap3A_964 = tpu.vector_load %arg15[%swap3A_962, %swap3A_963] {strides = array<i32>} : memref<108x384xf32, #tpu.memory_space<vmem>>, vector<16xf32>,
        tpu.vector_store %arg15[%swap3A_962, %swap3A_963], %gather3A_900 {strides = array<i32>} : memref<108x384xf32, #tpu.memory_space<vmem>>, vector<16xf32>,
        %swap3A_965 = arith.constant 90 : i32
        %swap3A_966 = arith.index_cast %swap3A_965 : i32 to index
        %swap3A_967 = arith.index_cast %mul3A_122 : i32 to index
        %swap3A_968 = tpu.vector_load %arg15[%swap3A_966, %swap3A_967] {strides = array<i32>} : memref<108x384xf32, #tpu.memory_space<vmem>>, vector<16xf32>,
        tpu.vector_store %arg15[%swap3A_966, %swap3A_967], %gather3A_904 {strides = array<i32>} : memref<108x384xf32, #tpu.memory_space<vmem>>, vector<16xf32>,
        %swap3A_969 = arith.constant 91 : i32
        %swap3A_970 = arith.index_cast %swap3A_969 : i32 to index
        %swap3A_971 = arith.index_cast %mul3A_122 : i32 to index
        %swap3A_972 = tpu.vector_load %arg15[%swap3A_970, %swap3A_971] {strides = array<i32>} : memref<108x384xf32, #tpu.memory_space<vmem>>, vector<16xf32>,
        tpu.vector_store %arg15[%swap3A_970, %swap3A_971], %gather3A_908 {strides = array<i32>} : memref<108x384xf32, #tpu.memory_space<vmem>>, vector<16xf32>,
        %swap3A_973 = arith.constant 92 : i32
        %swap3A_974 = arith.index_cast %swap3A_973 : i32 to index
        %swap3A_975 = arith.index_cast %mul3A_122 : i32 to index
        %swap3A_976 = tpu.vector_load %arg15[%swap3A_974, %swap3A_975] {strides = array<i32>} : memref<108x384xf32, #tpu.memory_space<vmem>>, vector<16xf32>,
        tpu.vector_store %arg15[%swap3A_974, %swap3A_975], %gather3A_912 {strides = array<i32>} : memref<108x384xf32, #tpu.memory_space<vmem>>, vector<16xf32>,
        %swap3A_977 = arith.constant 93 : i32
        %swap3A_978 = arith.index_cast %swap3A_977 : i32 to index
        %swap3A_979 = arith.index_cast %mul3A_122 : i32 to index
        %swap3A_980 = tpu.vector_load %arg15[%swap3A_978, %swap3A_979] {strides = array<i32>} : memref<108x384xf32, #tpu.memory_space<vmem>>, vector<16xf32>,
        tpu.vector_store %arg15[%swap3A_978, %swap3A_979], %gather3A_916 {strides = array<i32>} : memref<108x384xf32, #tpu.memory_space<vmem>>, vector<16xf32>,
        %swap3A_981 = arith.constant 94 : i32
        %swap3A_982 = arith.index_cast %swap3A_981 : i32 to index
        %swap3A_983 = arith.index_cast %mul3A_122 : i32 to index
        %swap3A_984 = tpu.vector_load %arg15[%swap3A_982, %swap3A_983] {strides = array<i32>} : memref<108x384xf32, #tpu.memory_space<vmem>>, vector<16xf32>,
        tpu.vector_store %arg15[%swap3A_982, %swap3A_983], %gather3A_920 {strides = array<i32>} : memref<108x384xf32, #tpu.memory_space<vmem>>, vector<16xf32>,
        %swap3A_985 = arith.constant 95 : i32
        %swap3A_986 = arith.index_cast %swap3A_985 : i32 to index
        %swap3A_987 = arith.index_cast %mul3A_122 : i32 to index
        %swap3A_988 = tpu.vector_load %arg15[%swap3A_986, %swap3A_987] {strides = array<i32>} : memref<108x384xf32, #tpu.memory_space<vmem>>, vector<16xf32>,
        tpu.vector_store %arg15[%swap3A_986, %swap3A_987], %gather3A_924 {strides = array<i32>} : memref<108x384xf32, #tpu.memory_space<vmem>>, vector<16xf32>,
        %add3A_989 = arith.constant 0 : i32
        %add3A_990 = vector.broadcast %add3A_989 : i32 to vector<16xi32>
        %add3A_991 = arith.addi %mul3A_219, %add3A_990 : vector<16xi32>
        %gather3A_992 = tpu.vector_load_idx %arg10[%add3A_991] : memref<120xf32, #tpu.memory_space<vmem>>[vector<16xi32>], vector<16xf32>,
        %add3A_993 = arith.constant 1 : i32
        %add3A_994 = vector.broadcast %add3A_993 : i32 to vector<16xi32>
        %add3A_995 = arith.addi %mul3A_219, %add3A_994 : vector<16xi32>
        %gather3A_996 = tpu.vector_load_idx %arg10[%add3A_995] : memref<120xf32, #tpu.memory_space<vmem>>[vector<16xi32>], vector<16xf32>,
        %add3A_997 = arith.constant 2 : i32
        %add3A_998 = vector.broadcast %add3A_997 : i32 to vector<16xi32>
        %add3A_999 = arith.addi %mul3A_219, %add3A_998 : vector<16xi32>
        %gather3A_1000 = tpu.vector_load_idx %arg10[%add3A_999] : memref<120xf32, #tpu.memory_space<vmem>>[vector<16xi32>], vector<16xf32>,
        %add3A_1001 = arith.constant 3 : i32
        %add3A_1002 = vector.broadcast %add3A_1001 : i32 to vector<16xi32>
        %add3A_1003 = arith.addi %mul3A_219, %add3A_1002 : vector<16xi32>
        %gather3A_1004 = tpu.vector_load_idx %arg10[%add3A_1003] : memref<120xf32, #tpu.memory_space<vmem>>[vector<16xi32>], vector<16xf32>,
        %add3A_1005 = arith.constant 4 : i32
        %add3A_1006 = vector.broadcast %add3A_1005 : i32 to vector<16xi32>
        %add3A_1007 = arith.addi %mul3A_219, %add3A_1006 : vector<16xi32>
        %gather3A_1008 = tpu.vector_load_idx %arg10[%add3A_1007] : memref<120xf32, #tpu.memory_space<vmem>>[vector<16xi32>], vector<16xf32>,
        %add3A_1009 = arith.constant 5 : i32
        %add3A_1010 = vector.broadcast %add3A_1009 : i32 to vector<16xi32>
        %add3A_1011 = arith.addi %mul3A_219, %add3A_1010 : vector<16xi32>
        %gather3A_1012 = tpu.vector_load_idx %arg10[%add3A_1011] : memref<120xf32, #tpu.memory_space<vmem>>[vector<16xi32>], vector<16xf32>,
        %add3A_1013 = arith.constant 0 : i32
        %add3A_1014 = vector.broadcast %add3A_1013 : i32 to vector<16xi32>
        %add3A_1015 = arith.addi %mul3A_222, %add3A_1014 : vector<16xi32>
        %gather3A_1016 = tpu.vector_load_idx %arg11[%add3A_1015] : memref<120xf32, #tpu.memory_space<vmem>>[vector<16xi32>], vector<16xf32>,
        %add3A_1017 = arith.constant 1 : i32
        %add3A_1018 = vector.broadcast %add3A_1017 : i32 to vector<16xi32>
        %add3A_1019 = arith.addi %mul3A_222, %add3A_1018 : vector<16xi32>
        %gather3A_1020 = tpu.vector_load_idx %arg11[%add3A_1019] : memref<120xf32, #tpu.memory_space<vmem>>[vector<16xi32>], vector<16xf32>,
        %add3A_1021 = arith.constant 2 : i32
        %add3A_1022 = vector.broadcast %add3A_1021 : i32 to vector<16xi32>
        %add3A_1023 = arith.addi %mul3A_222, %add3A_1022 : vector<16xi32>
        %gather3A_1024 = tpu.vector_load_idx %arg11[%add3A_1023] : memref<120xf32, #tpu.memory_space<vmem>>[vector<16xi32>], vector<16xf32>,
        %add3A_1025 = arith.constant 3 : i32
        %add3A_1026 = vector.broadcast %add3A_1025 : i32 to vector<16xi32>
        %add3A_1027 = arith.addi %mul3A_222, %add3A_1026 : vector<16xi32>
        %gather3A_1028 = tpu.vector_load_idx %arg11[%add3A_1027] : memref<120xf32, #tpu.memory_space<vmem>>[vector<16xi32>], vector<16xf32>,
        %add3A_1029 = arith.constant 4 : i32
        %add3A_1030 = vector.broadcast %add3A_1029 : i32 to vector<16xi32>
        %add3A_1031 = arith.addi %mul3A_222, %add3A_1030 : vector<16xi32>
        %gather3A_1032 = tpu.vector_load_idx %arg11[%add3A_1031] : memref<120xf32, #tpu.memory_space<vmem>>[vector<16xi32>], vector<16xf32>,
        %add3A_1033 = arith.constant 5 : i32
        %add3A_1034 = vector.broadcast %add3A_1033 : i32 to vector<16xi32>
        %add3A_1035 = arith.addi %mul3A_222, %add3A_1034 : vector<16xi32>
        %gather3A_1036 = tpu.vector_load_idx %arg11[%add3A_1035] : memref<120xf32, #tpu.memory_space<vmem>>[vector<16xi32>], vector<16xf32>,
        %swap3A_1037 = arith.constant 96 : i32
        %swap3A_1038 = arith.index_cast %swap3A_1037 : i32 to index
        %swap3A_1039 = arith.index_cast %mul3A_122 : i32 to index
        %swap3A_1040 = tpu.vector_load %arg15[%swap3A_1038, %swap3A_1039] {strides = array<i32>} : memref<108x384xf32, #tpu.memory_space<vmem>>, vector<16xf32>,
        tpu.vector_store %arg15[%swap3A_1038, %swap3A_1039], %gather3A_992 {strides = array<i32>} : memref<108x384xf32, #tpu.memory_space<vmem>>, vector<16xf32>,
        %swap3A_1041 = arith.constant 97 : i32
        %swap3A_1042 = arith.index_cast %swap3A_1041 : i32 to index
        %swap3A_1043 = arith.index_cast %mul3A_122 : i32 to index
        %swap3A_1044 = tpu.vector_load %arg15[%swap3A_1042, %swap3A_1043] {strides = array<i32>} : memref<108x384xf32, #tpu.memory_space<vmem>>, vector<16xf32>,
        tpu.vector_store %arg15[%swap3A_1042, %swap3A_1043], %gather3A_996 {strides = array<i32>} : memref<108x384xf32, #tpu.memory_space<vmem>>, vector<16xf32>,
        %swap3A_1045 = arith.constant 98 : i32
        %swap3A_1046 = arith.index_cast %swap3A_1045 : i32 to index
        %swap3A_1047 = arith.index_cast %mul3A_122 : i32 to index
        %swap3A_1048 = tpu.vector_load %arg15[%swap3A_1046, %swap3A_1047] {strides = array<i32>} : memref<108x384xf32, #tpu.memory_space<vmem>>, vector<16xf32>,
        tpu.vector_store %arg15[%swap3A_1046, %swap3A_1047], %gather3A_1000 {strides = array<i32>} : memref<108x384xf32, #tpu.memory_space<vmem>>, vector<16xf32>,
        %swap3A_1049 = arith.constant 99 : i32
        %swap3A_1050 = arith.index_cast %swap3A_1049 : i32 to index
        %swap3A_1051 = arith.index_cast %mul3A_122 : i32 to index
        %swap3A_1052 = tpu.vector_load %arg15[%swap3A_1050, %swap3A_1051] {strides = array<i32>} : memref<108x384xf32, #tpu.memory_space<vmem>>, vector<16xf32>,
        tpu.vector_store %arg15[%swap3A_1050, %swap3A_1051], %gather3A_1004 {strides = array<i32>} : memref<108x384xf32, #tpu.memory_space<vmem>>, vector<16xf32>,
        %swap3A_1053 = arith.constant 100 : i32
        %swap3A_1054 = arith.index_cast %swap3A_1053 : i32 to index
        %swap3A_1055 = arith.index_cast %mul3A_122 : i32 to index
        %swap3A_1056 = tpu.vector_load %arg15[%swap3A_1054, %swap3A_1055] {strides = array<i32>} : memref<108x384xf32, #tpu.memory_space<vmem>>, vector<16xf32>,
        tpu.vector_store %arg15[%swap3A_1054, %swap3A_1055], %gather3A_1008 {strides = array<i32>} : memref<108x384xf32, #tpu.memory_space<vmem>>, vector<16xf32>,
        %swap3A_1057 = arith.constant 101 : i32
        %swap3A_1058 = arith.index_cast %swap3A_1057 : i32 to index
        %swap3A_1059 = arith.index_cast %mul3A_122 : i32 to index
        %swap3A_1060 = tpu.vector_load %arg15[%swap3A_1058, %swap3A_1059] {strides = array<i32>} : memref<108x384xf32, #tpu.memory_space<vmem>>, vector<16xf32>,
        tpu.vector_store %arg15[%swap3A_1058, %swap3A_1059], %gather3A_1012 {strides = array<i32>} : memref<108x384xf32, #tpu.memory_space<vmem>>, vector<16xf32>,
        %swap3A_1061 = arith.constant 102 : i32
        %swap3A_1062 = arith.index_cast %swap3A_1061 : i32 to index
        %swap3A_1063 = arith.index_cast %mul3A_122 : i32 to index
        %swap3A_1064 = tpu.vector_load %arg15[%swap3A_1062, %swap3A_1063] {strides = array<i32>} : memref<108x384xf32, #tpu.memory_space<vmem>>, vector<16xf32>,
        tpu.vector_store %arg15[%swap3A_1062, %swap3A_1063], %gather3A_1016 {strides = array<i32>} : memref<108x384xf32, #tpu.memory_space<vmem>>, vector<16xf32>,
        %swap3A_1065 = arith.constant 103 : i32
        %swap3A_1066 = arith.index_cast %swap3A_1065 : i32 to index
        %swap3A_1067 = arith.index_cast %mul3A_122 : i32 to index
        %swap3A_1068 = tpu.vector_load %arg15[%swap3A_1066, %swap3A_1067] {strides = array<i32>} : memref<108x384xf32, #tpu.memory_space<vmem>>, vector<16xf32>,
        tpu.vector_store %arg15[%swap3A_1066, %swap3A_1067], %gather3A_1020 {strides = array<i32>} : memref<108x384xf32, #tpu.memory_space<vmem>>, vector<16xf32>,
        %swap3A_1069 = arith.constant 104 : i32
        %swap3A_1070 = arith.index_cast %swap3A_1069 : i32 to index
        %swap3A_1071 = arith.index_cast %mul3A_122 : i32 to index
        %swap3A_1072 = tpu.vector_load %arg15[%swap3A_1070, %swap3A_1071] {strides = array<i32>} : memref<108x384xf32, #tpu.memory_space<vmem>>, vector<16xf32>,
        tpu.vector_store %arg15[%swap3A_1070, %swap3A_1071], %gather3A_1024 {strides = array<i32>} : memref<108x384xf32, #tpu.memory_space<vmem>>, vector<16xf32>,
        %swap3A_1073 = arith.constant 105 : i32
        %swap3A_1074 = arith.index_cast %swap3A_1073 : i32 to index
        %swap3A_1075 = arith.index_cast %mul3A_122 : i32 to index
        %swap3A_1076 = tpu.vector_load %arg15[%swap3A_1074, %swap3A_1075] {strides = array<i32>} : memref<108x384xf32, #tpu.memory_space<vmem>>, vector<16xf32>,
        tpu.vector_store %arg15[%swap3A_1074, %swap3A_1075], %gather3A_1028 {strides = array<i32>} : memref<108x384xf32, #tpu.memory_space<vmem>>, vector<16xf32>,
        %swap3A_1077 = arith.constant 106 : i32
        %swap3A_1078 = arith.index_cast %swap3A_1077 : i32 to index
        %swap3A_1079 = arith.index_cast %mul3A_122 : i32 to index
        %swap3A_1080 = tpu.vector_load %arg15[%swap3A_1078, %swap3A_1079] {strides = array<i32>} : memref<108x384xf32, #tpu.memory_space<vmem>>, vector<16xf32>,
        tpu.vector_store %arg15[%swap3A_1078, %swap3A_1079], %gather3A_1032 {strides = array<i32>} : memref<108x384xf32, #tpu.memory_space<vmem>>, vector<16xf32>,
        %swap3A_1081 = arith.constant 107 : i32
        %swap3A_1082 = arith.index_cast %swap3A_1081 : i32 to index
        %swap3A_1083 = arith.index_cast %mul3A_122 : i32 to index
        %swap3A_1084 = tpu.vector_load %arg15[%swap3A_1082, %swap3A_1083] {strides = array<i32>} : memref<108x384xf32, #tpu.memory_space<vmem>>, vector<16xf32>,
        tpu.vector_store %arg15[%swap3A_1082, %swap3A_1083], %gather3A_1036 {strides = array<i32>} : memref<108x384xf32, #tpu.memory_space<vmem>>, vector<16xf32>,
      }
      %scan3A_78 = arith.constant 24 : i32
      %mul3A_79 = arith.constant 384 : i32
      %mul3A_80 = arith.muli %add3A_52, %mul3A_79 : i32
      %add3A_81 = arith.addi %mul3A_2, %mul3A_80 : i32
      %dma_start3A_82 = arith.constant 0 : i32
      %dma_start3A_83 = tpu.memref_slice %arg7[%dma_start3A_82, %add3A_81] : memref<108x184320xf32, #tpu.memory_space<hbm>> -> memref<108x384xf32, #tpu.memory_space<hbm>>
      %dma_start3A_84 = arith.constant 0 : i32
      %dma_start3A_85 = tpu.memref_slice %arg7[%dma_start3A_84, %add3A_81] : memref<108x184320xf32, #tpu.memory_space<hbm>> -> memref<108x384xf32, #tpu.memory_space<hbm>>
      tpu.enqueue_dma source(%arg15 : memref<108x384xf32, #tpu.memory_space<vmem>>) target(%dma_start3A_85 : memref<108x384xf32, #tpu.memory_space<hbm>>) target_semaphore(%arg17 : memref<!tpu.dma_semaphore, #tpu.memory_space<semaphore_mem>>)
      %add3A_86 = arith.constant 1 : i32
      %add3A_87 = arith.addi %scan3A_48, %add3A_86 : i32
      %lt3A = arith.constant 7 : i32
      %lt3A_88 = arith.cmpi slt, %add3A_87, %lt3A : i32
      %convert_element_type3A_89 = arith.extui %lt3A_88 : i1 to i32
      %cond3A_90 = arith.constant 0 : i32
      %cond3A_91 = arith.cmpi ne, %convert_element_type3A_89, %cond3A_90 : i32
      scf.if %cond3A_91 {
        %add3A_120 = arith.constant 2 : i32
        %add3A_121 = arith.addi %add3A_52, %add3A_120 : i32
        %mul3A_122 = arith.constant 384 : i32
        %mul3A_123 = arith.muli %add3A_121, %mul3A_122 : i32
        %add3A_124 = arith.addi %mul3A_2, %mul3A_123 : i32
        %dma_start3A_125 = arith.constant 0 : i32
        %dma_start3A_126 = tpu.memref_slice %arg2[%dma_start3A_125, %add3A_124] : memref<3x184320xf32, #tpu.memory_space<hbm>> -> memref<3x384xf32, #tpu.memory_space<hbm>>
        %dma_start3A_127 = arith.constant 0 : i32
        %dma_start3A_128 = tpu.memref_slice %arg2[%dma_start3A_127, %add3A_124] : memref<3x184320xf32, #tpu.memory_space<hbm>> -> memref<3x384xf32, #tpu.memory_space<hbm>>
        tpu.enqueue_dma source(%dma_start3A_128 : memref<3x384xf32, #tpu.memory_space<hbm>>) target(%arg13 : memref<3x384xf32, #tpu.memory_space<vmem>>) target_semaphore(%arg19 : memref<!tpu.dma_semaphore, #tpu.memory_space<semaphore_mem>>)
      } else {
      }
      %mul3A_92 = arith.constant 384 : i32
      %mul3A_93 = arith.muli %add3A_56, %mul3A_92 : i32
      %add3A_94 = arith.addi %mul3A_2, %mul3A_93 : i32
      %dma_wait3A_95 = arith.constant 0 : i32
      %dma_wait3A_96 = tpu.memref_slice %arg2[%dma_wait3A_95, %add3A_94] : memref<3x184320xf32, #tpu.memory_space<hbm>> -> memref<3x384xf32, #tpu.memory_space<hbm>>
      %dma_wait3A_97 = arith.constant 0 : i32
      %dma_wait3A_98 = tpu.memref_slice %arg2[%dma_wait3A_97, %add3A_94] : memref<3x184320xf32, #tpu.memory_space<hbm>> -> memref<3x384xf32, #tpu.memory_space<hbm>>
      tpu.wait_dma2 semaphore(%arg18 : memref<!tpu.dma_semaphore, #tpu.memory_space<semaphore_mem>>) src(%dma_wait3A_98 : memref<3x384xf32, #tpu.memory_space<hbm>>) dst(%arg12 : memref<3x384xf32, #tpu.memory_space<vmem>>)
      %sub3A = arith.constant 2 : i32
      %sub3A_99 = arith.subi %add3A_56, %sub3A : i32
      %mul3A_100 = arith.constant 384 : i32
      %mul3A_101 = arith.muli %sub3A_99, %mul3A_100 : i32
      %add3A_102 = arith.addi %mul3A_2, %mul3A_101 : i32
      %dma_wait3A_103 = arith.constant 0 : i32
      %dma_wait3A_104 = tpu.memref_slice %arg7[%dma_wait3A_103, %add3A_102] : memref<108x184320xf32, #tpu.memory_space<hbm>> -> memref<108x384xf32, #tpu.memory_space<hbm>>
      %dma_wait3A_105 = arith.constant 0 : i32
      %dma_wait3A_106 = tpu.memref_slice %arg7[%dma_wait3A_105, %add3A_102] : memref<108x184320xf32, #tpu.memory_space<hbm>> -> memref<108x384xf32, #tpu.memory_space<hbm>>
      tpu.wait_dma2 semaphore(%arg16 : memref<!tpu.dma_semaphore, #tpu.memory_space<semaphore_mem>>) src(%arg14 : memref<108x384xf32, #tpu.memory_space<vmem>>) dst(%dma_wait3A_106 : memref<108x384xf32, #tpu.memory_space<hbm>>)
      %scan3A_107 = arith.constant 0 : i32
      %scan3A_108 = arith.constant 0 : i32
      %scan3A_109 = arith.constant 24 : i32
      %scan3A_110 = arith.addi %scan3A_108, %scan3A_109 : i32
      %scan3A_111 = arith.constant 1 : i32
      scf.for %scan3A_120 = %scan3A_108 to %scan3A_110 step %scan3A_111  : i32 {
        %mul3A_121 = arith.constant 16 : i32
        %mul3A_122 = arith.muli %scan3A_120, %mul3A_121 : i32
        %get3A = arith.constant 0 : i32
        %get3A_123 = arith.index_cast %get3A : i32 to index
        %get3A_124 = arith.index_cast %mul3A_122 : i32 to index
        %get3A_125 = tpu.vector_load %arg12[%get3A_123, %get3A_124] {strides = array<i32>} : memref<3x384xf32, #tpu.memory_space<vmem>>, vector<16xf32>,
        %get3A_126 = arith.constant 1 : i32
        %get3A_127 = arith.index_cast %get3A_126 : i32 to index
        %get3A_128 = arith.index_cast %mul3A_122 : i32 to index
        %get3A_129 = tpu.vector_load %arg12[%get3A_127, %get3A_128] {strides = array<i32>} : memref<3x384xf32, #tpu.memory_space<vmem>>, vector<16xf32>,
        %get3A_130 = arith.constant 2 : i32
        %get3A_131 = arith.index_cast %get3A_130 : i32 to index
        %get3A_132 = arith.index_cast %mul3A_122 : i32 to index
        %get3A_133 = tpu.vector_load %arg12[%get3A_131, %get3A_132] {strides = array<i32>} : memref<3x384xf32, #tpu.memory_space<vmem>>, vector<16xf32>,
        %add3A_134 = arith.constant 3.000000e+02 : f32
        %add3A_135 = vector.broadcast %add3A_134 : f32 to vector<16xf32>
        %add3A_136 = arith.addf %get3A_125, %add3A_135 : vector<16xf32>
        %convert_element_type3A_137 = arith.fptosi %add3A_136 : vector<16xf32> to vector<16xi32>
        %jit3A = arith.constant 0 : i32
        %jit3A_138 = arith.constant 599 : i32
        %max3A = vector.broadcast %jit3A : i32 to vector<16xi32>
        %max3A_139 = arith.maxsi %max3A, %convert_element_type3A_137 : vector<16xi32>
        %min3A = vector.broadcast %jit3A_138 : i32 to vector<16xi32>
        %min3A_140 = arith.minsi %min3A, %max3A_139 : vector<16xi32>
        %convert_element_type3A_141 = arith.sitofp %min3A_140 : vector<16xi32> to vector<16xf32>
        %sub3A_142 = arith.subf %add3A_136, %convert_element_type3A_141 : vector<16xf32>
        %div3A = arith.constant 0.00999999977 : f32
        %div3A_143 = vector.broadcast %div3A : f32 to vector<16xf32>
        %div3A_144 = arith.divf %sub3A_142, %div3A_143 : vector<16xf32>
        %convert_element_type3A_145 = arith.fptosi %div3A_144 : vector<16xf32> to vector<16xi32>
        %jit3A_146 = arith.constant 0 : i32
        %jit3A_147 = arith.constant 99 : i32
        %max3A_148 = vector.broadcast %jit3A_146 : i32 to vector<16xi32>
        %max3A_149 = arith.maxsi %max3A_148, %convert_element_type3A_145 : vector<16xi32>
        %min3A_150 = vector.broadcast %jit3A_147 : i32 to vector<16xi32>
        %min3A_151 = arith.minsi %min3A_150, %max3A_149 : vector<16xi32>
        %add3A_152 = arith.constant 3.000000e+02 : f32
        %add3A_153 = vector.broadcast %add3A_152 : f32 to vector<16xf32>
        %add3A_154 = arith.addf %get3A_129, %add3A_153 : vector<16xf32>
        %convert_element_type3A_155 = arith.fptosi %add3A_154 : vector<16xf32> to vector<16xi32>
        %jit3A_156 = arith.constant 0 : i32
        %jit3A_157 = arith.constant 599 : i32
        %max3A_158 = vector.broadcast %jit3A_156 : i32 to vector<16xi32>
        %max3A_159 = arith.maxsi %max3A_158, %convert_element_type3A_155 : vector<16xi32>
        %min3A_160 = vector.broadcast %jit3A_157 : i32 to vector<16xi32>
        %min3A_161 = arith.minsi %min3A_160, %max3A_159 : vector<16xi32>
        %convert_element_type3A_162 = arith.sitofp %min3A_161 : vector<16xi32> to vector<16xf32>
        %sub3A_163 = arith.subf %add3A_154, %convert_element_type3A_162 : vector<16xf32>
        %div3A_164 = arith.constant 0.00999999977 : f32
        %div3A_165 = vector.broadcast %div3A_164 : f32 to vector<16xf32>
        %div3A_166 = arith.divf %sub3A_163, %div3A_165 : vector<16xf32>
        %convert_element_type3A_167 = arith.fptosi %div3A_166 : vector<16xf32> to vector<16xi32>
        %jit3A_168 = arith.constant 0 : i32
        %jit3A_169 = arith.constant 99 : i32
        %max3A_170 = vector.broadcast %jit3A_168 : i32 to vector<16xi32>
        %max3A_171 = arith.maxsi %max3A_170, %convert_element_type3A_167 : vector<16xi32>
        %min3A_172 = vector.broadcast %jit3A_169 : i32 to vector<16xi32>
        %min3A_173 = arith.minsi %min3A_172, %max3A_171 : vector<16xi32>
        %mul3A_174 = arith.constant 1.800000e+02 : f32
        %mul3A_175 = vector.broadcast %mul3A_174 : f32 to vector<16xf32>
        %mul3A_176 = arith.mulf %get3A_133, %mul3A_175 : vector<16xf32>
        %div3A_177 = arith.constant 3.14159274 : f32
        %div3A_178 = vector.broadcast %div3A_177 : f32 to vector<16xf32>
        %div3A_179 = arith.divf %mul3A_176, %div3A_178 : vector<16xf32>
        %add3A_180 = arith.constant 1.800000e+02 : f32
        %add3A_181 = vector.broadcast %add3A_180 : f32 to vector<16xf32>
        %add3A_182 = arith.addf %div3A_179, %add3A_181 : vector<16xf32>
        %div3A_183 = arith.constant 2.000000e+01 : f32
        %div3A_184 = vector.broadcast %div3A_183 : f32 to vector<16xf32>
        %div3A_185 = arith.divf %add3A_182, %div3A_184 : vector<16xf32>
        %convert_element_type3A_186 = arith.fptosi %div3A_185 : vector<16xf32> to vector<16xi32>
        %jit3A_187 = arith.constant 0 : i32
        %jit3A_188 = arith.constant 19 : i32
        %max3A_189 = vector.broadcast %jit3A_187 : i32 to vector<16xi32>
        %max3A_190 = arith.maxsi %max3A_189, %convert_element_type3A_186 : vector<16xi32>
        %min3A_191 = vector.broadcast %jit3A_188 : i32 to vector<16xi32>
        %min3A_192 = arith.minsi %min3A_191, %max3A_190 : vector<16xi32>
        %convert_element_type3A_193 = arith.sitofp %min3A_192 : vector<16xi32> to vector<16xf32>
        %mul3A_194 = arith.constant 2.000000e+01 : f32
        %mul3A_195 = vector.broadcast %mul3A_194 : f32 to vector<16xf32>
        %mul3A_196 = arith.mulf %convert_element_type3A_193, %mul3A_195 : vector<16xf32>
        %sub3A_197 = arith.subf %add3A_182, %mul3A_196 : vector<16xf32>
        %convert_element_type3A_198 = arith.fptosi %sub3A_197 : vector<16xf32> to vector<16xi32>
        %jit3A_199 = arith.constant 0 : i32
        %jit3A_200 = arith.constant 19 : i32
        %max3A_201 = vector.broadcast %jit3A_199 : i32 to vector<16xi32>
        %max3A_202 = arith.maxsi %max3A_201, %convert_element_type3A_198 : vector<16xi32>
        %min3A_203 = vector.broadcast %jit3A_200 : i32 to vector<16xi32>
        %min3A_204 = arith.minsi %min3A_203, %max3A_202 : vector<16xi32>
        %mul3A_205 = arith.constant 24 : i32
        %mul3A_206 = vector.broadcast %mul3A_205 : i32 to vector<16xi32>
        %mul3A_207 = arith.muli %min3A_140, %mul3A_206 : vector<16xi32>
        %mul3A_208 = arith.constant 24 : i32
        %mul3A_209 = vector.broadcast %mul3A_208 : i32 to vector<16xi32>
        %mul3A_210 = arith.muli %min3A_151, %mul3A_209 : vector<16xi32>
        %mul3A_211 = arith.constant 24 : i32
        %mul3A_212 = vector.broadcast %mul3A_211 : i32 to vector<16xi32>
        %mul3A_213 = arith.muli %min3A_161, %mul3A_212 : vector<16xi32>
        %mul3A_214 = arith.constant 24 : i32
        %mul3A_215 = vector.broadcast %mul3A_214 : i32 to vector<16xi32>
        %mul3A_216 = arith.muli %min3A_173, %mul3A_215 : vector<16xi32>
        %mul3A_217 = arith.constant 6 : i32
        %mul3A_218 = vector.broadcast %mul3A_217 : i32 to vector<16xi32>
        %mul3A_219 = arith.muli %min3A_192, %mul3A_218 : vector<16xi32>
        %mul3A_220 = arith.constant 6 : i32
        %mul3A_221 = vector.broadcast %mul3A_220 : i32 to vector<16xi32>
        %mul3A_222 = arith.muli %min3A_204, %mul3A_221 : vector<16xi32>
        %add3A_223 = arith.constant 0 : i32
        %add3A_224 = vector.broadcast %add3A_223 : i32 to vector<16xi32>
        %add3A_225 = arith.addi %mul3A_207, %add3A_224 : vector<16xi32>
        %gather3A = tpu.vector_load_idx %arg8[%add3A_225] : memref<14400xf32, #tpu.memory_space<vmem>>[vector<16xi32>], vector<16xf32>,
        %add3A_226 = arith.constant 1 : i32
        %add3A_227 = vector.broadcast %add3A_226 : i32 to vector<16xi32>
        %add3A_228 = arith.addi %mul3A_207, %add3A_227 : vector<16xi32>
        %gather3A_229 = tpu.vector_load_idx %arg8[%add3A_228] : memref<14400xf32, #tpu.memory_space<vmem>>[vector<16xi32>], vector<16xf32>,
        %add3A_230 = arith.constant 2 : i32
        %add3A_231 = vector.broadcast %add3A_230 : i32 to vector<16xi32>
        %add3A_232 = arith.addi %mul3A_207, %add3A_231 : vector<16xi32>
        %gather3A_233 = tpu.vector_load_idx %arg8[%add3A_232] : memref<14400xf32, #tpu.memory_space<vmem>>[vector<16xi32>], vector<16xf32>,
        %add3A_234 = arith.constant 3 : i32
        %add3A_235 = vector.broadcast %add3A_234 : i32 to vector<16xi32>
        %add3A_236 = arith.addi %mul3A_207, %add3A_235 : vector<16xi32>
        %gather3A_237 = tpu.vector_load_idx %arg8[%add3A_236] : memref<14400xf32, #tpu.memory_space<vmem>>[vector<16xi32>], vector<16xf32>,
        %add3A_238 = arith.constant 4 : i32
        %add3A_239 = vector.broadcast %add3A_238 : i32 to vector<16xi32>
        %add3A_240 = arith.addi %mul3A_207, %add3A_239 : vector<16xi32>
        %gather3A_241 = tpu.vector_load_idx %arg8[%add3A_240] : memref<14400xf32, #tpu.memory_space<vmem>>[vector<16xi32>], vector<16xf32>,
        %add3A_242 = arith.constant 5 : i32
        %add3A_243 = vector.broadcast %add3A_242 : i32 to vector<16xi32>
        %add3A_244 = arith.addi %mul3A_207, %add3A_243 : vector<16xi32>
        %gather3A_245 = tpu.vector_load_idx %arg8[%add3A_244] : memref<14400xf32, #tpu.memory_space<vmem>>[vector<16xi32>], vector<16xf32>,
        %add3A_246 = arith.constant 6 : i32
        %add3A_247 = vector.broadcast %add3A_246 : i32 to vector<16xi32>
        %add3A_248 = arith.addi %mul3A_207, %add3A_247 : vector<16xi32>
        %gather3A_249 = tpu.vector_load_idx %arg8[%add3A_248] : memref<14400xf32, #tpu.memory_space<vmem>>[vector<16xi32>], vector<16xf32>,
        %add3A_250 = arith.constant 7 : i32
        %add3A_251 = vector.broadcast %add3A_250 : i32 to vector<16xi32>
        %add3A_252 = arith.addi %mul3A_207, %add3A_251 : vector<16xi32>
        %gather3A_253 = tpu.vector_load_idx %arg8[%add3A_252] : memref<14400xf32, #tpu.memory_space<vmem>>[vector<16xi32>], vector<16xf32>,
        %add3A_254 = arith.constant 8 : i32
        %add3A_255 = vector.broadcast %add3A_254 : i32 to vector<16xi32>
        %add3A_256 = arith.addi %mul3A_207, %add3A_255 : vector<16xi32>
        %gather3A_257 = tpu.vector_load_idx %arg8[%add3A_256] : memref<14400xf32, #tpu.memory_space<vmem>>[vector<16xi32>], vector<16xf32>,
        %add3A_258 = arith.constant 9 : i32
        %add3A_259 = vector.broadcast %add3A_258 : i32 to vector<16xi32>
        %add3A_260 = arith.addi %mul3A_207, %add3A_259 : vector<16xi32>
        %gather3A_261 = tpu.vector_load_idx %arg8[%add3A_260] : memref<14400xf32, #tpu.memory_space<vmem>>[vector<16xi32>], vector<16xf32>,
        %add3A_262 = arith.constant 10 : i32
        %add3A_263 = vector.broadcast %add3A_262 : i32 to vector<16xi32>
        %add3A_264 = arith.addi %mul3A_207, %add3A_263 : vector<16xi32>
        %gather3A_265 = tpu.vector_load_idx %arg8[%add3A_264] : memref<14400xf32, #tpu.memory_space<vmem>>[vector<16xi32>], vector<16xf32>,
        %add3A_266 = arith.constant 11 : i32
        %add3A_267 = vector.broadcast %add3A_266 : i32 to vector<16xi32>
        %add3A_268 = arith.addi %mul3A_207, %add3A_267 : vector<16xi32>
        %gather3A_269 = tpu.vector_load_idx %arg8[%add3A_268] : memref<14400xf32, #tpu.memory_space<vmem>>[vector<16xi32>], vector<16xf32>,
        %add3A_270 = arith.constant 12 : i32
        %add3A_271 = vector.broadcast %add3A_270 : i32 to vector<16xi32>
        %add3A_272 = arith.addi %mul3A_207, %add3A_271 : vector<16xi32>
        %gather3A_273 = tpu.vector_load_idx %arg8[%add3A_272] : memref<14400xf32, #tpu.memory_space<vmem>>[vector<16xi32>], vector<16xf32>,
        %add3A_274 = arith.constant 13 : i32
        %add3A_275 = vector.broadcast %add3A_274 : i32 to vector<16xi32>
        %add3A_276 = arith.addi %mul3A_207, %add3A_275 : vector<16xi32>
        %gather3A_277 = tpu.vector_load_idx %arg8[%add3A_276] : memref<14400xf32, #tpu.memory_space<vmem>>[vector<16xi32>], vector<16xf32>,
        %add3A_278 = arith.constant 14 : i32
        %add3A_279 = vector.broadcast %add3A_278 : i32 to vector<16xi32>
        %add3A_280 = arith.addi %mul3A_207, %add3A_279 : vector<16xi32>
        %gather3A_281 = tpu.vector_load_idx %arg8[%add3A_280] : memref<14400xf32, #tpu.memory_space<vmem>>[vector<16xi32>], vector<16xf32>,
        %add3A_282 = arith.constant 15 : i32
        %add3A_283 = vector.broadcast %add3A_282 : i32 to vector<16xi32>
        %add3A_284 = arith.addi %mul3A_207, %add3A_283 : vector<16xi32>
        %gather3A_285 = tpu.vector_load_idx %arg8[%add3A_284] : memref<14400xf32, #tpu.memory_space<vmem>>[vector<16xi32>], vector<16xf32>,
        %swap3A = arith.constant 0 : i32
        %swap3A_286 = arith.index_cast %swap3A : i32 to index
        %swap3A_287 = arith.index_cast %mul3A_122 : i32 to index
        %swap3A_288 = tpu.vector_load %arg14[%swap3A_286, %swap3A_287] {strides = array<i32>} : memref<108x384xf32, #tpu.memory_space<vmem>>, vector<16xf32>,
        tpu.vector_store %arg14[%swap3A_286, %swap3A_287], %gather3A {strides = array<i32>} : memref<108x384xf32, #tpu.memory_space<vmem>>, vector<16xf32>,
        %swap3A_289 = arith.constant 1 : i32
        %swap3A_290 = arith.index_cast %swap3A_289 : i32 to index
        %swap3A_291 = arith.index_cast %mul3A_122 : i32 to index
        %swap3A_292 = tpu.vector_load %arg14[%swap3A_290, %swap3A_291] {strides = array<i32>} : memref<108x384xf32, #tpu.memory_space<vmem>>, vector<16xf32>,
        tpu.vector_store %arg14[%swap3A_290, %swap3A_291], %gather3A_229 {strides = array<i32>} : memref<108x384xf32, #tpu.memory_space<vmem>>, vector<16xf32>,
        %swap3A_293 = arith.constant 2 : i32
        %swap3A_294 = arith.index_cast %swap3A_293 : i32 to index
        %swap3A_295 = arith.index_cast %mul3A_122 : i32 to index
        %swap3A_296 = tpu.vector_load %arg14[%swap3A_294, %swap3A_295] {strides = array<i32>} : memref<108x384xf32, #tpu.memory_space<vmem>>, vector<16xf32>,
        tpu.vector_store %arg14[%swap3A_294, %swap3A_295], %gather3A_233 {strides = array<i32>} : memref<108x384xf32, #tpu.memory_space<vmem>>, vector<16xf32>,
        %swap3A_297 = arith.constant 3 : i32
        %swap3A_298 = arith.index_cast %swap3A_297 : i32 to index
        %swap3A_299 = arith.index_cast %mul3A_122 : i32 to index
        %swap3A_300 = tpu.vector_load %arg14[%swap3A_298, %swap3A_299] {strides = array<i32>} : memref<108x384xf32, #tpu.memory_space<vmem>>, vector<16xf32>,
        tpu.vector_store %arg14[%swap3A_298, %swap3A_299], %gather3A_237 {strides = array<i32>} : memref<108x384xf32, #tpu.memory_space<vmem>>, vector<16xf32>,
        %swap3A_301 = arith.constant 4 : i32
        %swap3A_302 = arith.index_cast %swap3A_301 : i32 to index
        %swap3A_303 = arith.index_cast %mul3A_122 : i32 to index
        %swap3A_304 = tpu.vector_load %arg14[%swap3A_302, %swap3A_303] {strides = array<i32>} : memref<108x384xf32, #tpu.memory_space<vmem>>, vector<16xf32>,
        tpu.vector_store %arg14[%swap3A_302, %swap3A_303], %gather3A_241 {strides = array<i32>} : memref<108x384xf32, #tpu.memory_space<vmem>>, vector<16xf32>,
        %swap3A_305 = arith.constant 5 : i32
        %swap3A_306 = arith.index_cast %swap3A_305 : i32 to index
        %swap3A_307 = arith.index_cast %mul3A_122 : i32 to index
        %swap3A_308 = tpu.vector_load %arg14[%swap3A_306, %swap3A_307] {strides = array<i32>} : memref<108x384xf32, #tpu.memory_space<vmem>>, vector<16xf32>,
        tpu.vector_store %arg14[%swap3A_306, %swap3A_307], %gather3A_245 {strides = array<i32>} : memref<108x384xf32, #tpu.memory_space<vmem>>, vector<16xf32>,
        %swap3A_309 = arith.constant 6 : i32
        %swap3A_310 = arith.index_cast %swap3A_309 : i32 to index
        %swap3A_311 = arith.index_cast %mul3A_122 : i32 to index
        %swap3A_312 = tpu.vector_load %arg14[%swap3A_310, %swap3A_311] {strides = array<i32>} : memref<108x384xf32, #tpu.memory_space<vmem>>, vector<16xf32>,
        tpu.vector_store %arg14[%swap3A_310, %swap3A_311], %gather3A_249 {strides = array<i32>} : memref<108x384xf32, #tpu.memory_space<vmem>>, vector<16xf32>,
        %swap3A_313 = arith.constant 7 : i32
        %swap3A_314 = arith.index_cast %swap3A_313 : i32 to index
        %swap3A_315 = arith.index_cast %mul3A_122 : i32 to index
        %swap3A_316 = tpu.vector_load %arg14[%swap3A_314, %swap3A_315] {strides = array<i32>} : memref<108x384xf32, #tpu.memory_space<vmem>>, vector<16xf32>,
        tpu.vector_store %arg14[%swap3A_314, %swap3A_315], %gather3A_253 {strides = array<i32>} : memref<108x384xf32, #tpu.memory_space<vmem>>, vector<16xf32>,
        %swap3A_317 = arith.constant 8 : i32
        %swap3A_318 = arith.index_cast %swap3A_317 : i32 to index
        %swap3A_319 = arith.index_cast %mul3A_122 : i32 to index
        %swap3A_320 = tpu.vector_load %arg14[%swap3A_318, %swap3A_319] {strides = array<i32>} : memref<108x384xf32, #tpu.memory_space<vmem>>, vector<16xf32>,
        tpu.vector_store %arg14[%swap3A_318, %swap3A_319], %gather3A_257 {strides = array<i32>} : memref<108x384xf32, #tpu.memory_space<vmem>>, vector<16xf32>,
        %swap3A_321 = arith.constant 9 : i32
        %swap3A_322 = arith.index_cast %swap3A_321 : i32 to index
        %swap3A_323 = arith.index_cast %mul3A_122 : i32 to index
        %swap3A_324 = tpu.vector_load %arg14[%swap3A_322, %swap3A_323] {strides = array<i32>} : memref<108x384xf32, #tpu.memory_space<vmem>>, vector<16xf32>,
        tpu.vector_store %arg14[%swap3A_322, %swap3A_323], %gather3A_261 {strides = array<i32>} : memref<108x384xf32, #tpu.memory_space<vmem>>, vector<16xf32>,
        %swap3A_325 = arith.constant 10 : i32
        %swap3A_326 = arith.index_cast %swap3A_325 : i32 to index
        %swap3A_327 = arith.index_cast %mul3A_122 : i32 to index
        %swap3A_328 = tpu.vector_load %arg14[%swap3A_326, %swap3A_327] {strides = array<i32>} : memref<108x384xf32, #tpu.memory_space<vmem>>, vector<16xf32>,
        tpu.vector_store %arg14[%swap3A_326, %swap3A_327], %gather3A_265 {strides = array<i32>} : memref<108x384xf32, #tpu.memory_space<vmem>>, vector<16xf32>,
        %swap3A_329 = arith.constant 11 : i32
        %swap3A_330 = arith.index_cast %swap3A_329 : i32 to index
        %swap3A_331 = arith.index_cast %mul3A_122 : i32 to index
        %swap3A_332 = tpu.vector_load %arg14[%swap3A_330, %swap3A_331] {strides = array<i32>} : memref<108x384xf32, #tpu.memory_space<vmem>>, vector<16xf32>,
        tpu.vector_store %arg14[%swap3A_330, %swap3A_331], %gather3A_269 {strides = array<i32>} : memref<108x384xf32, #tpu.memory_space<vmem>>, vector<16xf32>,
        %swap3A_333 = arith.constant 12 : i32
        %swap3A_334 = arith.index_cast %swap3A_333 : i32 to index
        %swap3A_335 = arith.index_cast %mul3A_122 : i32 to index
        %swap3A_336 = tpu.vector_load %arg14[%swap3A_334, %swap3A_335] {strides = array<i32>} : memref<108x384xf32, #tpu.memory_space<vmem>>, vector<16xf32>,
        tpu.vector_store %arg14[%swap3A_334, %swap3A_335], %gather3A_273 {strides = array<i32>} : memref<108x384xf32, #tpu.memory_space<vmem>>, vector<16xf32>,
        %swap3A_337 = arith.constant 13 : i32
        %swap3A_338 = arith.index_cast %swap3A_337 : i32 to index
        %swap3A_339 = arith.index_cast %mul3A_122 : i32 to index
        %swap3A_340 = tpu.vector_load %arg14[%swap3A_338, %swap3A_339] {strides = array<i32>} : memref<108x384xf32, #tpu.memory_space<vmem>>, vector<16xf32>,
        tpu.vector_store %arg14[%swap3A_338, %swap3A_339], %gather3A_277 {strides = array<i32>} : memref<108x384xf32, #tpu.memory_space<vmem>>, vector<16xf32>,
        %swap3A_341 = arith.constant 14 : i32
        %swap3A_342 = arith.index_cast %swap3A_341 : i32 to index
        %swap3A_343 = arith.index_cast %mul3A_122 : i32 to index
        %swap3A_344 = tpu.vector_load %arg14[%swap3A_342, %swap3A_343] {strides = array<i32>} : memref<108x384xf32, #tpu.memory_space<vmem>>, vector<16xf32>,
        tpu.vector_store %arg14[%swap3A_342, %swap3A_343], %gather3A_281 {strides = array<i32>} : memref<108x384xf32, #tpu.memory_space<vmem>>, vector<16xf32>,
        %swap3A_345 = arith.constant 15 : i32
        %swap3A_346 = arith.index_cast %swap3A_345 : i32 to index
        %swap3A_347 = arith.index_cast %mul3A_122 : i32 to index
        %swap3A_348 = tpu.vector_load %arg14[%swap3A_346, %swap3A_347] {strides = array<i32>} : memref<108x384xf32, #tpu.memory_space<vmem>>, vector<16xf32>,
        tpu.vector_store %arg14[%swap3A_346, %swap3A_347], %gather3A_285 {strides = array<i32>} : memref<108x384xf32, #tpu.memory_space<vmem>>, vector<16xf32>,
        %add3A_349 = arith.constant 16 : i32
        %add3A_350 = vector.broadcast %add3A_349 : i32 to vector<16xi32>
        %add3A_351 = arith.addi %mul3A_207, %add3A_350 : vector<16xi32>
        %gather3A_352 = tpu.vector_load_idx %arg8[%add3A_351] : memref<14400xf32, #tpu.memory_space<vmem>>[vector<16xi32>], vector<16xf32>,
        %add3A_353 = arith.constant 17 : i32
        %add3A_354 = vector.broadcast %add3A_353 : i32 to vector<16xi32>
        %add3A_355 = arith.addi %mul3A_207, %add3A_354 : vector<16xi32>
        %gather3A_356 = tpu.vector_load_idx %arg8[%add3A_355] : memref<14400xf32, #tpu.memory_space<vmem>>[vector<16xi32>], vector<16xf32>,
        %add3A_357 = arith.constant 18 : i32
        %add3A_358 = vector.broadcast %add3A_357 : i32 to vector<16xi32>
        %add3A_359 = arith.addi %mul3A_207, %add3A_358 : vector<16xi32>
        %gather3A_360 = tpu.vector_load_idx %arg8[%add3A_359] : memref<14400xf32, #tpu.memory_space<vmem>>[vector<16xi32>], vector<16xf32>,
        %add3A_361 = arith.constant 19 : i32
        %add3A_362 = vector.broadcast %add3A_361 : i32 to vector<16xi32>
        %add3A_363 = arith.addi %mul3A_207, %add3A_362 : vector<16xi32>
        %gather3A_364 = tpu.vector_load_idx %arg8[%add3A_363] : memref<14400xf32, #tpu.memory_space<vmem>>[vector<16xi32>], vector<16xf32>,
        %add3A_365 = arith.constant 20 : i32
        %add3A_366 = vector.broadcast %add3A_365 : i32 to vector<16xi32>
        %add3A_367 = arith.addi %mul3A_207, %add3A_366 : vector<16xi32>
        %gather3A_368 = tpu.vector_load_idx %arg8[%add3A_367] : memref<14400xf32, #tpu.memory_space<vmem>>[vector<16xi32>], vector<16xf32>,
        %add3A_369 = arith.constant 21 : i32
        %add3A_370 = vector.broadcast %add3A_369 : i32 to vector<16xi32>
        %add3A_371 = arith.addi %mul3A_207, %add3A_370 : vector<16xi32>
        %gather3A_372 = tpu.vector_load_idx %arg8[%add3A_371] : memref<14400xf32, #tpu.memory_space<vmem>>[vector<16xi32>], vector<16xf32>,
        %add3A_373 = arith.constant 22 : i32
        %add3A_374 = vector.broadcast %add3A_373 : i32 to vector<16xi32>
        %add3A_375 = arith.addi %mul3A_207, %add3A_374 : vector<16xi32>
        %gather3A_376 = tpu.vector_load_idx %arg8[%add3A_375] : memref<14400xf32, #tpu.memory_space<vmem>>[vector<16xi32>], vector<16xf32>,
        %add3A_377 = arith.constant 23 : i32
        %add3A_378 = vector.broadcast %add3A_377 : i32 to vector<16xi32>
        %add3A_379 = arith.addi %mul3A_207, %add3A_378 : vector<16xi32>
        %gather3A_380 = tpu.vector_load_idx %arg8[%add3A_379] : memref<14400xf32, #tpu.memory_space<vmem>>[vector<16xi32>], vector<16xf32>,
        %add3A_381 = arith.constant 0 : i32
        %add3A_382 = vector.broadcast %add3A_381 : i32 to vector<16xi32>
        %add3A_383 = arith.addi %mul3A_210, %add3A_382 : vector<16xi32>
        %gather3A_384 = tpu.vector_load_idx %arg9[%add3A_383] : memref<2400xf32, #tpu.memory_space<vmem>>[vector<16xi32>], vector<16xf32>,
        %add3A_385 = arith.constant 1 : i32
        %add3A_386 = vector.broadcast %add3A_385 : i32 to vector<16xi32>
        %add3A_387 = arith.addi %mul3A_210, %add3A_386 : vector<16xi32>
        %gather3A_388 = tpu.vector_load_idx %arg9[%add3A_387] : memref<2400xf32, #tpu.memory_space<vmem>>[vector<16xi32>], vector<16xf32>,
        %add3A_389 = arith.constant 2 : i32
        %add3A_390 = vector.broadcast %add3A_389 : i32 to vector<16xi32>
        %add3A_391 = arith.addi %mul3A_210, %add3A_390 : vector<16xi32>
        %gather3A_392 = tpu.vector_load_idx %arg9[%add3A_391] : memref<2400xf32, #tpu.memory_space<vmem>>[vector<16xi32>], vector<16xf32>,
        %add3A_393 = arith.constant 3 : i32
        %add3A_394 = vector.broadcast %add3A_393 : i32 to vector<16xi32>
        %add3A_395 = arith.addi %mul3A_210, %add3A_394 : vector<16xi32>
        %gather3A_396 = tpu.vector_load_idx %arg9[%add3A_395] : memref<2400xf32, #tpu.memory_space<vmem>>[vector<16xi32>], vector<16xf32>,
        %add3A_397 = arith.constant 4 : i32
        %add3A_398 = vector.broadcast %add3A_397 : i32 to vector<16xi32>
        %add3A_399 = arith.addi %mul3A_210, %add3A_398 : vector<16xi32>
        %gather3A_400 = tpu.vector_load_idx %arg9[%add3A_399] : memref<2400xf32, #tpu.memory_space<vmem>>[vector<16xi32>], vector<16xf32>,
        %add3A_401 = arith.constant 5 : i32
        %add3A_402 = vector.broadcast %add3A_401 : i32 to vector<16xi32>
        %add3A_403 = arith.addi %mul3A_210, %add3A_402 : vector<16xi32>
        %gather3A_404 = tpu.vector_load_idx %arg9[%add3A_403] : memref<2400xf32, #tpu.memory_space<vmem>>[vector<16xi32>], vector<16xf32>,
        %add3A_405 = arith.constant 6 : i32
        %add3A_406 = vector.broadcast %add3A_405 : i32 to vector<16xi32>
        %add3A_407 = arith.addi %mul3A_210, %add3A_406 : vector<16xi32>
        %gather3A_408 = tpu.vector_load_idx %arg9[%add3A_407] : memref<2400xf32, #tpu.memory_space<vmem>>[vector<16xi32>], vector<16xf32>,
        %add3A_409 = arith.constant 7 : i32
        %add3A_410 = vector.broadcast %add3A_409 : i32 to vector<16xi32>
        %add3A_411 = arith.addi %mul3A_210, %add3A_410 : vector<16xi32>
        %gather3A_412 = tpu.vector_load_idx %arg9[%add3A_411] : memref<2400xf32, #tpu.memory_space<vmem>>[vector<16xi32>], vector<16xf32>,
        %swap3A_413 = arith.constant 16 : i32
        %swap3A_414 = arith.index_cast %swap3A_413 : i32 to index
        %swap3A_415 = arith.index_cast %mul3A_122 : i32 to index
        %swap3A_416 = tpu.vector_load %arg14[%swap3A_414, %swap3A_415] {strides = array<i32>} : memref<108x384xf32, #tpu.memory_space<vmem>>, vector<16xf32>,
        tpu.vector_store %arg14[%swap3A_414, %swap3A_415], %gather3A_352 {strides = array<i32>} : memref<108x384xf32, #tpu.memory_space<vmem>>, vector<16xf32>,
        %swap3A_417 = arith.constant 17 : i32
        %swap3A_418 = arith.index_cast %swap3A_417 : i32 to index
        %swap3A_419 = arith.index_cast %mul3A_122 : i32 to index
        %swap3A_420 = tpu.vector_load %arg14[%swap3A_418, %swap3A_419] {strides = array<i32>} : memref<108x384xf32, #tpu.memory_space<vmem>>, vector<16xf32>,
        tpu.vector_store %arg14[%swap3A_418, %swap3A_419], %gather3A_356 {strides = array<i32>} : memref<108x384xf32, #tpu.memory_space<vmem>>, vector<16xf32>,
        %swap3A_421 = arith.constant 18 : i32
        %swap3A_422 = arith.index_cast %swap3A_421 : i32 to index
        %swap3A_423 = arith.index_cast %mul3A_122 : i32 to index
        %swap3A_424 = tpu.vector_load %arg14[%swap3A_422, %swap3A_423] {strides = array<i32>} : memref<108x384xf32, #tpu.memory_space<vmem>>, vector<16xf32>,
        tpu.vector_store %arg14[%swap3A_422, %swap3A_423], %gather3A_360 {strides = array<i32>} : memref<108x384xf32, #tpu.memory_space<vmem>>, vector<16xf32>,
        %swap3A_425 = arith.constant 19 : i32
        %swap3A_426 = arith.index_cast %swap3A_425 : i32 to index
        %swap3A_427 = arith.index_cast %mul3A_122 : i32 to index
        %swap3A_428 = tpu.vector_load %arg14[%swap3A_426, %swap3A_427] {strides = array<i32>} : memref<108x384xf32, #tpu.memory_space<vmem>>, vector<16xf32>,
        tpu.vector_store %arg14[%swap3A_426, %swap3A_427], %gather3A_364 {strides = array<i32>} : memref<108x384xf32, #tpu.memory_space<vmem>>, vector<16xf32>,
        %swap3A_429 = arith.constant 20 : i32
        %swap3A_430 = arith.index_cast %swap3A_429 : i32 to index
        %swap3A_431 = arith.index_cast %mul3A_122 : i32 to index
        %swap3A_432 = tpu.vector_load %arg14[%swap3A_430, %swap3A_431] {strides = array<i32>} : memref<108x384xf32, #tpu.memory_space<vmem>>, vector<16xf32>,
        tpu.vector_store %arg14[%swap3A_430, %swap3A_431], %gather3A_368 {strides = array<i32>} : memref<108x384xf32, #tpu.memory_space<vmem>>, vector<16xf32>,
        %swap3A_433 = arith.constant 21 : i32
        %swap3A_434 = arith.index_cast %swap3A_433 : i32 to index
        %swap3A_435 = arith.index_cast %mul3A_122 : i32 to index
        %swap3A_436 = tpu.vector_load %arg14[%swap3A_434, %swap3A_435] {strides = array<i32>} : memref<108x384xf32, #tpu.memory_space<vmem>>, vector<16xf32>,
        tpu.vector_store %arg14[%swap3A_434, %swap3A_435], %gather3A_372 {strides = array<i32>} : memref<108x384xf32, #tpu.memory_space<vmem>>, vector<16xf32>,
        %swap3A_437 = arith.constant 22 : i32
        %swap3A_438 = arith.index_cast %swap3A_437 : i32 to index
        %swap3A_439 = arith.index_cast %mul3A_122 : i32 to index
        %swap3A_440 = tpu.vector_load %arg14[%swap3A_438, %swap3A_439] {strides = array<i32>} : memref<108x384xf32, #tpu.memory_space<vmem>>, vector<16xf32>,
        tpu.vector_store %arg14[%swap3A_438, %swap3A_439], %gather3A_376 {strides = array<i32>} : memref<108x384xf32, #tpu.memory_space<vmem>>, vector<16xf32>,
        %swap3A_441 = arith.constant 23 : i32
        %swap3A_442 = arith.index_cast %swap3A_441 : i32 to index
        %swap3A_443 = arith.index_cast %mul3A_122 : i32 to index
        %swap3A_444 = tpu.vector_load %arg14[%swap3A_442, %swap3A_443] {strides = array<i32>} : memref<108x384xf32, #tpu.memory_space<vmem>>, vector<16xf32>,
        tpu.vector_store %arg14[%swap3A_442, %swap3A_443], %gather3A_380 {strides = array<i32>} : memref<108x384xf32, #tpu.memory_space<vmem>>, vector<16xf32>,
        %swap3A_445 = arith.constant 24 : i32
        %swap3A_446 = arith.index_cast %swap3A_445 : i32 to index
        %swap3A_447 = arith.index_cast %mul3A_122 : i32 to index
        %swap3A_448 = tpu.vector_load %arg14[%swap3A_446, %swap3A_447] {strides = array<i32>} : memref<108x384xf32, #tpu.memory_space<vmem>>, vector<16xf32>,
        tpu.vector_store %arg14[%swap3A_446, %swap3A_447], %gather3A_384 {strides = array<i32>} : memref<108x384xf32, #tpu.memory_space<vmem>>, vector<16xf32>,
        %swap3A_449 = arith.constant 25 : i32
        %swap3A_450 = arith.index_cast %swap3A_449 : i32 to index
        %swap3A_451 = arith.index_cast %mul3A_122 : i32 to index
        %swap3A_452 = tpu.vector_load %arg14[%swap3A_450, %swap3A_451] {strides = array<i32>} : memref<108x384xf32, #tpu.memory_space<vmem>>, vector<16xf32>,
        tpu.vector_store %arg14[%swap3A_450, %swap3A_451], %gather3A_388 {strides = array<i32>} : memref<108x384xf32, #tpu.memory_space<vmem>>, vector<16xf32>,
        %swap3A_453 = arith.constant 26 : i32
        %swap3A_454 = arith.index_cast %swap3A_453 : i32 to index
        %swap3A_455 = arith.index_cast %mul3A_122 : i32 to index
        %swap3A_456 = tpu.vector_load %arg14[%swap3A_454, %swap3A_455] {strides = array<i32>} : memref<108x384xf32, #tpu.memory_space<vmem>>, vector<16xf32>,
        tpu.vector_store %arg14[%swap3A_454, %swap3A_455], %gather3A_392 {strides = array<i32>} : memref<108x384xf32, #tpu.memory_space<vmem>>, vector<16xf32>,
        %swap3A_457 = arith.constant 27 : i32
        %swap3A_458 = arith.index_cast %swap3A_457 : i32 to index
        %swap3A_459 = arith.index_cast %mul3A_122 : i32 to index
        %swap3A_460 = tpu.vector_load %arg14[%swap3A_458, %swap3A_459] {strides = array<i32>} : memref<108x384xf32, #tpu.memory_space<vmem>>, vector<16xf32>,
        tpu.vector_store %arg14[%swap3A_458, %swap3A_459], %gather3A_396 {strides = array<i32>} : memref<108x384xf32, #tpu.memory_space<vmem>>, vector<16xf32>,
        %swap3A_461 = arith.constant 28 : i32
        %swap3A_462 = arith.index_cast %swap3A_461 : i32 to index
        %swap3A_463 = arith.index_cast %mul3A_122 : i32 to index
        %swap3A_464 = tpu.vector_load %arg14[%swap3A_462, %swap3A_463] {strides = array<i32>} : memref<108x384xf32, #tpu.memory_space<vmem>>, vector<16xf32>,
        tpu.vector_store %arg14[%swap3A_462, %swap3A_463], %gather3A_400 {strides = array<i32>} : memref<108x384xf32, #tpu.memory_space<vmem>>, vector<16xf32>,
        %swap3A_465 = arith.constant 29 : i32
        %swap3A_466 = arith.index_cast %swap3A_465 : i32 to index
        %swap3A_467 = arith.index_cast %mul3A_122 : i32 to index
        %swap3A_468 = tpu.vector_load %arg14[%swap3A_466, %swap3A_467] {strides = array<i32>} : memref<108x384xf32, #tpu.memory_space<vmem>>, vector<16xf32>,
        tpu.vector_store %arg14[%swap3A_466, %swap3A_467], %gather3A_404 {strides = array<i32>} : memref<108x384xf32, #tpu.memory_space<vmem>>, vector<16xf32>,
        %swap3A_469 = arith.constant 30 : i32
        %swap3A_470 = arith.index_cast %swap3A_469 : i32 to index
        %swap3A_471 = arith.index_cast %mul3A_122 : i32 to index
        %swap3A_472 = tpu.vector_load %arg14[%swap3A_470, %swap3A_471] {strides = array<i32>} : memref<108x384xf32, #tpu.memory_space<vmem>>, vector<16xf32>,
        tpu.vector_store %arg14[%swap3A_470, %swap3A_471], %gather3A_408 {strides = array<i32>} : memref<108x384xf32, #tpu.memory_space<vmem>>, vector<16xf32>,
        %swap3A_473 = arith.constant 31 : i32
        %swap3A_474 = arith.index_cast %swap3A_473 : i32 to index
        %swap3A_475 = arith.index_cast %mul3A_122 : i32 to index
        %swap3A_476 = tpu.vector_load %arg14[%swap3A_474, %swap3A_475] {strides = array<i32>} : memref<108x384xf32, #tpu.memory_space<vmem>>, vector<16xf32>,
        tpu.vector_store %arg14[%swap3A_474, %swap3A_475], %gather3A_412 {strides = array<i32>} : memref<108x384xf32, #tpu.memory_space<vmem>>, vector<16xf32>,
        %add3A_477 = arith.constant 8 : i32
        %add3A_478 = vector.broadcast %add3A_477 : i32 to vector<16xi32>
        %add3A_479 = arith.addi %mul3A_210, %add3A_478 : vector<16xi32>
        %gather3A_480 = tpu.vector_load_idx %arg9[%add3A_479] : memref<2400xf32, #tpu.memory_space<vmem>>[vector<16xi32>], vector<16xf32>,
        %add3A_481 = arith.constant 9 : i32
        %add3A_482 = vector.broadcast %add3A_481 : i32 to vector<16xi32>
        %add3A_483 = arith.addi %mul3A_210, %add3A_482 : vector<16xi32>
        %gather3A_484 = tpu.vector_load_idx %arg9[%add3A_483] : memref<2400xf32, #tpu.memory_space<vmem>>[vector<16xi32>], vector<16xf32>,
        %add3A_485 = arith.constant 10 : i32
        %add3A_486 = vector.broadcast %add3A_485 : i32 to vector<16xi32>
        %add3A_487 = arith.addi %mul3A_210, %add3A_486 : vector<16xi32>
        %gather3A_488 = tpu.vector_load_idx %arg9[%add3A_487] : memref<2400xf32, #tpu.memory_space<vmem>>[vector<16xi32>], vector<16xf32>,
        %add3A_489 = arith.constant 11 : i32
        %add3A_490 = vector.broadcast %add3A_489 : i32 to vector<16xi32>
        %add3A_491 = arith.addi %mul3A_210, %add3A_490 : vector<16xi32>
        %gather3A_492 = tpu.vector_load_idx %arg9[%add3A_491] : memref<2400xf32, #tpu.memory_space<vmem>>[vector<16xi32>], vector<16xf32>,
        %add3A_493 = arith.constant 12 : i32
        %add3A_494 = vector.broadcast %add3A_493 : i32 to vector<16xi32>
        %add3A_495 = arith.addi %mul3A_210, %add3A_494 : vector<16xi32>
        %gather3A_496 = tpu.vector_load_idx %arg9[%add3A_495] : memref<2400xf32, #tpu.memory_space<vmem>>[vector<16xi32>], vector<16xf32>,
        %add3A_497 = arith.constant 13 : i32
        %add3A_498 = vector.broadcast %add3A_497 : i32 to vector<16xi32>
        %add3A_499 = arith.addi %mul3A_210, %add3A_498 : vector<16xi32>
        %gather3A_500 = tpu.vector_load_idx %arg9[%add3A_499] : memref<2400xf32, #tpu.memory_space<vmem>>[vector<16xi32>], vector<16xf32>,
        %add3A_501 = arith.constant 14 : i32
        %add3A_502 = vector.broadcast %add3A_501 : i32 to vector<16xi32>
        %add3A_503 = arith.addi %mul3A_210, %add3A_502 : vector<16xi32>
        %gather3A_504 = tpu.vector_load_idx %arg9[%add3A_503] : memref<2400xf32, #tpu.memory_space<vmem>>[vector<16xi32>], vector<16xf32>,
        %add3A_505 = arith.constant 15 : i32
        %add3A_506 = vector.broadcast %add3A_505 : i32 to vector<16xi32>
        %add3A_507 = arith.addi %mul3A_210, %add3A_506 : vector<16xi32>
        %gather3A_508 = tpu.vector_load_idx %arg9[%add3A_507] : memref<2400xf32, #tpu.memory_space<vmem>>[vector<16xi32>], vector<16xf32>,
        %add3A_509 = arith.constant 16 : i32
        %add3A_510 = vector.broadcast %add3A_509 : i32 to vector<16xi32>
        %add3A_511 = arith.addi %mul3A_210, %add3A_510 : vector<16xi32>
        %gather3A_512 = tpu.vector_load_idx %arg9[%add3A_511] : memref<2400xf32, #tpu.memory_space<vmem>>[vector<16xi32>], vector<16xf32>,
        %add3A_513 = arith.constant 17 : i32
        %add3A_514 = vector.broadcast %add3A_513 : i32 to vector<16xi32>
        %add3A_515 = arith.addi %mul3A_210, %add3A_514 : vector<16xi32>
        %gather3A_516 = tpu.vector_load_idx %arg9[%add3A_515] : memref<2400xf32, #tpu.memory_space<vmem>>[vector<16xi32>], vector<16xf32>,
        %add3A_517 = arith.constant 18 : i32
        %add3A_518 = vector.broadcast %add3A_517 : i32 to vector<16xi32>
        %add3A_519 = arith.addi %mul3A_210, %add3A_518 : vector<16xi32>
        %gather3A_520 = tpu.vector_load_idx %arg9[%add3A_519] : memref<2400xf32, #tpu.memory_space<vmem>>[vector<16xi32>], vector<16xf32>,
        %add3A_521 = arith.constant 19 : i32
        %add3A_522 = vector.broadcast %add3A_521 : i32 to vector<16xi32>
        %add3A_523 = arith.addi %mul3A_210, %add3A_522 : vector<16xi32>
        %gather3A_524 = tpu.vector_load_idx %arg9[%add3A_523] : memref<2400xf32, #tpu.memory_space<vmem>>[vector<16xi32>], vector<16xf32>,
        %add3A_525 = arith.constant 20 : i32
        %add3A_526 = vector.broadcast %add3A_525 : i32 to vector<16xi32>
        %add3A_527 = arith.addi %mul3A_210, %add3A_526 : vector<16xi32>
        %gather3A_528 = tpu.vector_load_idx %arg9[%add3A_527] : memref<2400xf32, #tpu.memory_space<vmem>>[vector<16xi32>], vector<16xf32>,
        %add3A_529 = arith.constant 21 : i32
        %add3A_530 = vector.broadcast %add3A_529 : i32 to vector<16xi32>
        %add3A_531 = arith.addi %mul3A_210, %add3A_530 : vector<16xi32>
        %gather3A_532 = tpu.vector_load_idx %arg9[%add3A_531] : memref<2400xf32, #tpu.memory_space<vmem>>[vector<16xi32>], vector<16xf32>,
        %add3A_533 = arith.constant 22 : i32
        %add3A_534 = vector.broadcast %add3A_533 : i32 to vector<16xi32>
        %add3A_535 = arith.addi %mul3A_210, %add3A_534 : vector<16xi32>
        %gather3A_536 = tpu.vector_load_idx %arg9[%add3A_535] : memref<2400xf32, #tpu.memory_space<vmem>>[vector<16xi32>], vector<16xf32>,
        %add3A_537 = arith.constant 23 : i32
        %add3A_538 = vector.broadcast %add3A_537 : i32 to vector<16xi32>
        %add3A_539 = arith.addi %mul3A_210, %add3A_538 : vector<16xi32>
        %gather3A_540 = tpu.vector_load_idx %arg9[%add3A_539] : memref<2400xf32, #tpu.memory_space<vmem>>[vector<16xi32>], vector<16xf32>,
        %swap3A_541 = arith.constant 32 : i32
        %swap3A_542 = arith.index_cast %swap3A_541 : i32 to index
        %swap3A_543 = arith.index_cast %mul3A_122 : i32 to index
        %swap3A_544 = tpu.vector_load %arg14[%swap3A_542, %swap3A_543] {strides = array<i32>} : memref<108x384xf32, #tpu.memory_space<vmem>>, vector<16xf32>,
        tpu.vector_store %arg14[%swap3A_542, %swap3A_543], %gather3A_480 {strides = array<i32>} : memref<108x384xf32, #tpu.memory_space<vmem>>, vector<16xf32>,
        %swap3A_545 = arith.constant 33 : i32
        %swap3A_546 = arith.index_cast %swap3A_545 : i32 to index
        %swap3A_547 = arith.index_cast %mul3A_122 : i32 to index
        %swap3A_548 = tpu.vector_load %arg14[%swap3A_546, %swap3A_547] {strides = array<i32>} : memref<108x384xf32, #tpu.memory_space<vmem>>, vector<16xf32>,
        tpu.vector_store %arg14[%swap3A_546, %swap3A_547], %gather3A_484 {strides = array<i32>} : memref<108x384xf32, #tpu.memory_space<vmem>>, vector<16xf32>,
        %swap3A_549 = arith.constant 34 : i32
        %swap3A_550 = arith.index_cast %swap3A_549 : i32 to index
        %swap3A_551 = arith.index_cast %mul3A_122 : i32 to index
        %swap3A_552 = tpu.vector_load %arg14[%swap3A_550, %swap3A_551] {strides = array<i32>} : memref<108x384xf32, #tpu.memory_space<vmem>>, vector<16xf32>,
        tpu.vector_store %arg14[%swap3A_550, %swap3A_551], %gather3A_488 {strides = array<i32>} : memref<108x384xf32, #tpu.memory_space<vmem>>, vector<16xf32>,
        %swap3A_553 = arith.constant 35 : i32
        %swap3A_554 = arith.index_cast %swap3A_553 : i32 to index
        %swap3A_555 = arith.index_cast %mul3A_122 : i32 to index
        %swap3A_556 = tpu.vector_load %arg14[%swap3A_554, %swap3A_555] {strides = array<i32>} : memref<108x384xf32, #tpu.memory_space<vmem>>, vector<16xf32>,
        tpu.vector_store %arg14[%swap3A_554, %swap3A_555], %gather3A_492 {strides = array<i32>} : memref<108x384xf32, #tpu.memory_space<vmem>>, vector<16xf32>,
        %swap3A_557 = arith.constant 36 : i32
        %swap3A_558 = arith.index_cast %swap3A_557 : i32 to index
        %swap3A_559 = arith.index_cast %mul3A_122 : i32 to index
        %swap3A_560 = tpu.vector_load %arg14[%swap3A_558, %swap3A_559] {strides = array<i32>} : memref<108x384xf32, #tpu.memory_space<vmem>>, vector<16xf32>,
        tpu.vector_store %arg14[%swap3A_558, %swap3A_559], %gather3A_496 {strides = array<i32>} : memref<108x384xf32, #tpu.memory_space<vmem>>, vector<16xf32>,
        %swap3A_561 = arith.constant 37 : i32
        %swap3A_562 = arith.index_cast %swap3A_561 : i32 to index
        %swap3A_563 = arith.index_cast %mul3A_122 : i32 to index
        %swap3A_564 = tpu.vector_load %arg14[%swap3A_562, %swap3A_563] {strides = array<i32>} : memref<108x384xf32, #tpu.memory_space<vmem>>, vector<16xf32>,
        tpu.vector_store %arg14[%swap3A_562, %swap3A_563], %gather3A_500 {strides = array<i32>} : memref<108x384xf32, #tpu.memory_space<vmem>>, vector<16xf32>,
        %swap3A_565 = arith.constant 38 : i32
        %swap3A_566 = arith.index_cast %swap3A_565 : i32 to index
        %swap3A_567 = arith.index_cast %mul3A_122 : i32 to index
        %swap3A_568 = tpu.vector_load %arg14[%swap3A_566, %swap3A_567] {strides = array<i32>} : memref<108x384xf32, #tpu.memory_space<vmem>>, vector<16xf32>,
        tpu.vector_store %arg14[%swap3A_566, %swap3A_567], %gather3A_504 {strides = array<i32>} : memref<108x384xf32, #tpu.memory_space<vmem>>, vector<16xf32>,
        %swap3A_569 = arith.constant 39 : i32
        %swap3A_570 = arith.index_cast %swap3A_569 : i32 to index
        %swap3A_571 = arith.index_cast %mul3A_122 : i32 to index
        %swap3A_572 = tpu.vector_load %arg14[%swap3A_570, %swap3A_571] {strides = array<i32>} : memref<108x384xf32, #tpu.memory_space<vmem>>, vector<16xf32>,
        tpu.vector_store %arg14[%swap3A_570, %swap3A_571], %gather3A_508 {strides = array<i32>} : memref<108x384xf32, #tpu.memory_space<vmem>>, vector<16xf32>,
        %swap3A_573 = arith.constant 40 : i32
        %swap3A_574 = arith.index_cast %swap3A_573 : i32 to index
        %swap3A_575 = arith.index_cast %mul3A_122 : i32 to index
        %swap3A_576 = tpu.vector_load %arg14[%swap3A_574, %swap3A_575] {strides = array<i32>} : memref<108x384xf32, #tpu.memory_space<vmem>>, vector<16xf32>,
        tpu.vector_store %arg14[%swap3A_574, %swap3A_575], %gather3A_512 {strides = array<i32>} : memref<108x384xf32, #tpu.memory_space<vmem>>, vector<16xf32>,
        %swap3A_577 = arith.constant 41 : i32
        %swap3A_578 = arith.index_cast %swap3A_577 : i32 to index
        %swap3A_579 = arith.index_cast %mul3A_122 : i32 to index
        %swap3A_580 = tpu.vector_load %arg14[%swap3A_578, %swap3A_579] {strides = array<i32>} : memref<108x384xf32, #tpu.memory_space<vmem>>, vector<16xf32>,
        tpu.vector_store %arg14[%swap3A_578, %swap3A_579], %gather3A_516 {strides = array<i32>} : memref<108x384xf32, #tpu.memory_space<vmem>>, vector<16xf32>,
        %swap3A_581 = arith.constant 42 : i32
        %swap3A_582 = arith.index_cast %swap3A_581 : i32 to index
        %swap3A_583 = arith.index_cast %mul3A_122 : i32 to index
        %swap3A_584 = tpu.vector_load %arg14[%swap3A_582, %swap3A_583] {strides = array<i32>} : memref<108x384xf32, #tpu.memory_space<vmem>>, vector<16xf32>,
        tpu.vector_store %arg14[%swap3A_582, %swap3A_583], %gather3A_520 {strides = array<i32>} : memref<108x384xf32, #tpu.memory_space<vmem>>, vector<16xf32>,
        %swap3A_585 = arith.constant 43 : i32
        %swap3A_586 = arith.index_cast %swap3A_585 : i32 to index
        %swap3A_587 = arith.index_cast %mul3A_122 : i32 to index
        %swap3A_588 = tpu.vector_load %arg14[%swap3A_586, %swap3A_587] {strides = array<i32>} : memref<108x384xf32, #tpu.memory_space<vmem>>, vector<16xf32>,
        tpu.vector_store %arg14[%swap3A_586, %swap3A_587], %gather3A_524 {strides = array<i32>} : memref<108x384xf32, #tpu.memory_space<vmem>>, vector<16xf32>,
        %swap3A_589 = arith.constant 44 : i32
        %swap3A_590 = arith.index_cast %swap3A_589 : i32 to index
        %swap3A_591 = arith.index_cast %mul3A_122 : i32 to index
        %swap3A_592 = tpu.vector_load %arg14[%swap3A_590, %swap3A_591] {strides = array<i32>} : memref<108x384xf32, #tpu.memory_space<vmem>>, vector<16xf32>,
        tpu.vector_store %arg14[%swap3A_590, %swap3A_591], %gather3A_528 {strides = array<i32>} : memref<108x384xf32, #tpu.memory_space<vmem>>, vector<16xf32>,
        %swap3A_593 = arith.constant 45 : i32
        %swap3A_594 = arith.index_cast %swap3A_593 : i32 to index
        %swap3A_595 = arith.index_cast %mul3A_122 : i32 to index
        %swap3A_596 = tpu.vector_load %arg14[%swap3A_594, %swap3A_595] {strides = array<i32>} : memref<108x384xf32, #tpu.memory_space<vmem>>, vector<16xf32>,
        tpu.vector_store %arg14[%swap3A_594, %swap3A_595], %gather3A_532 {strides = array<i32>} : memref<108x384xf32, #tpu.memory_space<vmem>>, vector<16xf32>,
        %swap3A_597 = arith.constant 46 : i32
        %swap3A_598 = arith.index_cast %swap3A_597 : i32 to index
        %swap3A_599 = arith.index_cast %mul3A_122 : i32 to index
        %swap3A_600 = tpu.vector_load %arg14[%swap3A_598, %swap3A_599] {strides = array<i32>} : memref<108x384xf32, #tpu.memory_space<vmem>>, vector<16xf32>,
        tpu.vector_store %arg14[%swap3A_598, %swap3A_599], %gather3A_536 {strides = array<i32>} : memref<108x384xf32, #tpu.memory_space<vmem>>, vector<16xf32>,
        %swap3A_601 = arith.constant 47 : i32
        %swap3A_602 = arith.index_cast %swap3A_601 : i32 to index
        %swap3A_603 = arith.index_cast %mul3A_122 : i32 to index
        %swap3A_604 = tpu.vector_load %arg14[%swap3A_602, %swap3A_603] {strides = array<i32>} : memref<108x384xf32, #tpu.memory_space<vmem>>, vector<16xf32>,
        tpu.vector_store %arg14[%swap3A_602, %swap3A_603], %gather3A_540 {strides = array<i32>} : memref<108x384xf32, #tpu.memory_space<vmem>>, vector<16xf32>,
        %add3A_605 = arith.constant 0 : i32
        %add3A_606 = vector.broadcast %add3A_605 : i32 to vector<16xi32>
        %add3A_607 = arith.addi %mul3A_213, %add3A_606 : vector<16xi32>
        %gather3A_608 = tpu.vector_load_idx %arg8[%add3A_607] : memref<14400xf32, #tpu.memory_space<vmem>>[vector<16xi32>], vector<16xf32>,
        %add3A_609 = arith.constant 1 : i32
        %add3A_610 = vector.broadcast %add3A_609 : i32 to vector<16xi32>
        %add3A_611 = arith.addi %mul3A_213, %add3A_610 : vector<16xi32>
        %gather3A_612 = tpu.vector_load_idx %arg8[%add3A_611] : memref<14400xf32, #tpu.memory_space<vmem>>[vector<16xi32>], vector<16xf32>,
        %add3A_613 = arith.constant 2 : i32
        %add3A_614 = vector.broadcast %add3A_613 : i32 to vector<16xi32>
        %add3A_615 = arith.addi %mul3A_213, %add3A_614 : vector<16xi32>
        %gather3A_616 = tpu.vector_load_idx %arg8[%add3A_615] : memref<14400xf32, #tpu.memory_space<vmem>>[vector<16xi32>], vector<16xf32>,
        %add3A_617 = arith.constant 3 : i32
        %add3A_618 = vector.broadcast %add3A_617 : i32 to vector<16xi32>
        %add3A_619 = arith.addi %mul3A_213, %add3A_618 : vector<16xi32>
        %gather3A_620 = tpu.vector_load_idx %arg8[%add3A_619] : memref<14400xf32, #tpu.memory_space<vmem>>[vector<16xi32>], vector<16xf32>,
        %add3A_621 = arith.constant 4 : i32
        %add3A_622 = vector.broadcast %add3A_621 : i32 to vector<16xi32>
        %add3A_623 = arith.addi %mul3A_213, %add3A_622 : vector<16xi32>
        %gather3A_624 = tpu.vector_load_idx %arg8[%add3A_623] : memref<14400xf32, #tpu.memory_space<vmem>>[vector<16xi32>], vector<16xf32>,
        %add3A_625 = arith.constant 5 : i32
        %add3A_626 = vector.broadcast %add3A_625 : i32 to vector<16xi32>
        %add3A_627 = arith.addi %mul3A_213, %add3A_626 : vector<16xi32>
        %gather3A_628 = tpu.vector_load_idx %arg8[%add3A_627] : memref<14400xf32, #tpu.memory_space<vmem>>[vector<16xi32>], vector<16xf32>,
        %add3A_629 = arith.constant 6 : i32
        %add3A_630 = vector.broadcast %add3A_629 : i32 to vector<16xi32>
        %add3A_631 = arith.addi %mul3A_213, %add3A_630 : vector<16xi32>
        %gather3A_632 = tpu.vector_load_idx %arg8[%add3A_631] : memref<14400xf32, #tpu.memory_space<vmem>>[vector<16xi32>], vector<16xf32>,
        %add3A_633 = arith.constant 7 : i32
        %add3A_634 = vector.broadcast %add3A_633 : i32 to vector<16xi32>
        %add3A_635 = arith.addi %mul3A_213, %add3A_634 : vector<16xi32>
        %gather3A_636 = tpu.vector_load_idx %arg8[%add3A_635] : memref<14400xf32, #tpu.memory_space<vmem>>[vector<16xi32>], vector<16xf32>,
        %add3A_637 = arith.constant 8 : i32
        %add3A_638 = vector.broadcast %add3A_637 : i32 to vector<16xi32>
        %add3A_639 = arith.addi %mul3A_213, %add3A_638 : vector<16xi32>
        %gather3A_640 = tpu.vector_load_idx %arg8[%add3A_639] : memref<14400xf32, #tpu.memory_space<vmem>>[vector<16xi32>], vector<16xf32>,
        %add3A_641 = arith.constant 9 : i32
        %add3A_642 = vector.broadcast %add3A_641 : i32 to vector<16xi32>
        %add3A_643 = arith.addi %mul3A_213, %add3A_642 : vector<16xi32>
        %gather3A_644 = tpu.vector_load_idx %arg8[%add3A_643] : memref<14400xf32, #tpu.memory_space<vmem>>[vector<16xi32>], vector<16xf32>,
        %add3A_645 = arith.constant 10 : i32
        %add3A_646 = vector.broadcast %add3A_645 : i32 to vector<16xi32>
        %add3A_647 = arith.addi %mul3A_213, %add3A_646 : vector<16xi32>
        %gather3A_648 = tpu.vector_load_idx %arg8[%add3A_647] : memref<14400xf32, #tpu.memory_space<vmem>>[vector<16xi32>], vector<16xf32>,
        %add3A_649 = arith.constant 11 : i32
        %add3A_650 = vector.broadcast %add3A_649 : i32 to vector<16xi32>
        %add3A_651 = arith.addi %mul3A_213, %add3A_650 : vector<16xi32>
        %gather3A_652 = tpu.vector_load_idx %arg8[%add3A_651] : memref<14400xf32, #tpu.memory_space<vmem>>[vector<16xi32>], vector<16xf32>,
        %add3A_653 = arith.constant 12 : i32
        %add3A_654 = vector.broadcast %add3A_653 : i32 to vector<16xi32>
        %add3A_655 = arith.addi %mul3A_213, %add3A_654 : vector<16xi32>
        %gather3A_656 = tpu.vector_load_idx %arg8[%add3A_655] : memref<14400xf32, #tpu.memory_space<vmem>>[vector<16xi32>], vector<16xf32>,
        %add3A_657 = arith.constant 13 : i32
        %add3A_658 = vector.broadcast %add3A_657 : i32 to vector<16xi32>
        %add3A_659 = arith.addi %mul3A_213, %add3A_658 : vector<16xi32>
        %gather3A_660 = tpu.vector_load_idx %arg8[%add3A_659] : memref<14400xf32, #tpu.memory_space<vmem>>[vector<16xi32>], vector<16xf32>,
        %add3A_661 = arith.constant 14 : i32
        %add3A_662 = vector.broadcast %add3A_661 : i32 to vector<16xi32>
        %add3A_663 = arith.addi %mul3A_213, %add3A_662 : vector<16xi32>
        %gather3A_664 = tpu.vector_load_idx %arg8[%add3A_663] : memref<14400xf32, #tpu.memory_space<vmem>>[vector<16xi32>], vector<16xf32>,
        %add3A_665 = arith.constant 15 : i32
        %add3A_666 = vector.broadcast %add3A_665 : i32 to vector<16xi32>
        %add3A_667 = arith.addi %mul3A_213, %add3A_666 : vector<16xi32>
        %gather3A_668 = tpu.vector_load_idx %arg8[%add3A_667] : memref<14400xf32, #tpu.memory_space<vmem>>[vector<16xi32>], vector<16xf32>,
        %swap3A_669 = arith.constant 48 : i32
        %swap3A_670 = arith.index_cast %swap3A_669 : i32 to index
        %swap3A_671 = arith.index_cast %mul3A_122 : i32 to index
        %swap3A_672 = tpu.vector_load %arg14[%swap3A_670, %swap3A_671] {strides = array<i32>} : memref<108x384xf32, #tpu.memory_space<vmem>>, vector<16xf32>,
        tpu.vector_store %arg14[%swap3A_670, %swap3A_671], %gather3A_608 {strides = array<i32>} : memref<108x384xf32, #tpu.memory_space<vmem>>, vector<16xf32>,
        %swap3A_673 = arith.constant 49 : i32
        %swap3A_674 = arith.index_cast %swap3A_673 : i32 to index
        %swap3A_675 = arith.index_cast %mul3A_122 : i32 to index
        %swap3A_676 = tpu.vector_load %arg14[%swap3A_674, %swap3A_675] {strides = array<i32>} : memref<108x384xf32, #tpu.memory_space<vmem>>, vector<16xf32>,
        tpu.vector_store %arg14[%swap3A_674, %swap3A_675], %gather3A_612 {strides = array<i32>} : memref<108x384xf32, #tpu.memory_space<vmem>>, vector<16xf32>,
        %swap3A_677 = arith.constant 50 : i32
        %swap3A_678 = arith.index_cast %swap3A_677 : i32 to index
        %swap3A_679 = arith.index_cast %mul3A_122 : i32 to index
        %swap3A_680 = tpu.vector_load %arg14[%swap3A_678, %swap3A_679] {strides = array<i32>} : memref<108x384xf32, #tpu.memory_space<vmem>>, vector<16xf32>,
        tpu.vector_store %arg14[%swap3A_678, %swap3A_679], %gather3A_616 {strides = array<i32>} : memref<108x384xf32, #tpu.memory_space<vmem>>, vector<16xf32>,
        %swap3A_681 = arith.constant 51 : i32
        %swap3A_682 = arith.index_cast %swap3A_681 : i32 to index
        %swap3A_683 = arith.index_cast %mul3A_122 : i32 to index
        %swap3A_684 = tpu.vector_load %arg14[%swap3A_682, %swap3A_683] {strides = array<i32>} : memref<108x384xf32, #tpu.memory_space<vmem>>, vector<16xf32>,
        tpu.vector_store %arg14[%swap3A_682, %swap3A_683], %gather3A_620 {strides = array<i32>} : memref<108x384xf32, #tpu.memory_space<vmem>>, vector<16xf32>,
        %swap3A_685 = arith.constant 52 : i32
        %swap3A_686 = arith.index_cast %swap3A_685 : i32 to index
        %swap3A_687 = arith.index_cast %mul3A_122 : i32 to index
        %swap3A_688 = tpu.vector_load %arg14[%swap3A_686, %swap3A_687] {strides = array<i32>} : memref<108x384xf32, #tpu.memory_space<vmem>>, vector<16xf32>,
        tpu.vector_store %arg14[%swap3A_686, %swap3A_687], %gather3A_624 {strides = array<i32>} : memref<108x384xf32, #tpu.memory_space<vmem>>, vector<16xf32>,
        %swap3A_689 = arith.constant 53 : i32
        %swap3A_690 = arith.index_cast %swap3A_689 : i32 to index
        %swap3A_691 = arith.index_cast %mul3A_122 : i32 to index
        %swap3A_692 = tpu.vector_load %arg14[%swap3A_690, %swap3A_691] {strides = array<i32>} : memref<108x384xf32, #tpu.memory_space<vmem>>, vector<16xf32>,
        tpu.vector_store %arg14[%swap3A_690, %swap3A_691], %gather3A_628 {strides = array<i32>} : memref<108x384xf32, #tpu.memory_space<vmem>>, vector<16xf32>,
        %swap3A_693 = arith.constant 54 : i32
        %swap3A_694 = arith.index_cast %swap3A_693 : i32 to index
        %swap3A_695 = arith.index_cast %mul3A_122 : i32 to index
        %swap3A_696 = tpu.vector_load %arg14[%swap3A_694, %swap3A_695] {strides = array<i32>} : memref<108x384xf32, #tpu.memory_space<vmem>>, vector<16xf32>,
        tpu.vector_store %arg14[%swap3A_694, %swap3A_695], %gather3A_632 {strides = array<i32>} : memref<108x384xf32, #tpu.memory_space<vmem>>, vector<16xf32>,
        %swap3A_697 = arith.constant 55 : i32
        %swap3A_698 = arith.index_cast %swap3A_697 : i32 to index
        %swap3A_699 = arith.index_cast %mul3A_122 : i32 to index
        %swap3A_700 = tpu.vector_load %arg14[%swap3A_698, %swap3A_699] {strides = array<i32>} : memref<108x384xf32, #tpu.memory_space<vmem>>, vector<16xf32>,
        tpu.vector_store %arg14[%swap3A_698, %swap3A_699], %gather3A_636 {strides = array<i32>} : memref<108x384xf32, #tpu.memory_space<vmem>>, vector<16xf32>,
        %swap3A_701 = arith.constant 56 : i32
        %swap3A_702 = arith.index_cast %swap3A_701 : i32 to index
        %swap3A_703 = arith.index_cast %mul3A_122 : i32 to index
        %swap3A_704 = tpu.vector_load %arg14[%swap3A_702, %swap3A_703] {strides = array<i32>} : memref<108x384xf32, #tpu.memory_space<vmem>>, vector<16xf32>,
        tpu.vector_store %arg14[%swap3A_702, %swap3A_703], %gather3A_640 {strides = array<i32>} : memref<108x384xf32, #tpu.memory_space<vmem>>, vector<16xf32>,
        %swap3A_705 = arith.constant 57 : i32
        %swap3A_706 = arith.index_cast %swap3A_705 : i32 to index
        %swap3A_707 = arith.index_cast %mul3A_122 : i32 to index
        %swap3A_708 = tpu.vector_load %arg14[%swap3A_706, %swap3A_707] {strides = array<i32>} : memref<108x384xf32, #tpu.memory_space<vmem>>, vector<16xf32>,
        tpu.vector_store %arg14[%swap3A_706, %swap3A_707], %gather3A_644 {strides = array<i32>} : memref<108x384xf32, #tpu.memory_space<vmem>>, vector<16xf32>,
        %swap3A_709 = arith.constant 58 : i32
        %swap3A_710 = arith.index_cast %swap3A_709 : i32 to index
        %swap3A_711 = arith.index_cast %mul3A_122 : i32 to index
        %swap3A_712 = tpu.vector_load %arg14[%swap3A_710, %swap3A_711] {strides = array<i32>} : memref<108x384xf32, #tpu.memory_space<vmem>>, vector<16xf32>,
        tpu.vector_store %arg14[%swap3A_710, %swap3A_711], %gather3A_648 {strides = array<i32>} : memref<108x384xf32, #tpu.memory_space<vmem>>, vector<16xf32>,
        %swap3A_713 = arith.constant 59 : i32
        %swap3A_714 = arith.index_cast %swap3A_713 : i32 to index
        %swap3A_715 = arith.index_cast %mul3A_122 : i32 to index
        %swap3A_716 = tpu.vector_load %arg14[%swap3A_714, %swap3A_715] {strides = array<i32>} : memref<108x384xf32, #tpu.memory_space<vmem>>, vector<16xf32>,
        tpu.vector_store %arg14[%swap3A_714, %swap3A_715], %gather3A_652 {strides = array<i32>} : memref<108x384xf32, #tpu.memory_space<vmem>>, vector<16xf32>,
        %swap3A_717 = arith.constant 60 : i32
        %swap3A_718 = arith.index_cast %swap3A_717 : i32 to index
        %swap3A_719 = arith.index_cast %mul3A_122 : i32 to index
        %swap3A_720 = tpu.vector_load %arg14[%swap3A_718, %swap3A_719] {strides = array<i32>} : memref<108x384xf32, #tpu.memory_space<vmem>>, vector<16xf32>,
        tpu.vector_store %arg14[%swap3A_718, %swap3A_719], %gather3A_656 {strides = array<i32>} : memref<108x384xf32, #tpu.memory_space<vmem>>, vector<16xf32>,
        %swap3A_721 = arith.constant 61 : i32
        %swap3A_722 = arith.index_cast %swap3A_721 : i32 to index
        %swap3A_723 = arith.index_cast %mul3A_122 : i32 to index
        %swap3A_724 = tpu.vector_load %arg14[%swap3A_722, %swap3A_723] {strides = array<i32>} : memref<108x384xf32, #tpu.memory_space<vmem>>, vector<16xf32>,
        tpu.vector_store %arg14[%swap3A_722, %swap3A_723], %gather3A_660 {strides = array<i32>} : memref<108x384xf32, #tpu.memory_space<vmem>>, vector<16xf32>,
        %swap3A_725 = arith.constant 62 : i32
        %swap3A_726 = arith.index_cast %swap3A_725 : i32 to index
        %swap3A_727 = arith.index_cast %mul3A_122 : i32 to index
        %swap3A_728 = tpu.vector_load %arg14[%swap3A_726, %swap3A_727] {strides = array<i32>} : memref<108x384xf32, #tpu.memory_space<vmem>>, vector<16xf32>,
        tpu.vector_store %arg14[%swap3A_726, %swap3A_727], %gather3A_664 {strides = array<i32>} : memref<108x384xf32, #tpu.memory_space<vmem>>, vector<16xf32>,
        %swap3A_729 = arith.constant 63 : i32
        %swap3A_730 = arith.index_cast %swap3A_729 : i32 to index
        %swap3A_731 = arith.index_cast %mul3A_122 : i32 to index
        %swap3A_732 = tpu.vector_load %arg14[%swap3A_730, %swap3A_731] {strides = array<i32>} : memref<108x384xf32, #tpu.memory_space<vmem>>, vector<16xf32>,
        tpu.vector_store %arg14[%swap3A_730, %swap3A_731], %gather3A_668 {strides = array<i32>} : memref<108x384xf32, #tpu.memory_space<vmem>>, vector<16xf32>,
        %add3A_733 = arith.constant 16 : i32
        %add3A_734 = vector.broadcast %add3A_733 : i32 to vector<16xi32>
        %add3A_735 = arith.addi %mul3A_213, %add3A_734 : vector<16xi32>
        %gather3A_736 = tpu.vector_load_idx %arg8[%add3A_735] : memref<14400xf32, #tpu.memory_space<vmem>>[vector<16xi32>], vector<16xf32>,
        %add3A_737 = arith.constant 17 : i32
        %add3A_738 = vector.broadcast %add3A_737 : i32 to vector<16xi32>
        %add3A_739 = arith.addi %mul3A_213, %add3A_738 : vector<16xi32>
        %gather3A_740 = tpu.vector_load_idx %arg8[%add3A_739] : memref<14400xf32, #tpu.memory_space<vmem>>[vector<16xi32>], vector<16xf32>,
        %add3A_741 = arith.constant 18 : i32
        %add3A_742 = vector.broadcast %add3A_741 : i32 to vector<16xi32>
        %add3A_743 = arith.addi %mul3A_213, %add3A_742 : vector<16xi32>
        %gather3A_744 = tpu.vector_load_idx %arg8[%add3A_743] : memref<14400xf32, #tpu.memory_space<vmem>>[vector<16xi32>], vector<16xf32>,
        %add3A_745 = arith.constant 19 : i32
        %add3A_746 = vector.broadcast %add3A_745 : i32 to vector<16xi32>
        %add3A_747 = arith.addi %mul3A_213, %add3A_746 : vector<16xi32>
        %gather3A_748 = tpu.vector_load_idx %arg8[%add3A_747] : memref<14400xf32, #tpu.memory_space<vmem>>[vector<16xi32>], vector<16xf32>,
        %add3A_749 = arith.constant 20 : i32
        %add3A_750 = vector.broadcast %add3A_749 : i32 to vector<16xi32>
        %add3A_751 = arith.addi %mul3A_213, %add3A_750 : vector<16xi32>
        %gather3A_752 = tpu.vector_load_idx %arg8[%add3A_751] : memref<14400xf32, #tpu.memory_space<vmem>>[vector<16xi32>], vector<16xf32>,
        %add3A_753 = arith.constant 21 : i32
        %add3A_754 = vector.broadcast %add3A_753 : i32 to vector<16xi32>
        %add3A_755 = arith.addi %mul3A_213, %add3A_754 : vector<16xi32>
        %gather3A_756 = tpu.vector_load_idx %arg8[%add3A_755] : memref<14400xf32, #tpu.memory_space<vmem>>[vector<16xi32>], vector<16xf32>,
        %add3A_757 = arith.constant 22 : i32
        %add3A_758 = vector.broadcast %add3A_757 : i32 to vector<16xi32>
        %add3A_759 = arith.addi %mul3A_213, %add3A_758 : vector<16xi32>
        %gather3A_760 = tpu.vector_load_idx %arg8[%add3A_759] : memref<14400xf32, #tpu.memory_space<vmem>>[vector<16xi32>], vector<16xf32>,
        %add3A_761 = arith.constant 23 : i32
        %add3A_762 = vector.broadcast %add3A_761 : i32 to vector<16xi32>
        %add3A_763 = arith.addi %mul3A_213, %add3A_762 : vector<16xi32>
        %gather3A_764 = tpu.vector_load_idx %arg8[%add3A_763] : memref<14400xf32, #tpu.memory_space<vmem>>[vector<16xi32>], vector<16xf32>,
        %add3A_765 = arith.constant 0 : i32
        %add3A_766 = vector.broadcast %add3A_765 : i32 to vector<16xi32>
        %add3A_767 = arith.addi %mul3A_216, %add3A_766 : vector<16xi32>
        %gather3A_768 = tpu.vector_load_idx %arg9[%add3A_767] : memref<2400xf32, #tpu.memory_space<vmem>>[vector<16xi32>], vector<16xf32>,
        %add3A_769 = arith.constant 1 : i32
        %add3A_770 = vector.broadcast %add3A_769 : i32 to vector<16xi32>
        %add3A_771 = arith.addi %mul3A_216, %add3A_770 : vector<16xi32>
        %gather3A_772 = tpu.vector_load_idx %arg9[%add3A_771] : memref<2400xf32, #tpu.memory_space<vmem>>[vector<16xi32>], vector<16xf32>,
        %add3A_773 = arith.constant 2 : i32
        %add3A_774 = vector.broadcast %add3A_773 : i32 to vector<16xi32>
        %add3A_775 = arith.addi %mul3A_216, %add3A_774 : vector<16xi32>
        %gather3A_776 = tpu.vector_load_idx %arg9[%add3A_775] : memref<2400xf32, #tpu.memory_space<vmem>>[vector<16xi32>], vector<16xf32>,
        %add3A_777 = arith.constant 3 : i32
        %add3A_778 = vector.broadcast %add3A_777 : i32 to vector<16xi32>
        %add3A_779 = arith.addi %mul3A_216, %add3A_778 : vector<16xi32>
        %gather3A_780 = tpu.vector_load_idx %arg9[%add3A_779] : memref<2400xf32, #tpu.memory_space<vmem>>[vector<16xi32>], vector<16xf32>,
        %add3A_781 = arith.constant 4 : i32
        %add3A_782 = vector.broadcast %add3A_781 : i32 to vector<16xi32>
        %add3A_783 = arith.addi %mul3A_216, %add3A_782 : vector<16xi32>
        %gather3A_784 = tpu.vector_load_idx %arg9[%add3A_783] : memref<2400xf32, #tpu.memory_space<vmem>>[vector<16xi32>], vector<16xf32>,
        %add3A_785 = arith.constant 5 : i32
        %add3A_786 = vector.broadcast %add3A_785 : i32 to vector<16xi32>
        %add3A_787 = arith.addi %mul3A_216, %add3A_786 : vector<16xi32>
        %gather3A_788 = tpu.vector_load_idx %arg9[%add3A_787] : memref<2400xf32, #tpu.memory_space<vmem>>[vector<16xi32>], vector<16xf32>,
        %add3A_789 = arith.constant 6 : i32
        %add3A_790 = vector.broadcast %add3A_789 : i32 to vector<16xi32>
        %add3A_791 = arith.addi %mul3A_216, %add3A_790 : vector<16xi32>
        %gather3A_792 = tpu.vector_load_idx %arg9[%add3A_791] : memref<2400xf32, #tpu.memory_space<vmem>>[vector<16xi32>], vector<16xf32>,
        %add3A_793 = arith.constant 7 : i32
        %add3A_794 = vector.broadcast %add3A_793 : i32 to vector<16xi32>
        %add3A_795 = arith.addi %mul3A_216, %add3A_794 : vector<16xi32>
        %gather3A_796 = tpu.vector_load_idx %arg9[%add3A_795] : memref<2400xf32, #tpu.memory_space<vmem>>[vector<16xi32>], vector<16xf32>,
        %swap3A_797 = arith.constant 64 : i32
        %swap3A_798 = arith.index_cast %swap3A_797 : i32 to index
        %swap3A_799 = arith.index_cast %mul3A_122 : i32 to index
        %swap3A_800 = tpu.vector_load %arg14[%swap3A_798, %swap3A_799] {strides = array<i32>} : memref<108x384xf32, #tpu.memory_space<vmem>>, vector<16xf32>,
        tpu.vector_store %arg14[%swap3A_798, %swap3A_799], %gather3A_736 {strides = array<i32>} : memref<108x384xf32, #tpu.memory_space<vmem>>, vector<16xf32>,
        %swap3A_801 = arith.constant 65 : i32
        %swap3A_802 = arith.index_cast %swap3A_801 : i32 to index
        %swap3A_803 = arith.index_cast %mul3A_122 : i32 to index
        %swap3A_804 = tpu.vector_load %arg14[%swap3A_802, %swap3A_803] {strides = array<i32>} : memref<108x384xf32, #tpu.memory_space<vmem>>, vector<16xf32>,
        tpu.vector_store %arg14[%swap3A_802, %swap3A_803], %gather3A_740 {strides = array<i32>} : memref<108x384xf32, #tpu.memory_space<vmem>>, vector<16xf32>,
        %swap3A_805 = arith.constant 66 : i32
        %swap3A_806 = arith.index_cast %swap3A_805 : i32 to index
        %swap3A_807 = arith.index_cast %mul3A_122 : i32 to index
        %swap3A_808 = tpu.vector_load %arg14[%swap3A_806, %swap3A_807] {strides = array<i32>} : memref<108x384xf32, #tpu.memory_space<vmem>>, vector<16xf32>,
        tpu.vector_store %arg14[%swap3A_806, %swap3A_807], %gather3A_744 {strides = array<i32>} : memref<108x384xf32, #tpu.memory_space<vmem>>, vector<16xf32>,
        %swap3A_809 = arith.constant 67 : i32
        %swap3A_810 = arith.index_cast %swap3A_809 : i32 to index
        %swap3A_811 = arith.index_cast %mul3A_122 : i32 to index
        %swap3A_812 = tpu.vector_load %arg14[%swap3A_810, %swap3A_811] {strides = array<i32>} : memref<108x384xf32, #tpu.memory_space<vmem>>, vector<16xf32>,
        tpu.vector_store %arg14[%swap3A_810, %swap3A_811], %gather3A_748 {strides = array<i32>} : memref<108x384xf32, #tpu.memory_space<vmem>>, vector<16xf32>,
        %swap3A_813 = arith.constant 68 : i32
        %swap3A_814 = arith.index_cast %swap3A_813 : i32 to index
        %swap3A_815 = arith.index_cast %mul3A_122 : i32 to index
        %swap3A_816 = tpu.vector_load %arg14[%swap3A_814, %swap3A_815] {strides = array<i32>} : memref<108x384xf32, #tpu.memory_space<vmem>>, vector<16xf32>,
        tpu.vector_store %arg14[%swap3A_814, %swap3A_815], %gather3A_752 {strides = array<i32>} : memref<108x384xf32, #tpu.memory_space<vmem>>, vector<16xf32>,
        %swap3A_817 = arith.constant 69 : i32
        %swap3A_818 = arith.index_cast %swap3A_817 : i32 to index
        %swap3A_819 = arith.index_cast %mul3A_122 : i32 to index
        %swap3A_820 = tpu.vector_load %arg14[%swap3A_818, %swap3A_819] {strides = array<i32>} : memref<108x384xf32, #tpu.memory_space<vmem>>, vector<16xf32>,
        tpu.vector_store %arg14[%swap3A_818, %swap3A_819], %gather3A_756 {strides = array<i32>} : memref<108x384xf32, #tpu.memory_space<vmem>>, vector<16xf32>,
        %swap3A_821 = arith.constant 70 : i32
        %swap3A_822 = arith.index_cast %swap3A_821 : i32 to index
        %swap3A_823 = arith.index_cast %mul3A_122 : i32 to index
        %swap3A_824 = tpu.vector_load %arg14[%swap3A_822, %swap3A_823] {strides = array<i32>} : memref<108x384xf32, #tpu.memory_space<vmem>>, vector<16xf32>,
        tpu.vector_store %arg14[%swap3A_822, %swap3A_823], %gather3A_760 {strides = array<i32>} : memref<108x384xf32, #tpu.memory_space<vmem>>, vector<16xf32>,
        %swap3A_825 = arith.constant 71 : i32
        %swap3A_826 = arith.index_cast %swap3A_825 : i32 to index
        %swap3A_827 = arith.index_cast %mul3A_122 : i32 to index
        %swap3A_828 = tpu.vector_load %arg14[%swap3A_826, %swap3A_827] {strides = array<i32>} : memref<108x384xf32, #tpu.memory_space<vmem>>, vector<16xf32>,
        tpu.vector_store %arg14[%swap3A_826, %swap3A_827], %gather3A_764 {strides = array<i32>} : memref<108x384xf32, #tpu.memory_space<vmem>>, vector<16xf32>,
        %swap3A_829 = arith.constant 72 : i32
        %swap3A_830 = arith.index_cast %swap3A_829 : i32 to index
        %swap3A_831 = arith.index_cast %mul3A_122 : i32 to index
        %swap3A_832 = tpu.vector_load %arg14[%swap3A_830, %swap3A_831] {strides = array<i32>} : memref<108x384xf32, #tpu.memory_space<vmem>>, vector<16xf32>,
        tpu.vector_store %arg14[%swap3A_830, %swap3A_831], %gather3A_768 {strides = array<i32>} : memref<108x384xf32, #tpu.memory_space<vmem>>, vector<16xf32>,
        %swap3A_833 = arith.constant 73 : i32
        %swap3A_834 = arith.index_cast %swap3A_833 : i32 to index
        %swap3A_835 = arith.index_cast %mul3A_122 : i32 to index
        %swap3A_836 = tpu.vector_load %arg14[%swap3A_834, %swap3A_835] {strides = array<i32>} : memref<108x384xf32, #tpu.memory_space<vmem>>, vector<16xf32>,
        tpu.vector_store %arg14[%swap3A_834, %swap3A_835], %gather3A_772 {strides = array<i32>} : memref<108x384xf32, #tpu.memory_space<vmem>>, vector<16xf32>,
        %swap3A_837 = arith.constant 74 : i32
        %swap3A_838 = arith.index_cast %swap3A_837 : i32 to index
        %swap3A_839 = arith.index_cast %mul3A_122 : i32 to index
        %swap3A_840 = tpu.vector_load %arg14[%swap3A_838, %swap3A_839] {strides = array<i32>} : memref<108x384xf32, #tpu.memory_space<vmem>>, vector<16xf32>,
        tpu.vector_store %arg14[%swap3A_838, %swap3A_839], %gather3A_776 {strides = array<i32>} : memref<108x384xf32, #tpu.memory_space<vmem>>, vector<16xf32>,
        %swap3A_841 = arith.constant 75 : i32
        %swap3A_842 = arith.index_cast %swap3A_841 : i32 to index
        %swap3A_843 = arith.index_cast %mul3A_122 : i32 to index
        %swap3A_844 = tpu.vector_load %arg14[%swap3A_842, %swap3A_843] {strides = array<i32>} : memref<108x384xf32, #tpu.memory_space<vmem>>, vector<16xf32>,
        tpu.vector_store %arg14[%swap3A_842, %swap3A_843], %gather3A_780 {strides = array<i32>} : memref<108x384xf32, #tpu.memory_space<vmem>>, vector<16xf32>,
        %swap3A_845 = arith.constant 76 : i32
        %swap3A_846 = arith.index_cast %swap3A_845 : i32 to index
        %swap3A_847 = arith.index_cast %mul3A_122 : i32 to index
        %swap3A_848 = tpu.vector_load %arg14[%swap3A_846, %swap3A_847] {strides = array<i32>} : memref<108x384xf32, #tpu.memory_space<vmem>>, vector<16xf32>,
        tpu.vector_store %arg14[%swap3A_846, %swap3A_847], %gather3A_784 {strides = array<i32>} : memref<108x384xf32, #tpu.memory_space<vmem>>, vector<16xf32>,
        %swap3A_849 = arith.constant 77 : i32
        %swap3A_850 = arith.index_cast %swap3A_849 : i32 to index
        %swap3A_851 = arith.index_cast %mul3A_122 : i32 to index
        %swap3A_852 = tpu.vector_load %arg14[%swap3A_850, %swap3A_851] {strides = array<i32>} : memref<108x384xf32, #tpu.memory_space<vmem>>, vector<16xf32>,
        tpu.vector_store %arg14[%swap3A_850, %swap3A_851], %gather3A_788 {strides = array<i32>} : memref<108x384xf32, #tpu.memory_space<vmem>>, vector<16xf32>,
        %swap3A_853 = arith.constant 78 : i32
        %swap3A_854 = arith.index_cast %swap3A_853 : i32 to index
        %swap3A_855 = arith.index_cast %mul3A_122 : i32 to index
        %swap3A_856 = tpu.vector_load %arg14[%swap3A_854, %swap3A_855] {strides = array<i32>} : memref<108x384xf32, #tpu.memory_space<vmem>>, vector<16xf32>,
        tpu.vector_store %arg14[%swap3A_854, %swap3A_855], %gather3A_792 {strides = array<i32>} : memref<108x384xf32, #tpu.memory_space<vmem>>, vector<16xf32>,
        %swap3A_857 = arith.constant 79 : i32
        %swap3A_858 = arith.index_cast %swap3A_857 : i32 to index
        %swap3A_859 = arith.index_cast %mul3A_122 : i32 to index
        %swap3A_860 = tpu.vector_load %arg14[%swap3A_858, %swap3A_859] {strides = array<i32>} : memref<108x384xf32, #tpu.memory_space<vmem>>, vector<16xf32>,
        tpu.vector_store %arg14[%swap3A_858, %swap3A_859], %gather3A_796 {strides = array<i32>} : memref<108x384xf32, #tpu.memory_space<vmem>>, vector<16xf32>,
        %add3A_861 = arith.constant 8 : i32
        %add3A_862 = vector.broadcast %add3A_861 : i32 to vector<16xi32>
        %add3A_863 = arith.addi %mul3A_216, %add3A_862 : vector<16xi32>
        %gather3A_864 = tpu.vector_load_idx %arg9[%add3A_863] : memref<2400xf32, #tpu.memory_space<vmem>>[vector<16xi32>], vector<16xf32>,
        %add3A_865 = arith.constant 9 : i32
        %add3A_866 = vector.broadcast %add3A_865 : i32 to vector<16xi32>
        %add3A_867 = arith.addi %mul3A_216, %add3A_866 : vector<16xi32>
        %gather3A_868 = tpu.vector_load_idx %arg9[%add3A_867] : memref<2400xf32, #tpu.memory_space<vmem>>[vector<16xi32>], vector<16xf32>,
        %add3A_869 = arith.constant 10 : i32
        %add3A_870 = vector.broadcast %add3A_869 : i32 to vector<16xi32>
        %add3A_871 = arith.addi %mul3A_216, %add3A_870 : vector<16xi32>
        %gather3A_872 = tpu.vector_load_idx %arg9[%add3A_871] : memref<2400xf32, #tpu.memory_space<vmem>>[vector<16xi32>], vector<16xf32>,
        %add3A_873 = arith.constant 11 : i32
        %add3A_874 = vector.broadcast %add3A_873 : i32 to vector<16xi32>
        %add3A_875 = arith.addi %mul3A_216, %add3A_874 : vector<16xi32>
        %gather3A_876 = tpu.vector_load_idx %arg9[%add3A_875] : memref<2400xf32, #tpu.memory_space<vmem>>[vector<16xi32>], vector<16xf32>,
        %add3A_877 = arith.constant 12 : i32
        %add3A_878 = vector.broadcast %add3A_877 : i32 to vector<16xi32>
        %add3A_879 = arith.addi %mul3A_216, %add3A_878 : vector<16xi32>
        %gather3A_880 = tpu.vector_load_idx %arg9[%add3A_879] : memref<2400xf32, #tpu.memory_space<vmem>>[vector<16xi32>], vector<16xf32>,
        %add3A_881 = arith.constant 13 : i32
        %add3A_882 = vector.broadcast %add3A_881 : i32 to vector<16xi32>
        %add3A_883 = arith.addi %mul3A_216, %add3A_882 : vector<16xi32>
        %gather3A_884 = tpu.vector_load_idx %arg9[%add3A_883] : memref<2400xf32, #tpu.memory_space<vmem>>[vector<16xi32>], vector<16xf32>,
        %add3A_885 = arith.constant 14 : i32
        %add3A_886 = vector.broadcast %add3A_885 : i32 to vector<16xi32>
        %add3A_887 = arith.addi %mul3A_216, %add3A_886 : vector<16xi32>
        %gather3A_888 = tpu.vector_load_idx %arg9[%add3A_887] : memref<2400xf32, #tpu.memory_space<vmem>>[vector<16xi32>], vector<16xf32>,
        %add3A_889 = arith.constant 15 : i32
        %add3A_890 = vector.broadcast %add3A_889 : i32 to vector<16xi32>
        %add3A_891 = arith.addi %mul3A_216, %add3A_890 : vector<16xi32>
        %gather3A_892 = tpu.vector_load_idx %arg9[%add3A_891] : memref<2400xf32, #tpu.memory_space<vmem>>[vector<16xi32>], vector<16xf32>,
        %add3A_893 = arith.constant 16 : i32
        %add3A_894 = vector.broadcast %add3A_893 : i32 to vector<16xi32>
        %add3A_895 = arith.addi %mul3A_216, %add3A_894 : vector<16xi32>
        %gather3A_896 = tpu.vector_load_idx %arg9[%add3A_895] : memref<2400xf32, #tpu.memory_space<vmem>>[vector<16xi32>], vector<16xf32>,
        %add3A_897 = arith.constant 17 : i32
        %add3A_898 = vector.broadcast %add3A_897 : i32 to vector<16xi32>
        %add3A_899 = arith.addi %mul3A_216, %add3A_898 : vector<16xi32>
        %gather3A_900 = tpu.vector_load_idx %arg9[%add3A_899] : memref<2400xf32, #tpu.memory_space<vmem>>[vector<16xi32>], vector<16xf32>,
        %add3A_901 = arith.constant 18 : i32
        %add3A_902 = vector.broadcast %add3A_901 : i32 to vector<16xi32>
        %add3A_903 = arith.addi %mul3A_216, %add3A_902 : vector<16xi32>
        %gather3A_904 = tpu.vector_load_idx %arg9[%add3A_903] : memref<2400xf32, #tpu.memory_space<vmem>>[vector<16xi32>], vector<16xf32>,
        %add3A_905 = arith.constant 19 : i32
        %add3A_906 = vector.broadcast %add3A_905 : i32 to vector<16xi32>
        %add3A_907 = arith.addi %mul3A_216, %add3A_906 : vector<16xi32>
        %gather3A_908 = tpu.vector_load_idx %arg9[%add3A_907] : memref<2400xf32, #tpu.memory_space<vmem>>[vector<16xi32>], vector<16xf32>,
        %add3A_909 = arith.constant 20 : i32
        %add3A_910 = vector.broadcast %add3A_909 : i32 to vector<16xi32>
        %add3A_911 = arith.addi %mul3A_216, %add3A_910 : vector<16xi32>
        %gather3A_912 = tpu.vector_load_idx %arg9[%add3A_911] : memref<2400xf32, #tpu.memory_space<vmem>>[vector<16xi32>], vector<16xf32>,
        %add3A_913 = arith.constant 21 : i32
        %add3A_914 = vector.broadcast %add3A_913 : i32 to vector<16xi32>
        %add3A_915 = arith.addi %mul3A_216, %add3A_914 : vector<16xi32>
        %gather3A_916 = tpu.vector_load_idx %arg9[%add3A_915] : memref<2400xf32, #tpu.memory_space<vmem>>[vector<16xi32>], vector<16xf32>,
        %add3A_917 = arith.constant 22 : i32
        %add3A_918 = vector.broadcast %add3A_917 : i32 to vector<16xi32>
        %add3A_919 = arith.addi %mul3A_216, %add3A_918 : vector<16xi32>
        %gather3A_920 = tpu.vector_load_idx %arg9[%add3A_919] : memref<2400xf32, #tpu.memory_space<vmem>>[vector<16xi32>], vector<16xf32>,
        %add3A_921 = arith.constant 23 : i32
        %add3A_922 = vector.broadcast %add3A_921 : i32 to vector<16xi32>
        %add3A_923 = arith.addi %mul3A_216, %add3A_922 : vector<16xi32>
        %gather3A_924 = tpu.vector_load_idx %arg9[%add3A_923] : memref<2400xf32, #tpu.memory_space<vmem>>[vector<16xi32>], vector<16xf32>,
        %swap3A_925 = arith.constant 80 : i32
        %swap3A_926 = arith.index_cast %swap3A_925 : i32 to index
        %swap3A_927 = arith.index_cast %mul3A_122 : i32 to index
        %swap3A_928 = tpu.vector_load %arg14[%swap3A_926, %swap3A_927] {strides = array<i32>} : memref<108x384xf32, #tpu.memory_space<vmem>>, vector<16xf32>,
        tpu.vector_store %arg14[%swap3A_926, %swap3A_927], %gather3A_864 {strides = array<i32>} : memref<108x384xf32, #tpu.memory_space<vmem>>, vector<16xf32>,
        %swap3A_929 = arith.constant 81 : i32
        %swap3A_930 = arith.index_cast %swap3A_929 : i32 to index
        %swap3A_931 = arith.index_cast %mul3A_122 : i32 to index
        %swap3A_932 = tpu.vector_load %arg14[%swap3A_930, %swap3A_931] {strides = array<i32>} : memref<108x384xf32, #tpu.memory_space<vmem>>, vector<16xf32>,
        tpu.vector_store %arg14[%swap3A_930, %swap3A_931], %gather3A_868 {strides = array<i32>} : memref<108x384xf32, #tpu.memory_space<vmem>>, vector<16xf32>,
        %swap3A_933 = arith.constant 82 : i32
        %swap3A_934 = arith.index_cast %swap3A_933 : i32 to index
        %swap3A_935 = arith.index_cast %mul3A_122 : i32 to index
        %swap3A_936 = tpu.vector_load %arg14[%swap3A_934, %swap3A_935] {strides = array<i32>} : memref<108x384xf32, #tpu.memory_space<vmem>>, vector<16xf32>,
        tpu.vector_store %arg14[%swap3A_934, %swap3A_935], %gather3A_872 {strides = array<i32>} : memref<108x384xf32, #tpu.memory_space<vmem>>, vector<16xf32>,
        %swap3A_937 = arith.constant 83 : i32
        %swap3A_938 = arith.index_cast %swap3A_937 : i32 to index
        %swap3A_939 = arith.index_cast %mul3A_122 : i32 to index
        %swap3A_940 = tpu.vector_load %arg14[%swap3A_938, %swap3A_939] {strides = array<i32>} : memref<108x384xf32, #tpu.memory_space<vmem>>, vector<16xf32>,
        tpu.vector_store %arg14[%swap3A_938, %swap3A_939], %gather3A_876 {strides = array<i32>} : memref<108x384xf32, #tpu.memory_space<vmem>>, vector<16xf32>,
        %swap3A_941 = arith.constant 84 : i32
        %swap3A_942 = arith.index_cast %swap3A_941 : i32 to index
        %swap3A_943 = arith.index_cast %mul3A_122 : i32 to index
        %swap3A_944 = tpu.vector_load %arg14[%swap3A_942, %swap3A_943] {strides = array<i32>} : memref<108x384xf32, #tpu.memory_space<vmem>>, vector<16xf32>,
        tpu.vector_store %arg14[%swap3A_942, %swap3A_943], %gather3A_880 {strides = array<i32>} : memref<108x384xf32, #tpu.memory_space<vmem>>, vector<16xf32>,
        %swap3A_945 = arith.constant 85 : i32
        %swap3A_946 = arith.index_cast %swap3A_945 : i32 to index
        %swap3A_947 = arith.index_cast %mul3A_122 : i32 to index
        %swap3A_948 = tpu.vector_load %arg14[%swap3A_946, %swap3A_947] {strides = array<i32>} : memref<108x384xf32, #tpu.memory_space<vmem>>, vector<16xf32>,
        tpu.vector_store %arg14[%swap3A_946, %swap3A_947], %gather3A_884 {strides = array<i32>} : memref<108x384xf32, #tpu.memory_space<vmem>>, vector<16xf32>,
        %swap3A_949 = arith.constant 86 : i32
        %swap3A_950 = arith.index_cast %swap3A_949 : i32 to index
        %swap3A_951 = arith.index_cast %mul3A_122 : i32 to index
        %swap3A_952 = tpu.vector_load %arg14[%swap3A_950, %swap3A_951] {strides = array<i32>} : memref<108x384xf32, #tpu.memory_space<vmem>>, vector<16xf32>,
        tpu.vector_store %arg14[%swap3A_950, %swap3A_951], %gather3A_888 {strides = array<i32>} : memref<108x384xf32, #tpu.memory_space<vmem>>, vector<16xf32>,
        %swap3A_953 = arith.constant 87 : i32
        %swap3A_954 = arith.index_cast %swap3A_953 : i32 to index
        %swap3A_955 = arith.index_cast %mul3A_122 : i32 to index
        %swap3A_956 = tpu.vector_load %arg14[%swap3A_954, %swap3A_955] {strides = array<i32>} : memref<108x384xf32, #tpu.memory_space<vmem>>, vector<16xf32>,
        tpu.vector_store %arg14[%swap3A_954, %swap3A_955], %gather3A_892 {strides = array<i32>} : memref<108x384xf32, #tpu.memory_space<vmem>>, vector<16xf32>,
        %swap3A_957 = arith.constant 88 : i32
        %swap3A_958 = arith.index_cast %swap3A_957 : i32 to index
        %swap3A_959 = arith.index_cast %mul3A_122 : i32 to index
        %swap3A_960 = tpu.vector_load %arg14[%swap3A_958, %swap3A_959] {strides = array<i32>} : memref<108x384xf32, #tpu.memory_space<vmem>>, vector<16xf32>,
        tpu.vector_store %arg14[%swap3A_958, %swap3A_959], %gather3A_896 {strides = array<i32>} : memref<108x384xf32, #tpu.memory_space<vmem>>, vector<16xf32>,
        %swap3A_961 = arith.constant 89 : i32
        %swap3A_962 = arith.index_cast %swap3A_961 : i32 to index
        %swap3A_963 = arith.index_cast %mul3A_122 : i32 to index
        %swap3A_964 = tpu.vector_load %arg14[%swap3A_962, %swap3A_963] {strides = array<i32>} : memref<108x384xf32, #tpu.memory_space<vmem>>, vector<16xf32>,
        tpu.vector_store %arg14[%swap3A_962, %swap3A_963], %gather3A_900 {strides = array<i32>} : memref<108x384xf32, #tpu.memory_space<vmem>>, vector<16xf32>,
        %swap3A_965 = arith.constant 90 : i32
        %swap3A_966 = arith.index_cast %swap3A_965 : i32 to index
        %swap3A_967 = arith.index_cast %mul3A_122 : i32 to index
        %swap3A_968 = tpu.vector_load %arg14[%swap3A_966, %swap3A_967] {strides = array<i32>} : memref<108x384xf32, #tpu.memory_space<vmem>>, vector<16xf32>,
        tpu.vector_store %arg14[%swap3A_966, %swap3A_967], %gather3A_904 {strides = array<i32>} : memref<108x384xf32, #tpu.memory_space<vmem>>, vector<16xf32>,
        %swap3A_969 = arith.constant 91 : i32
        %swap3A_970 = arith.index_cast %swap3A_969 : i32 to index
        %swap3A_971 = arith.index_cast %mul3A_122 : i32 to index
        %swap3A_972 = tpu.vector_load %arg14[%swap3A_970, %swap3A_971] {strides = array<i32>} : memref<108x384xf32, #tpu.memory_space<vmem>>, vector<16xf32>,
        tpu.vector_store %arg14[%swap3A_970, %swap3A_971], %gather3A_908 {strides = array<i32>} : memref<108x384xf32, #tpu.memory_space<vmem>>, vector<16xf32>,
        %swap3A_973 = arith.constant 92 : i32
        %swap3A_974 = arith.index_cast %swap3A_973 : i32 to index
        %swap3A_975 = arith.index_cast %mul3A_122 : i32 to index
        %swap3A_976 = tpu.vector_load %arg14[%swap3A_974, %swap3A_975] {strides = array<i32>} : memref<108x384xf32, #tpu.memory_space<vmem>>, vector<16xf32>,
        tpu.vector_store %arg14[%swap3A_974, %swap3A_975], %gather3A_912 {strides = array<i32>} : memref<108x384xf32, #tpu.memory_space<vmem>>, vector<16xf32>,
        %swap3A_977 = arith.constant 93 : i32
        %swap3A_978 = arith.index_cast %swap3A_977 : i32 to index
        %swap3A_979 = arith.index_cast %mul3A_122 : i32 to index
        %swap3A_980 = tpu.vector_load %arg14[%swap3A_978, %swap3A_979] {strides = array<i32>} : memref<108x384xf32, #tpu.memory_space<vmem>>, vector<16xf32>,
        tpu.vector_store %arg14[%swap3A_978, %swap3A_979], %gather3A_916 {strides = array<i32>} : memref<108x384xf32, #tpu.memory_space<vmem>>, vector<16xf32>,
        %swap3A_981 = arith.constant 94 : i32
        %swap3A_982 = arith.index_cast %swap3A_981 : i32 to index
        %swap3A_983 = arith.index_cast %mul3A_122 : i32 to index
        %swap3A_984 = tpu.vector_load %arg14[%swap3A_982, %swap3A_983] {strides = array<i32>} : memref<108x384xf32, #tpu.memory_space<vmem>>, vector<16xf32>,
        tpu.vector_store %arg14[%swap3A_982, %swap3A_983], %gather3A_920 {strides = array<i32>} : memref<108x384xf32, #tpu.memory_space<vmem>>, vector<16xf32>,
        %swap3A_985 = arith.constant 95 : i32
        %swap3A_986 = arith.index_cast %swap3A_985 : i32 to index
        %swap3A_987 = arith.index_cast %mul3A_122 : i32 to index
        %swap3A_988 = tpu.vector_load %arg14[%swap3A_986, %swap3A_987] {strides = array<i32>} : memref<108x384xf32, #tpu.memory_space<vmem>>, vector<16xf32>,
        tpu.vector_store %arg14[%swap3A_986, %swap3A_987], %gather3A_924 {strides = array<i32>} : memref<108x384xf32, #tpu.memory_space<vmem>>, vector<16xf32>,
        %add3A_989 = arith.constant 0 : i32
        %add3A_990 = vector.broadcast %add3A_989 : i32 to vector<16xi32>
        %add3A_991 = arith.addi %mul3A_219, %add3A_990 : vector<16xi32>
        %gather3A_992 = tpu.vector_load_idx %arg10[%add3A_991] : memref<120xf32, #tpu.memory_space<vmem>>[vector<16xi32>], vector<16xf32>,
        %add3A_993 = arith.constant 1 : i32
        %add3A_994 = vector.broadcast %add3A_993 : i32 to vector<16xi32>
        %add3A_995 = arith.addi %mul3A_219, %add3A_994 : vector<16xi32>
        %gather3A_996 = tpu.vector_load_idx %arg10[%add3A_995] : memref<120xf32, #tpu.memory_space<vmem>>[vector<16xi32>], vector<16xf32>,
        %add3A_997 = arith.constant 2 : i32
        %add3A_998 = vector.broadcast %add3A_997 : i32 to vector<16xi32>
        %add3A_999 = arith.addi %mul3A_219, %add3A_998 : vector<16xi32>
        %gather3A_1000 = tpu.vector_load_idx %arg10[%add3A_999] : memref<120xf32, #tpu.memory_space<vmem>>[vector<16xi32>], vector<16xf32>,
        %add3A_1001 = arith.constant 3 : i32
        %add3A_1002 = vector.broadcast %add3A_1001 : i32 to vector<16xi32>
        %add3A_1003 = arith.addi %mul3A_219, %add3A_1002 : vector<16xi32>
        %gather3A_1004 = tpu.vector_load_idx %arg10[%add3A_1003] : memref<120xf32, #tpu.memory_space<vmem>>[vector<16xi32>], vector<16xf32>,
        %add3A_1005 = arith.constant 4 : i32
        %add3A_1006 = vector.broadcast %add3A_1005 : i32 to vector<16xi32>
        %add3A_1007 = arith.addi %mul3A_219, %add3A_1006 : vector<16xi32>
        %gather3A_1008 = tpu.vector_load_idx %arg10[%add3A_1007] : memref<120xf32, #tpu.memory_space<vmem>>[vector<16xi32>], vector<16xf32>,
        %add3A_1009 = arith.constant 5 : i32
        %add3A_1010 = vector.broadcast %add3A_1009 : i32 to vector<16xi32>
        %add3A_1011 = arith.addi %mul3A_219, %add3A_1010 : vector<16xi32>
        %gather3A_1012 = tpu.vector_load_idx %arg10[%add3A_1011] : memref<120xf32, #tpu.memory_space<vmem>>[vector<16xi32>], vector<16xf32>,
        %add3A_1013 = arith.constant 0 : i32
        %add3A_1014 = vector.broadcast %add3A_1013 : i32 to vector<16xi32>
        %add3A_1015 = arith.addi %mul3A_222, %add3A_1014 : vector<16xi32>
        %gather3A_1016 = tpu.vector_load_idx %arg11[%add3A_1015] : memref<120xf32, #tpu.memory_space<vmem>>[vector<16xi32>], vector<16xf32>,
        %add3A_1017 = arith.constant 1 : i32
        %add3A_1018 = vector.broadcast %add3A_1017 : i32 to vector<16xi32>
        %add3A_1019 = arith.addi %mul3A_222, %add3A_1018 : vector<16xi32>
        %gather3A_1020 = tpu.vector_load_idx %arg11[%add3A_1019] : memref<120xf32, #tpu.memory_space<vmem>>[vector<16xi32>], vector<16xf32>,
        %add3A_1021 = arith.constant 2 : i32
        %add3A_1022 = vector.broadcast %add3A_1021 : i32 to vector<16xi32>
        %add3A_1023 = arith.addi %mul3A_222, %add3A_1022 : vector<16xi32>
        %gather3A_1024 = tpu.vector_load_idx %arg11[%add3A_1023] : memref<120xf32, #tpu.memory_space<vmem>>[vector<16xi32>], vector<16xf32>,
        %add3A_1025 = arith.constant 3 : i32
        %add3A_1026 = vector.broadcast %add3A_1025 : i32 to vector<16xi32>
        %add3A_1027 = arith.addi %mul3A_222, %add3A_1026 : vector<16xi32>
        %gather3A_1028 = tpu.vector_load_idx %arg11[%add3A_1027] : memref<120xf32, #tpu.memory_space<vmem>>[vector<16xi32>], vector<16xf32>,
        %add3A_1029 = arith.constant 4 : i32
        %add3A_1030 = vector.broadcast %add3A_1029 : i32 to vector<16xi32>
        %add3A_1031 = arith.addi %mul3A_222, %add3A_1030 : vector<16xi32>
        %gather3A_1032 = tpu.vector_load_idx %arg11[%add3A_1031] : memref<120xf32, #tpu.memory_space<vmem>>[vector<16xi32>], vector<16xf32>,
        %add3A_1033 = arith.constant 5 : i32
        %add3A_1034 = vector.broadcast %add3A_1033 : i32 to vector<16xi32>
        %add3A_1035 = arith.addi %mul3A_222, %add3A_1034 : vector<16xi32>
        %gather3A_1036 = tpu.vector_load_idx %arg11[%add3A_1035] : memref<120xf32, #tpu.memory_space<vmem>>[vector<16xi32>], vector<16xf32>,
        %swap3A_1037 = arith.constant 96 : i32
        %swap3A_1038 = arith.index_cast %swap3A_1037 : i32 to index
        %swap3A_1039 = arith.index_cast %mul3A_122 : i32 to index
        %swap3A_1040 = tpu.vector_load %arg14[%swap3A_1038, %swap3A_1039] {strides = array<i32>} : memref<108x384xf32, #tpu.memory_space<vmem>>, vector<16xf32>,
        tpu.vector_store %arg14[%swap3A_1038, %swap3A_1039], %gather3A_992 {strides = array<i32>} : memref<108x384xf32, #tpu.memory_space<vmem>>, vector<16xf32>,
        %swap3A_1041 = arith.constant 97 : i32
        %swap3A_1042 = arith.index_cast %swap3A_1041 : i32 to index
        %swap3A_1043 = arith.index_cast %mul3A_122 : i32 to index
        %swap3A_1044 = tpu.vector_load %arg14[%swap3A_1042, %swap3A_1043] {strides = array<i32>} : memref<108x384xf32, #tpu.memory_space<vmem>>, vector<16xf32>,
        tpu.vector_store %arg14[%swap3A_1042, %swap3A_1043], %gather3A_996 {strides = array<i32>} : memref<108x384xf32, #tpu.memory_space<vmem>>, vector<16xf32>,
        %swap3A_1045 = arith.constant 98 : i32
        %swap3A_1046 = arith.index_cast %swap3A_1045 : i32 to index
        %swap3A_1047 = arith.index_cast %mul3A_122 : i32 to index
        %swap3A_1048 = tpu.vector_load %arg14[%swap3A_1046, %swap3A_1047] {strides = array<i32>} : memref<108x384xf32, #tpu.memory_space<vmem>>, vector<16xf32>,
        tpu.vector_store %arg14[%swap3A_1046, %swap3A_1047], %gather3A_1000 {strides = array<i32>} : memref<108x384xf32, #tpu.memory_space<vmem>>, vector<16xf32>,
        %swap3A_1049 = arith.constant 99 : i32
        %swap3A_1050 = arith.index_cast %swap3A_1049 : i32 to index
        %swap3A_1051 = arith.index_cast %mul3A_122 : i32 to index
        %swap3A_1052 = tpu.vector_load %arg14[%swap3A_1050, %swap3A_1051] {strides = array<i32>} : memref<108x384xf32, #tpu.memory_space<vmem>>, vector<16xf32>,
        tpu.vector_store %arg14[%swap3A_1050, %swap3A_1051], %gather3A_1004 {strides = array<i32>} : memref<108x384xf32, #tpu.memory_space<vmem>>, vector<16xf32>,
        %swap3A_1053 = arith.constant 100 : i32
        %swap3A_1054 = arith.index_cast %swap3A_1053 : i32 to index
        %swap3A_1055 = arith.index_cast %mul3A_122 : i32 to index
        %swap3A_1056 = tpu.vector_load %arg14[%swap3A_1054, %swap3A_1055] {strides = array<i32>} : memref<108x384xf32, #tpu.memory_space<vmem>>, vector<16xf32>,
        tpu.vector_store %arg14[%swap3A_1054, %swap3A_1055], %gather3A_1008 {strides = array<i32>} : memref<108x384xf32, #tpu.memory_space<vmem>>, vector<16xf32>,
        %swap3A_1057 = arith.constant 101 : i32
        %swap3A_1058 = arith.index_cast %swap3A_1057 : i32 to index
        %swap3A_1059 = arith.index_cast %mul3A_122 : i32 to index
        %swap3A_1060 = tpu.vector_load %arg14[%swap3A_1058, %swap3A_1059] {strides = array<i32>} : memref<108x384xf32, #tpu.memory_space<vmem>>, vector<16xf32>,
        tpu.vector_store %arg14[%swap3A_1058, %swap3A_1059], %gather3A_1012 {strides = array<i32>} : memref<108x384xf32, #tpu.memory_space<vmem>>, vector<16xf32>,
        %swap3A_1061 = arith.constant 102 : i32
        %swap3A_1062 = arith.index_cast %swap3A_1061 : i32 to index
        %swap3A_1063 = arith.index_cast %mul3A_122 : i32 to index
        %swap3A_1064 = tpu.vector_load %arg14[%swap3A_1062, %swap3A_1063] {strides = array<i32>} : memref<108x384xf32, #tpu.memory_space<vmem>>, vector<16xf32>,
        tpu.vector_store %arg14[%swap3A_1062, %swap3A_1063], %gather3A_1016 {strides = array<i32>} : memref<108x384xf32, #tpu.memory_space<vmem>>, vector<16xf32>,
        %swap3A_1065 = arith.constant 103 : i32
        %swap3A_1066 = arith.index_cast %swap3A_1065 : i32 to index
        %swap3A_1067 = arith.index_cast %mul3A_122 : i32 to index
        %swap3A_1068 = tpu.vector_load %arg14[%swap3A_1066, %swap3A_1067] {strides = array<i32>} : memref<108x384xf32, #tpu.memory_space<vmem>>, vector<16xf32>,
        tpu.vector_store %arg14[%swap3A_1066, %swap3A_1067], %gather3A_1020 {strides = array<i32>} : memref<108x384xf32, #tpu.memory_space<vmem>>, vector<16xf32>,
        %swap3A_1069 = arith.constant 104 : i32
        %swap3A_1070 = arith.index_cast %swap3A_1069 : i32 to index
        %swap3A_1071 = arith.index_cast %mul3A_122 : i32 to index
        %swap3A_1072 = tpu.vector_load %arg14[%swap3A_1070, %swap3A_1071] {strides = array<i32>} : memref<108x384xf32, #tpu.memory_space<vmem>>, vector<16xf32>,
        tpu.vector_store %arg14[%swap3A_1070, %swap3A_1071], %gather3A_1024 {strides = array<i32>} : memref<108x384xf32, #tpu.memory_space<vmem>>, vector<16xf32>,
        %swap3A_1073 = arith.constant 105 : i32
        %swap3A_1074 = arith.index_cast %swap3A_1073 : i32 to index
        %swap3A_1075 = arith.index_cast %mul3A_122 : i32 to index
        %swap3A_1076 = tpu.vector_load %arg14[%swap3A_1074, %swap3A_1075] {strides = array<i32>} : memref<108x384xf32, #tpu.memory_space<vmem>>, vector<16xf32>,
        tpu.vector_store %arg14[%swap3A_1074, %swap3A_1075], %gather3A_1028 {strides = array<i32>} : memref<108x384xf32, #tpu.memory_space<vmem>>, vector<16xf32>,
        %swap3A_1077 = arith.constant 106 : i32
        %swap3A_1078 = arith.index_cast %swap3A_1077 : i32 to index
        %swap3A_1079 = arith.index_cast %mul3A_122 : i32 to index
        %swap3A_1080 = tpu.vector_load %arg14[%swap3A_1078, %swap3A_1079] {strides = array<i32>} : memref<108x384xf32, #tpu.memory_space<vmem>>, vector<16xf32>,
        tpu.vector_store %arg14[%swap3A_1078, %swap3A_1079], %gather3A_1032 {strides = array<i32>} : memref<108x384xf32, #tpu.memory_space<vmem>>, vector<16xf32>,
        %swap3A_1081 = arith.constant 107 : i32
        %swap3A_1082 = arith.index_cast %swap3A_1081 : i32 to index
        %swap3A_1083 = arith.index_cast %mul3A_122 : i32 to index
        %swap3A_1084 = tpu.vector_load %arg14[%swap3A_1082, %swap3A_1083] {strides = array<i32>} : memref<108x384xf32, #tpu.memory_space<vmem>>, vector<16xf32>,
        tpu.vector_store %arg14[%swap3A_1082, %swap3A_1083], %gather3A_1036 {strides = array<i32>} : memref<108x384xf32, #tpu.memory_space<vmem>>, vector<16xf32>,
      }
      %scan3A_112 = arith.constant 24 : i32
      %mul3A_113 = arith.constant 384 : i32
      %mul3A_114 = arith.muli %add3A_56, %mul3A_113 : i32
      %add3A_115 = arith.addi %mul3A_2, %mul3A_114 : i32
      %dma_start3A_116 = arith.constant 0 : i32
      %dma_start3A_117 = tpu.memref_slice %arg7[%dma_start3A_116, %add3A_115] : memref<108x184320xf32, #tpu.memory_space<hbm>> -> memref<108x384xf32, #tpu.memory_space<hbm>>
      %dma_start3A_118 = arith.constant 0 : i32
      %dma_start3A_119 = tpu.memref_slice %arg7[%dma_start3A_118, %add3A_115] : memref<108x184320xf32, #tpu.memory_space<hbm>> -> memref<108x384xf32, #tpu.memory_space<hbm>>
      tpu.enqueue_dma source(%arg14 : memref<108x384xf32, #tpu.memory_space<vmem>>) target(%dma_start3A_119 : memref<108x384xf32, #tpu.memory_space<hbm>>) target_semaphore(%arg16 : memref<!tpu.dma_semaphore, #tpu.memory_space<semaphore_mem>>)
    }
    %scan3A_35 = arith.constant 7 : i32
    %add3A_36 = arith.constant 4992 : i32
    %add3A_37 = arith.addi %mul3A_2, %add3A_36 : i32
    %dma_wait3A_38 = arith.constant 0 : i32
    %dma_wait3A_39 = tpu.memref_slice %arg7[%dma_wait3A_38, %add3A_37] : memref<108x184320xf32, #tpu.memory_space<hbm>> -> memref<108x384xf32, #tpu.memory_space<hbm>>
    %dma_wait3A_40 = arith.constant 0 : i32
    %dma_wait3A_41 = tpu.memref_slice %arg7[%dma_wait3A_40, %add3A_37] : memref<108x184320xf32, #tpu.memory_space<hbm>> -> memref<108x384xf32, #tpu.memory_space<hbm>>
    tpu.wait_dma2 semaphore(%arg17 : memref<!tpu.dma_semaphore, #tpu.memory_space<semaphore_mem>>) src(%arg15 : memref<108x384xf32, #tpu.memory_space<vmem>>) dst(%dma_wait3A_41 : memref<108x384xf32, #tpu.memory_space<hbm>>)
    %add3A_42 = arith.constant 5376 : i32
    %add3A_43 = arith.addi %mul3A_2, %add3A_42 : i32
    %dma_wait3A_44 = arith.constant 0 : i32
    %dma_wait3A_45 = tpu.memref_slice %arg7[%dma_wait3A_44, %add3A_43] : memref<108x184320xf32, #tpu.memory_space<hbm>> -> memref<108x384xf32, #tpu.memory_space<hbm>>
    %dma_wait3A_46 = arith.constant 0 : i32
    %dma_wait3A_47 = tpu.memref_slice %arg7[%dma_wait3A_46, %add3A_43] : memref<108x184320xf32, #tpu.memory_space<hbm>> -> memref<108x384xf32, #tpu.memory_space<hbm>>
    tpu.wait_dma2 semaphore(%arg16 : memref<!tpu.dma_semaphore, #tpu.memory_space<semaphore_mem>>) src(%arg14 : memref<108x384xf32, #tpu.memory_space<vmem>>) dst(%dma_wait3A_47 : memref<108x384xf32, #tpu.memory_space<hbm>>)
    return
  }
}

module attributes {stable_mosaic.version = 14 : i64} {
  func.func @body(%arg0: i32, %arg1: memref<108x4096xf32, #tpu.memory_space<vmem>>, %arg2: memref<4096x1xf32, #tpu.memory_space<vmem>>, %arg3: memref<108x256xbf16, #tpu.memory_space<vmem>>, %arg4: memref<1x256xbf16, #tpu.memory_space<vmem>>, %arg5: memref<1x256xbf16, #tpu.memory_space<vmem>>, %arg6: memref<256x256xbf16, #tpu.memory_space<vmem>>, %arg7: memref<1x256xbf16, #tpu.memory_space<vmem>>, %arg8: memref<1x256xbf16, #tpu.memory_space<vmem>>, %arg9: memref<256x256xbf16, #tpu.memory_space<vmem>>, %arg10: memref<1x256xf32, #tpu.memory_space<vmem>>, %arg11: memref<1x256xf32, #tpu.memory_space<vmem>>, %arg12: memref<4096x256xf32, #tpu.memory_space<vmem>>) attributes {dimension_semantics = [#tpu.dimension_semantics<arbitrary>], iteration_bounds = array<i64: 45>, scalar_prefetch = 0 : i64, scratch_operands = 0 : i64, tpu.core_type = #tpu.core_type<tc>, window_params = [{transform_indices = @transform_0, window_bounds = array<i64: 108, 4096>}, {transform_indices = @transform_1, window_bounds = array<i64: 4096, 1>}, {pipeline_mode = #tpu.pipeline_mode<synchronous>, transform_indices = @transform_2, window_bounds = array<i64: 108, 256>}, {pipeline_mode = #tpu.pipeline_mode<synchronous>, transform_indices = @transform_3, window_bounds = array<i64: 1, 256>}, {pipeline_mode = #tpu.pipeline_mode<synchronous>, transform_indices = @transform_4, window_bounds = array<i64: 1, 256>}, {pipeline_mode = #tpu.pipeline_mode<synchronous>, transform_indices = @transform_5, window_bounds = array<i64: 256, 256>}, {pipeline_mode = #tpu.pipeline_mode<synchronous>, transform_indices = @transform_6, window_bounds = array<i64: 1, 256>}, {pipeline_mode = #tpu.pipeline_mode<synchronous>, transform_indices = @transform_7, window_bounds = array<i64: 1, 256>}, {pipeline_mode = #tpu.pipeline_mode<synchronous>, transform_indices = @transform_8, window_bounds = array<i64: 256, 256>}, {pipeline_mode = #tpu.pipeline_mode<synchronous>, transform_indices = @transform_9, window_bounds = array<i64: 1, 256>}, {pipeline_mode = #tpu.pipeline_mode<synchronous>, transform_indices = @transform_10, window_bounds = array<i64: 1, 256>}, {transform_indices = @transform_11, window_bounds = array<i64: 4096, 256>}]} {
    %get3A = arith.constant 0 : index
    %get3A_0 = arith.constant 0 : index
    %get3A_1 = vector.load %arg1[%get3A, %get3A_0] : memref<108x4096xf32, #tpu.memory_space<vmem>>, vector<108x4096xf32>
    %convert_element_type3A = arith.truncf %get3A_1 : vector<108x4096xf32> to vector<108x4096xbf16>
    %get3A_2 = arith.constant 0 : index
    %get3A_3 = arith.constant 0 : index
    %get3A_4 = vector.load %arg3[%get3A_2, %get3A_3] : memref<108x256xbf16, #tpu.memory_space<vmem>>, vector<108x256xbf16>
    %dot_general3A = arith.constant dense<0.000000e+00> : vector<4096x256xf32>
    %dot_general3A_5 = tpu.matmul %convert_element_type3A, %get3A_4, %dot_general3A {dimension_numbers = #tpu.dot_dimension_numbers<[0], [0], [1], [1], [0, 1, 1, 1], [], []>, transpose_lhs_hint = false} : vector<108x4096xbf16>, vector<108x256xbf16>, vector<4096x256xf32> -> vector<4096x256xf32>
    %get3A_6 = arith.constant 0 : index
    %get3A_7 = arith.constant 0 : index
    %get3A_8 = vector.load %arg4[%get3A_6, %get3A_7] : memref<1x256xbf16, #tpu.memory_space<vmem>>, vector<1x256xbf16>
    %get3A_9 = arith.constant 0 : index
    %get3A_10 = arith.constant 0 : index
    %get3A_11 = vector.load %arg5[%get3A_9, %get3A_10] : memref<1x256xbf16, #tpu.memory_space<vmem>>, vector<1x256xbf16>
    %reduce_sum3A = arith.constant dense<0.000000e+00> : vector<4096xf32>
    %reduce_sum3A_12 = vector.multi_reduction <add>, %dot_general3A_5, %reduce_sum3A [1] : vector<4096x256xf32> to vector<4096xf32>
    %broadcast_in_dim3A = vector.shape_cast %reduce_sum3A_12 : vector<4096xf32> to vector<4096x1xf32>
    %div3A = arith.constant 2.560000e+02 : f32
    %div3A_13 = vector.broadcast %div3A : f32 to vector<4096x1xf32>
    %div3A_14 = arith.divf %broadcast_in_dim3A, %div3A_13 : vector<4096x1xf32>
    %mul3A = arith.mulf %dot_general3A_5, %dot_general3A_5 : vector<4096x256xf32>
    %reduce_sum3A_15 = arith.constant dense<0.000000e+00> : vector<4096xf32>
    %reduce_sum3A_16 = vector.multi_reduction <add>, %mul3A, %reduce_sum3A_15 [1] : vector<4096x256xf32> to vector<4096xf32>
    %broadcast_in_dim3A_17 = vector.shape_cast %reduce_sum3A_16 : vector<4096xf32> to vector<4096x1xf32>
    %div3A_18 = arith.constant 2.560000e+02 : f32
    %div3A_19 = vector.broadcast %div3A_18 : f32 to vector<4096x1xf32>
    %div3A_20 = arith.divf %broadcast_in_dim3A_17, %div3A_19 : vector<4096x1xf32>
    %mul3A_21 = arith.mulf %div3A_14, %div3A_14 : vector<4096x1xf32>
    %sub3A = arith.subf %div3A_20, %mul3A_21 : vector<4096x1xf32>
    %max3A = arith.constant 0.000000e+00 : f32
    %max3A_22 = vector.broadcast %max3A : f32 to vector<4096x1xf32>
    %max3A_23 = arith.maximumf %sub3A, %max3A_22 : vector<4096x1xf32>
    %add3A = arith.constant 9.99999974E-6 : f32
    %add3A_24 = vector.broadcast %add3A : f32 to vector<4096x1xf32>
    %add3A_25 = arith.addf %max3A_23, %add3A_24 : vector<4096x1xf32>
    %rsqrt3A = math.rsqrt %add3A_25 : vector<4096x1xf32>
    %sub3A_26 = vector.broadcast %div3A_14 : vector<4096x1xf32> to vector<4096x256xf32>
    %sub3A_27 = arith.subf %dot_general3A_5, %sub3A_26 : vector<4096x256xf32>
    %mul3A_28 = vector.broadcast %rsqrt3A : vector<4096x1xf32> to vector<4096x256xf32>
    %mul3A_29 = arith.mulf %sub3A_27, %mul3A_28 : vector<4096x256xf32>
    %convert_element_type3A_30 = arith.truncf %mul3A_29 : vector<4096x256xf32> to vector<4096x256xbf16>
    %mul3A_31 = vector.broadcast %get3A_8 : vector<1x256xbf16> to vector<4096x256xbf16>
    %mul3A_32 = arith.mulf %convert_element_type3A_30, %mul3A_31 : vector<4096x256xbf16>
    %add3A_33 = vector.broadcast %get3A_11 : vector<1x256xbf16> to vector<4096x256xbf16>
    %add3A_34 = arith.addf %mul3A_32, %add3A_33 : vector<4096x256xbf16>
    %max3A_35 = arith.constant 0.000000e+00 : bf16
    %max3A_36 = vector.broadcast %max3A_35 : bf16 to vector<4096x256xbf16>
    %max3A_37 = arith.maximumf %add3A_34, %max3A_36 : vector<4096x256xbf16>
    %get3A_38 = arith.constant 0 : index
    %get3A_39 = arith.constant 0 : index
    %get3A_40 = vector.load %arg6[%get3A_38, %get3A_39] : memref<256x256xbf16, #tpu.memory_space<vmem>>, vector<256x256xbf16>
    %dot_general3A_41 = arith.constant dense<0.000000e+00> : vector<4096x256xf32>
    %dot_general3A_42 = tpu.matmul %max3A_37, %get3A_40, %dot_general3A_41 {dimension_numbers = #tpu.dot_dimension_numbers<[1], [0], [0], [1], [0, 0, 1, 1], [], []>, transpose_lhs_hint = false} : vector<4096x256xbf16>, vector<256x256xbf16>, vector<4096x256xf32> -> vector<4096x256xf32>
    %get3A_43 = arith.constant 0 : index
    %get3A_44 = arith.constant 0 : index
    %get3A_45 = vector.load %arg7[%get3A_43, %get3A_44] : memref<1x256xbf16, #tpu.memory_space<vmem>>, vector<1x256xbf16>
    %get3A_46 = arith.constant 0 : index
    %get3A_47 = arith.constant 0 : index
    %get3A_48 = vector.load %arg8[%get3A_46, %get3A_47] : memref<1x256xbf16, #tpu.memory_space<vmem>>, vector<1x256xbf16>
    %reduce_sum3A_49 = arith.constant dense<0.000000e+00> : vector<4096xf32>
    %reduce_sum3A_50 = vector.multi_reduction <add>, %dot_general3A_42, %reduce_sum3A_49 [1] : vector<4096x256xf32> to vector<4096xf32>
    %broadcast_in_dim3A_51 = vector.shape_cast %reduce_sum3A_50 : vector<4096xf32> to vector<4096x1xf32>
    %div3A_52 = arith.constant 2.560000e+02 : f32
    %div3A_53 = vector.broadcast %div3A_52 : f32 to vector<4096x1xf32>
    %div3A_54 = arith.divf %broadcast_in_dim3A_51, %div3A_53 : vector<4096x1xf32>
    %mul3A_55 = arith.mulf %dot_general3A_42, %dot_general3A_42 : vector<4096x256xf32>
    %reduce_sum3A_56 = arith.constant dense<0.000000e+00> : vector<4096xf32>
    %reduce_sum3A_57 = vector.multi_reduction <add>, %mul3A_55, %reduce_sum3A_56 [1] : vector<4096x256xf32> to vector<4096xf32>
    %broadcast_in_dim3A_58 = vector.shape_cast %reduce_sum3A_57 : vector<4096xf32> to vector<4096x1xf32>
    %div3A_59 = arith.constant 2.560000e+02 : f32
    %div3A_60 = vector.broadcast %div3A_59 : f32 to vector<4096x1xf32>
    %div3A_61 = arith.divf %broadcast_in_dim3A_58, %div3A_60 : vector<4096x1xf32>
    %mul3A_62 = arith.mulf %div3A_54, %div3A_54 : vector<4096x1xf32>
    %sub3A_63 = arith.subf %div3A_61, %mul3A_62 : vector<4096x1xf32>
    %max3A_64 = arith.constant 0.000000e+00 : f32
    %max3A_65 = vector.broadcast %max3A_64 : f32 to vector<4096x1xf32>
    %max3A_66 = arith.maximumf %sub3A_63, %max3A_65 : vector<4096x1xf32>
    %add3A_67 = arith.constant 9.99999974E-6 : f32
    %add3A_68 = vector.broadcast %add3A_67 : f32 to vector<4096x1xf32>
    %add3A_69 = arith.addf %max3A_66, %add3A_68 : vector<4096x1xf32>
    %rsqrt3A_70 = math.rsqrt %add3A_69 : vector<4096x1xf32>
    %sub3A_71 = vector.broadcast %div3A_54 : vector<4096x1xf32> to vector<4096x256xf32>
    %sub3A_72 = arith.subf %dot_general3A_42, %sub3A_71 : vector<4096x256xf32>
    %mul3A_73 = vector.broadcast %rsqrt3A_70 : vector<4096x1xf32> to vector<4096x256xf32>
    %mul3A_74 = arith.mulf %sub3A_72, %mul3A_73 : vector<4096x256xf32>
    %convert_element_type3A_75 = arith.truncf %mul3A_74 : vector<4096x256xf32> to vector<4096x256xbf16>
    %mul3A_76 = vector.broadcast %get3A_45 : vector<1x256xbf16> to vector<4096x256xbf16>
    %mul3A_77 = arith.mulf %convert_element_type3A_75, %mul3A_76 : vector<4096x256xbf16>
    %add3A_78 = vector.broadcast %get3A_48 : vector<1x256xbf16> to vector<4096x256xbf16>
    %add3A_79 = arith.addf %mul3A_77, %add3A_78 : vector<4096x256xbf16>
    %max3A_80 = arith.constant 0.000000e+00 : bf16
    %max3A_81 = vector.broadcast %max3A_80 : bf16 to vector<4096x256xbf16>
    %max3A_82 = arith.maximumf %add3A_79, %max3A_81 : vector<4096x256xbf16>
    %get3A_83 = arith.constant 0 : index
    %get3A_84 = arith.constant 0 : index
    %get3A_85 = vector.load %arg9[%get3A_83, %get3A_84] : memref<256x256xbf16, #tpu.memory_space<vmem>>, vector<256x256xbf16>
    %dot_general3A_86 = arith.constant dense<0.000000e+00> : vector<4096x256xf32>
    %dot_general3A_87 = tpu.matmul %max3A_82, %get3A_85, %dot_general3A_86 {dimension_numbers = #tpu.dot_dimension_numbers<[1], [0], [0], [1], [0, 0, 1, 1], [], []>, transpose_lhs_hint = false} : vector<4096x256xbf16>, vector<256x256xbf16>, vector<4096x256xf32> -> vector<4096x256xf32>
    %get3A_88 = arith.constant 0 : index
    %get3A_89 = arith.constant 0 : index
    %get3A_90 = vector.load %arg10[%get3A_88, %get3A_89] : memref<1x256xf32, #tpu.memory_space<vmem>>, vector<1x256xf32>
    %add3A_91 = vector.broadcast %get3A_90 : vector<1x256xf32> to vector<4096x256xf32>
    %add3A_92 = arith.addf %dot_general3A_87, %add3A_91 : vector<4096x256xf32>
    %get3A_93 = arith.constant 0 : index
    %get3A_94 = arith.constant 0 : index
    %get3A_95 = vector.load %arg2[%get3A_93, %get3A_94] : memref<4096x1xf32, #tpu.memory_space<vmem>>, vector<4096x1xf32>
    %gt3A = arith.constant 0.000000e+00 : f32
    %gt3A_96 = vector.broadcast %gt3A : f32 to vector<4096x1xf32>
    %gt3A_97 = arith.cmpf ogt, %get3A_95, %gt3A_96 : vector<4096x1xf32>
    %get3A_98 = arith.constant 0 : index
    %get3A_99 = arith.constant 0 : index
    %get3A_100 = vector.load %arg11[%get3A_98, %get3A_99] : memref<1x256xf32, #tpu.memory_space<vmem>>, vector<1x256xf32>
    %broadcast_in_dim3A_101 = vector.shape_cast %gt3A_97 : vector<4096x1xi1> to vector<4096x1xi1>
    %broadcast_in_dim3A_102 = vector.broadcast %broadcast_in_dim3A_101 : vector<4096x1xi1> to vector<4096x256xi1>
    %broadcast_in_dim3A_103 = vector.shape_cast %get3A_100 : vector<1x256xf32> to vector<1x256xf32>
    %broadcast_in_dim3A_104 = vector.broadcast %broadcast_in_dim3A_103 : vector<1x256xf32> to vector<4096x256xf32>
    %select_n3A = arith.select %broadcast_in_dim3A_102, %add3A_92, %broadcast_in_dim3A_104 : vector<4096x256xi1>, vector<4096x256xf32>
    %swap3A = arith.constant 0 : index
    %swap3A_105 = arith.constant 0 : index
    %swap3A_106 = vector.load %arg12[%swap3A, %swap3A_105] : memref<4096x256xf32, #tpu.memory_space<vmem>>, vector<4096x256xf32>
    tpu.vector_store %arg12[%swap3A, %swap3A_105], %select_n3A {strides = array<i32>} : memref<4096x256xf32, #tpu.memory_space<vmem>>, vector<4096x256xf32>,
    return
  }
  func.func @transform_0(%arg0: i32) -> (i32, i32) {
    %c0_i32 = arith.constant 0 : i32
    %c0_i32_0 = arith.constant 0 : i32
    return %c0_i32, %arg0 : i32, i32
  }
  func.func @transform_1(%arg0: i32) -> (i32, i32) {
    %c0_i32 = arith.constant 0 : i32
    %c0_i32_0 = arith.constant 0 : i32
    return %arg0, %c0_i32 : i32, i32
  }
  func.func @transform_2(%arg0: i32) -> (i32, i32) {
    %c0_i32 = arith.constant 0 : i32
    %c0_i32_0 = arith.constant 0 : i32
    %c0_i32_1 = arith.constant 0 : i32
    return %c0_i32, %c0_i32_0 : i32, i32
  }
  func.func @transform_3(%arg0: i32) -> (i32, i32) {
    %c0_i32 = arith.constant 0 : i32
    %c0_i32_0 = arith.constant 0 : i32
    %c0_i32_1 = arith.constant 0 : i32
    return %c0_i32, %c0_i32_0 : i32, i32
  }
  func.func @transform_4(%arg0: i32) -> (i32, i32) {
    %c0_i32 = arith.constant 0 : i32
    %c0_i32_0 = arith.constant 0 : i32
    %c0_i32_1 = arith.constant 0 : i32
    return %c0_i32, %c0_i32_0 : i32, i32
  }
  func.func @transform_5(%arg0: i32) -> (i32, i32) {
    %c0_i32 = arith.constant 0 : i32
    %c0_i32_0 = arith.constant 0 : i32
    %c0_i32_1 = arith.constant 0 : i32
    return %c0_i32, %c0_i32_0 : i32, i32
  }
  func.func @transform_6(%arg0: i32) -> (i32, i32) {
    %c0_i32 = arith.constant 0 : i32
    %c0_i32_0 = arith.constant 0 : i32
    %c0_i32_1 = arith.constant 0 : i32
    return %c0_i32, %c0_i32_0 : i32, i32
  }
  func.func @transform_7(%arg0: i32) -> (i32, i32) {
    %c0_i32 = arith.constant 0 : i32
    %c0_i32_0 = arith.constant 0 : i32
    %c0_i32_1 = arith.constant 0 : i32
    return %c0_i32, %c0_i32_0 : i32, i32
  }
  func.func @transform_8(%arg0: i32) -> (i32, i32) {
    %c0_i32 = arith.constant 0 : i32
    %c0_i32_0 = arith.constant 0 : i32
    %c0_i32_1 = arith.constant 0 : i32
    return %c0_i32, %c0_i32_0 : i32, i32
  }
  func.func @transform_9(%arg0: i32) -> (i32, i32) {
    %c0_i32 = arith.constant 0 : i32
    %c0_i32_0 = arith.constant 0 : i32
    %c0_i32_1 = arith.constant 0 : i32
    return %c0_i32, %c0_i32_0 : i32, i32
  }
  func.func @transform_10(%arg0: i32) -> (i32, i32) {
    %c0_i32 = arith.constant 0 : i32
    %c0_i32_0 = arith.constant 0 : i32
    %c0_i32_1 = arith.constant 0 : i32
    return %c0_i32, %c0_i32_0 : i32, i32
  }
  func.func @transform_11(%arg0: i32) -> (i32, i32) {
    %c0_i32 = arith.constant 0 : i32
    %c0_i32_0 = arith.constant 0 : i32
    return %arg0, %c0_i32 : i32, i32
  }
}

</mosaic_0001>

<sc_bundles>
// kernel: kernel.4.cloned.1.call-start
scs
__scs_entry_jumppad:
0x0: {  	(pc) =	sbr.rel $0x88, $3  }
0x1: {  	(tag) =	ssettag $0x0;
	lr =	simm.s32 $0x1  }
0x2: {  	[smem:$0x3F91] =	sst lr;
	_ =	strace $0xD0000000  }
0x3: {  	_ = 	snop  }
0x4: {  	_ = 	snop  }
0x5: {  	_ = 	snop  }
0x6: {  	_ = 	snop  }
0x7: {  	_ = 	snop  }
__scs_overlays_trampoline_lowered:
0x8: {  	[smem:$0x3FA0] =	sst s0  }
0x9: {  	[smem:$0x3FA1] =	sst s1  }
0xa: {  	[smem:$0x3FA2] =	sst s2  }
0xb: {  	[smem:$0x3FA3] =	sst s3  }
0xc: {  	[smem:$0x3FA4] =	sst s4  }
0xd: {  	[smem:$0x3FA5] =	sst s5  }
0xe: {  	[smem:$0x3FA6] =	sst s6  }
0xf: {  	[smem:$0x3FA7] =	sst s7  }
0x10: {  	[smem:$0x3FA8] =	sst s8  }
0x11: {  	[smem:$0x3FA9] =	sst s9;
	s0 =	simm.s32 @!p0 $0x0  }
0x12: {  	s1 =	sld [smem:$0x3F8F];
	s0 =	simm.s32 @p0 $0x1  }
0x13: {  	[smem:$0x3FAA] =	sst s0;
	s0 =	simm.s32 @!p1 $0x0  }
0x14: {  	s2 =	sld [smem:$0x3F8E];
	s0 =	simm.s32 @p1 $0x1  }
0x15: {  	[smem:$0x3FAB] =	sst s0;
	s0 =	simm.s32 @!p2 $0x0  }
0x16: {  	s3 =	sld [smem:$0x3FDB];
	s0 =	simm.s32 @p2 $0x1  }
0x17: {  	s4 =	simm.s32 $0x1BF5;
	[smem:$0x3FAD] =	sst s0  }
0x18: {  	s0 =	sld [smem:$0x3F90];
	_ =	swait.ge [sflag:s4], $0x0  }
0x19: {  	s7 =	sld [smem:$0x3F91]  }
0x1a: {  	s8 =	sadd.s32 $0xFFFFE003, lr  }
0x1b: {  	s9 =	sadd.s32 $0xFFFFFEF7, lr;
	s5 =	simm.s32 $0xFFFFFFFF;
	p2 =	slt.u32 s8, $0xFFFFF086  }
0x1c: {  	p1 =	slt.u32 s9, $0xF7A;
	s5 =	simm.s32 @!p2 $0x0  }
0x1d: {  	s5 =	simm.s32 @p1 $0x1;
	p0 =	seq.s32 s7, s2  }
0x1e: {  	s7 =	smul.u32 @!p0 $0xF7A, s2;
	p2 =	seq.s32 @!p0 s5, $0x0  }
0x1f: {  	s9 =	smul.u32 $0xF7A, s1;
	s8 =	simm.s32 @!p0 $0x1BF5;
	p2 =	por !p2, p0  }
0x20: {  	[sflag:s8] =	ssyncset.s32 @!p0 $0xFFFFF086;
	s6 =	sadd.s32 @!p0 s3, s7;
	s7 =	simm.s32 @!p0 $0x108  }
0x21: {  	s3 =	sadd.s32 s3, s9;
	s6 =	sadd.s32 @!p0 $0x88, s6;
	s7 =	simm.s32 @p2 $0x1082  }
0x22: {  	[simem:s7], [sflag:s8] =	dma.local @!p0 [hbm:s6], $0xF7A  }
0x23: {  	s9 =	sor.u32 $0xD0000000, s2;
	s6 =	simm.s32 $0x108;
	_ =	swait.ge @!p0 [sflag:s8], $0x0  }
0x24: {  	s3 =	sadd.s32 $0x88, s3;
	s6 =	simm.s32 @!p1 $0x1082;
	[sflag:s4] =	ssyncset.s32 $0xFFFFF086  }
0x25: {  	[simem:s6], [sflag:s4] =	dma.local [hbm:s3], $0xF7A  }
0x26: {  	[smem:$0x3F91] =	sst s1;
	(tag) =	ssettag s2;
	_ =	strace s9  }
0x27: {  	s1 =	sld [smem:$0x3FA1]  }
0x28: {  	s2 =	sld [smem:$0x3FA2]  }
0x29: {  	s4 =	sld [smem:$0x3FA4]  }
0x2a: {  	p0 =	seq.s32 s5, $0x0;
	s5 =	sld [smem:$0x3FA5]  }
0x2b: {  	s6 =	sld [smem:$0x3FA6]  }
0x2c: {  	s7 =	sld [smem:$0x3FA7]  }
0x2d: {  	s3 =	simm.s32 $0x108;
	s8 =	sld [smem:$0x3FA8]  }
0x2e: {  	s3 =	simm.s32 @!p0 $0x1082;
	s9 =	sld [smem:$0x3FA9]  }
0x2f: {  	lr =	sadd.s32 s0, s3;
	s0 =	sld [smem:$0x3FA0]  }
0x30: {  	s3 =	sld [smem:$0x3FA3]  }
0x31: {  	[smem:$0x3FAC] =	sst s10  }
0x32: {  	s10 =	sld [smem:$0x3FAA];
	_ =	sdelay $0x3  }
0x33: {  	p0 =	seq.s32 s10, $0x1;
	s10 =	sld [smem:$0x3FAC];
	_ =	sdelay $0x3  }
0x34: {  	[smem:$0x3FAC] =	sst s10  }
0x35: {  	s10 =	sld [smem:$0x3FAB];
	_ =	sdelay $0x3  }
0x36: {  	p1 =	seq.s32 s10, $0x1;
	s10 =	sld [smem:$0x3FAC];
	_ =	sdelay $0x3  }
0x37: {  	[smem:$0x3FAC] =	sst s10  }
0x38: {  	s10 =	sld [smem:$0x3FAD]  }
0x39: {  	_ = 	snop;
	(pc) =	sbr.ind lr, $3  }
0x3a: {  	_ = 	snop  }
0x3b: {  	_ = 	snop  }
0x3c: {  	p2 =	seq.s32 s10, $0x1;
	s10 =	sld [smem:$0x3FAC]  }
0x3d: {  	_ =	shalt  }
0x3e: {  	_ =	shalt  }
0x3f: {  	_ =	shalt  }
0x40: {  	_ =	shalt  }
0x41: {  	_ =	shalt  }
0x42: {  	_ =	shalt  }
0x43: {  	_ =	shalt  }
0x44: {  	_ =	shalt  }
0x45: {  	_ =	shalt  }
0x46: {  	_ =	shalt  }
0x47: {  	_ =	shalt  }
0x48: {  	_ =	shalt  }
0x49: {  	_ =	shalt  }
0x4a: {  	_ =	shalt  }
0x4b: {  	_ =	shalt  }
0x4c: {  	_ =	shalt  }
0x4d: {  	_ =	shalt  }
0x4e: {  	_ =	shalt  }
0x4f: {  	_ =	shalt  }
0x50: {  	_ =	shalt  }
0x51: {  	_ =	shalt  }
0x52: {  	_ =	shalt  }
0x53: {  	_ =	shalt  }
0x54: {  	_ =	shalt  }
0x55: {  	_ =	shalt  }
0x56: {  	_ =	shalt  }
0x57: {  	_ =	shalt  }
0x58: {  	_ =	shalt  }
0x59: {  	_ =	shalt  }
0x5a: {  	_ =	shalt  }
0x5b: {  	_ =	shalt  }
0x5c: {  	_ =	shalt  }
0x5d: {  	_ =	shalt  }
0x5e: {  	_ =	shalt  }
0x5f: {  	_ =	shalt  }
0x60: {  	_ =	shalt  }
0x61: {  	_ =	shalt  }
0x62: {  	_ =	shalt  }
0x63: {  	_ =	shalt  }
0x64: {  	_ =	shalt  }
0x65: {  	_ =	shalt  }
0x66: {  	_ =	shalt  }
0x67: {  	_ =	shalt  }
0x68: {  	_ =	shalt  }
0x69: {  	_ =	shalt  }
0x6a: {  	_ =	shalt  }
0x6b: {  	_ =	shalt  }
0x6c: {  	_ =	shalt  }
0x6d: {  	_ =	shalt  }
0x6e: {  	_ =	shalt  }
0x6f: {  	_ =	shalt  }
0x70: {  	_ =	shalt  }
0x71: {  	_ =	shalt  }
0x72: {  	_ =	shalt  }
0x73: {  	_ =	shalt  }
0x74: {  	_ =	shalt  }
0x75: {  	_ =	shalt  }
0x76: {  	_ =	shalt  }
0x77: {  	_ =	shalt  }
0x78: {  	_ =	shalt  }
0x79: {  	_ =	shalt  }
0x7a: {  	_ =	shalt  }
0x7b: {  	_ =	shalt  }
0x7c: {  	_ =	shalt  }
0x7d: {  	_ =	shalt  }
0x7e: {  	_ =	shalt  }
0x7f: {  	_ =	shalt  }
0x80: {  	_ =	shalt  }
0x81: {  	_ =	shalt  }
0x82: {  	_ =	shalt  }
0x83: {  	_ =	shalt  }
0x84: {  	_ =	shalt  }
0x85: {  	_ =	shalt  }
0x86: {  	_ =	shalt  }
0x87: {  	_ =	shalt  }
.Lfunc_end0:
.L_simem_size_0:
called_computation_lowered:
.L_overlay_start_0:
0x88: {  	s2 =	sld [smem:$0x3FD9]  }
0x89: {  	s3 =	sld [smem:$0x3FFE];
	_ =	sdelay $0x1  }
0x8a: {  	s1 =	srdreg.scid  }
0x8b: {  	s0 =	sand.u32 $0x1, s1  }
0x8c: {  	s17 =	sshll.u32 s0, $0xA;
	s2 =	sadd.s32 s3, s2  }
0x8d: {  	s2 =	sadd.s32 s2, s17  }
0x8e: {  	[smem:$0x3FB8] =	sst s2  }
0x8f: {  	_ = 	snop  }
0x90: {  	s2 =	sld [smem:$0x3FD0];
	(tm) =	ssettm $0x1  }
0x91: {  	s18 =	sld [smem:$0x3FFB];
	_ =	sdelay $0x3  }
0x92: {  	_ =	strace s18  }
0x93: {  	s3 =	sld [smem:$0x3FFC];
	_ =	sdelay $0x3  }
0x94: {  	_ =	strace s3  }
0x95: {  	s3 =	sld [smem:$0x3FFD];
	_ =	sdelay $0x3  }
0x96: {  	_ =	strace s3  }
0x97: {  	_ =	strace $0x8FFFFFFF  }
0x98: {  	s19 =	sld [smem:$0x3FDB];
	_ =	sdelay $0x1  }
0x99: {  	s4 =	simm.s32 $_scs_section_size  }
0x9a: {  	s5 =	simm.s32 $_size__tile_overlayer_lowered;
	s6 =	simm.s32 $_tile_overlayer_lowered  }
0x9b: {  	s22 =	simm.s32 $0x1BFF;
	s21 =	sshll.u32 s6, $0x1;
	s3 =	sadd.s32 s4, s19  }
0x9c: {  	s7 =	simm.s32 $0x0;
	s20 =	sshll.u32 s5, $0x1;
	s5 =	sadd.s32 s21, s3  }
0x9d: {  	[timem:s7], [sflag:s22] =	dma.local [hbm:s5], s20  }
0x9e: {  	_ =	swait.ge [sflag:s22], s20  }
0x9f: {  	s4 =	ssub.s32 $0x0, s20;
	[sflag:s22] =	ssyncset.done $0x0  }
0xa0: {  	[sflag:s22] =	ssyncadd.s32 s4;
	_ =	sdelay $0x1  }
0xa1: {  	s23 =	simm.s32 $0x1B8B  }
0xa2: {  	_ =	swait.ge [sflag:s23], $0x1  }
0xa3: {  	[sflag:s23] =	ssyncset.done $0x0  }
0xa4: {  	s25 =	simm.s32 $0x1B8E;
	s24 =	sld [smem:$0x3FFE];
	[sflag:s23] =	ssyncadd.s32 $0xFFFFFFFF  }
0xa5: {  	s26 =	simm.s32 $execute0_lowered;
	[smem:$0x3FD2] =	sst s25  }
0xa6: {  	s5 =	sshll.u32 s26, $0x1;
	_ =	strace $0x80000046;
	[dreg:$0x1] =	wrdreg $0xFFFFFFFF  }
0xa7: {  	s28 =	simm.s32 $_size_execute0_lowered;
	s3 =	sadd.s32 s3, s5;
	[dreg:$0x0] =	wrdreg $0x0  }
0xa8: {  	s5 =	sshll.u32 s28, $0x1;
	[dreg:$0x2] =	wrdreg s3  }
0xa9: {  	[dreg:$0x3] =	wrdreg s5  }
0xaa: {  	[dreg:$0x4] =	wrdreg $0xC0  }
0xab: {  	_ =	task [dreg:s7], $0x5FFFF  }
0xac: {  	[dreg:$0x1] =	wrdreg $0xFFFFFFFF  }
0xad: {  	[dreg:$0x0] =	wrdreg $0x60  }
0xae: {  	[dreg:$0x2] =	wrdreg s2  }
0xaf: {  	[dreg:$0x3] =	wrdreg s24  }
0xb0: {  	[dreg:$0x4] =	wrdreg $0x9  }
0xb1: {  	_ =	task.clear_ibuf [dreg:s7], $0x5FFFF;
	_ =	strace $0x90000046  }
0xb2: {  	s29 =	simm.s32 $0x9;
	_ =	strace $0x80000048  }
0xb3: {  	_ =	swait.ge [sflag:s29], $0x1  }
0xb4: {  	[sflag:s29] =	ssyncadd.s32 $0xFFFFFFFF  }
0xb5: {  	_ =	strace $0x90000048  }
0xb6: {  	_ =	sfence  }
0xb7: {  	s30 =	sld [smem:$0x0];
	_ =	sdelay $0x2  }
0xb8: {  	s31 =	sshll.u32 s1, $0xD;
	s1 =	sshrl.u32 s1, $0x2  }
0xb9: {  	s3 =	sand.u32 $0x4000, s31;
	s1 =	sadd.s32 s1, s30  }
0xba: {  	s0 =	sor.u32 s3, s0;
	s1 =	sshll.u32 s1, $0x11  }
0xbb: {  	s0 =	sor.u32 s1, s0  }
0xbc: {  	s0 =	sadd.s32 $0x8F2B, s0  }
0xbd: {  	[sflag:s0] =	ssyncadd.remote.s32 $0x1  }
0xbe: {  	_ =	sfence.sel $0xFFFF  }
0xbf: {  	[dreg:$0x0] =	wrdreg $0xFFFFFFFF;
	(pc) =	sbr.abs _section_cstart, $3  }
0xc0: {  	[dreg:$0x1] =	wrdreg $0xFFFFFFFF  }
0xc1: {  	_ =	task.clear_ibuf [dreg:s7], $0x2FFFF;
	_ =	strace $0x9FFFFFFF  }
0xc2: {  	(tm) =	ssettm $0x7FFFFFFF  }
0xc3: {  	_ =	shalt  }
tec
execute0_lowered:
.L_overlay_start_1:
0x0: {  	(tag) =	ssettag $0x1  }
0x1: {  	s1 =	rddreg [dreg:$0x0]  }
0x2: {  	s0 =	rddreg [dreg:$0x1];
	s3 =	simm.s32 $0x0  }
0x3: {  	s2 =	srdreg.scid;
	s4 =	stileid.u32;
	s16 =	simm.s32 $0x5  }
0x4: {  	s17 =	simm.s32 $0x3880;
	s18 =	simm.s32 $0x4200;
	[smem:$0x7FF] =	sst s3  }
0x5: {  	v0 =	vimm.f32 $9.999999770e-03;
	s19 =	simm.s32 $0x4280;
	s28 =	simm.s32 $0xF700;
	_ =	strace $0x80000047  }
0x6: {  	s29 =	simm.s32 $0x1;
	s30 =	simm.s32 $0x2;
	s31 =	simm.s32 $0x0;
	(erf) = vrcp.f32 v0;
	v0 =	vimm.f32 $3.141592740e+00  }
0x7: {  	s2 =	sand.u32 $0x1, s2;
	s4 =	sshll.u32 s4, $0x1;
	s5 =	sadd.s32 $0x2200, s0;
	(erf) = vrcp.f32 v0;
	v0 =	vimm.f32 $2.000000000e+01  }
0x8: {  	s20 =	sadd.s32 $0x2000, s0;
	s21 =	sadd.s32 $0x1C00, s0;
	[dreg:$0x3] =	wrdreg s5;
	(erf) = vrcp.f32 v0  }
0x9: {  	s22 =	sadd.s32 $0x1E00, s0;
	[dreg:$0x4] =	wrdreg s20;
	s4 =	sor.u32 s2, s4  }
0xa: {  	s8 =	sadd.s32 $0x2A00, s0;
	[dreg:$0x5] =	wrdreg s21;
	s23 =	smul.u32 $0x5A00, s4  }
0xb: {  	[dreg:$0x6] =	wrdreg s22;
	s24 =	ssub.s32 $0x2, s2;
	s25 =	smul.u32 $0xB40, s4  }
0xc: {  	s20 =	simm.s32 $0x4300;
	s6 =	sshrl.u32 s24, $0x1;
	s4 =	smul.u32 $0x1680, s4  }
0xd: {  	s22 =	simm.s32 $0x3;
	s0 =	ssub.s32 s24, s6;
	s24 =	simm.s32 $0x168000  }
0xe: {  	s5 =	sshrl.u32 s23, $0x3;
	s9 =	sadd.s32 s1, s25;
	s11 =	sadd.s32 s8, s4  }
0xf: {  	s12 =	sadd.s32 $0x300, s4;
	s14 =	sadd.s32 $0x480, s4;
	s15 =	smax.u32 s0, $0x1;
	v0 =	vpop (erf)  }
0x10: {  	s23 =	simm.s32 $0xC00;
	s25 =	simm.s32 $0x4F00;
	s26 =	sadd.s32 s1, s5;
	v1 =	vpop (erf)  }
0x11: {  	s13 =	sadd.s32 $0x180, s11;
	s10 =	sadd.s32 $0xC0, s26;
	s26 =	simm.s32 $0x4;
	v2 =	vpop (erf)  }
.LBB2_1:
0x12: {  	s0 =	rddreg [dreg:$0x3]  }
0x13: {  	[tilespmem:s3], [sflag:$0x5] =	stream.linear.gather [hbm4b:s0+s3], $0x3880, $0x38;
	[tilespmem:$0x19F00] =	vst v63  }
0x14: {  	_ =	swait.ge [sflag:s16], $0x3880  }
0x15: {  	[sflag:s16] =	ssyncset.done $0x0  }
0x16: {  	s5 =	rddreg [dreg:$0x4];
	[sflag:s16] =	ssyncadd.s32 $0xFFFFC780  }
0x17: {  	[tilespmem:s17], [sflag:$0x5] =	stream.linear.gather [hbm4b:s5+s3], $0x980, $0x38;
	[tilespmem:$0x19F00] =	vst v63  }
0x18: {  	_ =	swait.ge [sflag:s16], $0x980  }
0x19: {  	[sflag:s16] =	ssyncset.done $0x0  }
0x1a: {  	s6 =	rddreg [dreg:$0x5];
	[sflag:s16] =	ssyncadd.s32 $0xFFFFF680  }
0x1b: {  	[tilespmem:s18], [sflag:$0x5] =	stream.linear.gather [hbm4b:s6+s3], $0x80, $0x38;
	[tilespmem:$0x19F00] =	vst v63  }
0x1c: {  	_ =	swait.ge [sflag:s16], $0x80  }
0x1d: {  	[sflag:s16] =	ssyncset.done $0x0  }
0x1e: {  	s7 =	rddreg [dreg:$0x6];
	[sflag:s16] =	ssyncadd.s32 $0xFFFFFF80  }
0x1f: {  	[tilespmem:s19], [sflag:$0x5] =	stream.linear.gather [hbm4b:s7+s3], $0x80, $0x38;
	[tilespmem:$0x19F00] =	vst v63  }
0x20: {  	_ =	swait.ge [sflag:s16], $0x80  }
0x21: {  	[sflag:s16] =	ssyncset.done $0x0  }
0x22: {  	[sflag:s16] =	ssyncadd.s32 $0xFFFFFF80  }
0x23: {  	[tilespmem:s20], [sflag:$0x3] =	stream.linear.gather [hbm4b:s9+s3], $0x600, $0x38;
	[tilespmem:$0x19F00] =	vst v63  }
0x24: {  	s21 =	simm.s32 $0x4900  }
0x25: {  	[tilespmem:s21], [sflag:$0x4] =	stream.linear.gather [hbm4b:s10+s3], $0x600, $0x38;
	[tilespmem:$0x19F00] =	vst v63  }
0x26: {  	_ =	swait.ge [sflag:s22], $0x600  }
0x27: {  	[sflag:s22] =	ssyncset.done $0x0  }
0x28: {  	s2 =	simm.s32 $0x0;
	s0 =	simm.s32 $0x0;
	[sflag:s22] =	ssyncadd.s32 $0xFFFFFA00  }
.LBB2_2:
0x29: {  	s4 =	sshll.u32 s2, $0x6  }
0x2a: {  	s5 =	sand.u32 $0x70, s0;
	s4 =	sand.u32 $0x3FFFFE00, s4  }
0x2b: {  	s4 =	sor.u32 s5, s4  }
0x2c: {  	v3 =	vld [tilespmem:s4+$0x4300];
	_ =	sdelay $0x4  }
0x2d: {  	v5 =	vadd.f32 $3.000000000e+02, v3;
	_ =	sdelay $0x1  }
0x2e: {  	v3 =	vtrunc.f32 v5  }
0x2f: {  	v3 =	vcvt.f32.s32 v3;
	_ =	sdelay $0x1  }
0x30: {  	vm0 =	vgt.s32 v3, $0x0  }
0x31: {  	v3 =	vnsel vm0, $0x0, v3  }
0x32: {  	v6 =	vmin.u32 v3, $0x257  }
0x33: {  	v7 =	vmul.u32 $0x18, v6;
	_ =	sdelay $0x1  }
0x34: {  	v8 =	vor.u32 $0x1, v7  }
0x35: {  	v9 =	vor.u32 $0x2, v7  }
0x36: {  	v4 =	vld [tilespmem:s4+$0x4380];
	v10 =	vor.u32 $0x3, v7  }
0x37: {  	v3 =	vld [tilespmem:s4+$0x4400];
	v11 =	vor.u32 $0x4, v7  }
0x38: {  	v13 =	vor.u32 $0x5, v7;
	v12 =	vld.idx.msk [tilespmem:v7+s3+$0x0], $0xffff  }
0x39: {  	v14 =	vor.u32 $0x6, v7;
	v8 =	vld.idx.msk [tilespmem:v8+s3+$0x0], $0xffff  }
0x3a: {  	v15 =	vor.u32 $0x7, v7;
	v9 =	vld.idx.msk [tilespmem:v9+s3+$0x0], $0xffff  }
0x3b: {  	v16 =	vadd.s32 $0x8, v7;
	v10 =	vld.idx.msk [tilespmem:v10+s3+$0x0], $0xffff  }
0x3c: {  	v17 =	vadd.s32 $0x9, v7;
	v11 =	vld.idx.msk [tilespmem:v11+s3+$0x0], $0xffff  }
0x3d: {  	v18 =	vadd.s32 $0xA, v7;
	v13 =	vld.idx.msk [tilespmem:v13+s3+$0x0], $0xffff  }
0x3e: {  	v19 =	vadd.s32 $0xB, v7;
	v14 =	vld.idx.msk [tilespmem:v14+s3+$0x0], $0xffff  }
0x3f: {  	v20 =	vadd.s32 $0xC, v7;
	v15 =	vld.idx.msk [tilespmem:v15+s3+$0x0], $0xffff  }
0x40: {  	v21 =	vadd.s32 $0xD, v7;
	v16 =	vld.idx.msk [tilespmem:v16+s3+$0x0], $0xffff  }
0x41: {  	v22 =	vadd.s32 $0xE, v7;
	v17 =	vld.idx.msk [tilespmem:v17+s3+$0x0], $0xffff  }
0x42: {  	v23 =	vadd.s32 $0xF, v7;
	v18 =	vld.idx.msk [tilespmem:v18+s3+$0x0], $0xffff  }
0x43: {  	v19 =	vld.idx.msk [tilespmem:v19+s3+$0x0], $0xffff  }
0x44: {  	s21 =	sshll.u32 s2, $0x7;
	v20 =	vld.idx.msk [tilespmem:v20+s3+$0x0], $0xffff  }
0x45: {  	s4 =	sand.u32 $0x3FFFFC00, s21;
	v21 =	vld.idx.msk [tilespmem:v21+s3+$0x0], $0xffff  }
0x46: {  	s4 =	sor.u32 s5, s4;
	v22 =	vld.idx.msk [tilespmem:v22+s3+$0x0], $0xffff  }
0x47: {  	v23 =	vld.idx.msk [tilespmem:v23+s3+$0x0], $0xffff;
	[tilespmem:s4+$0x4F00] =	vst v12  }
0x48: {  	[tilespmem:s4+$0x4F80] =	vst v8  }
0x49: {  	[tilespmem:s4+$0x5000] =	vst v9  }
0x4a: {  	[tilespmem:s4+$0x5080] =	vst v10  }
0x4b: {  	[tilespmem:s4+$0x5100] =	vst v11  }
0x4c: {  	[tilespmem:s4+$0x5180] =	vst v13  }
0x4d: {  	v6 =	vcvt.s32.f32 v6;
	[tilespmem:s4+$0x5200] =	vst v14  }
0x4e: {  	[tilespmem:s4+$0x5280] =	vst v15  }
0x4f: {  	v5 =	vsub.f32 v5, v6;
	[tilespmem:s4+$0x5B00] =	vst v16  }
0x50: {  	[tilespmem:s4+$0x5B80] =	vst v17  }
0x51: {  	v5 =	vmul.f32 v5, v0;
	[tilespmem:s4+$0x5C00] =	vst v18  }
0x52: {  	v24 =	vadd.s32 $0x16, v7;
	[tilespmem:s4+$0x5C80] =	vst v19  }
0x53: {  	v5 =	vtrunc.f32 v5;
	v18 =	vadd.s32 $0x10, v7;
	[tilespmem:s4+$0x5D00] =	vst v20  }
0x54: {  	v5 =	vcvt.f32.s32 v5;
	v19 =	vadd.s32 $0x11, v7;
	[tilespmem:s4+$0x5D80] =	vst v21  }
0x55: {  	v20 =	vadd.s32 $0x12, v7;
	[tilespmem:s4+$0x5E00] =	vst v22  }
0x56: {  	vm11 =	vgt.s32 v5, $0x0;
	v21 =	vadd.s32 $0x13, v7;
	[tilespmem:s4+$0x5E80] =	vst v23  }
0x57: {  	v5 =	vnsel vm11, $0x0, v5;
	v22 =	vadd.s32 $0x14, v7;
	v13 =	vld.idx.msk [tilespmem:v24+s3+$0x0], $0xffff  }
0x58: {  	v5 =	vmin.u32 v5, $0x63;
	v23 =	vadd.s32 $0x15, v7;
	v6 =	vld.idx.msk [tilespmem:v18+s3+$0x0], $0xffff  }
0x59: {  	v5 =	vmul.u32 $0x18, v5;
	v7 =	vadd.s32 $0x17, v7;
	v8 =	vld.idx.msk [tilespmem:v19+s3+$0x0], $0xffff  }
0x5a: {  	v9 =	vld.idx.msk [tilespmem:v20+s3+$0x0], $0xffff  }
0x5b: {  	v25 =	vor.u32 $0x1, v5;
	v10 =	vld.idx.msk [tilespmem:v21+s3+$0x0], $0xffff  }
0x5c: {  	v26 =	vor.u32 $0x2, v5;
	v11 =	vld.idx.msk [tilespmem:v22+s3+$0x0], $0xffff  }
0x5d: {  	v27 =	vor.u32 $0x3, v5;
	v12 =	vld.idx.msk [tilespmem:v23+s3+$0x0], $0xffff  }
0x5e: {  	v28 =	vor.u32 $0x4, v5;
	v7 =	vld.idx.msk [tilespmem:v7+s3+$0x0], $0xffff  }
0x5f: {  	v29 =	vor.u32 $0x5, v5;
	v18 =	vld.idx.msk [tilespmem:v5+s17+$0x0], $0xffff  }
0x60: {  	v30 =	vor.u32 $0x6, v5;
	v14 =	vld.idx.msk [tilespmem:v25+s17+$0x0], $0xffff  }
0x61: {  	v31 =	vor.u32 $0x7, v5;
	v15 =	vld.idx.msk [tilespmem:v26+s17+$0x0], $0xffff  }
0x62: {  	v16 =	vld.idx.msk [tilespmem:v27+s17+$0x0], $0xffff  }
0x63: {  	v17 =	vld.idx.msk [tilespmem:v28+s17+$0x0], $0xffff  }
0x64: {  	v19 =	vld.idx.msk [tilespmem:v29+s17+$0x0], $0xffff  }
0x65: {  	v20 =	vld.idx.msk [tilespmem:v30+s17+$0x0], $0xffff  }
0x66: {  	v21 =	vld.idx.msk [tilespmem:v31+s17+$0x0], $0xffff;
	[tilespmem:s4+$0x6A00] =	vst v13  }
0x67: {  	[tilespmem:s4+$0x6700] =	vst v6  }
0x68: {  	[tilespmem:s4+$0x6780] =	vst v8  }
0x69: {  	[tilespmem:s4+$0x6800] =	vst v9  }
0x6a: {  	[tilespmem:s4+$0x6880] =	vst v10  }
0x6b: {  	[tilespmem:s4+$0x6900] =	vst v11  }
0x6c: {  	[tilespmem:s4+$0x6980] =	vst v12  }
0x6d: {  	[tilespmem:s4+$0x6A80] =	vst v7  }
0x6e: {  	[tilespmem:s4+$0x7300] =	vst v18  }
0x6f: {  	[tilespmem:s4+$0x7380] =	vst v14  }
0x70: {  	[tilespmem:s4+$0x7400] =	vst v15  }
0x71: {  	v32 =	vadd.s32 $0x8, v5;
	[tilespmem:s4+$0x7480] =	vst v16  }
0x72: {  	v33 =	vadd.s32 $0x9, v5;
	[tilespmem:s4+$0x7500] =	vst v17  }
0x73: {  	v34 =	vadd.s32 $0xA, v5;
	[tilespmem:s4+$0x7580] =	vst v19  }
0x74: {  	v35 =	vadd.s32 $0xB, v5;
	[tilespmem:s4+$0x7600] =	vst v20  }
0x75: {  	v36 =	vadd.s32 $0xC, v5;
	[tilespmem:s4+$0x7680] =	vst v21  }
0x76: {  	v37 =	vadd.s32 $0xD, v5;
	v6 =	vld.idx.msk [tilespmem:v32+s17+$0x0], $0xffff  }
0x77: {  	v38 =	vadd.s32 $0xE, v5;
	v7 =	vld.idx.msk [tilespmem:v33+s17+$0x0], $0xffff  }
0x78: {  	v39 =	vadd.s32 $0xF, v5;
	v8 =	vld.idx.msk [tilespmem:v34+s17+$0x0], $0xffff  }
0x79: {  	v40 =	vadd.s32 $0x10, v5;
	v9 =	vld.idx.msk [tilespmem:v35+s17+$0x0], $0xffff  }
0x7a: {  	v41 =	vadd.s32 $0x11, v5;
	v10 =	vld.idx.msk [tilespmem:v36+s17+$0x0], $0xffff  }
0x7b: {  	v42 =	vadd.s32 $0x12, v5;
	v11 =	vld.idx.msk [tilespmem:v37+s17+$0x0], $0xffff  }
0x7c: {  	v43 =	vadd.s32 $0x13, v5;
	v12 =	vld.idx.msk [tilespmem:v38+s17+$0x0], $0xffff  }
0x7d: {  	v44 =	vadd.s32 $0x14, v5;
	v13 =	vld.idx.msk [tilespmem:v39+s17+$0x0], $0xffff  }
0x7e: {  	v45 =	vadd.s32 $0x15, v5;
	v14 =	vld.idx.msk [tilespmem:v40+s17+$0x0], $0xffff  }
0x7f: {  	v46 =	vadd.s32 $0x16, v5;
	v15 =	vld.idx.msk [tilespmem:v41+s17+$0x0], $0xffff  }
0x80: {  	v5 =	vadd.s32 $0x17, v5;
	v16 =	vld.idx.msk [tilespmem:v42+s17+$0x0], $0xffff  }
0x81: {  	v17 =	vld.idx.msk [tilespmem:v43+s17+$0x0], $0xffff  }
0x82: {  	v18 =	vld.idx.msk [tilespmem:v44+s17+$0x0], $0xffff  }
0x83: {  	v19 =	vld.idx.msk [tilespmem:v45+s17+$0x0], $0xffff  }
0x84: {  	v20 =	vld.idx.msk [tilespmem:v46+s17+$0x0], $0xffff  }
0x85: {  	v5 =	vld.idx.msk [tilespmem:v5+s17+$0x0], $0xffff;
	[tilespmem:s4+$0x7F00] =	vst v6  }
0x86: {  	[tilespmem:s4+$0x7F80] =	vst v7  }
0x87: {  	v4 =	vadd.f32 $3.000000000e+02, v4;
	[tilespmem:s4+$0x8000] =	vst v8  }
0x88: {  	[tilespmem:s4+$0x8080] =	vst v9  }
0x89: {  	v47 =	vtrunc.f32 v4;
	[tilespmem:s4+$0x8100] =	vst v10  }
0x8a: {  	v6 =	vcvt.f32.s32 v47;
	[tilespmem:s4+$0x8180] =	vst v11  }
0x8b: {  	[tilespmem:s4+$0x8200] =	vst v12  }
0x8c: {  	[tilespmem:s4+$0x8280] =	vst v13;
	vm12 =	vgt.s32 v6, $0x0  }
0x8d: {  	[tilespmem:s4+$0x8B00] =	vst v14;
	v6 =	vnsel vm12, $0x0, v6  }
0x8e: {  	[tilespmem:s4+$0x8B80] =	vst v15;
	v6 =	vmin.u32 v6, $0x257  }
0x8f: {  	[tilespmem:s4+$0x8C00] =	vst v16;
	v48 =	vmul.u32 $0x18, v6  }
0x90: {  	[tilespmem:s4+$0x8C80] =	vst v17  }
0x91: {  	[tilespmem:s4+$0x8D00] =	vst v18;
	v49 =	vor.u32 $0x1, v48  }
0x92: {  	[tilespmem:s4+$0x8D80] =	vst v19;
	v50 =	vor.u32 $0x2, v48  }
0x93: {  	[tilespmem:s4+$0x8E00] =	vst v20;
	v51 =	vor.u32 $0x3, v48  }
0x94: {  	[tilespmem:s4+$0x8E80] =	vst v5;
	v52 =	vor.u32 $0x4, v48  }
0x95: {  	v53 =	vor.u32 $0x5, v48;
	v11 =	vld.idx.msk [tilespmem:v48+s3+$0x0], $0xffff  }
0x96: {  	v54 =	vor.u32 $0x6, v48;
	v8 =	vld.idx.msk [tilespmem:v49+s3+$0x0], $0xffff  }
0x97: {  	v55 =	vor.u32 $0x7, v48;
	v9 =	vld.idx.msk [tilespmem:v50+s3+$0x0], $0xffff  }
0x98: {  	v56 =	vadd.s32 $0x8, v48;
	v10 =	vld.idx.msk [tilespmem:v51+s3+$0x0], $0xffff  }
0x99: {  	v57 =	vadd.s32 $0x9, v48;
	v5 =	vld.idx.msk [tilespmem:v52+s3+$0x0], $0xffff  }
0x9a: {  	v58 =	vadd.s32 $0xA, v48;
	v12 =	vld.idx.msk [tilespmem:v53+s3+$0x0], $0xffff  }
0x9b: {  	v59 =	vadd.s32 $0xB, v48;
	v13 =	vld.idx.msk [tilespmem:v54+s3+$0x0], $0xffff  }
0x9c: {  	v60 =	vadd.s32 $0xC, v48;
	v14 =	vld.idx.msk [tilespmem:v55+s3+$0x0], $0xffff  }
0x9d: {  	v61 =	vadd.s32 $0xD, v48;
	v15 =	vld.idx.msk [tilespmem:v56+s3+$0x0], $0xffff  }
0x9e: {  	v62 =	vadd.s32 $0xE, v48;
	v16 =	vld.idx.msk [tilespmem:v57+s3+$0x0], $0xffff  }
0x9f: {  	v63 =	vadd.s32 $0xF, v48;
	v17 =	vld.idx.msk [tilespmem:v58+s3+$0x0], $0xffff  }
0xa0: {  	v18 =	vld.idx.msk [tilespmem:v59+s3+$0x0], $0xffff  }
0xa1: {  	v19 =	vld.idx.msk [tilespmem:v60+s3+$0x0], $0xffff  }
0xa2: {  	v20 =	vld.idx.msk [tilespmem:v61+s3+$0x0], $0xffff  }
0xa3: {  	v21 =	vld.idx.msk [tilespmem:v62+s3+$0x0], $0xffff  }
0xa4: {  	v22 =	vld.idx.msk [tilespmem:v63+s3+$0x0], $0xffff;
	[tilespmem:s4+$0x9700] =	vst v11  }
0xa5: {  	[tilespmem:s4+$0x9780] =	vst v8  }
0xa6: {  	[tilespmem:s4+$0x9800] =	vst v9  }
0xa7: {  	[tilespmem:s4+$0x9880] =	vst v10  }
0xa8: {  	[tilespmem:s4+$0x9900] =	vst v5  }
0xa9: {  	[tilespmem:s4+$0x9980] =	vst v12  }
0xaa: {  	v23 =	vcvt.s32.f32 v6;
	[tilespmem:s4+$0x9A00] =	vst v13  }
0xab: {  	[tilespmem:s4+$0x9A80] =	vst v14  }
0xac: {  	v4 =	vsub.f32 v4, v23;
	[tilespmem:s4+$0xA300] =	vst v15  }
0xad: {  	[tilespmem:s4+$0xA380] =	vst v16  }
0xae: {  	v4 =	vmul.f32 v4, v0;
	[tilespmem:s4+$0xA400] =	vst v17  }
0xaf: {  	v24 =	vadd.s32 $0x10, v48;
	[tilespmem:s4+$0xA480] =	vst v18  }
0xb0: {  	v25 =	vadd.s32 $0x11, v48;
	v4 =	vtrunc.f32 v4;
	[tilespmem:s4+$0xA500] =	vst v19  }
0xb1: {  	v26 =	vadd.s32 $0x12, v48;
	v4 =	vcvt.f32.s32 v4;
	[tilespmem:s4+$0xA580] =	vst v20  }
0xb2: {  	v27 =	vadd.s32 $0x13, v48;
	[tilespmem:s4+$0xA600] =	vst v21  }
0xb3: {  	v28 =	vadd.s32 $0x14, v48;
	vm13 =	vgt.s32 v4, $0x0;
	[tilespmem:s4+$0xA680] =	vst v22  }
0xb4: {  	v29 =	vadd.s32 $0x15, v48;
	v4 =	vnsel vm13, $0x0, v4;
	v5 =	vld.idx.msk [tilespmem:v24+s3+$0x0], $0xffff  }
0xb5: {  	v30 =	vadd.s32 $0x16, v48;
	v4 =	vmin.u32 v4, $0x63;
	v6 =	vld.idx.msk [tilespmem:v25+s3+$0x0], $0xffff  }
0xb6: {  	v7 =	vadd.s32 $0x17, v48;
	v4 =	vmul.u32 $0x18, v4;
	v8 =	vld.idx.msk [tilespmem:v26+s3+$0x0], $0xffff  }
0xb7: {  	v9 =	vld.idx.msk [tilespmem:v27+s3+$0x0], $0xffff  }
0xb8: {  	v10 =	vld.idx.msk [tilespmem:v28+s3+$0x0], $0xffff;
	v31 =	vor.u32 $0x1, v4  }
0xb9: {  	v11 =	vld.idx.msk [tilespmem:v29+s3+$0x0], $0xffff;
	v32 =	vor.u32 $0x2, v4  }
0xba: {  	v12 =	vld.idx.msk [tilespmem:v30+s3+$0x0], $0xffff;
	v33 =	vor.u32 $0x3, v4  }
0xbb: {  	v7 =	vld.idx.msk [tilespmem:v7+s3+$0x0], $0xffff;
	v34 =	vor.u32 $0x4, v4  }
0xbc: {  	v35 =	vor.u32 $0x5, v4;
	v17 =	vld.idx.msk [tilespmem:v4+s17+$0x0], $0xffff  }
0xbd: {  	v36 =	vor.u32 $0x6, v4;
	v13 =	vld.idx.msk [tilespmem:v31+s17+$0x0], $0xffff  }
0xbe: {  	v37 =	vor.u32 $0x7, v4;
	v14 =	vld.idx.msk [tilespmem:v32+s17+$0x0], $0xffff  }
0xbf: {  	v15 =	vld.idx.msk [tilespmem:v33+s17+$0x0], $0xffff  }
0xc0: {  	v16 =	vld.idx.msk [tilespmem:v34+s17+$0x0], $0xffff  }
0xc1: {  	v18 =	vld.idx.msk [tilespmem:v35+s17+$0x0], $0xffff  }
0xc2: {  	v19 =	vld.idx.msk [tilespmem:v36+s17+$0x0], $0xffff  }
0xc3: {  	v20 =	vld.idx.msk [tilespmem:v37+s17+$0x0], $0xffff;
	[tilespmem:s4+$0xAF00] =	vst v5  }
0xc4: {  	[tilespmem:s4+$0xAF80] =	vst v6  }
0xc5: {  	[tilespmem:s4+$0xB000] =	vst v8  }
0xc6: {  	[tilespmem:s4+$0xB080] =	vst v9  }
0xc7: {  	[tilespmem:s4+$0xB100] =	vst v10  }
0xc8: {  	[tilespmem:s4+$0xB180] =	vst v11  }
0xc9: {  	[tilespmem:s4+$0xB200] =	vst v12  }
0xca: {  	[tilespmem:s4+$0xB280] =	vst v7  }
0xcb: {  	[tilespmem:s4+$0xBB00] =	vst v17  }
0xcc: {  	[tilespmem:s4+$0xBB80] =	vst v13  }
0xcd: {  	[tilespmem:s4+$0xBC00] =	vst v14  }
0xce: {  	v38 =	vadd.s32 $0x8, v4;
	[tilespmem:s4+$0xBC80] =	vst v15  }
0xcf: {  	v39 =	vadd.s32 $0x9, v4;
	[tilespmem:s4+$0xBD00] =	vst v16  }
0xd0: {  	v40 =	vadd.s32 $0xA, v4;
	[tilespmem:s4+$0xBD80] =	vst v18  }
0xd1: {  	v41 =	vadd.s32 $0xB, v4;
	[tilespmem:s4+$0xBE00] =	vst v19  }
0xd2: {  	v42 =	vadd.s32 $0xC, v4;
	[tilespmem:s4+$0xBE80] =	vst v20  }
0xd3: {  	v43 =	vadd.s32 $0xD, v4;
	v5 =	vld.idx.msk [tilespmem:v38+s17+$0x0], $0xffff  }
0xd4: {  	v44 =	vadd.s32 $0xE, v4;
	v6 =	vld.idx.msk [tilespmem:v39+s17+$0x0], $0xffff  }
0xd5: {  	v45 =	vadd.s32 $0xF, v4;
	v7 =	vld.idx.msk [tilespmem:v40+s17+$0x0], $0xffff  }
0xd6: {  	v46 =	vadd.s32 $0x10, v4;
	v8 =	vld.idx.msk [tilespmem:v41+s17+$0x0], $0xffff  }
0xd7: {  	v47 =	vadd.s32 $0x11, v4;
	v9 =	vld.idx.msk [tilespmem:v42+s17+$0x0], $0xffff  }
0xd8: {  	v3 =	vmul.f32 $1.800000000e+02, v3;
	v48 =	vadd.s32 $0x12, v4;
	v10 =	vld.idx.msk [tilespmem:v43+s17+$0x0], $0xffff  }
0xd9: {  	v49 =	vadd.s32 $0x13, v4;
	v11 =	vld.idx.msk [tilespmem:v44+s17+$0x0], $0xffff  }
0xda: {  	v3 =	vmul.f32 v3, v1;
	v50 =	vadd.s32 $0x14, v4;
	v12 =	vld.idx.msk [tilespmem:v45+s17+$0x0], $0xffff  }
0xdb: {  	v51 =	vadd.s32 $0x15, v4;
	v13 =	vld.idx.msk [tilespmem:v46+s17+$0x0], $0xffff  }
0xdc: {  	v3 =	vadd.f32 $1.800000000e+02, v3;
	v52 =	vadd.s32 $0x16, v4;
	v14 =	vld.idx.msk [tilespmem:v47+s17+$0x0], $0xffff  }
0xdd: {  	v4 =	vadd.s32 $0x17, v4;
	v15 =	vld.idx.msk [tilespmem:v48+s17+$0x0], $0xffff  }
0xde: {  	v53 =	vmul.f32 v3, v2;
	v16 =	vld.idx.msk [tilespmem:v49+s17+$0x0], $0xffff  }
0xdf: {  	v17 =	vld.idx.msk [tilespmem:v50+s17+$0x0], $0xffff  }
0xe0: {  	v20 =	vtrunc.f32 v53;
	v18 =	vld.idx.msk [tilespmem:v51+s17+$0x0], $0xffff  }
0xe1: {  	v19 =	vld.idx.msk [tilespmem:v52+s17+$0x0], $0xffff;
	v20 =	vcvt.f32.s32 v20  }
0xe2: {  	v4 =	vld.idx.msk [tilespmem:v4+s17+$0x0], $0xffff;
	[tilespmem:s4+$0xC700] =	vst v5  }
0xe3: {  	vm14 =	vgt.s32 v20, $0x0;
	[tilespmem:s4+$0xC780] =	vst v6  }
0xe4: {  	v54 =	vnsel vm14, $0x0, v20;
	[tilespmem:s4+$0xC800] =	vst v7  }
0xe5: {  	v5 =	vmin.u32 v54, $0x13;
	[tilespmem:s4+$0xC880] =	vst v8  }
0xe6: {  	[tilespmem:s4+$0xC900] =	vst v9;
	v55 =	vcvt.s32.f32 v5  }
0xe7: {  	[tilespmem:s4+$0xC980] =	vst v10  }
0xe8: {  	[tilespmem:s4+$0xCA00] =	vst v11;
	v6 =	vmul.f32 $-2.000000000e+01, v55  }
0xe9: {  	[tilespmem:s4+$0xCA80] =	vst v12  }
0xea: {  	[tilespmem:s4+$0xD300] =	vst v13;
	v3 =	vadd.f32 v6, v3  }
0xeb: {  	[tilespmem:s4+$0xD380] =	vst v14  }
0xec: {  	[tilespmem:s4+$0xD400] =	vst v15;
	v5 =	vmul.u32 $0x6, v5;
	v3 =	vtrunc.f32 v3  }
0xed: {  	[tilespmem:s4+$0xD480] =	vst v16;
	v3 =	vcvt.f32.s32 v3  }
0xee: {  	[tilespmem:s4+$0xD500] =	vst v17;
	v56 =	vor.u32 $0x1, v5  }
0xef: {  	[tilespmem:s4+$0xD580] =	vst v18;
	v57 =	vadd.s32 $0x2, v5;
	vm15 =	vgt.s32 v3, $0x0  }
0xf0: {  	[tilespmem:s4+$0xD600] =	vst v19;
	v58 =	vadd.s32 $0x3, v5;
	v3 =	vnsel vm15, $0x0, v3  }
0xf1: {  	[tilespmem:s4+$0xD680] =	vst v4;
	v59 =	vadd.s32 $0x4, v5;
	v3 =	vmin.u32 v3, $0x13  }
0xf2: {  	v9 =	vld.idx.msk [tilespmem:v5+s18+$0x0], $0xffff;
	v5 =	vadd.s32 $0x5, v5;
	v3 =	vmul.u32 $0x6, v3  }
0xf3: {  	v6 =	vld.idx.msk [tilespmem:v56+s18+$0x0], $0xffff  }
0xf4: {  	v7 =	vld.idx.msk [tilespmem:v57+s18+$0x0], $0xffff;
	v60 =	vor.u32 $0x1, v3  }
0xf5: {  	v8 =	vld.idx.msk [tilespmem:v58+s18+$0x0], $0xffff;
	v61 =	vadd.s32 $0x2, v3  }
0xf6: {  	v4 =	vld.idx.msk [tilespmem:v59+s18+$0x0], $0xffff;
	v62 =	vadd.s32 $0x3, v3  }
0xf7: {  	v5 =	vld.idx.msk [tilespmem:v5+s18+$0x0], $0xffff;
	v63 =	vadd.s32 $0x4, v3  }
0xf8: {  	v14 =	vld.idx.msk [tilespmem:v3+s19+$0x0], $0xffff;
	v3 =	vadd.s32 $0x5, v3  }
0xf9: {  	v10 =	vld.idx.msk [tilespmem:v60+s19+$0x0], $0xffff  }
0xfa: {  	v11 =	vld.idx.msk [tilespmem:v61+s19+$0x0], $0xffff  }
0xfb: {  	v12 =	vld.idx.msk [tilespmem:v62+s19+$0x0], $0xffff  }
0xfc: {  	v13 =	vld.idx.msk [tilespmem:v63+s19+$0x0], $0xffff  }
0xfd: {  	v3 =	vld.idx.msk [tilespmem:v3+s19+$0x0], $0xffff;
	[tilespmem:s4+$0xDF00] =	vst v9  }
0xfe: {  	[tilespmem:s4+$0xDF80] =	vst v6  }
0xff: {  	[tilespmem:s4+$0xE000] =	vst v7  }
0x100: {  	[tilespmem:s4+$0xE080] =	vst v8  }
0x101: {  	[tilespmem:s4+$0xE100] =	vst v4  }
0x102: {  	[tilespmem:s4+$0xE180] =	vst v5  }
0x103: {  	p0 =	sne.s32 s2, $0x17;
	[tilespmem:s4+$0xE200] =	vst v14  }
.Ltmp0:
0x104: {  	[tilespmem:s4+$0xE280] =	vst v10;
	(pc) =	sbr.rel @p0 .LBB2_2-.Ltmp0, $4  }
0x105: {  	[tilespmem:s4+$0xEB00] =	vst v11  }
0x106: {  	[tilespmem:s4+$0xEB80] =	vst v12  }
0x107: {  	[tilespmem:s4+$0xEC00] =	vst v13  }
0x108: {  	s0 =	sadd.s32 $0x10, s0;
	s2 =	sadd.s32 $0x1, s2;
	[tilespmem:s4+$0xEC80] =	vst v3  }
0x109: {  	[hbm4b:s11+s23] =	stream.strided.scatter [tilespmem:s25], [sflag:$0x1], $0xA800, s24, s23, $0x38;
	[tilespmem:$0x19F00] =	vst v63  }
0x10a: {  	s2 =	simm.s32 $0x0  }
.LBB2_4:
0x10b: {  	s21 =	smul.u32 $0x300, s2;
	_ =	sdelay $0x1  }
0x10c: {  	s0 =	sadd.s32 s21, s12  }
0x10d: {  	s4 =	sshrl.u32 s0, $0x1  }
0x10e: {  	s4 =	sadd.s32 s1, s4  }
0x10f: {  	[tilespmem:s20], [sflag:$0x3] =	stream.linear.gather [hbm4b:s4+s3], $0x600, $0x38;
	[tilespmem:$0x19F00] =	vst v63  }
0x110: {  	_ =	swait.ge [sflag:s26], $0x600  }
0x111: {  	p0 =	seq.s32 s2, $0x0;
	[sflag:s26] =	ssyncset.done $0x0  }
0x112: {  	s4 =	simm.s32 @!p0 $0x2;
	[sflag:s26] =	ssyncadd.s32 $0xFFFFFA00  }
0x113: {  	_ =	swait.ge @!p0 [sflag:s4], $0xA800  }
0x114: {  	[sflag:s4] =	ssyncset.done @!p0 $0x0  }
0x115: {  	s5 =	simm.s32 $0x0;
	[sflag:s4] =	ssyncadd.s32 @!p0 $0xFFFF5800;
	s4 =	simm.s32 $0x0  }
.LBB2_5:
0x116: {  	s6 =	sshll.u32 s5, $0x6  }
0x117: {  	s7 =	sand.u32 $0x70, s4;
	s6 =	sand.u32 $0x3FFFFE00, s6  }
0x118: {  	s6 =	sor.u32 s7, s6  }
0x119: {  	v3 =	vld [tilespmem:s6+$0x4900];
	_ =	sdelay $0x4  }
0x11a: {  	v5 =	vadd.f32 $3.000000000e+02, v3;
	_ =	sdelay $0x1  }
0x11b: {  	v3 =	vtrunc.f32 v5  }
0x11c: {  	v3 =	vcvt.f32.s32 v3;
	_ =	sdelay $0x1  }
0x11d: {  	vm0 =	vgt.s32 v3, $0x0  }
0x11e: {  	v3 =	vnsel vm0, $0x0, v3  }
0x11f: {  	v6 =	vmin.u32 v3, $0x257  }
0x120: {  	v7 =	vmul.u32 $0x18, v6;
	_ =	sdelay $0x1  }
0x121: {  	v8 =	vor.u32 $0x1, v7  }
0x122: {  	v9 =	vor.u32 $0x2, v7  }
0x123: {  	v4 =	vld [tilespmem:s6+$0x4980];
	v10 =	vor.u32 $0x3, v7  }
0x124: {  	v3 =	vld [tilespmem:s6+$0x4A00];
	v11 =	vor.u32 $0x4, v7  }
0x125: {  	v13 =	vor.u32 $0x5, v7;
	v12 =	vld.idx.msk [tilespmem:v7+s3+$0x0], $0xffff  }
0x126: {  	v14 =	vor.u32 $0x6, v7;
	v8 =	vld.idx.msk [tilespmem:v8+s3+$0x0], $0xffff  }
0x127: {  	v15 =	vor.u32 $0x7, v7;
	v9 =	vld.idx.msk [tilespmem:v9+s3+$0x0], $0xffff  }
0x128: {  	v16 =	vadd.s32 $0x8, v7;
	v10 =	vld.idx.msk [tilespmem:v10+s3+$0x0], $0xffff  }
0x129: {  	v17 =	vadd.s32 $0x9, v7;
	v11 =	vld.idx.msk [tilespmem:v11+s3+$0x0], $0xffff  }
0x12a: {  	v18 =	vadd.s32 $0xA, v7;
	v13 =	vld.idx.msk [tilespmem:v13+s3+$0x0], $0xffff  }
0x12b: {  	v19 =	vadd.s32 $0xB, v7;
	v14 =	vld.idx.msk [tilespmem:v14+s3+$0x0], $0xffff  }
0x12c: {  	v20 =	vadd.s32 $0xC, v7;
	v15 =	vld.idx.msk [tilespmem:v15+s3+$0x0], $0xffff  }
0x12d: {  	v21 =	vadd.s32 $0xD, v7;
	v16 =	vld.idx.msk [tilespmem:v16+s3+$0x0], $0xffff  }
0x12e: {  	v22 =	vadd.s32 $0xE, v7;
	v17 =	vld.idx.msk [tilespmem:v17+s3+$0x0], $0xffff  }
0x12f: {  	v23 =	vadd.s32 $0xF, v7;
	v18 =	vld.idx.msk [tilespmem:v18+s3+$0x0], $0xffff  }
0x130: {  	v19 =	vld.idx.msk [tilespmem:v19+s3+$0x0], $0xffff  }
0x131: {  	s6 =	sshll.u32 s5, $0x7;
	v20 =	vld.idx.msk [tilespmem:v20+s3+$0x0], $0xffff  }
0x132: {  	s6 =	sand.u32 $0x3FFFFC00, s6;
	v21 =	vld.idx.msk [tilespmem:v21+s3+$0x0], $0xffff  }
0x133: {  	s6 =	sor.u32 s7, s6;
	v22 =	vld.idx.msk [tilespmem:v22+s3+$0x0], $0xffff  }
0x134: {  	v23 =	vld.idx.msk [tilespmem:v23+s3+$0x0], $0xffff;
	[tilespmem:s6+$0xF700] =	vst v12  }
0x135: {  	[tilespmem:s6+$0xF780] =	vst v8  }
0x136: {  	[tilespmem:s6+$0xF800] =	vst v9  }
0x137: {  	[tilespmem:s6+$0xF880] =	vst v10  }
0x138: {  	[tilespmem:s6+$0xF900] =	vst v11  }
0x139: {  	[tilespmem:s6+$0xF980] =	vst v13  }
0x13a: {  	v6 =	vcvt.s32.f32 v6;
	[tilespmem:s6+$0xFA00] =	vst v14  }
0x13b: {  	[tilespmem:s6+$0xFA80] =	vst v15  }
0x13c: {  	v5 =	vsub.f32 v5, v6;
	[tilespmem:s6+$0x10300] =	vst v16  }
0x13d: {  	[tilespmem:s6+$0x10380] =	vst v17  }
0x13e: {  	v5 =	vmul.f32 v5, v0;
	[tilespmem:s6+$0x10400] =	vst v18  }
0x13f: {  	v24 =	vadd.s32 $0x16, v7;
	[tilespmem:s6+$0x10480] =	vst v19  }
0x140: {  	v5 =	vtrunc.f32 v5;
	v18 =	vadd.s32 $0x10, v7;
	[tilespmem:s6+$0x10500] =	vst v20  }
0x141: {  	v5 =	vcvt.f32.s32 v5;
	v19 =	vadd.s32 $0x11, v7;
	[tilespmem:s6+$0x10580] =	vst v21  }
0x142: {  	v20 =	vadd.s32 $0x12, v7;
	[tilespmem:s6+$0x10600] =	vst v22  }
0x143: {  	vm11 =	vgt.s32 v5, $0x0;
	v21 =	vadd.s32 $0x13, v7;
	[tilespmem:s6+$0x10680] =	vst v23  }
0x144: {  	v5 =	vnsel vm11, $0x0, v5;
	v22 =	vadd.s32 $0x14, v7;
	v13 =	vld.idx.msk [tilespmem:v24+s3+$0x0], $0xffff  }
0x145: {  	v5 =	vmin.u32 v5, $0x63;
	v23 =	vadd.s32 $0x15, v7;
	v6 =	vld.idx.msk [tilespmem:v18+s3+$0x0], $0xffff  }
0x146: {  	v5 =	vmul.u32 $0x18, v5;
	v7 =	vadd.s32 $0x17, v7;
	v8 =	vld.idx.msk [tilespmem:v19+s3+$0x0], $0xffff  }
0x147: {  	v9 =	vld.idx.msk [tilespmem:v20+s3+$0x0], $0xffff  }
0x148: {  	v25 =	vor.u32 $0x1, v5;
	v10 =	vld.idx.msk [tilespmem:v21+s3+$0x0], $0xffff  }
0x149: {  	v26 =	vor.u32 $0x2, v5;
	v11 =	vld.idx.msk [tilespmem:v22+s3+$0x0], $0xffff  }
0x14a: {  	v27 =	vor.u32 $0x3, v5;
	v12 =	vld.idx.msk [tilespmem:v23+s3+$0x0], $0xffff  }
0x14b: {  	v28 =	vor.u32 $0x4, v5;
	v7 =	vld.idx.msk [tilespmem:v7+s3+$0x0], $0xffff  }
0x14c: {  	v29 =	vor.u32 $0x5, v5;
	v18 =	vld.idx.msk [tilespmem:v5+s17+$0x0], $0xffff  }
0x14d: {  	v30 =	vor.u32 $0x6, v5;
	v14 =	vld.idx.msk [tilespmem:v25+s17+$0x0], $0xffff  }
0x14e: {  	v31 =	vor.u32 $0x7, v5;
	v15 =	vld.idx.msk [tilespmem:v26+s17+$0x0], $0xffff  }
0x14f: {  	v16 =	vld.idx.msk [tilespmem:v27+s17+$0x0], $0xffff  }
0x150: {  	v17 =	vld.idx.msk [tilespmem:v28+s17+$0x0], $0xffff  }
0x151: {  	v19 =	vld.idx.msk [tilespmem:v29+s17+$0x0], $0xffff  }
0x152: {  	v20 =	vld.idx.msk [tilespmem:v30+s17+$0x0], $0xffff  }
0x153: {  	v21 =	vld.idx.msk [tilespmem:v31+s17+$0x0], $0xffff;
	[tilespmem:s6+$0x11200] =	vst v13  }
0x154: {  	[tilespmem:s6+$0x10F00] =	vst v6  }
0x155: {  	[tilespmem:s6+$0x10F80] =	vst v8  }
0x156: {  	[tilespmem:s6+$0x11000] =	vst v9  }
0x157: {  	[tilespmem:s6+$0x11080] =	vst v10  }
0x158: {  	[tilespmem:s6+$0x11100] =	vst v11  }
0x159: {  	[tilespmem:s6+$0x11180] =	vst v12  }
0x15a: {  	[tilespmem:s6+$0x11280] =	vst v7  }
0x15b: {  	[tilespmem:s6+$0x11B00] =	vst v18  }
0x15c: {  	[tilespmem:s6+$0x11B80] =	vst v14  }
0x15d: {  	[tilespmem:s6+$0x11C00] =	vst v15  }
0x15e: {  	v32 =	vadd.s32 $0x8, v5;
	[tilespmem:s6+$0x11C80] =	vst v16  }
0x15f: {  	v33 =	vadd.s32 $0x9, v5;
	[tilespmem:s6+$0x11D00] =	vst v17  }
0x160: {  	v34 =	vadd.s32 $0xA, v5;
	[tilespmem:s6+$0x11D80] =	vst v19  }
0x161: {  	v35 =	vadd.s32 $0xB, v5;
	[tilespmem:s6+$0x11E00] =	vst v20  }
0x162: {  	v36 =	vadd.s32 $0xC, v5;
	[tilespmem:s6+$0x11E80] =	vst v21  }
0x163: {  	v37 =	vadd.s32 $0xD, v5;
	v6 =	vld.idx.msk [tilespmem:v32+s17+$0x0], $0xffff  }
0x164: {  	v38 =	vadd.s32 $0xE, v5;
	v7 =	vld.idx.msk [tilespmem:v33+s17+$0x0], $0xffff  }
0x165: {  	v39 =	vadd.s32 $0xF, v5;
	v8 =	vld.idx.msk [tilespmem:v34+s17+$0x0], $0xffff  }
0x166: {  	v40 =	vadd.s32 $0x10, v5;
	v9 =	vld.idx.msk [tilespmem:v35+s17+$0x0], $0xffff  }
0x167: {  	v41 =	vadd.s32 $0x11, v5;
	v10 =	vld.idx.msk [tilespmem:v36+s17+$0x0], $0xffff  }
0x168: {  	v42 =	vadd.s32 $0x12, v5;
	v11 =	vld.idx.msk [tilespmem:v37+s17+$0x0], $0xffff  }
0x169: {  	v43 =	vadd.s32 $0x13, v5;
	v12 =	vld.idx.msk [tilespmem:v38+s17+$0x0], $0xffff  }
0x16a: {  	v44 =	vadd.s32 $0x14, v5;
	v13 =	vld.idx.msk [tilespmem:v39+s17+$0x0], $0xffff  }
0x16b: {  	v45 =	vadd.s32 $0x15, v5;
	v14 =	vld.idx.msk [tilespmem:v40+s17+$0x0], $0xffff  }
0x16c: {  	v46 =	vadd.s32 $0x16, v5;
	v15 =	vld.idx.msk [tilespmem:v41+s17+$0x0], $0xffff  }
0x16d: {  	v5 =	vadd.s32 $0x17, v5;
	v16 =	vld.idx.msk [tilespmem:v42+s17+$0x0], $0xffff  }
0x16e: {  	v17 =	vld.idx.msk [tilespmem:v43+s17+$0x0], $0xffff  }
0x16f: {  	v18 =	vld.idx.msk [tilespmem:v44+s17+$0x0], $0xffff  }
0x170: {  	v19 =	vld.idx.msk [tilespmem:v45+s17+$0x0], $0xffff  }
0x171: {  	v20 =	vld.idx.msk [tilespmem:v46+s17+$0x0], $0xffff  }
0x172: {  	v5 =	vld.idx.msk [tilespmem:v5+s17+$0x0], $0xffff;
	[tilespmem:s6+$0x12700] =	vst v6  }
0x173: {  	[tilespmem:s6+$0x12780] =	vst v7  }
0x174: {  	v4 =	vadd.f32 $3.000000000e+02, v4;
	[tilespmem:s6+$0x12800] =	vst v8  }
0x175: {  	[tilespmem:s6+$0x12880] =	vst v9  }
0x176: {  	v47 =	vtrunc.f32 v4;
	[tilespmem:s6+$0x12900] =	vst v10  }
0x177: {  	v6 =	vcvt.f32.s32 v47;
	[tilespmem:s6+$0x12980] =	vst v11  }
0x178: {  	[tilespmem:s6+$0x12A00] =	vst v12  }
0x179: {  	[tilespmem:s6+$0x12A80] =	vst v13;
	vm12 =	vgt.s32 v6, $0x0  }
0x17a: {  	[tilespmem:s6+$0x13300] =	vst v14;
	v6 =	vnsel vm12, $0x0, v6  }
0x17b: {  	[tilespmem:s6+$0x13380] =	vst v15;
	v6 =	vmin.u32 v6, $0x257  }
0x17c: {  	[tilespmem:s6+$0x13400] =	vst v16;
	v48 =	vmul.u32 $0x18, v6  }
0x17d: {  	[tilespmem:s6+$0x13480] =	vst v17  }
0x17e: {  	[tilespmem:s6+$0x13500] =	vst v18;
	v49 =	vor.u32 $0x1, v48  }
0x17f: {  	[tilespmem:s6+$0x13580] =	vst v19;
	v50 =	vor.u32 $0x2, v48  }
0x180: {  	[tilespmem:s6+$0x13600] =	vst v20;
	v51 =	vor.u32 $0x3, v48  }
0x181: {  	[tilespmem:s6+$0x13680] =	vst v5;
	v52 =	vor.u32 $0x4, v48  }
0x182: {  	v53 =	vor.u32 $0x5, v48;
	v11 =	vld.idx.msk [tilespmem:v48+s3+$0x0], $0xffff  }
0x183: {  	v54 =	vor.u32 $0x6, v48;
	v8 =	vld.idx.msk [tilespmem:v49+s3+$0x0], $0xffff  }
0x184: {  	v55 =	vor.u32 $0x7, v48;
	v9 =	vld.idx.msk [tilespmem:v50+s3+$0x0], $0xffff  }
0x185: {  	v56 =	vadd.s32 $0x8, v48;
	v10 =	vld.idx.msk [tilespmem:v51+s3+$0x0], $0xffff  }
0x186: {  	v57 =	vadd.s32 $0x9, v48;
	v5 =	vld.idx.msk [tilespmem:v52+s3+$0x0], $0xffff  }
0x187: {  	v58 =	vadd.s32 $0xA, v48;
	v12 =	vld.idx.msk [tilespmem:v53+s3+$0x0], $0xffff  }
0x188: {  	v59 =	vadd.s32 $0xB, v48;
	v13 =	vld.idx.msk [tilespmem:v54+s3+$0x0], $0xffff  }
0x189: {  	v60 =	vadd.s32 $0xC, v48;
	v14 =	vld.idx.msk [tilespmem:v55+s3+$0x0], $0xffff  }
0x18a: {  	v61 =	vadd.s32 $0xD, v48;
	v15 =	vld.idx.msk [tilespmem:v56+s3+$0x0], $0xffff  }
0x18b: {  	v62 =	vadd.s32 $0xE, v48;
	v16 =	vld.idx.msk [tilespmem:v57+s3+$0x0], $0xffff  }
0x18c: {  	v63 =	vadd.s32 $0xF, v48;
	v17 =	vld.idx.msk [tilespmem:v58+s3+$0x0], $0xffff  }
0x18d: {  	v18 =	vld.idx.msk [tilespmem:v59+s3+$0x0], $0xffff  }
0x18e: {  	v19 =	vld.idx.msk [tilespmem:v60+s3+$0x0], $0xffff  }
0x18f: {  	v20 =	vld.idx.msk [tilespmem:v61+s3+$0x0], $0xffff  }
0x190: {  	v21 =	vld.idx.msk [tilespmem:v62+s3+$0x0], $0xffff  }
0x191: {  	v22 =	vld.idx.msk [tilespmem:v63+s3+$0x0], $0xffff;
	[tilespmem:s6+$0x13F00] =	vst v11  }
0x192: {  	[tilespmem:s6+$0x13F80] =	vst v8  }
0x193: {  	[tilespmem:s6+$0x14000] =	vst v9  }
0x194: {  	[tilespmem:s6+$0x14080] =	vst v10  }
0x195: {  	[tilespmem:s6+$0x14100] =	vst v5  }
0x196: {  	[tilespmem:s6+$0x14180] =	vst v12  }
0x197: {  	v23 =	vcvt.s32.f32 v6;
	[tilespmem:s6+$0x14200] =	vst v13  }
0x198: {  	[tilespmem:s6+$0x14280] =	vst v14  }
0x199: {  	v4 =	vsub.f32 v4, v23;
	[tilespmem:s6+$0x14B00] =	vst v15  }
0x19a: {  	[tilespmem:s6+$0x14B80] =	vst v16  }
0x19b: {  	v4 =	vmul.f32 v4, v0;
	[tilespmem:s6+$0x14C00] =	vst v17  }
0x19c: {  	v24 =	vadd.s32 $0x10, v48;
	[tilespmem:s6+$0x14C80] =	vst v18  }
0x19d: {  	v25 =	vadd.s32 $0x11, v48;
	v4 =	vtrunc.f32 v4;
	[tilespmem:s6+$0x14D00] =	vst v19  }
0x19e: {  	v26 =	vadd.s32 $0x12, v48;
	v4 =	vcvt.f32.s32 v4;
	[tilespmem:s6+$0x14D80] =	vst v20  }
0x19f: {  	v27 =	vadd.s32 $0x13, v48;
	[tilespmem:s6+$0x14E00] =	vst v21  }
0x1a0: {  	v28 =	vadd.s32 $0x14, v48;
	vm13 =	vgt.s32 v4, $0x0;
	[tilespmem:s6+$0x14E80] =	vst v22  }
0x1a1: {  	v29 =	vadd.s32 $0x15, v48;
	v4 =	vnsel vm13, $0x0, v4;
	v5 =	vld.idx.msk [tilespmem:v24+s3+$0x0], $0xffff  }
0x1a2: {  	v30 =	vadd.s32 $0x16, v48;
	v4 =	vmin.u32 v4, $0x63;
	v6 =	vld.idx.msk [tilespmem:v25+s3+$0x0], $0xffff  }
0x1a3: {  	v7 =	vadd.s32 $0x17, v48;
	v4 =	vmul.u32 $0x18, v4;
	v8 =	vld.idx.msk [tilespmem:v26+s3+$0x0], $0xffff  }
0x1a4: {  	v9 =	vld.idx.msk [tilespmem:v27+s3+$0x0], $0xffff  }
0x1a5: {  	v10 =	vld.idx.msk [tilespmem:v28+s3+$0x0], $0xffff;
	v31 =	vor.u32 $0x1, v4  }
0x1a6: {  	v11 =	vld.idx.msk [tilespmem:v29+s3+$0x0], $0xffff;
	v32 =	vor.u32 $0x2, v4  }
0x1a7: {  	v12 =	vld.idx.msk [tilespmem:v30+s3+$0x0], $0xffff;
	v33 =	vor.u32 $0x3, v4  }
0x1a8: {  	v7 =	vld.idx.msk [tilespmem:v7+s3+$0x0], $0xffff;
	v34 =	vor.u32 $0x4, v4  }
0x1a9: {  	v35 =	vor.u32 $0x5, v4;
	v17 =	vld.idx.msk [tilespmem:v4+s17+$0x0], $0xffff  }
0x1aa: {  	v36 =	vor.u32 $0x6, v4;
	v13 =	vld.idx.msk [tilespmem:v31+s17+$0x0], $0xffff  }
0x1ab: {  	v37 =	vor.u32 $0x7, v4;
	v14 =	vld.idx.msk [tilespmem:v32+s17+$0x0], $0xffff  }
0x1ac: {  	v15 =	vld.idx.msk [tilespmem:v33+s17+$0x0], $0xffff  }
0x1ad: {  	v16 =	vld.idx.msk [tilespmem:v34+s17+$0x0], $0xffff  }
0x1ae: {  	v18 =	vld.idx.msk [tilespmem:v35+s17+$0x0], $0xffff  }
0x1af: {  	v19 =	vld.idx.msk [tilespmem:v36+s17+$0x0], $0xffff  }
0x1b0: {  	v20 =	vld.idx.msk [tilespmem:v37+s17+$0x0], $0xffff;
	[tilespmem:s6+$0x15700] =	vst v5  }
0x1b1: {  	[tilespmem:s6+$0x15780] =	vst v6  }
0x1b2: {  	[tilespmem:s6+$0x15800] =	vst v8  }
0x1b3: {  	[tilespmem:s6+$0x15880] =	vst v9  }
0x1b4: {  	[tilespmem:s6+$0x15900] =	vst v10  }
0x1b5: {  	[tilespmem:s6+$0x15980] =	vst v11  }
0x1b6: {  	[tilespmem:s6+$0x15A00] =	vst v12  }
0x1b7: {  	[tilespmem:s6+$0x15A80] =	vst v7  }
0x1b8: {  	[tilespmem:s6+$0x16300] =	vst v17  }
0x1b9: {  	[tilespmem:s6+$0x16380] =	vst v13  }
0x1ba: {  	[tilespmem:s6+$0x16400] =	vst v14  }
0x1bb: {  	v38 =	vadd.s32 $0x8, v4;
	[tilespmem:s6+$0x16480] =	vst v15  }
0x1bc: {  	v39 =	vadd.s32 $0x9, v4;
	[tilespmem:s6+$0x16500] =	vst v16  }
0x1bd: {  	v40 =	vadd.s32 $0xA, v4;
	[tilespmem:s6+$0x16580] =	vst v18  }
0x1be: {  	v41 =	vadd.s32 $0xB, v4;
	[tilespmem:s6+$0x16600] =	vst v19  }
0x1bf: {  	v42 =	vadd.s32 $0xC, v4;
	[tilespmem:s6+$0x16680] =	vst v20  }
0x1c0: {  	v43 =	vadd.s32 $0xD, v4;
	v5 =	vld.idx.msk [tilespmem:v38+s17+$0x0], $0xffff  }
0x1c1: {  	v44 =	vadd.s32 $0xE, v4;
	v6 =	vld.idx.msk [tilespmem:v39+s17+$0x0], $0xffff  }
0x1c2: {  	v45 =	vadd.s32 $0xF, v4;
	v7 =	vld.idx.msk [tilespmem:v40+s17+$0x0], $0xffff  }
0x1c3: {  	v46 =	vadd.s32 $0x10, v4;
	v8 =	vld.idx.msk [tilespmem:v41+s17+$0x0], $0xffff  }
0x1c4: {  	v47 =	vadd.s32 $0x11, v4;
	v9 =	vld.idx.msk [tilespmem:v42+s17+$0x0], $0xffff  }
0x1c5: {  	v3 =	vmul.f32 $1.800000000e+02, v3;
	v48 =	vadd.s32 $0x12, v4;
	v10 =	vld.idx.msk [tilespmem:v43+s17+$0x0], $0xffff  }
0x1c6: {  	v49 =	vadd.s32 $0x13, v4;
	v11 =	vld.idx.msk [tilespmem:v44+s17+$0x0], $0xffff  }
0x1c7: {  	v3 =	vmul.f32 v3, v1;
	v50 =	vadd.s32 $0x14, v4;
	v12 =	vld.idx.msk [tilespmem:v45+s17+$0x0], $0xffff  }
0x1c8: {  	v51 =	vadd.s32 $0x15, v4;
	v13 =	vld.idx.msk [tilespmem:v46+s17+$0x0], $0xffff  }
0x1c9: {  	v3 =	vadd.f32 $1.800000000e+02, v3;
	v52 =	vadd.s32 $0x16, v4;
	v14 =	vld.idx.msk [tilespmem:v47+s17+$0x0], $0xffff  }
0x1ca: {  	v4 =	vadd.s32 $0x17, v4;
	v15 =	vld.idx.msk [tilespmem:v48+s17+$0x0], $0xffff  }
0x1cb: {  	v53 =	vmul.f32 v3, v2;
	v16 =	vld.idx.msk [tilespmem:v49+s17+$0x0], $0xffff  }
0x1cc: {  	v17 =	vld.idx.msk [tilespmem:v50+s17+$0x0], $0xffff  }
0x1cd: {  	v20 =	vtrunc.f32 v53;
	v18 =	vld.idx.msk [tilespmem:v51+s17+$0x0], $0xffff  }
0x1ce: {  	v19 =	vld.idx.msk [tilespmem:v52+s17+$0x0], $0xffff;
	v20 =	vcvt.f32.s32 v20  }
0x1cf: {  	v4 =	vld.idx.msk [tilespmem:v4+s17+$0x0], $0xffff;
	[tilespmem:s6+$0x16F00] =	vst v5  }
0x1d0: {  	vm14 =	vgt.s32 v20, $0x0;
	[tilespmem:s6+$0x16F80] =	vst v6  }
0x1d1: {  	v54 =	vnsel vm14, $0x0, v20;
	[tilespmem:s6+$0x17000] =	vst v7  }
0x1d2: {  	v5 =	vmin.u32 v54, $0x13;
	[tilespmem:s6+$0x17080] =	vst v8  }
0x1d3: {  	[tilespmem:s6+$0x17100] =	vst v9;
	v55 =	vcvt.s32.f32 v5  }
0x1d4: {  	[tilespmem:s6+$0x17180] =	vst v10  }
0x1d5: {  	[tilespmem:s6+$0x17200] =	vst v11;
	v6 =	vmul.f32 $-2.000000000e+01, v55  }
0x1d6: {  	[tilespmem:s6+$0x17280] =	vst v12  }
0x1d7: {  	[tilespmem:s6+$0x17B00] =	vst v13;
	v3 =	vadd.f32 v6, v3  }
0x1d8: {  	[tilespmem:s6+$0x17B80] =	vst v14  }
0x1d9: {  	[tilespmem:s6+$0x17C00] =	vst v15;
	v5 =	vmul.u32 $0x6, v5;
	v3 =	vtrunc.f32 v3  }
0x1da: {  	[tilespmem:s6+$0x17C80] =	vst v16;
	v3 =	vcvt.f32.s32 v3  }
0x1db: {  	[tilespmem:s6+$0x17D00] =	vst v17;
	v56 =	vor.u32 $0x1, v5  }
0x1dc: {  	[tilespmem:s6+$0x17D80] =	vst v18;
	v57 =	vadd.s32 $0x2, v5;
	vm15 =	vgt.s32 v3, $0x0  }
0x1dd: {  	[tilespmem:s6+$0x17E00] =	vst v19;
	v58 =	vadd.s32 $0x3, v5;
	v3 =	vnsel vm15, $0x0, v3  }
0x1de: {  	[tilespmem:s6+$0x17E80] =	vst v4;
	v59 =	vadd.s32 $0x4, v5;
	v3 =	vmin.u32 v3, $0x13  }
0x1df: {  	v9 =	vld.idx.msk [tilespmem:v5+s18+$0x0], $0xffff;
	v5 =	vadd.s32 $0x5, v5;
	v3 =	vmul.u32 $0x6, v3  }
0x1e0: {  	v6 =	vld.idx.msk [tilespmem:v56+s18+$0x0], $0xffff  }
0x1e1: {  	v7 =	vld.idx.msk [tilespmem:v57+s18+$0x0], $0xffff;
	v60 =	vor.u32 $0x1, v3  }
0x1e2: {  	v8 =	vld.idx.msk [tilespmem:v58+s18+$0x0], $0xffff;
	v61 =	vadd.s32 $0x2, v3  }
0x1e3: {  	v4 =	vld.idx.msk [tilespmem:v59+s18+$0x0], $0xffff;
	v62 =	vadd.s32 $0x3, v3  }
0x1e4: {  	v5 =	vld.idx.msk [tilespmem:v5+s18+$0x0], $0xffff;
	v63 =	vadd.s32 $0x4, v3  }
0x1e5: {  	v14 =	vld.idx.msk [tilespmem:v3+s19+$0x0], $0xffff;
	v3 =	vadd.s32 $0x5, v3  }
0x1e6: {  	v10 =	vld.idx.msk [tilespmem:v60+s19+$0x0], $0xffff  }
0x1e7: {  	v11 =	vld.idx.msk [tilespmem:v61+s19+$0x0], $0xffff  }
0x1e8: {  	v12 =	vld.idx.msk [tilespmem:v62+s19+$0x0], $0xffff  }
0x1e9: {  	v13 =	vld.idx.msk [tilespmem:v63+s19+$0x0], $0xffff  }
0x1ea: {  	v3 =	vld.idx.msk [tilespmem:v3+s19+$0x0], $0xffff;
	[tilespmem:s6+$0x18700] =	vst v9  }
0x1eb: {  	[tilespmem:s6+$0x18780] =	vst v6  }
0x1ec: {  	[tilespmem:s6+$0x18800] =	vst v7  }
0x1ed: {  	[tilespmem:s6+$0x18880] =	vst v8  }
0x1ee: {  	[tilespmem:s6+$0x18900] =	vst v4  }
0x1ef: {  	[tilespmem:s6+$0x18980] =	vst v5  }
0x1f0: {  	p0 =	sne.s32 s5, $0x17;
	[tilespmem:s6+$0x18A00] =	vst v14  }
.Ltmp1:
0x1f1: {  	[tilespmem:s6+$0x18A80] =	vst v10;
	(pc) =	sbr.rel @p0 .LBB2_5-.Ltmp1, $4  }
0x1f2: {  	[tilespmem:s6+$0x19300] =	vst v11  }
0x1f3: {  	[tilespmem:s6+$0x19380] =	vst v12  }
0x1f4: {  	[tilespmem:s6+$0x19400] =	vst v13  }
0x1f5: {  	s4 =	sadd.s32 $0x10, s4;
	s5 =	sadd.s32 $0x1, s5;
	[tilespmem:s6+$0x19480] =	vst v3  }
0x1f6: {  	s4 =	sadd.s32 s21, s13;
	p0 =	seq.s32 s2, $0x6  }
0x1f7: {  	[hbm4b:s4+s23] =	stream.strided.scatter [tilespmem:s28], [sflag:$0x2], $0xA800, s24, s23, $0x38;
	[tilespmem:$0x19F00] =	vst v63  }
0x1f8: {  	s4 =	sadd.s32 @!p0 s21, s14  }
0x1f9: {  	s4 =	sshrl.u32 @!p0 s4, $0x1  }
0x1fa: {  	s5 =	simm.s32 @!p0 $0x0;
	s6 =	simm.s32 @!p0 $0x4900;
	s4 =	sadd.s32 @!p0 s1, s4  }
0x1fb: {  	[tilespmem:s6], [sflag:$0x4] =	stream.linear.gather @!p0 [hbm4b:s4+s5], $0x600, $0x38;
	[tilespmem:$0x19F00] =	vst v63  }
0x1fc: {  	_ =	swait.ge [sflag:s22], $0x600  }
0x1fd: {  	[sflag:s22] =	ssyncset.done $0x0  }
0x1fe: {  	[sflag:s22] =	ssyncadd.s32 $0xFFFFFA00  }
0x1ff: {  	_ =	swait.ge [sflag:s29], $0xA800  }
0x200: {  	s2 =	sadd.s32 $0x1, s2;
	[sflag:s29] =	ssyncset.done $0x0  }
0x201: {  	s4 =	simm.s32 $0x0;
	s5 =	simm.s32 $0x0;
	[sflag:s29] =	ssyncadd.s32 $0xFFFF5800  }
.LBB2_7:
0x202: {  	s6 =	sshll.u32 s5, $0x6  }
0x203: {  	s7 =	sand.u32 $0x70, s4;
	s6 =	sand.u32 $0x3FFFFE00, s6  }
0x204: {  	s6 =	sor.u32 s7, s6  }
0x205: {  	v3 =	vld [tilespmem:s6+$0x4300];
	_ =	sdelay $0x4  }
0x206: {  	v5 =	vadd.f32 $3.000000000e+02, v3;
	_ =	sdelay $0x1  }
0x207: {  	v3 =	vtrunc.f32 v5  }
0x208: {  	v3 =	vcvt.f32.s32 v3;
	_ =	sdelay $0x1  }
0x209: {  	vm0 =	vgt.s32 v3, $0x0  }
0x20a: {  	v3 =	vnsel vm0, $0x0, v3  }
0x20b: {  	v6 =	vmin.u32 v3, $0x257  }
0x20c: {  	v7 =	vmul.u32 $0x18, v6;
	_ =	sdelay $0x1  }
0x20d: {  	v8 =	vor.u32 $0x1, v7  }
0x20e: {  	v9 =	vor.u32 $0x2, v7  }
0x20f: {  	v4 =	vld [tilespmem:s6+$0x4380];
	v10 =	vor.u32 $0x3, v7  }
0x210: {  	v3 =	vld [tilespmem:s6+$0x4400];
	v11 =	vor.u32 $0x4, v7  }
0x211: {  	v13 =	vor.u32 $0x5, v7;
	v12 =	vld.idx.msk [tilespmem:v7+s3+$0x0], $0xffff  }
0x212: {  	v14 =	vor.u32 $0x6, v7;
	v8 =	vld.idx.msk [tilespmem:v8+s3+$0x0], $0xffff  }
0x213: {  	v15 =	vor.u32 $0x7, v7;
	v9 =	vld.idx.msk [tilespmem:v9+s3+$0x0], $0xffff  }
0x214: {  	v16 =	vadd.s32 $0x8, v7;
	v10 =	vld.idx.msk [tilespmem:v10+s3+$0x0], $0xffff  }
0x215: {  	v17 =	vadd.s32 $0x9, v7;
	v11 =	vld.idx.msk [tilespmem:v11+s3+$0x0], $0xffff  }
0x216: {  	v18 =	vadd.s32 $0xA, v7;
	v13 =	vld.idx.msk [tilespmem:v13+s3+$0x0], $0xffff  }
0x217: {  	v19 =	vadd.s32 $0xB, v7;
	v14 =	vld.idx.msk [tilespmem:v14+s3+$0x0], $0xffff  }
0x218: {  	v20 =	vadd.s32 $0xC, v7;
	v15 =	vld.idx.msk [tilespmem:v15+s3+$0x0], $0xffff  }
0x219: {  	v21 =	vadd.s32 $0xD, v7;
	v16 =	vld.idx.msk [tilespmem:v16+s3+$0x0], $0xffff  }
0x21a: {  	v22 =	vadd.s32 $0xE, v7;
	v17 =	vld.idx.msk [tilespmem:v17+s3+$0x0], $0xffff  }
0x21b: {  	v23 =	vadd.s32 $0xF, v7;
	v18 =	vld.idx.msk [tilespmem:v18+s3+$0x0], $0xffff  }
0x21c: {  	v19 =	vld.idx.msk [tilespmem:v19+s3+$0x0], $0xffff  }
0x21d: {  	s21 =	sshll.u32 s5, $0x7;
	v20 =	vld.idx.msk [tilespmem:v20+s3+$0x0], $0xffff  }
0x21e: {  	s6 =	sand.u32 $0x3FFFFC00, s21;
	v21 =	vld.idx.msk [tilespmem:v21+s3+$0x0], $0xffff  }
0x21f: {  	s6 =	sor.u32 s7, s6;
	v22 =	vld.idx.msk [tilespmem:v22+s3+$0x0], $0xffff  }
0x220: {  	v23 =	vld.idx.msk [tilespmem:v23+s3+$0x0], $0xffff;
	[tilespmem:s6+$0x4F00] =	vst v12  }
0x221: {  	[tilespmem:s6+$0x4F80] =	vst v8  }
0x222: {  	[tilespmem:s6+$0x5000] =	vst v9  }
0x223: {  	[tilespmem:s6+$0x5080] =	vst v10  }
0x224: {  	[tilespmem:s6+$0x5100] =	vst v11  }
0x225: {  	[tilespmem:s6+$0x5180] =	vst v13  }
0x226: {  	v6 =	vcvt.s32.f32 v6;
	[tilespmem:s6+$0x5200] =	vst v14  }
0x227: {  	[tilespmem:s6+$0x5280] =	vst v15  }
0x228: {  	v5 =	vsub.f32 v5, v6;
	[tilespmem:s6+$0x5B00] =	vst v16  }
0x229: {  	[tilespmem:s6+$0x5B80] =	vst v17  }
0x22a: {  	v5 =	vmul.f32 v5, v0;
	[tilespmem:s6+$0x5C00] =	vst v18  }
0x22b: {  	v24 =	vadd.s32 $0x16, v7;
	[tilespmem:s6+$0x5C80] =	vst v19  }
0x22c: {  	v5 =	vtrunc.f32 v5;
	v18 =	vadd.s32 $0x10, v7;
	[tilespmem:s6+$0x5D00] =	vst v20  }
0x22d: {  	v5 =	vcvt.f32.s32 v5;
	v19 =	vadd.s32 $0x11, v7;
	[tilespmem:s6+$0x5D80] =	vst v21  }
0x22e: {  	v20 =	vadd.s32 $0x12, v7;
	[tilespmem:s6+$0x5E00] =	vst v22  }
0x22f: {  	vm11 =	vgt.s32 v5, $0x0;
	v21 =	vadd.s32 $0x13, v7;
	[tilespmem:s6+$0x5E80] =	vst v23  }
0x230: {  	v5 =	vnsel vm11, $0x0, v5;
	v22 =	vadd.s32 $0x14, v7;
	v13 =	vld.idx.msk [tilespmem:v24+s3+$0x0], $0xffff  }
0x231: {  	v5 =	vmin.u32 v5, $0x63;
	v23 =	vadd.s32 $0x15, v7;
	v6 =	vld.idx.msk [tilespmem:v18+s3+$0x0], $0xffff  }
0x232: {  	v5 =	vmul.u32 $0x18, v5;
	v7 =	vadd.s32 $0x17, v7;
	v8 =	vld.idx.msk [tilespmem:v19+s3+$0x0], $0xffff  }
0x233: {  	v9 =	vld.idx.msk [tilespmem:v20+s3+$0x0], $0xffff  }
0x234: {  	v25 =	vor.u32 $0x1, v5;
	v10 =	vld.idx.msk [tilespmem:v21+s3+$0x0], $0xffff  }
0x235: {  	v26 =	vor.u32 $0x2, v5;
	v11 =	vld.idx.msk [tilespmem:v22+s3+$0x0], $0xffff  }
0x236: {  	v27 =	vor.u32 $0x3, v5;
	v12 =	vld.idx.msk [tilespmem:v23+s3+$0x0], $0xffff  }
0x237: {  	v28 =	vor.u32 $0x4, v5;
	v7 =	vld.idx.msk [tilespmem:v7+s3+$0x0], $0xffff  }
0x238: {  	v29 =	vor.u32 $0x5, v5;
	v18 =	vld.idx.msk [tilespmem:v5+s17+$0x0], $0xffff  }
0x239: {  	v30 =	vor.u32 $0x6, v5;
	v14 =	vld.idx.msk [tilespmem:v25+s17+$0x0], $0xffff  }
0x23a: {  	v31 =	vor.u32 $0x7, v5;
	v15 =	vld.idx.msk [tilespmem:v26+s17+$0x0], $0xffff  }
0x23b: {  	v16 =	vld.idx.msk [tilespmem:v27+s17+$0x0], $0xffff  }
0x23c: {  	v17 =	vld.idx.msk [tilespmem:v28+s17+$0x0], $0xffff  }
0x23d: {  	v19 =	vld.idx.msk [tilespmem:v29+s17+$0x0], $0xffff  }
0x23e: {  	v20 =	vld.idx.msk [tilespmem:v30+s17+$0x0], $0xffff  }
0x23f: {  	v21 =	vld.idx.msk [tilespmem:v31+s17+$0x0], $0xffff;
	[tilespmem:s6+$0x6A00] =	vst v13  }
0x240: {  	[tilespmem:s6+$0x6700] =	vst v6  }
0x241: {  	[tilespmem:s6+$0x6780] =	vst v8  }
0x242: {  	[tilespmem:s6+$0x6800] =	vst v9  }
0x243: {  	[tilespmem:s6+$0x6880] =	vst v10  }
0x244: {  	[tilespmem:s6+$0x6900] =	vst v11  }
0x245: {  	[tilespmem:s6+$0x6980] =	vst v12  }
0x246: {  	[tilespmem:s6+$0x6A80] =	vst v7  }
0x247: {  	[tilespmem:s6+$0x7300] =	vst v18  }
0x248: {  	[tilespmem:s6+$0x7380] =	vst v14  }
0x249: {  	[tilespmem:s6+$0x7400] =	vst v15  }
0x24a: {  	v32 =	vadd.s32 $0x8, v5;
	[tilespmem:s6+$0x7480] =	vst v16  }
0x24b: {  	v33 =	vadd.s32 $0x9, v5;
	[tilespmem:s6+$0x7500] =	vst v17  }
0x24c: {  	v34 =	vadd.s32 $0xA, v5;
	[tilespmem:s6+$0x7580] =	vst v19  }
0x24d: {  	v35 =	vadd.s32 $0xB, v5;
	[tilespmem:s6+$0x7600] =	vst v20  }
0x24e: {  	v36 =	vadd.s32 $0xC, v5;
	[tilespmem:s6+$0x7680] =	vst v21  }
0x24f: {  	v37 =	vadd.s32 $0xD, v5;
	v6 =	vld.idx.msk [tilespmem:v32+s17+$0x0], $0xffff  }
0x250: {  	v38 =	vadd.s32 $0xE, v5;
	v7 =	vld.idx.msk [tilespmem:v33+s17+$0x0], $0xffff  }
0x251: {  	v39 =	vadd.s32 $0xF, v5;
	v8 =	vld.idx.msk [tilespmem:v34+s17+$0x0], $0xffff  }
0x252: {  	v40 =	vadd.s32 $0x10, v5;
	v9 =	vld.idx.msk [tilespmem:v35+s17+$0x0], $0xffff  }
0x253: {  	v41 =	vadd.s32 $0x11, v5;
	v10 =	vld.idx.msk [tilespmem:v36+s17+$0x0], $0xffff  }
0x254: {  	v42 =	vadd.s32 $0x12, v5;
	v11 =	vld.idx.msk [tilespmem:v37+s17+$0x0], $0xffff  }
0x255: {  	v43 =	vadd.s32 $0x13, v5;
	v12 =	vld.idx.msk [tilespmem:v38+s17+$0x0], $0xffff  }
0x256: {  	v44 =	vadd.s32 $0x14, v5;
	v13 =	vld.idx.msk [tilespmem:v39+s17+$0x0], $0xffff  }
0x257: {  	v45 =	vadd.s32 $0x15, v5;
	v14 =	vld.idx.msk [tilespmem:v40+s17+$0x0], $0xffff  }
0x258: {  	v46 =	vadd.s32 $0x16, v5;
	v15 =	vld.idx.msk [tilespmem:v41+s17+$0x0], $0xffff  }
0x259: {  	v5 =	vadd.s32 $0x17, v5;
	v16 =	vld.idx.msk [tilespmem:v42+s17+$0x0], $0xffff  }
0x25a: {  	v17 =	vld.idx.msk [tilespmem:v43+s17+$0x0], $0xffff  }
0x25b: {  	v18 =	vld.idx.msk [tilespmem:v44+s17+$0x0], $0xffff  }
0x25c: {  	v19 =	vld.idx.msk [tilespmem:v45+s17+$0x0], $0xffff  }
0x25d: {  	v20 =	vld.idx.msk [tilespmem:v46+s17+$0x0], $0xffff  }
0x25e: {  	v5 =	vld.idx.msk [tilespmem:v5+s17+$0x0], $0xffff;
	[tilespmem:s6+$0x7F00] =	vst v6  }
0x25f: {  	[tilespmem:s6+$0x7F80] =	vst v7  }
0x260: {  	v4 =	vadd.f32 $3.000000000e+02, v4;
	[tilespmem:s6+$0x8000] =	vst v8  }
0x261: {  	[tilespmem:s6+$0x8080] =	vst v9  }
0x262: {  	v47 =	vtrunc.f32 v4;
	[tilespmem:s6+$0x8100] =	vst v10  }
0x263: {  	v6 =	vcvt.f32.s32 v47;
	[tilespmem:s6+$0x8180] =	vst v11  }
0x264: {  	[tilespmem:s6+$0x8200] =	vst v12  }
0x265: {  	[tilespmem:s6+$0x8280] =	vst v13;
	vm12 =	vgt.s32 v6, $0x0  }
0x266: {  	[tilespmem:s6+$0x8B00] =	vst v14;
	v6 =	vnsel vm12, $0x0, v6  }
0x267: {  	[tilespmem:s6+$0x8B80] =	vst v15;
	v6 =	vmin.u32 v6, $0x257  }
0x268: {  	[tilespmem:s6+$0x8C00] =	vst v16;
	v48 =	vmul.u32 $0x18, v6  }
0x269: {  	[tilespmem:s6+$0x8C80] =	vst v17  }
0x26a: {  	[tilespmem:s6+$0x8D00] =	vst v18;
	v49 =	vor.u32 $0x1, v48  }
0x26b: {  	[tilespmem:s6+$0x8D80] =	vst v19;
	v50 =	vor.u32 $0x2, v48  }
0x26c: {  	[tilespmem:s6+$0x8E00] =	vst v20;
	v51 =	vor.u32 $0x3, v48  }
0x26d: {  	[tilespmem:s6+$0x8E80] =	vst v5;
	v52 =	vor.u32 $0x4, v48  }
0x26e: {  	v53 =	vor.u32 $0x5, v48;
	v11 =	vld.idx.msk [tilespmem:v48+s3+$0x0], $0xffff  }
0x26f: {  	v54 =	vor.u32 $0x6, v48;
	v8 =	vld.idx.msk [tilespmem:v49+s3+$0x0], $0xffff  }
0x270: {  	v55 =	vor.u32 $0x7, v48;
	v9 =	vld.idx.msk [tilespmem:v50+s3+$0x0], $0xffff  }
0x271: {  	v56 =	vadd.s32 $0x8, v48;
	v10 =	vld.idx.msk [tilespmem:v51+s3+$0x0], $0xffff  }
0x272: {  	v57 =	vadd.s32 $0x9, v48;
	v5 =	vld.idx.msk [tilespmem:v52+s3+$0x0], $0xffff  }
0x273: {  	v58 =	vadd.s32 $0xA, v48;
	v12 =	vld.idx.msk [tilespmem:v53+s3+$0x0], $0xffff  }
0x274: {  	v59 =	vadd.s32 $0xB, v48;
	v13 =	vld.idx.msk [tilespmem:v54+s3+$0x0], $0xffff  }
0x275: {  	v60 =	vadd.s32 $0xC, v48;
	v14 =	vld.idx.msk [tilespmem:v55+s3+$0x0], $0xffff  }
0x276: {  	v61 =	vadd.s32 $0xD, v48;
	v15 =	vld.idx.msk [tilespmem:v56+s3+$0x0], $0xffff  }
0x277: {  	v62 =	vadd.s32 $0xE, v48;
	v16 =	vld.idx.msk [tilespmem:v57+s3+$0x0], $0xffff  }
0x278: {  	v63 =	vadd.s32 $0xF, v48;
	v17 =	vld.idx.msk [tilespmem:v58+s3+$0x0], $0xffff  }
0x279: {  	v18 =	vld.idx.msk [tilespmem:v59+s3+$0x0], $0xffff  }
0x27a: {  	v19 =	vld.idx.msk [tilespmem:v60+s3+$0x0], $0xffff  }
0x27b: {  	v20 =	vld.idx.msk [tilespmem:v61+s3+$0x0], $0xffff  }
0x27c: {  	v21 =	vld.idx.msk [tilespmem:v62+s3+$0x0], $0xffff  }
0x27d: {  	v22 =	vld.idx.msk [tilespmem:v63+s3+$0x0], $0xffff;
	[tilespmem:s6+$0x9700] =	vst v11  }
0x27e: {  	[tilespmem:s6+$0x9780] =	vst v8  }
0x27f: {  	[tilespmem:s6+$0x9800] =	vst v9  }
0x280: {  	[tilespmem:s6+$0x9880] =	vst v10  }
0x281: {  	[tilespmem:s6+$0x9900] =	vst v5  }
0x282: {  	[tilespmem:s6+$0x9980] =	vst v12  }
0x283: {  	v23 =	vcvt.s32.f32 v6;
	[tilespmem:s6+$0x9A00] =	vst v13  }
0x284: {  	[tilespmem:s6+$0x9A80] =	vst v14  }
0x285: {  	v4 =	vsub.f32 v4, v23;
	[tilespmem:s6+$0xA300] =	vst v15  }
0x286: {  	[tilespmem:s6+$0xA380] =	vst v16  }
0x287: {  	v4 =	vmul.f32 v4, v0;
	[tilespmem:s6+$0xA400] =	vst v17  }
0x288: {  	v24 =	vadd.s32 $0x10, v48;
	[tilespmem:s6+$0xA480] =	vst v18  }
0x289: {  	v25 =	vadd.s32 $0x11, v48;
	v4 =	vtrunc.f32 v4;
	[tilespmem:s6+$0xA500] =	vst v19  }
0x28a: {  	v26 =	vadd.s32 $0x12, v48;
	v4 =	vcvt.f32.s32 v4;
	[tilespmem:s6+$0xA580] =	vst v20  }
0x28b: {  	v27 =	vadd.s32 $0x13, v48;
	[tilespmem:s6+$0xA600] =	vst v21  }
0x28c: {  	v28 =	vadd.s32 $0x14, v48;
	vm13 =	vgt.s32 v4, $0x0;
	[tilespmem:s6+$0xA680] =	vst v22  }
0x28d: {  	v29 =	vadd.s32 $0x15, v48;
	v4 =	vnsel vm13, $0x0, v4;
	v5 =	vld.idx.msk [tilespmem:v24+s3+$0x0], $0xffff  }
0x28e: {  	v30 =	vadd.s32 $0x16, v48;
	v4 =	vmin.u32 v4, $0x63;
	v6 =	vld.idx.msk [tilespmem:v25+s3+$0x0], $0xffff  }
0x28f: {  	v7 =	vadd.s32 $0x17, v48;
	v4 =	vmul.u32 $0x18, v4;
	v8 =	vld.idx.msk [tilespmem:v26+s3+$0x0], $0xffff  }
0x290: {  	v9 =	vld.idx.msk [tilespmem:v27+s3+$0x0], $0xffff  }
0x291: {  	v10 =	vld.idx.msk [tilespmem:v28+s3+$0x0], $0xffff;
	v31 =	vor.u32 $0x1, v4  }
0x292: {  	v11 =	vld.idx.msk [tilespmem:v29+s3+$0x0], $0xffff;
	v32 =	vor.u32 $0x2, v4  }
0x293: {  	v12 =	vld.idx.msk [tilespmem:v30+s3+$0x0], $0xffff;
	v33 =	vor.u32 $0x3, v4  }
0x294: {  	v7 =	vld.idx.msk [tilespmem:v7+s3+$0x0], $0xffff;
	v34 =	vor.u32 $0x4, v4  }
0x295: {  	v35 =	vor.u32 $0x5, v4;
	v17 =	vld.idx.msk [tilespmem:v4+s17+$0x0], $0xffff  }
0x296: {  	v36 =	vor.u32 $0x6, v4;
	v13 =	vld.idx.msk [tilespmem:v31+s17+$0x0], $0xffff  }
0x297: {  	v37 =	vor.u32 $0x7, v4;
	v14 =	vld.idx.msk [tilespmem:v32+s17+$0x0], $0xffff  }
0x298: {  	v15 =	vld.idx.msk [tilespmem:v33+s17+$0x0], $0xffff  }
0x299: {  	v16 =	vld.idx.msk [tilespmem:v34+s17+$0x0], $0xffff  }
0x29a: {  	v18 =	vld.idx.msk [tilespmem:v35+s17+$0x0], $0xffff  }
0x29b: {  	v19 =	vld.idx.msk [tilespmem:v36+s17+$0x0], $0xffff  }
0x29c: {  	v20 =	vld.idx.msk [tilespmem:v37+s17+$0x0], $0xffff;
	[tilespmem:s6+$0xAF00] =	vst v5  }
0x29d: {  	[tilespmem:s6+$0xAF80] =	vst v6  }
0x29e: {  	[tilespmem:s6+$0xB000] =	vst v8  }
0x29f: {  	[tilespmem:s6+$0xB080] =	vst v9  }
0x2a0: {  	[tilespmem:s6+$0xB100] =	vst v10  }
0x2a1: {  	[tilespmem:s6+$0xB180] =	vst v11  }
0x2a2: {  	[tilespmem:s6+$0xB200] =	vst v12  }
0x2a3: {  	[tilespmem:s6+$0xB280] =	vst v7  }
0x2a4: {  	[tilespmem:s6+$0xBB00] =	vst v17  }
0x2a5: {  	[tilespmem:s6+$0xBB80] =	vst v13  }
0x2a6: {  	[tilespmem:s6+$0xBC00] =	vst v14  }
0x2a7: {  	v38 =	vadd.s32 $0x8, v4;
	[tilespmem:s6+$0xBC80] =	vst v15  }
0x2a8: {  	v39 =	vadd.s32 $0x9, v4;
	[tilespmem:s6+$0xBD00] =	vst v16  }
0x2a9: {  	v40 =	vadd.s32 $0xA, v4;
	[tilespmem:s6+$0xBD80] =	vst v18  }
0x2aa: {  	v41 =	vadd.s32 $0xB, v4;
	[tilespmem:s6+$0xBE00] =	vst v19  }
0x2ab: {  	v42 =	vadd.s32 $0xC, v4;
	[tilespmem:s6+$0xBE80] =	vst v20  }
0x2ac: {  	v43 =	vadd.s32 $0xD, v4;
	v5 =	vld.idx.msk [tilespmem:v38+s17+$0x0], $0xffff  }
0x2ad: {  	v44 =	vadd.s32 $0xE, v4;
	v6 =	vld.idx.msk [tilespmem:v39+s17+$0x0], $0xffff  }
0x2ae: {  	v45 =	vadd.s32 $0xF, v4;
	v7 =	vld.idx.msk [tilespmem:v40+s17+$0x0], $0xffff  }
0x2af: {  	v46 =	vadd.s32 $0x10, v4;
	v8 =	vld.idx.msk [tilespmem:v41+s17+$0x0], $0xffff  }
0x2b0: {  	v47 =	vadd.s32 $0x11, v4;
	v9 =	vld.idx.msk [tilespmem:v42+s17+$0x0], $0xffff  }
0x2b1: {  	v3 =	vmul.f32 $1.800000000e+02, v3;
	v48 =	vadd.s32 $0x12, v4;
	v10 =	vld.idx.msk [tilespmem:v43+s17+$0x0], $0xffff  }
0x2b2: {  	v49 =	vadd.s32 $0x13, v4;
	v11 =	vld.idx.msk [tilespmem:v44+s17+$0x0], $0xffff  }
0x2b3: {  	v3 =	vmul.f32 v3, v1;
	v50 =	vadd.s32 $0x14, v4;
	v12 =	vld.idx.msk [tilespmem:v45+s17+$0x0], $0xffff  }
0x2b4: {  	v51 =	vadd.s32 $0x15, v4;
	v13 =	vld.idx.msk [tilespmem:v46+s17+$0x0], $0xffff  }
0x2b5: {  	v3 =	vadd.f32 $1.800000000e+02, v3;
	v52 =	vadd.s32 $0x16, v4;
	v14 =	vld.idx.msk [tilespmem:v47+s17+$0x0], $0xffff  }
0x2b6: {  	v4 =	vadd.s32 $0x17, v4;
	v15 =	vld.idx.msk [tilespmem:v48+s17+$0x0], $0xffff  }
0x2b7: {  	v53 =	vmul.f32 v3, v2;
	v16 =	vld.idx.msk [tilespmem:v49+s17+$0x0], $0xffff  }
0x2b8: {  	v17 =	vld.idx.msk [tilespmem:v50+s17+$0x0], $0xffff  }
0x2b9: {  	v20 =	vtrunc.f32 v53;
	v18 =	vld.idx.msk [tilespmem:v51+s17+$0x0], $0xffff  }
0x2ba: {  	v19 =	vld.idx.msk [tilespmem:v52+s17+$0x0], $0xffff;
	v20 =	vcvt.f32.s32 v20  }
0x2bb: {  	v4 =	vld.idx.msk [tilespmem:v4+s17+$0x0], $0xffff;
	[tilespmem:s6+$0xC700] =	vst v5  }
0x2bc: {  	vm14 =	vgt.s32 v20, $0x0;
	[tilespmem:s6+$0xC780] =	vst v6  }
0x2bd: {  	v54 =	vnsel vm14, $0x0, v20;
	[tilespmem:s6+$0xC800] =	vst v7  }
0x2be: {  	v5 =	vmin.u32 v54, $0x13;
	[tilespmem:s6+$0xC880] =	vst v8  }
0x2bf: {  	[tilespmem:s6+$0xC900] =	vst v9;
	v55 =	vcvt.s32.f32 v5  }
0x2c0: {  	[tilespmem:s6+$0xC980] =	vst v10  }
0x2c1: {  	[tilespmem:s6+$0xCA00] =	vst v11;
	v6 =	vmul.f32 $-2.000000000e+01, v55  }
0x2c2: {  	[tilespmem:s6+$0xCA80] =	vst v12  }
0x2c3: {  	[tilespmem:s6+$0xD300] =	vst v13;
	v3 =	vadd.f32 v6, v3  }
0x2c4: {  	[tilespmem:s6+$0xD380] =	vst v14  }
0x2c5: {  	[tilespmem:s6+$0xD400] =	vst v15;
	v5 =	vmul.u32 $0x6, v5;
	v3 =	vtrunc.f32 v3  }
0x2c6: {  	[tilespmem:s6+$0xD480] =	vst v16;
	v3 =	vcvt.f32.s32 v3  }
0x2c7: {  	[tilespmem:s6+$0xD500] =	vst v17;
	v56 =	vor.u32 $0x1, v5  }
0x2c8: {  	[tilespmem:s6+$0xD580] =	vst v18;
	v57 =	vadd.s32 $0x2, v5;
	vm15 =	vgt.s32 v3, $0x0  }
0x2c9: {  	[tilespmem:s6+$0xD600] =	vst v19;
	v58 =	vadd.s32 $0x3, v5;
	v3 =	vnsel vm15, $0x0, v3  }
0x2ca: {  	[tilespmem:s6+$0xD680] =	vst v4;
	v59 =	vadd.s32 $0x4, v5;
	v3 =	vmin.u32 v3, $0x13  }
0x2cb: {  	v9 =	vld.idx.msk [tilespmem:v5+s18+$0x0], $0xffff;
	v5 =	vadd.s32 $0x5, v5;
	v3 =	vmul.u32 $0x6, v3  }
0x2cc: {  	v6 =	vld.idx.msk [tilespmem:v56+s18+$0x0], $0xffff  }
0x2cd: {  	v7 =	vld.idx.msk [tilespmem:v57+s18+$0x0], $0xffff;
	v60 =	vor.u32 $0x1, v3  }
0x2ce: {  	v8 =	vld.idx.msk [tilespmem:v58+s18+$0x0], $0xffff;
	v61 =	vadd.s32 $0x2, v3  }
0x2cf: {  	v4 =	vld.idx.msk [tilespmem:v59+s18+$0x0], $0xffff;
	v62 =	vadd.s32 $0x3, v3  }
0x2d0: {  	v5 =	vld.idx.msk [tilespmem:v5+s18+$0x0], $0xffff;
	v63 =	vadd.s32 $0x4, v3  }
0x2d1: {  	v14 =	vld.idx.msk [tilespmem:v3+s19+$0x0], $0xffff;
	v3 =	vadd.s32 $0x5, v3  }
0x2d2: {  	v10 =	vld.idx.msk [tilespmem:v60+s19+$0x0], $0xffff  }
0x2d3: {  	v11 =	vld.idx.msk [tilespmem:v61+s19+$0x0], $0xffff  }
0x2d4: {  	v12 =	vld.idx.msk [tilespmem:v62+s19+$0x0], $0xffff  }
0x2d5: {  	v13 =	vld.idx.msk [tilespmem:v63+s19+$0x0], $0xffff  }
0x2d6: {  	v3 =	vld.idx.msk [tilespmem:v3+s19+$0x0], $0xffff;
	[tilespmem:s6+$0xDF00] =	vst v9  }
0x2d7: {  	[tilespmem:s6+$0xDF80] =	vst v6  }
0x2d8: {  	[tilespmem:s6+$0xE000] =	vst v7  }
0x2d9: {  	[tilespmem:s6+$0xE080] =	vst v8  }
0x2da: {  	[tilespmem:s6+$0xE100] =	vst v4  }
0x2db: {  	[tilespmem:s6+$0xE180] =	vst v5  }
0x2dc: {  	p0 =	sne.s32 s5, $0x17;
	[tilespmem:s6+$0xE200] =	vst v14  }
.Ltmp2:
0x2dd: {  	[tilespmem:s6+$0xE280] =	vst v10;
	(pc) =	sbr.rel @p0 .LBB2_7-.Ltmp2, $4  }
0x2de: {  	[tilespmem:s6+$0xEB00] =	vst v11  }
0x2df: {  	[tilespmem:s6+$0xEB80] =	vst v12  }
0x2e0: {  	[tilespmem:s6+$0xEC00] =	vst v13  }
0x2e1: {  	s4 =	sadd.s32 $0x10, s4;
	s5 =	sadd.s32 $0x1, s5;
	[tilespmem:s6+$0xEC80] =	vst v3  }
0x2e2: {  	p0 =	sne.s32 s2, $0x7  }
.Ltmp3:
0x2e3: {  	_ = 	snop;
	(pc) =	sbr.rel @p0 .LBB2_4-.Ltmp3, $3  }
0x2e4: {  	_ =	sdelay $0x1  }
0x2e5: {  	s0 =	sadd.s32 s8, s0  }
0x2e6: {  	[hbm4b:s0+s23] =	stream.strided.scatter [tilespmem:s25], [sflag:$0x1], $0xA800, s24, s23, $0x38;
	[tilespmem:$0x19F00] =	vst v63  }
0x2e7: {  	s31 =	sadd.s32 $0x1, s31  }
0x2e8: {  	_ =	swait.ge [sflag:s30], $0xA800;
	p0 =	sne.s32 s31, s15  }
.Ltmp4:
0x2e9: {  	[sflag:s30] =	ssyncset.done $0x0;
	(pc) =	sbr.rel @p0 .LBB2_1-.Ltmp4, $4  }
0x2ea: {  	[sflag:s30] =	ssyncadd.s32 $0xFFFF5800  }
0x2eb: {  	_ =	swait.ge [sflag:s29], $0xA800  }
0x2ec: {  	[sflag:s29] =	ssyncset.done $0x0  }
0x2ed: {  	[sflag:s29] =	ssyncadd.s32 $0xFFFF5800  }
0x2ee: {  	_ =	sfence.sel $0x180000  }
0x2ef: {  	[bflag:$0x0] =	sbarrier.arrive $0xFFFF  }
0x2f0: {  	_ =	strace $0x90000047  }
0x2f1: {  	s0 =	stileid.u32;
	[bflag:$0x2] =	sbarrier.arrive $0xFFFF  }
0x2f2: {  	p0 =	sne.s32 s0, $0x0;
	s0 =	rddreg [dreg:$0x2]  }
0x2f3: {  	s0 =	sadd.s32 @!p0 $0x100000, s0  }
0x2f4: {  	[sflag:s0] =	ssyncadd.tile.s32 @!p0 $0x1;
	_ =	shalt  }
.Lfunc_end2:
_tile_overlayer_lowered:
.L_overlay_start_2:
0x2f5: {  	(tag) =	ssettag $0x2  }
0x2f6: {  	s0 =	rddreg [dreg:$0x0];
	s2 =	stileid.u32  }
0x2f7: {  	s1 =	rddreg [dreg:$0x1];
	p0 =	sne.s32 s2, $0x0  }
0x2f8: {  	s3 =	rddreg [dreg:$0x2];
	[bflag:$0x3] =	sbarrier.arrive $0xFFFF;
	s2 =	simm.s32 @!p0 $0x1C05  }
0x2f9: {  	[timem:s3], [sflag:s2] =	dma.local @!p0 [hbm:s0], s1  }
0x2fa: {  	s0 =	simm.s32 @!p0 $0x5  }
0x2fb: {  	_ =	swait.ge @!p0 [sflag:s0], s1  }
0x2fc: {  	s1 =	ssub.s32 @!p0 $0x0, s1;
	[sflag:s0] =	ssyncset.done @!p0 $0x0  }
0x2fd: {  	[sflag:s0] =	ssyncadd.s32 @!p0 s1  }
0x2fe: {  	[bflag:$0x3] =	sbarrier.arrive $0xFFFF  }
0x2ff: {  	_ =	shalt  }

</sc_bundles>
